<compile_context>
chip_gen: v7x
topology: tpu7x:2x2x1
jax: 0.10.2.dev20260603
libtpu: 0.0.44.dev20260713+nightly
codegen_flags: <defaults>
</compile_context>

<pallas_src>
import jax
import jax.numpy as jnp
from jax import lax
from jax.experimental import pallas as pl
from jax.experimental.pallas import tpu as pltpu
from jax.experimental.pallas import tpu_sc as plsc

N = 10000
NP = 10240
D = 128
G = 256
NC = 2
NS = 16
NT = NC * NS
EB = 128
NB = 79
EPT = NB * EB
E_REAL = 320000
RPT = NP // NS
BLK = 1024



def _prologue_body(x_ref, w_ref, as_ref, ad_ref, h_ref, av_ref):
    h = jnp.dot(x_ref[...], w_ref[...], preferred_element_type=jnp.float32)
    h_ref[...] = h
    asv = jnp.sum(h * as_ref[...], axis=1, keepdims=True)
    adv = jnp.sum(h * ad_ref[...], axis=1, keepdims=True)
    av_ref[...] = jnp.concatenate([asv, adv], axis=1)


def _tc_prologue(x, W, a_s, a_d):
    return pl.pallas_call(
        _prologue_body,
        grid=(NP // BLK,),
        in_specs=[
            pl.BlockSpec((BLK, D), lambda i: (i, 0)),
            pl.BlockSpec((D, D), lambda i: (0, 0)),
            pl.BlockSpec((D,), lambda i: (0,)),
            pl.BlockSpec((D,), lambda i: (0,)),
        ],
        out_specs=[
            pl.BlockSpec((BLK, D), lambda i: (i, 0)),
            pl.BlockSpec((BLK, 2), lambda i: (i, 0)),
        ],
        out_shape=[
            jax.ShapeDtypeStruct((NP, D), jnp.float32),
            jax.ShapeDtypeStruct((NP, 2), jnp.float32),
        ],
    )(x, W, a_s, a_d)


def _combine_body(num_ref, den_ref, hp_ref, av_ref, b_ref, w_ref, as_ref,
                  ad_ref, h_ref, av2_ref):
    av = av_ref[...]
    es = av[:, 0:1] + av[:, 1:2]
    ws = jnp.exp(jnp.where(es >= 0.0, es, es * 0.2))
    den = (den_ref[0] + den_ref[1])[:, None] + ws
    hp = hp_ref[...]
    num = num_ref[0] + num_ref[1] + ws * hp
    out = num / den + b_ref[...]
    h1 = jnp.where(out >= 0.0, out, out * 0.01)
    h = jnp.dot(h1, w_ref[...], preferred_element_type=jnp.float32)
    h_ref[...] = h
    asv = jnp.sum(h * as_ref[...], axis=1, keepdims=True)
    adv = jnp.sum(h * ad_ref[...], axis=1, keepdims=True)
    av2_ref[...] = jnp.concatenate([asv, adv], axis=1)


def _tc_combine_prologue(num, den, hp, av, b, W, a_s, a_d):
    return pl.pallas_call(
        _combine_body,
        grid=(NP // BLK,),
        in_specs=[
            pl.BlockSpec((NC, BLK, D), lambda i: (0, i, 0)),
            pl.BlockSpec((NC, BLK), lambda i: (0, i)),
            pl.BlockSpec((BLK, D), lambda i: (i, 0)),
            pl.BlockSpec((BLK, 2), lambda i: (i, 0)),
            pl.BlockSpec((D,), lambda i: (0,)),
            pl.BlockSpec((D, D), lambda i: (0, 0)),
            pl.BlockSpec((D,), lambda i: (0,)),
            pl.BlockSpec((D,), lambda i: (0,)),
        ],
        out_specs=[
            pl.BlockSpec((BLK, D), lambda i: (i, 0)),
            pl.BlockSpec((BLK, 2), lambda i: (i, 0)),
        ],
        out_shape=[
            jax.ShapeDtypeStruct((NP, D), jnp.float32),
            jax.ShapeDtypeStruct((NP, 2), jnp.float32),
        ],
    )(num, den, hp, av, b, W, a_s, a_d)


def _head_body(num_ref, den_ref, hp_ref, av_ref, b_ref, aw_ref, ab_ref,
               batch_ref, fc1w_ref, fc1b_ref, bng_ref, bnb_ref, fc2w_ref,
               fc2b_ref, z_ref):
    av = av_ref[...]
    es = av[:, 0:1] + av[:, 1:2]
    ws = jnp.exp(jnp.where(es >= 0.0, es, es * 0.2))
    den = (den_ref[0] + den_ref[1])[:, None] + ws
    hp = hp_ref[...]
    num = num_ref[0] + num_ref[1] + ws * hp
    out = num / den + b_ref[...]
    h = jnp.where(out >= 0.0, out, out * 0.01)
    s = jnp.dot(h, aw_ref[...], preferred_element_type=jnp.float32) + ab_ref[...]
    valid = lax.broadcasted_iota(jnp.int32, (NP, 1), 0) < N
    m = jnp.max(jnp.where(valid, s, -jnp.inf))
    ex = jnp.where(valid, jnp.exp(s - m), 0.0)
    attn = ex / jnp.sum(ex)
    hw = attn * h
    seg = (lax.broadcasted_iota(jnp.int32, (G, NP), 0) == batch_ref[...]
           ).astype(jnp.float32)
    g = jnp.dot(seg, hw, preferred_element_type=jnp.float32)
    z = jnp.dot(g, fc1w_ref[...], preferred_element_type=jnp.float32) + fc1b_ref[...]
    mean = jnp.mean(z, axis=0, keepdims=True)
    var = jnp.mean((z - mean) ** 2, axis=0, keepdims=True)
    z = bng_ref[...] * (z - mean) / jnp.sqrt(var + 1e-5) + bnb_ref[...]
    z = jnp.where(z >= 0.0, z, z * 0.01)
    z_ref[...] = jnp.dot(z, fc2w_ref[...], preferred_element_type=jnp.float32) + fc2b_ref[...]


def _tc_head(num, den, hp, av, b, aw, ab, batch2d, fc1_w, fc1_b, bn_g, bn_b,
             fc2_w, fc2_b):
    return pl.pallas_call(
        _head_body,
        out_shape=jax.ShapeDtypeStruct((G, D), jnp.float32),
    )(num, den, hp, av, b, aw, ab, batch2d, fc1_w, fc1_b, bn_g, bn_b,
      fc2_w, fc2_b)



def _sc_edge_body(h_hbm, av_hbm, src_hbm, dst_hbm, zrow_hbm,
                  num_hbm, den_hbm,
                  av_v, src_bv, dst_bv, w_v, rows_v, sh_num, sh_den, sem):
    c = lax.axis_index("c")
    s = lax.axis_index("s")
    wid = c * NS + s

    pltpu.sync_copy(av_hbm, av_v)

    pltpu.sync_copy(zrow_hbm.at[pl.ds(0, RPT)],
                    sh_num.at[pl.ds(s * RPT, RPT)])
    for i in range(EB // 16):
        w_v[pl.ds(i * 16, 16)] = jnp.zeros((16,), jnp.float32)
    for k in range(RPT // EB):
        pltpu.sync_copy(w_v, sh_den.at[pl.ds(s * RPT + k * EB, EB)])
    plsc.subcore_barrier()

    def _block(b, carry):
        pltpu.sync_copy(src_hbm.at[wid, b], src_bv.at[0])
        pltpu.sync_copy(dst_hbm.at[wid, b], dst_bv.at[0])
        cp = pltpu.async_copy(h_hbm.at[src_bv.at[0]], rows_v, sem)
        for i in range(EB // 16):
            src16 = src_bv[0, pl.ds(i * 16, 16)]
            dst16 = dst_bv[0, pl.ds(i * 16, 16)]
            sa = plsc.load_gather(av_v, [src16 * 2])
            da = plsc.load_gather(av_v, [dst16 * 2 + 1])
            e = sa + da
            e = jnp.where(e >= 0.0, e, e * 0.2)
            wv = jnp.exp(e)
            gid = wid * EPT + b * EB + i * 16 + lax.iota(jnp.int32, 16)
            wv = jnp.where(gid < E_REAL, wv, 0.0)
            w_v[pl.ds(i * 16, 16)] = wv
        pltpu.sync_copy(w_v, sh_den.at[dst_bv.at[0]], add=True)
        cp.wait()

        def _scale(g, carry2):
            w16 = w_v[pl.ds(g * 16, 16)]
            for j in range(16):
                wj = lax.gather(
                    w16,
                    jnp.full((16, 1), j, jnp.int32),
                    lax.GatherDimensionNumbers(
                        offset_dims=(), collapsed_slice_dims=(0,),
                        start_index_map=(0,)),
                    slice_sizes=(1,),
                    mode=lax.GatherScatterMode.PROMISE_IN_BOUNDS)
                row = g * 16 + j
                for cc in range(8):
                    sl = pl.ds(cc * 16, 16)
                    rows_v[row, sl] = rows_v[row, sl] * wj
            return carry2
        lax.fori_loop(0, EB // 16, _scale, 0)

        pltpu.sync_copy(rows_v, sh_num.at[dst_bv.at[0]], add=True)
        return carry
    lax.fori_loop(0, NB, _block, 0)

    plsc.subcore_barrier()
    pltpu.sync_copy(sh_den.at[pl.ds(s * RPT, RPT)],
                    den_hbm.at[c, pl.ds(s * RPT, RPT)])
    pltpu.sync_copy(sh_num.at[pl.ds(s * RPT, RPT)],
                    num_hbm.at[c, pl.ds(s * RPT, RPT)])


_sc_edge = pl.kernel(
    _sc_edge_body,
    out_type=[
        jax.ShapeDtypeStruct((NC, NP, D), jnp.float32),
        jax.ShapeDtypeStruct((NC, NP), jnp.float32),
    ],
    mesh=plsc.VectorSubcoreMesh(core_axis_name="c", subcore_axis_name="s",
                                num_cores=NC, num_subcores=NS),
    compiler_params=pltpu.CompilerParams(needs_layout_passes=False),
    scratch_types=[
        pltpu.VMEM((2 * NP,), jnp.float32),
        pltpu.VMEM((1, EB), jnp.int32),
        pltpu.VMEM((1, EB), jnp.int32),
        pltpu.VMEM((EB,), jnp.float32),
        pltpu.VMEM((EB, D), jnp.float32),
        pltpu.VMEM_SHARED((NP, D), jnp.float32),
        pltpu.VMEM_SHARED((NP,), jnp.float32),
        pltpu.SemaphoreType.DMA,
    ],
)



def kernel(x, edge_index, batch, W1, a_s1, a_d1, b1, W2, a_s2, a_d2, b2, aw,
           ab, fc1_w, fc1_b, bn_g, bn_b, fc2_w, fc2_b):
    src = edge_index[0].astype(jnp.int32)
    dst = edge_index[1].astype(jnp.int32)
    pad = NT * EPT - E_REAL
    src_p = jnp.pad(src, (0, pad)).reshape(NT, NB, EB)
    dst_p = jnp.pad(dst, (0, pad)).reshape(NT, NB, EB)
    zrow = jnp.zeros((NP, D), jnp.float32)
    xp = jnp.pad(x, ((0, NP - N), (0, 0)))
    batch2d = jnp.pad(batch.astype(jnp.int32), (0, NP - N),
                      constant_values=G).reshape(1, NP)

    h1p, av1 = _tc_prologue(xp, W1, a_s1, a_d1)
    num1, den1 = _sc_edge(h1p, av1.reshape(-1), src_p, dst_p, zrow)
    h2p, av2 = _tc_combine_prologue(num1, den1, h1p, av1, b1, W2, a_s2, a_d2)
    num2, den2 = _sc_edge(h2p, av2.reshape(-1), src_p, dst_p, zrow)
    return _tc_head(num2, den2, h2p, av2, b2, aw, ab, batch2d, fc1_w, fc1_b,
                    bn_g, bn_b, fc2_w, fc2_b)

# --- scband reference (transcript-rebuilt; emitter-appended) ---
"""Pipeline reference for scband-drug-fem-30279519436889 (READ-ONLY COPY).

The authoritative reference and input builder live on the scoring server;
editing this copy changes nothing except your own understanding.
"""

import jax, jax.numpy as jnp
import numpy as np

N_NODES = 10000
N_EDGES = 320000
D_IN = 128
D_HID = 128
D_OUT = 128
N_GRAPHS = 256


def setup_inputs(seed: int = 0) -> dict:
    key = jax.random.key(seed)
    ks = jax.random.split(key, 20)
    x = jax.random.normal(ks[0], (N_NODES, D_IN), dtype=jnp.float32)
    edge_index = jax.random.randint(ks[1], (2, N_EDGES), 0, N_NODES, dtype=jnp.int64)
    batch = jnp.sort(jax.random.randint(ks[2], (N_NODES,), 0, N_GRAPHS, dtype=jnp.int64))
    s = 0.05
    inp = {
        'x': x,
        'edge_index': edge_index,
        'batch': batch,
        'W1': jax.random.normal(ks[3], (D_IN, D_HID), dtype=jnp.float32) * s,
        'a_s1': jax.random.normal(ks[4], (D_HID,), dtype=jnp.float32) * s,
        'a_d1': jax.random.normal(ks[5], (D_HID,), dtype=jnp.float32) * s,
        'b1': jnp.zeros((D_HID,), dtype=jnp.float32),
        'W2': jax.random.normal(ks[6], (D_HID, D_HID), dtype=jnp.float32) * s,
        'a_s2': jax.random.normal(ks[7], (D_HID,), dtype=jnp.float32) * s,
        'a_d2': jax.random.normal(ks[8], (D_HID,), dtype=jnp.float32) * s,
        'b2': jnp.zeros((D_HID,), dtype=jnp.float32),
        'aw': jax.random.normal(ks[9], (D_HID, 1), dtype=jnp.float32) * s,
        'ab': jnp.zeros((1,), dtype=jnp.float32),
        'fc1_w': jax.random.normal(ks[10], (D_OUT, D_OUT // 2), dtype=jnp.float32) * s,
        'fc1_b': jnp.zeros((D_OUT // 2,), dtype=jnp.float32),
        'bn_g': jnp.ones((D_OUT // 2,), dtype=jnp.float32),
        'bn_b': jnp.zeros((D_OUT // 2,), dtype=jnp.float32),
        'fc2_w': jax.random.normal(ks[11], (D_OUT // 2, D_OUT), dtype=jnp.float32) * s,
        'fc2_b': jnp.zeros((D_OUT,), dtype=jnp.float32),
    }
    return inp


def _gat_conv(x, edge_index, W, att_src, att_dst, bias):
    # PyG GATConv, heads=1, add_self_loops=True, negative_slope=0.2, eval-mode (attn dropout off)
    N = x.shape[0]
    loop = jnp.arange(N, dtype=edge_index.dtype)
    src = jnp.concatenate([edge_index[0], loop])
    dst = jnp.concatenate([edge_index[1], loop])
    h = x @ W
    a_src = (h * att_src).sum(-1)
    a_dst = (h * att_dst).sum(-1)
    e = a_src[src] + a_dst[dst]
    e = jax.nn.leaky_relu(e, 0.2)
    e_max = jax.ops.segment_max(e, dst, num_segments=N)
    e_max = jnp.where(jnp.isfinite(e_max), e_max, 0.0)
    ex = jnp.exp(e - e_max[dst])
    denom = jax.ops.segment_sum(ex, dst, num_segments=N)
    alpha = ex / (denom[dst] + 1e-16)
    msg = h[src] * alpha[:, None]
    out = jax.ops.segment_sum(msg, dst, num_segments=N)
    return out + bias


def reference(x, edge_index, batch, W1, a_s1, a_d1, b1, W2, a_s2, a_d2, b2, aw, ab, fc1_w, fc1_b, bn_g, bn_b, fc2_w, fc2_b):
    h = jax.nn.leaky_relu(_gat_conv(x, edge_index, W1, a_s1, a_d1, b1), 0.01)
    h = jax.nn.leaky_relu(_gat_conv(h, edge_index, W2, a_s2, a_d2, b2), 0.01)
    # AAGAM: global softmax over node dim, weighted scatter-sum pooling per graph
    attn = h @ aw + ab
    attn = jax.nn.softmax(attn, axis=0)
    h = attn * h
    g = jax.ops.segment_sum(h, batch, num_segments=N_GRAPHS)
    # fc_g: Linear -> BatchNorm1d (batch stats) -> LeakyReLU -> Dropout(identity) -> Linear
    z = g @ fc1_w + fc1_b
    mean = z.mean(axis=0)
    var = z.var(axis=0)
    z = bn_g * (z - mean) / jnp.sqrt(var + 1e-5) + bn_b
    z = jax.nn.leaky_relu(z, 0.01)
    z = z @ fc2_w + fc2_b
    return z

if __name__ == "__main__":
    import jax
    _d = setup_inputs()
    print(jax.jit(kernel)(*tuple(_d.values())))

</pallas_src>

<mosaic_0001>
#map = affine_map<(d0, d1) -> (0, 0)>
#map1 = affine_map<(d0, d1) -> (0)>
#map2 = affine_map<(d0, d1) -> (0, 0, 0)>
module attributes {stable_mosaic.version = 14 : i64} {
  func.func @_sc_edge_body(%arg0: i32, %arg1: i32, %arg2: memref<10240x128xf32, #tpu.memory_space<hbm>>, %arg3: memref<20480xf32, #tpu.memory_space<hbm>>, %arg4: memref<32x79x128xi32, #tpu.memory_space<hbm>>, %arg5: memref<32x79x128xi32, #tpu.memory_space<hbm>>, %arg6: memref<10240x128xf32, #tpu.memory_space<hbm>>, %arg7: memref<2x10240x128xf32, #tpu.memory_space<hbm>>, %arg8: memref<2x10240xf32, #tpu.memory_space<hbm>>, %arg9: memref<20480xf32, #tpu.memory_space<vmem>>, %arg10: memref<1x128xi32, #tpu.memory_space<vmem>>, %arg11: memref<1x128xi32, #tpu.memory_space<vmem>>, %arg12: memref<128xf32, #tpu.memory_space<vmem>>, %arg13: memref<128x128xf32, #tpu.memory_space<vmem>>, %arg14: memref<10240x128xf32, #tpu.memory_space<vmem_shared>>, %arg15: memref<10240xf32, #tpu.memory_space<vmem_shared>>, %arg16: memref<!tpu.dma_semaphore, #tpu.memory_space<semaphore_mem>>) attributes {dimension_semantics = [#tpu.dimension_semantics<core_parallel>, #tpu.dimension_semantics<subcore_parallel>], iteration_bounds = array<i64: 2, 16>, scalar_prefetch = 0 : i64, scratch_operands = 8 : i64, tpu.core_type = #tpu.core_type<sc_vector_subcore>, window_params = [{transform_indices = #map}, {transform_indices = #map1}, {transform_indices = #map2}, {transform_indices = #map2}, {transform_indices = #map}, {transform_indices = #map2}, {transform_indices = #map}]} {
    %mul3A = arith.constant 16 : i32
    %mul3A_0 = arith.muli %arg0, %mul3A : i32
    %add3A = arith.addi %mul3A_0, %arg1 : i32
    "tpu.region"() ({
      %run_scoped3A = tpu.sem_alloc : memref<!tpu.dma_semaphore, #tpu.memory_space<semaphore_mem>>
      tpu.enqueue_dma source(%arg3 : memref<20480xf32, #tpu.memory_space<hbm>>) target(%arg9 : memref<20480xf32, #tpu.memory_space<vmem>>) target_semaphore(%run_scoped3A : memref<!tpu.dma_semaphore, #tpu.memory_space<semaphore_mem>>)
      tpu.wait_dma2 semaphore(%run_scoped3A : memref<!tpu.dma_semaphore, #tpu.memory_space<semaphore_mem>>) src(%arg3 : memref<20480xf32, #tpu.memory_space<hbm>>) dst(%arg9 : memref<20480xf32, #tpu.memory_space<vmem>>)
      tpu.yield
    }) : () -> ()
    %mul3A_1 = arith.constant 640 : i32
    %mul3A_2 = arith.muli %arg1, %mul3A_1 : i32
    "tpu.region"() ({
      %run_scoped3A = tpu.sem_alloc : memref<!tpu.dma_semaphore, #tpu.memory_space<semaphore_mem>>
      %dma_start3A = arith.constant 0 : i32
      %dma_start3A_67 = tpu.memref_slice %arg14[%mul3A_2, %dma_start3A] : memref<10240x128xf32, #tpu.memory_space<vmem_shared>> -> memref<640x128xf32, #tpu.memory_space<vmem_shared>>
      %dma_start3A_68 = arith.constant 0 : i32
      %dma_start3A_69 = arith.constant 0 : i32
      %dma_start3A_70 = tpu.memref_slice %arg6[%dma_start3A_68, %dma_start3A_69] : memref<10240x128xf32, #tpu.memory_space<hbm>> -> memref<640x128xf32, #tpu.memory_space<hbm>>
      tpu.enqueue_dma source(%dma_start3A_70 : memref<640x128xf32, #tpu.memory_space<hbm>>) target(%dma_start3A_67 : memref<640x128xf32, #tpu.memory_space<vmem_shared>>) target_semaphore(%run_scoped3A : memref<!tpu.dma_semaphore, #tpu.memory_space<semaphore_mem>>)
      %dma_wait3A = arith.constant 0 : i32
      %dma_wait3A_71 = tpu.memref_slice %arg14[%mul3A_2, %dma_wait3A] : memref<10240x128xf32, #tpu.memory_space<vmem_shared>> -> memref<640x128xf32, #tpu.memory_space<vmem_shared>>
      %dma_wait3A_72 = arith.constant 0 : i32
      %dma_wait3A_73 = arith.constant 0 : i32
      %dma_wait3A_74 = tpu.memref_slice %arg6[%dma_wait3A_72, %dma_wait3A_73] : memref<10240x128xf32, #tpu.memory_space<hbm>> -> memref<640x128xf32, #tpu.memory_space<hbm>>
      tpu.wait_dma2 semaphore(%run_scoped3A : memref<!tpu.dma_semaphore, #tpu.memory_space<semaphore_mem>>) src(%dma_wait3A_74 : memref<640x128xf32, #tpu.memory_space<hbm>>) dst(%dma_wait3A_71 : memref<640x128xf32, #tpu.memory_space<vmem_shared>>)
      tpu.yield
    }) : () -> ()
    %broadcast_in_dim3A = arith.constant 0.000000e+00 : f32
    %broadcast_in_dim3A_3 = vector.broadcast %broadcast_in_dim3A : f32 to vector<16xf32>
    %swap3A = arith.constant 0 : index
    %swap3A_4 = tpu.vector_load %arg12[%swap3A] {strides = array<i32>} : memref<128xf32, #tpu.memory_space<vmem>>, vector<16xf32>,
    tpu.vector_store %arg12[%swap3A], %broadcast_in_dim3A_3 {strides = array<i32>} : memref<128xf32, #tpu.memory_space<vmem>>, vector<16xf32>,
    %broadcast_in_dim3A_5 = arith.constant 0.000000e+00 : f32
    %broadcast_in_dim3A_6 = vector.broadcast %broadcast_in_dim3A_5 : f32 to vector<16xf32>
    %swap3A_7 = arith.constant 16 : index
    %swap3A_8 = tpu.vector_load %arg12[%swap3A_7] {strides = array<i32>} : memref<128xf32, #tpu.memory_space<vmem>>, vector<16xf32>,
    tpu.vector_store %arg12[%swap3A_7], %broadcast_in_dim3A_6 {strides = array<i32>} : memref<128xf32, #tpu.memory_space<vmem>>, vector<16xf32>,
    %broadcast_in_dim3A_9 = arith.constant 0.000000e+00 : f32
    %broadcast_in_dim3A_10 = vector.broadcast %broadcast_in_dim3A_9 : f32 to vector<16xf32>
    %swap3A_11 = arith.constant 32 : index
    %swap3A_12 = tpu.vector_load %arg12[%swap3A_11] {strides = array<i32>} : memref<128xf32, #tpu.memory_space<vmem>>, vector<16xf32>,
    tpu.vector_store %arg12[%swap3A_11], %broadcast_in_dim3A_10 {strides = array<i32>} : memref<128xf32, #tpu.memory_space<vmem>>, vector<16xf32>,
    %broadcast_in_dim3A_13 = arith.constant 0.000000e+00 : f32
    %broadcast_in_dim3A_14 = vector.broadcast %broadcast_in_dim3A_13 : f32 to vector<16xf32>
    %swap3A_15 = arith.constant 48 : index
    %swap3A_16 = tpu.vector_load %arg12[%swap3A_15] {strides = array<i32>} : memref<128xf32, #tpu.memory_space<vmem>>, vector<16xf32>,
    tpu.vector_store %arg12[%swap3A_15], %broadcast_in_dim3A_14 {strides = array<i32>} : memref<128xf32, #tpu.memory_space<vmem>>, vector<16xf32>,
    %broadcast_in_dim3A_17 = arith.constant 0.000000e+00 : f32
    %broadcast_in_dim3A_18 = vector.broadcast %broadcast_in_dim3A_17 : f32 to vector<16xf32>
    %swap3A_19 = arith.constant 64 : index
    %swap3A_20 = tpu.vector_load %arg12[%swap3A_19] {strides = array<i32>} : memref<128xf32, #tpu.memory_space<vmem>>, vector<16xf32>,
    tpu.vector_store %arg12[%swap3A_19], %broadcast_in_dim3A_18 {strides = array<i32>} : memref<128xf32, #tpu.memory_space<vmem>>, vector<16xf32>,
    %broadcast_in_dim3A_21 = arith.constant 0.000000e+00 : f32
    %broadcast_in_dim3A_22 = vector.broadcast %broadcast_in_dim3A_21 : f32 to vector<16xf32>
    %swap3A_23 = arith.constant 80 : index
    %swap3A_24 = tpu.vector_load %arg12[%swap3A_23] {strides = array<i32>} : memref<128xf32, #tpu.memory_space<vmem>>, vector<16xf32>,
    tpu.vector_store %arg12[%swap3A_23], %broadcast_in_dim3A_22 {strides = array<i32>} : memref<128xf32, #tpu.memory_space<vmem>>, vector<16xf32>,
    %broadcast_in_dim3A_25 = arith.constant 0.000000e+00 : f32
    %broadcast_in_dim3A_26 = vector.broadcast %broadcast_in_dim3A_25 : f32 to vector<16xf32>
    %swap3A_27 = arith.constant 96 : index
    %swap3A_28 = tpu.vector_load %arg12[%swap3A_27] {strides = array<i32>} : memref<128xf32, #tpu.memory_space<vmem>>, vector<16xf32>,
    tpu.vector_store %arg12[%swap3A_27], %broadcast_in_dim3A_26 {strides = array<i32>} : memref<128xf32, #tpu.memory_space<vmem>>, vector<16xf32>,
    %broadcast_in_dim3A_29 = arith.constant 0.000000e+00 : f32
    %broadcast_in_dim3A_30 = vector.broadcast %broadcast_in_dim3A_29 : f32 to vector<16xf32>
    %swap3A_31 = arith.constant 112 : index
    %swap3A_32 = tpu.vector_load %arg12[%swap3A_31] {strides = array<i32>} : memref<128xf32, #tpu.memory_space<vmem>>, vector<16xf32>,
    tpu.vector_store %arg12[%swap3A_31], %broadcast_in_dim3A_30 {strides = array<i32>} : memref<128xf32, #tpu.memory_space<vmem>>, vector<16xf32>,
    %mul3A_33 = arith.constant 640 : i32
    %mul3A_34 = arith.muli %arg1, %mul3A_33 : i32
    %add3A_35 = arith.constant 0 : i32
    %add3A_36 = arith.addi %mul3A_34, %add3A_35 : i32
    "tpu.region"() ({
      %run_scoped3A = tpu.sem_alloc : memref<!tpu.dma_semaphore, #tpu.memory_space<semaphore_mem>>
      %dma_start3A = tpu.memref_slice %arg15[%add3A_36] : memref<10240xf32, #tpu.memory_space<vmem_shared>> -> memref<128xf32, #tpu.memory_space<vmem_shared>>
      %dma_start3A_67 = tpu.memref_slice %arg15[%add3A_36] : memref<10240xf32, #tpu.memory_space<vmem_shared>> -> memref<128xf32, #tpu.memory_space<vmem_shared>>
      tpu.enqueue_dma source(%arg12 : memref<128xf32, #tpu.memory_space<vmem>>) target(%dma_start3A_67 : memref<128xf32, #tpu.memory_space<vmem_shared>>) target_semaphore(%run_scoped3A : memref<!tpu.dma_semaphore, #tpu.memory_space<semaphore_mem>>)
      %dma_wait3A = tpu.memref_slice %arg15[%add3A_36] : memref<10240xf32, #tpu.memory_space<vmem_shared>> -> memref<128xf32, #tpu.memory_space<vmem_shared>>
      %dma_wait3A_68 = tpu.memref_slice %arg15[%add3A_36] : memref<10240xf32, #tpu.memory_space<vmem_shared>> -> memref<128xf32, #tpu.memory_space<vmem_shared>>
      tpu.wait_dma2 semaphore(%run_scoped3A : memref<!tpu.dma_semaphore, #tpu.memory_space<semaphore_mem>>) src(%arg12 : memref<128xf32, #tpu.memory_space<vmem>>) dst(%dma_wait3A_68 : memref<128xf32, #tpu.memory_space<vmem_shared>>)
      tpu.yield
    }) : () -> ()
    %mul3A_37 = arith.constant 640 : i32
    %mul3A_38 = arith.muli %arg1, %mul3A_37 : i32
    %add3A_39 = arith.constant 128 : i32
    %add3A_40 = arith.addi %mul3A_38, %add3A_39 : i32
    "tpu.region"() ({
      %run_scoped3A = tpu.sem_alloc : memref<!tpu.dma_semaphore, #tpu.memory_space<semaphore_mem>>
      %dma_start3A = tpu.memref_slice %arg15[%add3A_40] : memref<10240xf32, #tpu.memory_space<vmem_shared>> -> memref<128xf32, #tpu.memory_space<vmem_shared>>
      %dma_start3A_67 = tpu.memref_slice %arg15[%add3A_40] : memref<10240xf32, #tpu.memory_space<vmem_shared>> -> memref<128xf32, #tpu.memory_space<vmem_shared>>
      tpu.enqueue_dma source(%arg12 : memref<128xf32, #tpu.memory_space<vmem>>) target(%dma_start3A_67 : memref<128xf32, #tpu.memory_space<vmem_shared>>) target_semaphore(%run_scoped3A : memref<!tpu.dma_semaphore, #tpu.memory_space<semaphore_mem>>)
      %dma_wait3A = tpu.memref_slice %arg15[%add3A_40] : memref<10240xf32, #tpu.memory_space<vmem_shared>> -> memref<128xf32, #tpu.memory_space<vmem_shared>>
      %dma_wait3A_68 = tpu.memref_slice %arg15[%add3A_40] : memref<10240xf32, #tpu.memory_space<vmem_shared>> -> memref<128xf32, #tpu.memory_space<vmem_shared>>
      tpu.wait_dma2 semaphore(%run_scoped3A : memref<!tpu.dma_semaphore, #tpu.memory_space<semaphore_mem>>) src(%arg12 : memref<128xf32, #tpu.memory_space<vmem>>) dst(%dma_wait3A_68 : memref<128xf32, #tpu.memory_space<vmem_shared>>)
      tpu.yield
    }) : () -> ()
    %mul3A_41 = arith.constant 640 : i32
    %mul3A_42 = arith.muli %arg1, %mul3A_41 : i32
    %add3A_43 = arith.constant 256 : i32
    %add3A_44 = arith.addi %mul3A_42, %add3A_43 : i32
    "tpu.region"() ({
      %run_scoped3A = tpu.sem_alloc : memref<!tpu.dma_semaphore, #tpu.memory_space<semaphore_mem>>
      %dma_start3A = tpu.memref_slice %arg15[%add3A_44] : memref<10240xf32, #tpu.memory_space<vmem_shared>> -> memref<128xf32, #tpu.memory_space<vmem_shared>>
      %dma_start3A_67 = tpu.memref_slice %arg15[%add3A_44] : memref<10240xf32, #tpu.memory_space<vmem_shared>> -> memref<128xf32, #tpu.memory_space<vmem_shared>>
      tpu.enqueue_dma source(%arg12 : memref<128xf32, #tpu.memory_space<vmem>>) target(%dma_start3A_67 : memref<128xf32, #tpu.memory_space<vmem_shared>>) target_semaphore(%run_scoped3A : memref<!tpu.dma_semaphore, #tpu.memory_space<semaphore_mem>>)
      %dma_wait3A = tpu.memref_slice %arg15[%add3A_44] : memref<10240xf32, #tpu.memory_space<vmem_shared>> -> memref<128xf32, #tpu.memory_space<vmem_shared>>
      %dma_wait3A_68 = tpu.memref_slice %arg15[%add3A_44] : memref<10240xf32, #tpu.memory_space<vmem_shared>> -> memref<128xf32, #tpu.memory_space<vmem_shared>>
      tpu.wait_dma2 semaphore(%run_scoped3A : memref<!tpu.dma_semaphore, #tpu.memory_space<semaphore_mem>>) src(%arg12 : memref<128xf32, #tpu.memory_space<vmem>>) dst(%dma_wait3A_68 : memref<128xf32, #tpu.memory_space<vmem_shared>>)
      tpu.yield
    }) : () -> ()
    %mul3A_45 = arith.constant 640 : i32
    %mul3A_46 = arith.muli %arg1, %mul3A_45 : i32
    %add3A_47 = arith.constant 384 : i32
    %add3A_48 = arith.addi %mul3A_46, %add3A_47 : i32
    "tpu.region"() ({
      %run_scoped3A = tpu.sem_alloc : memref<!tpu.dma_semaphore, #tpu.memory_space<semaphore_mem>>
      %dma_start3A = tpu.memref_slice %arg15[%add3A_48] : memref<10240xf32, #tpu.memory_space<vmem_shared>> -> memref<128xf32, #tpu.memory_space<vmem_shared>>
      %dma_start3A_67 = tpu.memref_slice %arg15[%add3A_48] : memref<10240xf32, #tpu.memory_space<vmem_shared>> -> memref<128xf32, #tpu.memory_space<vmem_shared>>
      tpu.enqueue_dma source(%arg12 : memref<128xf32, #tpu.memory_space<vmem>>) target(%dma_start3A_67 : memref<128xf32, #tpu.memory_space<vmem_shared>>) target_semaphore(%run_scoped3A : memref<!tpu.dma_semaphore, #tpu.memory_space<semaphore_mem>>)
      %dma_wait3A = tpu.memref_slice %arg15[%add3A_48] : memref<10240xf32, #tpu.memory_space<vmem_shared>> -> memref<128xf32, #tpu.memory_space<vmem_shared>>
      %dma_wait3A_68 = tpu.memref_slice %arg15[%add3A_48] : memref<10240xf32, #tpu.memory_space<vmem_shared>> -> memref<128xf32, #tpu.memory_space<vmem_shared>>
      tpu.wait_dma2 semaphore(%run_scoped3A : memref<!tpu.dma_semaphore, #tpu.memory_space<semaphore_mem>>) src(%arg12 : memref<128xf32, #tpu.memory_space<vmem>>) dst(%dma_wait3A_68 : memref<128xf32, #tpu.memory_space<vmem_shared>>)
      tpu.yield
    }) : () -> ()
    %mul3A_49 = arith.constant 640 : i32
    %mul3A_50 = arith.muli %arg1, %mul3A_49 : i32
    %add3A_51 = arith.constant 512 : i32
    %add3A_52 = arith.addi %mul3A_50, %add3A_51 : i32
    "tpu.region"() ({
      %run_scoped3A = tpu.sem_alloc : memref<!tpu.dma_semaphore, #tpu.memory_space<semaphore_mem>>
      %dma_start3A = tpu.memref_slice %arg15[%add3A_52] : memref<10240xf32, #tpu.memory_space<vmem_shared>> -> memref<128xf32, #tpu.memory_space<vmem_shared>>
      %dma_start3A_67 = tpu.memref_slice %arg15[%add3A_52] : memref<10240xf32, #tpu.memory_space<vmem_shared>> -> memref<128xf32, #tpu.memory_space<vmem_shared>>
      tpu.enqueue_dma source(%arg12 : memref<128xf32, #tpu.memory_space<vmem>>) target(%dma_start3A_67 : memref<128xf32, #tpu.memory_space<vmem_shared>>) target_semaphore(%run_scoped3A : memref<!tpu.dma_semaphore, #tpu.memory_space<semaphore_mem>>)
      %dma_wait3A = tpu.memref_slice %arg15[%add3A_52] : memref<10240xf32, #tpu.memory_space<vmem_shared>> -> memref<128xf32, #tpu.memory_space<vmem_shared>>
      %dma_wait3A_68 = tpu.memref_slice %arg15[%add3A_52] : memref<10240xf32, #tpu.memory_space<vmem_shared>> -> memref<128xf32, #tpu.memory_space<vmem_shared>>
      tpu.wait_dma2 semaphore(%run_scoped3A : memref<!tpu.dma_semaphore, #tpu.memory_space<semaphore_mem>>) src(%arg12 : memref<128xf32, #tpu.memory_space<vmem>>) dst(%dma_wait3A_68 : memref<128xf32, #tpu.memory_space<vmem_shared>>)
      tpu.yield
    }) : () -> ()
    %barrier3A = arith.constant 0 : index
    tpu.barrier barrier_id(%barrier3A)
    %scan3A = arith.constant 0 : i32
    %scan3A_53 = arith.constant 0 : i32
    %scan3A_54 = arith.constant 79 : i32
    %scan3A_55 = arith.addi %scan3A_53, %scan3A_54 : i32
    %scan3A_56 = arith.constant 1 : i32
    scf.for %scan3A_67 = %scan3A_53 to %scan3A_55 step %scan3A_56  : i32 {
      %run_scoped3A = arith.constant 0 : i32
      "tpu.region"() ({
        %run_scoped3A_449 = tpu.sem_alloc : memref<!tpu.dma_semaphore, #tpu.memory_space<semaphore_mem>>
        %dma_start3A_450 = arith.constant 0 : i32
        %dma_start3A_451 = tpu.memref_slice %arg10[%run_scoped3A, %dma_start3A_450] : memref<1x128xi32, #tpu.memory_space<vmem>> -> memref<1x128xi32, #tpu.memory_space<vmem>>
        %dma_start3A_452 = tpu.memref_squeeze %dma_start3A_451 : memref<1x128xi32, #tpu.memory_space<vmem>> -> memref<128xi32, #tpu.memory_space<vmem>>
        %dma_start3A_453 = arith.constant 0 : i32
        %dma_start3A_454 = tpu.memref_slice %arg4[%add3A, %scan3A_67, %dma_start3A_453] : memref<32x79x128xi32, #tpu.memory_space<hbm>> -> memref<1x1x128xi32, #tpu.memory_space<hbm>>
        %dma_start3A_455 = tpu.memref_squeeze %dma_start3A_454 : memref<1x1x128xi32, #tpu.memory_space<hbm>> -> memref<128xi32, #tpu.memory_space<hbm>>
        %dma_start3A_456 = arith.constant 0 : i32
        %dma_start3A_457 = tpu.memref_slice %arg10[%run_scoped3A, %dma_start3A_456] : memref<1x128xi32, #tpu.memory_space<vmem>> -> memref<1x128xi32, #tpu.memory_space<vmem>>
        %dma_start3A_458 = tpu.memref_squeeze %dma_start3A_457 : memref<1x128xi32, #tpu.memory_space<vmem>> -> memref<128xi32, #tpu.memory_space<vmem>>
        %dma_start3A_459 = arith.constant 0 : i32
        %dma_start3A_460 = tpu.memref_slice %arg4[%add3A, %scan3A_67, %dma_start3A_459] : memref<32x79x128xi32, #tpu.memory_space<hbm>> -> memref<1x1x128xi32, #tpu.memory_space<hbm>>
        %dma_start3A_461 = tpu.memref_squeeze %dma_start3A_460 : memref<1x1x128xi32, #tpu.memory_space<hbm>> -> memref<128xi32, #tpu.memory_space<hbm>>
        tpu.enqueue_dma source(%dma_start3A_461 : memref<128xi32, #tpu.memory_space<hbm>>) target(%dma_start3A_458 : memref<128xi32, #tpu.memory_space<vmem>>) target_semaphore(%run_scoped3A_449 : memref<!tpu.dma_semaphore, #tpu.memory_space<semaphore_mem>>)
        %dma_wait3A_462 = arith.constant 0 : i32
        %dma_wait3A_463 = tpu.memref_slice %arg10[%run_scoped3A, %dma_wait3A_462] : memref<1x128xi32, #tpu.memory_space<vmem>> -> memref<1x128xi32, #tpu.memory_space<vmem>>
        %dma_wait3A_464 = tpu.memref_squeeze %dma_wait3A_463 : memref<1x128xi32, #tpu.memory_space<vmem>> -> memref<128xi32, #tpu.memory_space<vmem>>
        %dma_wait3A_465 = arith.constant 0 : i32
        %dma_wait3A_466 = tpu.memref_slice %arg4[%add3A, %scan3A_67, %dma_wait3A_465] : memref<32x79x128xi32, #tpu.memory_space<hbm>> -> memref<1x1x128xi32, #tpu.memory_space<hbm>>
        %dma_wait3A_467 = tpu.memref_squeeze %dma_wait3A_466 : memref<1x1x128xi32, #tpu.memory_space<hbm>> -> memref<128xi32, #tpu.memory_space<hbm>>
        %dma_wait3A_468 = arith.constant 0 : i32
        %dma_wait3A_469 = tpu.memref_slice %arg10[%run_scoped3A, %dma_wait3A_468] : memref<1x128xi32, #tpu.memory_space<vmem>> -> memref<1x128xi32, #tpu.memory_space<vmem>>
        %dma_wait3A_470 = tpu.memref_squeeze %dma_wait3A_469 : memref<1x128xi32, #tpu.memory_space<vmem>> -> memref<128xi32, #tpu.memory_space<vmem>>
        %dma_wait3A_471 = arith.constant 0 : i32
        %dma_wait3A_472 = tpu.memref_slice %arg4[%add3A, %scan3A_67, %dma_wait3A_471] : memref<32x79x128xi32, #tpu.memory_space<hbm>> -> memref<1x1x128xi32, #tpu.memory_space<hbm>>
        %dma_wait3A_473 = tpu.memref_squeeze %dma_wait3A_472 : memref<1x1x128xi32, #tpu.memory_space<hbm>> -> memref<128xi32, #tpu.memory_space<hbm>>
        tpu.wait_dma2 semaphore(%run_scoped3A_449 : memref<!tpu.dma_semaphore, #tpu.memory_space<semaphore_mem>>) src(%dma_wait3A_473 : memref<128xi32, #tpu.memory_space<hbm>>) dst(%dma_wait3A_470 : memref<128xi32, #tpu.memory_space<vmem>>)
        tpu.yield
      }) : () -> ()
      %run_scoped3A_68 = arith.constant 0 : i32
      "tpu.region"() ({
        %run_scoped3A_449 = tpu.sem_alloc : memref<!tpu.dma_semaphore, #tpu.memory_space<semaphore_mem>>
        %dma_start3A_450 = arith.constant 0 : i32
        %dma_start3A_451 = tpu.memref_slice %arg11[%run_scoped3A_68, %dma_start3A_450] : memref<1x128xi32, #tpu.memory_space<vmem>> -> memref<1x128xi32, #tpu.memory_space<vmem>>
        %dma_start3A_452 = tpu.memref_squeeze %dma_start3A_451 : memref<1x128xi32, #tpu.memory_space<vmem>> -> memref<128xi32, #tpu.memory_space<vmem>>
        %dma_start3A_453 = arith.constant 0 : i32
        %dma_start3A_454 = tpu.memref_slice %arg5[%add3A, %scan3A_67, %dma_start3A_453] : memref<32x79x128xi32, #tpu.memory_space<hbm>> -> memref<1x1x128xi32, #tpu.memory_space<hbm>>
        %dma_start3A_455 = tpu.memref_squeeze %dma_start3A_454 : memref<1x1x128xi32, #tpu.memory_space<hbm>> -> memref<128xi32, #tpu.memory_space<hbm>>
        %dma_start3A_456 = arith.constant 0 : i32
        %dma_start3A_457 = tpu.memref_slice %arg11[%run_scoped3A_68, %dma_start3A_456] : memref<1x128xi32, #tpu.memory_space<vmem>> -> memref<1x128xi32, #tpu.memory_space<vmem>>
        %dma_start3A_458 = tpu.memref_squeeze %dma_start3A_457 : memref<1x128xi32, #tpu.memory_space<vmem>> -> memref<128xi32, #tpu.memory_space<vmem>>
        %dma_start3A_459 = arith.constant 0 : i32
        %dma_start3A_460 = tpu.memref_slice %arg5[%add3A, %scan3A_67, %dma_start3A_459] : memref<32x79x128xi32, #tpu.memory_space<hbm>> -> memref<1x1x128xi32, #tpu.memory_space<hbm>>
        %dma_start3A_461 = tpu.memref_squeeze %dma_start3A_460 : memref<1x1x128xi32, #tpu.memory_space<hbm>> -> memref<128xi32, #tpu.memory_space<hbm>>
        tpu.enqueue_dma source(%dma_start3A_461 : memref<128xi32, #tpu.memory_space<hbm>>) target(%dma_start3A_458 : memref<128xi32, #tpu.memory_space<vmem>>) target_semaphore(%run_scoped3A_449 : memref<!tpu.dma_semaphore, #tpu.memory_space<semaphore_mem>>)
        %dma_wait3A_462 = arith.constant 0 : i32
        %dma_wait3A_463 = tpu.memref_slice %arg11[%run_scoped3A_68, %dma_wait3A_462] : memref<1x128xi32, #tpu.memory_space<vmem>> -> memref<1x128xi32, #tpu.memory_space<vmem>>
        %dma_wait3A_464 = tpu.memref_squeeze %dma_wait3A_463 : memref<1x128xi32, #tpu.memory_space<vmem>> -> memref<128xi32, #tpu.memory_space<vmem>>
        %dma_wait3A_465 = arith.constant 0 : i32
        %dma_wait3A_466 = tpu.memref_slice %arg5[%add3A, %scan3A_67, %dma_wait3A_465] : memref<32x79x128xi32, #tpu.memory_space<hbm>> -> memref<1x1x128xi32, #tpu.memory_space<hbm>>
        %dma_wait3A_467 = tpu.memref_squeeze %dma_wait3A_466 : memref<1x1x128xi32, #tpu.memory_space<hbm>> -> memref<128xi32, #tpu.memory_space<hbm>>
        %dma_wait3A_468 = arith.constant 0 : i32
        %dma_wait3A_469 = tpu.memref_slice %arg11[%run_scoped3A_68, %dma_wait3A_468] : memref<1x128xi32, #tpu.memory_space<vmem>> -> memref<1x128xi32, #tpu.memory_space<vmem>>
        %dma_wait3A_470 = tpu.memref_squeeze %dma_wait3A_469 : memref<1x128xi32, #tpu.memory_space<vmem>> -> memref<128xi32, #tpu.memory_space<vmem>>
        %dma_wait3A_471 = arith.constant 0 : i32
        %dma_wait3A_472 = tpu.memref_slice %arg5[%add3A, %scan3A_67, %dma_wait3A_471] : memref<32x79x128xi32, #tpu.memory_space<hbm>> -> memref<1x1x128xi32, #tpu.memory_space<hbm>>
        %dma_wait3A_473 = tpu.memref_squeeze %dma_wait3A_472 : memref<1x1x128xi32, #tpu.memory_space<hbm>> -> memref<128xi32, #tpu.memory_space<hbm>>
        tpu.wait_dma2 semaphore(%run_scoped3A_449 : memref<!tpu.dma_semaphore, #tpu.memory_space<semaphore_mem>>) src(%dma_wait3A_473 : memref<128xi32, #tpu.memory_space<hbm>>) dst(%dma_wait3A_470 : memref<128xi32, #tpu.memory_space<vmem>>)
        tpu.yield
      }) : () -> ()
      %dma_start3A = arith.constant 0 : i32
      %dma_start3A_69 = arith.constant 0 : i32
      %dma_start3A_70 = tpu.memref_slice %arg10[%dma_start3A, %dma_start3A_69] : memref<1x128xi32, #tpu.memory_space<vmem>> -> memref<1x128xi32, #tpu.memory_space<vmem>>
      %dma_start3A_71 = tpu.memref_squeeze %dma_start3A_70 : memref<1x128xi32, #tpu.memory_space<vmem>> -> memref<128xi32, #tpu.memory_space<vmem>>
      %dma_start3A_72 = arith.constant 0 : i32
      %dma_start3A_73 = arith.constant 0 : i32
      %dma_start3A_74 = tpu.memref_slice %arg2[%dma_start3A_72, %dma_start3A_73] : memref<10240x128xf32, #tpu.memory_space<hbm>> -> memref<10240x128xf32, #tpu.memory_space<hbm>>
      tpu.enqueue_indirect_dma source(%dma_start3A_74 : memref<10240x128xf32, #tpu.memory_space<hbm>>) target(%arg13 : memref<128x128xf32, #tpu.memory_space<vmem>>) offsets(%dma_start3A_71 : memref<128xi32, #tpu.memory_space<vmem>>) semaphore(%arg16 : memref<!tpu.dma_semaphore, #tpu.memory_space<semaphore_mem>>)
      %get3A = arith.constant 0 : i32
      %get3A_75 = arith.index_cast %get3A : i32 to index
      %get3A_76 = arith.constant 0 : index
      %get3A_77 = tpu.vector_load %arg10[%get3A_75, %get3A_76] {strides = array<i32>} : memref<1x128xi32, #tpu.memory_space<vmem>>, vector<16xi32>,
      %get3A_78 = arith.constant 0 : i32
      %get3A_79 = arith.index_cast %get3A_78 : i32 to index
      %get3A_80 = arith.constant 0 : index
      %get3A_81 = tpu.vector_load %arg11[%get3A_79, %get3A_80] {strides = array<i32>} : memref<1x128xi32, #tpu.memory_space<vmem>>, vector<16xi32>,
      %mul3A_82 = arith.constant 2 : i32
      %mul3A_83 = vector.broadcast %mul3A_82 : i32 to vector<16xi32>
      %mul3A_84 = arith.muli %get3A_77, %mul3A_83 : vector<16xi32>
      %gather3A = tpu.vector_load_idx %arg9[%mul3A_84] : memref<20480xf32, #tpu.memory_space<vmem>>[vector<16xi32>], vector<16xf32>,
      %mul3A_85 = arith.constant 2 : i32
      %mul3A_86 = vector.broadcast %mul3A_85 : i32 to vector<16xi32>
      %mul3A_87 = arith.muli %get3A_81, %mul3A_86 : vector<16xi32>
      %add3A_88 = arith.constant 1 : i32
      %add3A_89 = vector.broadcast %add3A_88 : i32 to vector<16xi32>
      %add3A_90 = arith.addi %mul3A_87, %add3A_89 : vector<16xi32>
      %gather3A_91 = tpu.vector_load_idx %arg9[%add3A_90] : memref<20480xf32, #tpu.memory_space<vmem>>[vector<16xi32>], vector<16xf32>,
      %add3A_92 = arith.addf %gather3A, %gather3A_91 : vector<16xf32>
      %ge3A = arith.constant 0.000000e+00 : f32
      %ge3A_93 = vector.broadcast %ge3A : f32 to vector<16xf32>
      %ge3A_94 = arith.cmpf oge, %add3A_92, %ge3A_93 : vector<16xf32>
      %mul3A_95 = arith.constant 2.000000e-01 : f32
      %mul3A_96 = vector.broadcast %mul3A_95 : f32 to vector<16xf32>
      %mul3A_97 = arith.mulf %add3A_92, %mul3A_96 : vector<16xf32>
      %select_n3A = arith.select %ge3A_94, %add3A_92, %mul3A_97 : vector<16xi1>, vector<16xf32>
      %exp3A = math.exp %select_n3A : vector<16xf32>
      %mul3A_98 = arith.constant 10112 : i32
      %mul3A_99 = arith.muli %add3A, %mul3A_98 : i32
      %mul3A_100 = arith.constant 128 : i32
      %mul3A_101 = arith.muli %scan3A_67, %mul3A_100 : i32
      %add3A_102 = arith.addi %mul3A_99, %mul3A_101 : i32
      %add3A_103 = arith.constant 0 : i32
      %add3A_104 = arith.addi %add3A_102, %add3A_103 : i32
      %iota3A = tpu.iota {dimensions = array<i32: 0>} : vector<16xi32>
      %add3A_105 = vector.broadcast %add3A_104 : i32 to vector<16xi32>
      %add3A_106 = arith.addi %add3A_105, %iota3A : vector<16xi32>
      %lt3A = arith.constant 320000 : i32
      %lt3A_107 = vector.broadcast %lt3A : i32 to vector<16xi32>
      %lt3A_108 = arith.cmpi slt, %add3A_106, %lt3A_107 : vector<16xi32>
      %jit3A = arith.constant 0.000000e+00 : f32
      %broadcast_in_dim3A_109 = vector.broadcast %jit3A : f32 to vector<16xf32>
      %select_n3A_110 = arith.select %lt3A_108, %exp3A, %broadcast_in_dim3A_109 : vector<16xi1>, vector<16xf32>
      %swap3A_111 = arith.constant 0 : index
      %swap3A_112 = tpu.vector_load %arg12[%swap3A_111] {strides = array<i32>} : memref<128xf32, #tpu.memory_space<vmem>>, vector<16xf32>,
      tpu.vector_store %arg12[%swap3A_111], %select_n3A_110 {strides = array<i32>} : memref<128xf32, #tpu.memory_space<vmem>>, vector<16xf32>,
      %get3A_113 = arith.constant 0 : i32
      %get3A_114 = arith.index_cast %get3A_113 : i32 to index
      %get3A_115 = arith.constant 16 : index
      %get3A_116 = tpu.vector_load %arg10[%get3A_114, %get3A_115] {strides = array<i32>} : memref<1x128xi32, #tpu.memory_space<vmem>>, vector<16xi32>,
      %get3A_117 = arith.constant 0 : i32
      %get3A_118 = arith.index_cast %get3A_117 : i32 to index
      %get3A_119 = arith.constant 16 : index
      %get3A_120 = tpu.vector_load %arg11[%get3A_118, %get3A_119] {strides = array<i32>} : memref<1x128xi32, #tpu.memory_space<vmem>>, vector<16xi32>,
      %mul3A_121 = arith.constant 2 : i32
      %mul3A_122 = vector.broadcast %mul3A_121 : i32 to vector<16xi32>
      %mul3A_123 = arith.muli %get3A_116, %mul3A_122 : vector<16xi32>
      %gather3A_124 = tpu.vector_load_idx %arg9[%mul3A_123] : memref<20480xf32, #tpu.memory_space<vmem>>[vector<16xi32>], vector<16xf32>,
      %mul3A_125 = arith.constant 2 : i32
      %mul3A_126 = vector.broadcast %mul3A_125 : i32 to vector<16xi32>
      %mul3A_127 = arith.muli %get3A_120, %mul3A_126 : vector<16xi32>
      %add3A_128 = arith.constant 1 : i32
      %add3A_129 = vector.broadcast %add3A_128 : i32 to vector<16xi32>
      %add3A_130 = arith.addi %mul3A_127, %add3A_129 : vector<16xi32>
      %gather3A_131 = tpu.vector_load_idx %arg9[%add3A_130] : memref<20480xf32, #tpu.memory_space<vmem>>[vector<16xi32>], vector<16xf32>,
      %add3A_132 = arith.addf %gather3A_124, %gather3A_131 : vector<16xf32>
      %ge3A_133 = arith.constant 0.000000e+00 : f32
      %ge3A_134 = vector.broadcast %ge3A_133 : f32 to vector<16xf32>
      %ge3A_135 = arith.cmpf oge, %add3A_132, %ge3A_134 : vector<16xf32>
      %mul3A_136 = arith.constant 2.000000e-01 : f32
      %mul3A_137 = vector.broadcast %mul3A_136 : f32 to vector<16xf32>
      %mul3A_138 = arith.mulf %add3A_132, %mul3A_137 : vector<16xf32>
      %select_n3A_139 = arith.select %ge3A_135, %add3A_132, %mul3A_138 : vector<16xi1>, vector<16xf32>
      %exp3A_140 = math.exp %select_n3A_139 : vector<16xf32>
      %mul3A_141 = arith.constant 10112 : i32
      %mul3A_142 = arith.muli %add3A, %mul3A_141 : i32
      %mul3A_143 = arith.constant 128 : i32
      %mul3A_144 = arith.muli %scan3A_67, %mul3A_143 : i32
      %add3A_145 = arith.addi %mul3A_142, %mul3A_144 : i32
      %add3A_146 = arith.constant 16 : i32
      %add3A_147 = arith.addi %add3A_145, %add3A_146 : i32
      %iota3A_148 = tpu.iota {dimensions = array<i32: 0>} : vector<16xi32>
      %add3A_149 = vector.broadcast %add3A_147 : i32 to vector<16xi32>
      %add3A_150 = arith.addi %add3A_149, %iota3A_148 : vector<16xi32>
      %lt3A_151 = arith.constant 320000 : i32
      %lt3A_152 = vector.broadcast %lt3A_151 : i32 to vector<16xi32>
      %lt3A_153 = arith.cmpi slt, %add3A_150, %lt3A_152 : vector<16xi32>
      %jit3A_154 = arith.constant 0.000000e+00 : f32
      %broadcast_in_dim3A_155 = vector.broadcast %jit3A_154 : f32 to vector<16xf32>
      %select_n3A_156 = arith.select %lt3A_153, %exp3A_140, %broadcast_in_dim3A_155 : vector<16xi1>, vector<16xf32>
      %swap3A_157 = arith.constant 16 : index
      %swap3A_158 = tpu.vector_load %arg12[%swap3A_157] {strides = array<i32>} : memref<128xf32, #tpu.memory_space<vmem>>, vector<16xf32>,
      tpu.vector_store %arg12[%swap3A_157], %select_n3A_156 {strides = array<i32>} : memref<128xf32, #tpu.memory_space<vmem>>, vector<16xf32>,
      %get3A_159 = arith.constant 0 : i32
      %get3A_160 = arith.index_cast %get3A_159 : i32 to index
      %get3A_161 = arith.constant 32 : index
      %get3A_162 = tpu.vector_load %arg10[%get3A_160, %get3A_161] {strides = array<i32>} : memref<1x128xi32, #tpu.memory_space<vmem>>, vector<16xi32>,
      %get3A_163 = arith.constant 0 : i32
      %get3A_164 = arith.index_cast %get3A_163 : i32 to index
      %get3A_165 = arith.constant 32 : index
      %get3A_166 = tpu.vector_load %arg11[%get3A_164, %get3A_165] {strides = array<i32>} : memref<1x128xi32, #tpu.memory_space<vmem>>, vector<16xi32>,
      %mul3A_167 = arith.constant 2 : i32
      %mul3A_168 = vector.broadcast %mul3A_167 : i32 to vector<16xi32>
      %mul3A_169 = arith.muli %get3A_162, %mul3A_168 : vector<16xi32>
      %gather3A_170 = tpu.vector_load_idx %arg9[%mul3A_169] : memref<20480xf32, #tpu.memory_space<vmem>>[vector<16xi32>], vector<16xf32>,
      %mul3A_171 = arith.constant 2 : i32
      %mul3A_172 = vector.broadcast %mul3A_171 : i32 to vector<16xi32>
      %mul3A_173 = arith.muli %get3A_166, %mul3A_172 : vector<16xi32>
      %add3A_174 = arith.constant 1 : i32
      %add3A_175 = vector.broadcast %add3A_174 : i32 to vector<16xi32>
      %add3A_176 = arith.addi %mul3A_173, %add3A_175 : vector<16xi32>
      %gather3A_177 = tpu.vector_load_idx %arg9[%add3A_176] : memref<20480xf32, #tpu.memory_space<vmem>>[vector<16xi32>], vector<16xf32>,
      %add3A_178 = arith.addf %gather3A_170, %gather3A_177 : vector<16xf32>
      %ge3A_179 = arith.constant 0.000000e+00 : f32
      %ge3A_180 = vector.broadcast %ge3A_179 : f32 to vector<16xf32>
      %ge3A_181 = arith.cmpf oge, %add3A_178, %ge3A_180 : vector<16xf32>
      %mul3A_182 = arith.constant 2.000000e-01 : f32
      %mul3A_183 = vector.broadcast %mul3A_182 : f32 to vector<16xf32>
      %mul3A_184 = arith.mulf %add3A_178, %mul3A_183 : vector<16xf32>
      %select_n3A_185 = arith.select %ge3A_181, %add3A_178, %mul3A_184 : vector<16xi1>, vector<16xf32>
      %exp3A_186 = math.exp %select_n3A_185 : vector<16xf32>
      %mul3A_187 = arith.constant 10112 : i32
      %mul3A_188 = arith.muli %add3A, %mul3A_187 : i32
      %mul3A_189 = arith.constant 128 : i32
      %mul3A_190 = arith.muli %scan3A_67, %mul3A_189 : i32
      %add3A_191 = arith.addi %mul3A_188, %mul3A_190 : i32
      %add3A_192 = arith.constant 32 : i32
      %add3A_193 = arith.addi %add3A_191, %add3A_192 : i32
      %iota3A_194 = tpu.iota {dimensions = array<i32: 0>} : vector<16xi32>
      %add3A_195 = vector.broadcast %add3A_193 : i32 to vector<16xi32>
      %add3A_196 = arith.addi %add3A_195, %iota3A_194 : vector<16xi32>
      %lt3A_197 = arith.constant 320000 : i32
      %lt3A_198 = vector.broadcast %lt3A_197 : i32 to vector<16xi32>
      %lt3A_199 = arith.cmpi slt, %add3A_196, %lt3A_198 : vector<16xi32>
      %jit3A_200 = arith.constant 0.000000e+00 : f32
      %broadcast_in_dim3A_201 = vector.broadcast %jit3A_200 : f32 to vector<16xf32>
      %select_n3A_202 = arith.select %lt3A_199, %exp3A_186, %broadcast_in_dim3A_201 : vector<16xi1>, vector<16xf32>
      %swap3A_203 = arith.constant 32 : index
      %swap3A_204 = tpu.vector_load %arg12[%swap3A_203] {strides = array<i32>} : memref<128xf32, #tpu.memory_space<vmem>>, vector<16xf32>,
      tpu.vector_store %arg12[%swap3A_203], %select_n3A_202 {strides = array<i32>} : memref<128xf32, #tpu.memory_space<vmem>>, vector<16xf32>,
      %get3A_205 = arith.constant 0 : i32
      %get3A_206 = arith.index_cast %get3A_205 : i32 to index
      %get3A_207 = arith.constant 48 : index
      %get3A_208 = tpu.vector_load %arg10[%get3A_206, %get3A_207] {strides = array<i32>} : memref<1x128xi32, #tpu.memory_space<vmem>>, vector<16xi32>,
      %get3A_209 = arith.constant 0 : i32
      %get3A_210 = arith.index_cast %get3A_209 : i32 to index
      %get3A_211 = arith.constant 48 : index
      %get3A_212 = tpu.vector_load %arg11[%get3A_210, %get3A_211] {strides = array<i32>} : memref<1x128xi32, #tpu.memory_space<vmem>>, vector<16xi32>,
      %mul3A_213 = arith.constant 2 : i32
      %mul3A_214 = vector.broadcast %mul3A_213 : i32 to vector<16xi32>
      %mul3A_215 = arith.muli %get3A_208, %mul3A_214 : vector<16xi32>
      %gather3A_216 = tpu.vector_load_idx %arg9[%mul3A_215] : memref<20480xf32, #tpu.memory_space<vmem>>[vector<16xi32>], vector<16xf32>,
      %mul3A_217 = arith.constant 2 : i32
      %mul3A_218 = vector.broadcast %mul3A_217 : i32 to vector<16xi32>
      %mul3A_219 = arith.muli %get3A_212, %mul3A_218 : vector<16xi32>
      %add3A_220 = arith.constant 1 : i32
      %add3A_221 = vector.broadcast %add3A_220 : i32 to vector<16xi32>
      %add3A_222 = arith.addi %mul3A_219, %add3A_221 : vector<16xi32>
      %gather3A_223 = tpu.vector_load_idx %arg9[%add3A_222] : memref<20480xf32, #tpu.memory_space<vmem>>[vector<16xi32>], vector<16xf32>,
      %add3A_224 = arith.addf %gather3A_216, %gather3A_223 : vector<16xf32>
      %ge3A_225 = arith.constant 0.000000e+00 : f32
      %ge3A_226 = vector.broadcast %ge3A_225 : f32 to vector<16xf32>
      %ge3A_227 = arith.cmpf oge, %add3A_224, %ge3A_226 : vector<16xf32>
      %mul3A_228 = arith.constant 2.000000e-01 : f32
      %mul3A_229 = vector.broadcast %mul3A_228 : f32 to vector<16xf32>
      %mul3A_230 = arith.mulf %add3A_224, %mul3A_229 : vector<16xf32>
      %select_n3A_231 = arith.select %ge3A_227, %add3A_224, %mul3A_230 : vector<16xi1>, vector<16xf32>
      %exp3A_232 = math.exp %select_n3A_231 : vector<16xf32>
      %mul3A_233 = arith.constant 10112 : i32
      %mul3A_234 = arith.muli %add3A, %mul3A_233 : i32
      %mul3A_235 = arith.constant 128 : i32
      %mul3A_236 = arith.muli %scan3A_67, %mul3A_235 : i32
      %add3A_237 = arith.addi %mul3A_234, %mul3A_236 : i32
      %add3A_238 = arith.constant 48 : i32
      %add3A_239 = arith.addi %add3A_237, %add3A_238 : i32
      %iota3A_240 = tpu.iota {dimensions = array<i32: 0>} : vector<16xi32>
      %add3A_241 = vector.broadcast %add3A_239 : i32 to vector<16xi32>
      %add3A_242 = arith.addi %add3A_241, %iota3A_240 : vector<16xi32>
      %lt3A_243 = arith.constant 320000 : i32
      %lt3A_244 = vector.broadcast %lt3A_243 : i32 to vector<16xi32>
      %lt3A_245 = arith.cmpi slt, %add3A_242, %lt3A_244 : vector<16xi32>
      %jit3A_246 = arith.constant 0.000000e+00 : f32
      %broadcast_in_dim3A_247 = vector.broadcast %jit3A_246 : f32 to vector<16xf32>
      %select_n3A_248 = arith.select %lt3A_245, %exp3A_232, %broadcast_in_dim3A_247 : vector<16xi1>, vector<16xf32>
      %swap3A_249 = arith.constant 48 : index
      %swap3A_250 = tpu.vector_load %arg12[%swap3A_249] {strides = array<i32>} : memref<128xf32, #tpu.memory_space<vmem>>, vector<16xf32>,
      tpu.vector_store %arg12[%swap3A_249], %select_n3A_248 {strides = array<i32>} : memref<128xf32, #tpu.memory_space<vmem>>, vector<16xf32>,
      %get3A_251 = arith.constant 0 : i32
      %get3A_252 = arith.index_cast %get3A_251 : i32 to index
      %get3A_253 = arith.constant 64 : index
      %get3A_254 = tpu.vector_load %arg10[%get3A_252, %get3A_253] {strides = array<i32>} : memref<1x128xi32, #tpu.memory_space<vmem>>, vector<16xi32>,
      %get3A_255 = arith.constant 0 : i32
      %get3A_256 = arith.index_cast %get3A_255 : i32 to index
      %get3A_257 = arith.constant 64 : index
      %get3A_258 = tpu.vector_load %arg11[%get3A_256, %get3A_257] {strides = array<i32>} : memref<1x128xi32, #tpu.memory_space<vmem>>, vector<16xi32>,
      %mul3A_259 = arith.constant 2 : i32
      %mul3A_260 = vector.broadcast %mul3A_259 : i32 to vector<16xi32>
      %mul3A_261 = arith.muli %get3A_254, %mul3A_260 : vector<16xi32>
      %gather3A_262 = tpu.vector_load_idx %arg9[%mul3A_261] : memref<20480xf32, #tpu.memory_space<vmem>>[vector<16xi32>], vector<16xf32>,
      %mul3A_263 = arith.constant 2 : i32
      %mul3A_264 = vector.broadcast %mul3A_263 : i32 to vector<16xi32>
      %mul3A_265 = arith.muli %get3A_258, %mul3A_264 : vector<16xi32>
      %add3A_266 = arith.constant 1 : i32
      %add3A_267 = vector.broadcast %add3A_266 : i32 to vector<16xi32>
      %add3A_268 = arith.addi %mul3A_265, %add3A_267 : vector<16xi32>
      %gather3A_269 = tpu.vector_load_idx %arg9[%add3A_268] : memref<20480xf32, #tpu.memory_space<vmem>>[vector<16xi32>], vector<16xf32>,
      %add3A_270 = arith.addf %gather3A_262, %gather3A_269 : vector<16xf32>
      %ge3A_271 = arith.constant 0.000000e+00 : f32
      %ge3A_272 = vector.broadcast %ge3A_271 : f32 to vector<16xf32>
      %ge3A_273 = arith.cmpf oge, %add3A_270, %ge3A_272 : vector<16xf32>
      %mul3A_274 = arith.constant 2.000000e-01 : f32
      %mul3A_275 = vector.broadcast %mul3A_274 : f32 to vector<16xf32>
      %mul3A_276 = arith.mulf %add3A_270, %mul3A_275 : vector<16xf32>
      %select_n3A_277 = arith.select %ge3A_273, %add3A_270, %mul3A_276 : vector<16xi1>, vector<16xf32>
      %exp3A_278 = math.exp %select_n3A_277 : vector<16xf32>
      %mul3A_279 = arith.constant 10112 : i32
      %mul3A_280 = arith.muli %add3A, %mul3A_279 : i32
      %mul3A_281 = arith.constant 128 : i32
      %mul3A_282 = arith.muli %scan3A_67, %mul3A_281 : i32
      %add3A_283 = arith.addi %mul3A_280, %mul3A_282 : i32
      %add3A_284 = arith.constant 64 : i32
      %add3A_285 = arith.addi %add3A_283, %add3A_284 : i32
      %iota3A_286 = tpu.iota {dimensions = array<i32: 0>} : vector<16xi32>
      %add3A_287 = vector.broadcast %add3A_285 : i32 to vector<16xi32>
      %add3A_288 = arith.addi %add3A_287, %iota3A_286 : vector<16xi32>
      %lt3A_289 = arith.constant 320000 : i32
      %lt3A_290 = vector.broadcast %lt3A_289 : i32 to vector<16xi32>
      %lt3A_291 = arith.cmpi slt, %add3A_288, %lt3A_290 : vector<16xi32>
      %jit3A_292 = arith.constant 0.000000e+00 : f32
      %broadcast_in_dim3A_293 = vector.broadcast %jit3A_292 : f32 to vector<16xf32>
      %select_n3A_294 = arith.select %lt3A_291, %exp3A_278, %broadcast_in_dim3A_293 : vector<16xi1>, vector<16xf32>
      %swap3A_295 = arith.constant 64 : index
      %swap3A_296 = tpu.vector_load %arg12[%swap3A_295] {strides = array<i32>} : memref<128xf32, #tpu.memory_space<vmem>>, vector<16xf32>,
      tpu.vector_store %arg12[%swap3A_295], %select_n3A_294 {strides = array<i32>} : memref<128xf32, #tpu.memory_space<vmem>>, vector<16xf32>,
      %get3A_297 = arith.constant 0 : i32
      %get3A_298 = arith.index_cast %get3A_297 : i32 to index
      %get3A_299 = arith.constant 80 : index
      %get3A_300 = tpu.vector_load %arg10[%get3A_298, %get3A_299] {strides = array<i32>} : memref<1x128xi32, #tpu.memory_space<vmem>>, vector<16xi32>,
      %get3A_301 = arith.constant 0 : i32
      %get3A_302 = arith.index_cast %get3A_301 : i32 to index
      %get3A_303 = arith.constant 80 : index
      %get3A_304 = tpu.vector_load %arg11[%get3A_302, %get3A_303] {strides = array<i32>} : memref<1x128xi32, #tpu.memory_space<vmem>>, vector<16xi32>,
      %mul3A_305 = arith.constant 2 : i32
      %mul3A_306 = vector.broadcast %mul3A_305 : i32 to vector<16xi32>
      %mul3A_307 = arith.muli %get3A_300, %mul3A_306 : vector<16xi32>
      %gather3A_308 = tpu.vector_load_idx %arg9[%mul3A_307] : memref<20480xf32, #tpu.memory_space<vmem>>[vector<16xi32>], vector<16xf32>,
      %mul3A_309 = arith.constant 2 : i32
      %mul3A_310 = vector.broadcast %mul3A_309 : i32 to vector<16xi32>
      %mul3A_311 = arith.muli %get3A_304, %mul3A_310 : vector<16xi32>
      %add3A_312 = arith.constant 1 : i32
      %add3A_313 = vector.broadcast %add3A_312 : i32 to vector<16xi32>
      %add3A_314 = arith.addi %mul3A_311, %add3A_313 : vector<16xi32>
      %gather3A_315 = tpu.vector_load_idx %arg9[%add3A_314] : memref<20480xf32, #tpu.memory_space<vmem>>[vector<16xi32>], vector<16xf32>,
      %add3A_316 = arith.addf %gather3A_308, %gather3A_315 : vector<16xf32>
      %ge3A_317 = arith.constant 0.000000e+00 : f32
      %ge3A_318 = vector.broadcast %ge3A_317 : f32 to vector<16xf32>
      %ge3A_319 = arith.cmpf oge, %add3A_316, %ge3A_318 : vector<16xf32>
      %mul3A_320 = arith.constant 2.000000e-01 : f32
      %mul3A_321 = vector.broadcast %mul3A_320 : f32 to vector<16xf32>
      %mul3A_322 = arith.mulf %add3A_316, %mul3A_321 : vector<16xf32>
      %select_n3A_323 = arith.select %ge3A_319, %add3A_316, %mul3A_322 : vector<16xi1>, vector<16xf32>
      %exp3A_324 = math.exp %select_n3A_323 : vector<16xf32>
      %mul3A_325 = arith.constant 10112 : i32
      %mul3A_326 = arith.muli %add3A, %mul3A_325 : i32
      %mul3A_327 = arith.constant 128 : i32
      %mul3A_328 = arith.muli %scan3A_67, %mul3A_327 : i32
      %add3A_329 = arith.addi %mul3A_326, %mul3A_328 : i32
      %add3A_330 = arith.constant 80 : i32
      %add3A_331 = arith.addi %add3A_329, %add3A_330 : i32
      %iota3A_332 = tpu.iota {dimensions = array<i32: 0>} : vector<16xi32>
      %add3A_333 = vector.broadcast %add3A_331 : i32 to vector<16xi32>
      %add3A_334 = arith.addi %add3A_333, %iota3A_332 : vector<16xi32>
      %lt3A_335 = arith.constant 320000 : i32
      %lt3A_336 = vector.broadcast %lt3A_335 : i32 to vector<16xi32>
      %lt3A_337 = arith.cmpi slt, %add3A_334, %lt3A_336 : vector<16xi32>
      %jit3A_338 = arith.constant 0.000000e+00 : f32
      %broadcast_in_dim3A_339 = vector.broadcast %jit3A_338 : f32 to vector<16xf32>
      %select_n3A_340 = arith.select %lt3A_337, %exp3A_324, %broadcast_in_dim3A_339 : vector<16xi1>, vector<16xf32>
      %swap3A_341 = arith.constant 80 : index
      %swap3A_342 = tpu.vector_load %arg12[%swap3A_341] {strides = array<i32>} : memref<128xf32, #tpu.memory_space<vmem>>, vector<16xf32>,
      tpu.vector_store %arg12[%swap3A_341], %select_n3A_340 {strides = array<i32>} : memref<128xf32, #tpu.memory_space<vmem>>, vector<16xf32>,
      %get3A_343 = arith.constant 0 : i32
      %get3A_344 = arith.index_cast %get3A_343 : i32 to index
      %get3A_345 = arith.constant 96 : index
      %get3A_346 = tpu.vector_load %arg10[%get3A_344, %get3A_345] {strides = array<i32>} : memref<1x128xi32, #tpu.memory_space<vmem>>, vector<16xi32>,
      %get3A_347 = arith.constant 0 : i32
      %get3A_348 = arith.index_cast %get3A_347 : i32 to index
      %get3A_349 = arith.constant 96 : index
      %get3A_350 = tpu.vector_load %arg11[%get3A_348, %get3A_349] {strides = array<i32>} : memref<1x128xi32, #tpu.memory_space<vmem>>, vector<16xi32>,
      %mul3A_351 = arith.constant 2 : i32
      %mul3A_352 = vector.broadcast %mul3A_351 : i32 to vector<16xi32>
      %mul3A_353 = arith.muli %get3A_346, %mul3A_352 : vector<16xi32>
      %gather3A_354 = tpu.vector_load_idx %arg9[%mul3A_353] : memref<20480xf32, #tpu.memory_space<vmem>>[vector<16xi32>], vector<16xf32>,
      %mul3A_355 = arith.constant 2 : i32
      %mul3A_356 = vector.broadcast %mul3A_355 : i32 to vector<16xi32>
      %mul3A_357 = arith.muli %get3A_350, %mul3A_356 : vector<16xi32>
      %add3A_358 = arith.constant 1 : i32
      %add3A_359 = vector.broadcast %add3A_358 : i32 to vector<16xi32>
      %add3A_360 = arith.addi %mul3A_357, %add3A_359 : vector<16xi32>
      %gather3A_361 = tpu.vector_load_idx %arg9[%add3A_360] : memref<20480xf32, #tpu.memory_space<vmem>>[vector<16xi32>], vector<16xf32>,
      %add3A_362 = arith.addf %gather3A_354, %gather3A_361 : vector<16xf32>
      %ge3A_363 = arith.constant 0.000000e+00 : f32
      %ge3A_364 = vector.broadcast %ge3A_363 : f32 to vector<16xf32>
      %ge3A_365 = arith.cmpf oge, %add3A_362, %ge3A_364 : vector<16xf32>
      %mul3A_366 = arith.constant 2.000000e-01 : f32
      %mul3A_367 = vector.broadcast %mul3A_366 : f32 to vector<16xf32>
      %mul3A_368 = arith.mulf %add3A_362, %mul3A_367 : vector<16xf32>
      %select_n3A_369 = arith.select %ge3A_365, %add3A_362, %mul3A_368 : vector<16xi1>, vector<16xf32>
      %exp3A_370 = math.exp %select_n3A_369 : vector<16xf32>
      %mul3A_371 = arith.constant 10112 : i32
      %mul3A_372 = arith.muli %add3A, %mul3A_371 : i32
      %mul3A_373 = arith.constant 128 : i32
      %mul3A_374 = arith.muli %scan3A_67, %mul3A_373 : i32
      %add3A_375 = arith.addi %mul3A_372, %mul3A_374 : i32
      %add3A_376 = arith.constant 96 : i32
      %add3A_377 = arith.addi %add3A_375, %add3A_376 : i32
      %iota3A_378 = tpu.iota {dimensions = array<i32: 0>} : vector<16xi32>
      %add3A_379 = vector.broadcast %add3A_377 : i32 to vector<16xi32>
      %add3A_380 = arith.addi %add3A_379, %iota3A_378 : vector<16xi32>
      %lt3A_381 = arith.constant 320000 : i32
      %lt3A_382 = vector.broadcast %lt3A_381 : i32 to vector<16xi32>
      %lt3A_383 = arith.cmpi slt, %add3A_380, %lt3A_382 : vector<16xi32>
      %jit3A_384 = arith.constant 0.000000e+00 : f32
      %broadcast_in_dim3A_385 = vector.broadcast %jit3A_384 : f32 to vector<16xf32>
      %select_n3A_386 = arith.select %lt3A_383, %exp3A_370, %broadcast_in_dim3A_385 : vector<16xi1>, vector<16xf32>
      %swap3A_387 = arith.constant 96 : index
      %swap3A_388 = tpu.vector_load %arg12[%swap3A_387] {strides = array<i32>} : memref<128xf32, #tpu.memory_space<vmem>>, vector<16xf32>,
      tpu.vector_store %arg12[%swap3A_387], %select_n3A_386 {strides = array<i32>} : memref<128xf32, #tpu.memory_space<vmem>>, vector<16xf32>,
      %get3A_389 = arith.constant 0 : i32
      %get3A_390 = arith.index_cast %get3A_389 : i32 to index
      %get3A_391 = arith.constant 112 : index
      %get3A_392 = tpu.vector_load %arg10[%get3A_390, %get3A_391] {strides = array<i32>} : memref<1x128xi32, #tpu.memory_space<vmem>>, vector<16xi32>,
      %get3A_393 = arith.constant 0 : i32
      %get3A_394 = arith.index_cast %get3A_393 : i32 to index
      %get3A_395 = arith.constant 112 : index
      %get3A_396 = tpu.vector_load %arg11[%get3A_394, %get3A_395] {strides = array<i32>} : memref<1x128xi32, #tpu.memory_space<vmem>>, vector<16xi32>,
      %mul3A_397 = arith.constant 2 : i32
      %mul3A_398 = vector.broadcast %mul3A_397 : i32 to vector<16xi32>
      %mul3A_399 = arith.muli %get3A_392, %mul3A_398 : vector<16xi32>
      %gather3A_400 = tpu.vector_load_idx %arg9[%mul3A_399] : memref<20480xf32, #tpu.memory_space<vmem>>[vector<16xi32>], vector<16xf32>,
      %mul3A_401 = arith.constant 2 : i32
      %mul3A_402 = vector.broadcast %mul3A_401 : i32 to vector<16xi32>
      %mul3A_403 = arith.muli %get3A_396, %mul3A_402 : vector<16xi32>
      %add3A_404 = arith.constant 1 : i32
      %add3A_405 = vector.broadcast %add3A_404 : i32 to vector<16xi32>
      %add3A_406 = arith.addi %mul3A_403, %add3A_405 : vector<16xi32>
      %gather3A_407 = tpu.vector_load_idx %arg9[%add3A_406] : memref<20480xf32, #tpu.memory_space<vmem>>[vector<16xi32>], vector<16xf32>,
      %add3A_408 = arith.addf %gather3A_400, %gather3A_407 : vector<16xf32>
      %ge3A_409 = arith.constant 0.000000e+00 : f32
      %ge3A_410 = vector.broadcast %ge3A_409 : f32 to vector<16xf32>
      %ge3A_411 = arith.cmpf oge, %add3A_408, %ge3A_410 : vector<16xf32>
      %mul3A_412 = arith.constant 2.000000e-01 : f32
      %mul3A_413 = vector.broadcast %mul3A_412 : f32 to vector<16xf32>
      %mul3A_414 = arith.mulf %add3A_408, %mul3A_413 : vector<16xf32>
      %select_n3A_415 = arith.select %ge3A_411, %add3A_408, %mul3A_414 : vector<16xi1>, vector<16xf32>
      %exp3A_416 = math.exp %select_n3A_415 : vector<16xf32>
      %mul3A_417 = arith.constant 10112 : i32
      %mul3A_418 = arith.muli %add3A, %mul3A_417 : i32
      %mul3A_419 = arith.constant 128 : i32
      %mul3A_420 = arith.muli %scan3A_67, %mul3A_419 : i32
      %add3A_421 = arith.addi %mul3A_418, %mul3A_420 : i32
      %add3A_422 = arith.constant 112 : i32
      %add3A_423 = arith.addi %add3A_421, %add3A_422 : i32
      %iota3A_424 = tpu.iota {dimensions = array<i32: 0>} : vector<16xi32>
      %add3A_425 = vector.broadcast %add3A_423 : i32 to vector<16xi32>
      %add3A_426 = arith.addi %add3A_425, %iota3A_424 : vector<16xi32>
      %lt3A_427 = arith.constant 320000 : i32
      %lt3A_428 = vector.broadcast %lt3A_427 : i32 to vector<16xi32>
      %lt3A_429 = arith.cmpi slt, %add3A_426, %lt3A_428 : vector<16xi32>
      %jit3A_430 = arith.constant 0.000000e+00 : f32
      %broadcast_in_dim3A_431 = vector.broadcast %jit3A_430 : f32 to vector<16xf32>
      %select_n3A_432 = arith.select %lt3A_429, %exp3A_416, %broadcast_in_dim3A_431 : vector<16xi1>, vector<16xf32>
      %swap3A_433 = arith.constant 112 : index
      %swap3A_434 = tpu.vector_load %arg12[%swap3A_433] {strides = array<i32>} : memref<128xf32, #tpu.memory_space<vmem>>, vector<16xf32>,
      tpu.vector_store %arg12[%swap3A_433], %select_n3A_432 {strides = array<i32>} : memref<128xf32, #tpu.memory_space<vmem>>, vector<16xf32>,
      %run_scoped3A_435 = arith.constant 0 : i32
      "tpu.region"() ({
        %run_scoped3A_449 = tpu.sem_alloc : memref<!tpu.dma_semaphore, #tpu.memory_space<semaphore_mem>>
        %dma_start3A_450 = arith.constant 0 : i32
        %dma_start3A_451 = tpu.memref_slice %arg11[%run_scoped3A_435, %dma_start3A_450] : memref<1x128xi32, #tpu.memory_space<vmem>> -> memref<1x128xi32, #tpu.memory_space<vmem>>
        %dma_start3A_452 = tpu.memref_squeeze %dma_start3A_451 : memref<1x128xi32, #tpu.memory_space<vmem>> -> memref<128xi32, #tpu.memory_space<vmem>>
        %dma_start3A_453 = arith.constant 0 : i32
        %dma_start3A_454 = tpu.memref_slice %arg15[%dma_start3A_453] : memref<10240xf32, #tpu.memory_space<vmem_shared>> -> memref<10240xf32, #tpu.memory_space<vmem_shared>>
        tpu.enqueue_indirect_dma source(%arg12 : memref<128xf32, #tpu.memory_space<vmem>>) target(%dma_start3A_454 : memref<10240xf32, #tpu.memory_space<vmem_shared>>) offsets(%dma_start3A_452 : memref<128xi32, #tpu.memory_space<vmem>>) semaphore(%run_scoped3A_449 : memref<!tpu.dma_semaphore, #tpu.memory_space<semaphore_mem>>) {add = true}
        %dma_wait3A_455 = arith.constant 0 : i32
        %dma_wait3A_456 = tpu.memref_slice %arg11[%run_scoped3A_435, %dma_wait3A_455] : memref<1x128xi32, #tpu.memory_space<vmem>> -> memref<1x128xi32, #tpu.memory_space<vmem>>
        %dma_wait3A_457 = tpu.memref_squeeze %dma_wait3A_456 : memref<1x128xi32, #tpu.memory_space<vmem>> -> memref<128xi32, #tpu.memory_space<vmem>>
        %dma_wait3A_458 = arith.constant 0 : i32
        %dma_wait3A_459 = tpu.memref_slice %arg15[%dma_wait3A_458] : memref<10240xf32, #tpu.memory_space<vmem_shared>> -> memref<10240xf32, #tpu.memory_space<vmem_shared>>
        tpu.wait_indirect_dma semaphore(%run_scoped3A_449 : memref<!tpu.dma_semaphore, #tpu.memory_space<semaphore_mem>>) src(%arg12 : memref<128xf32, #tpu.memory_space<vmem>>) dst(%dma_wait3A_459 : memref<10240xf32, #tpu.memory_space<vmem_shared>>)
        tpu.yield
      }) : () -> ()
      %dma_wait3A = arith.constant 0 : i32
      %dma_wait3A_436 = arith.constant 0 : i32
      %dma_wait3A_437 = tpu.memref_slice %arg10[%dma_wait3A, %dma_wait3A_436] : memref<1x128xi32, #tpu.memory_space<vmem>> -> memref<1x128xi32, #tpu.memory_space<vmem>>
      %dma_wait3A_438 = tpu.memref_squeeze %dma_wait3A_437 : memref<1x128xi32, #tpu.memory_space<vmem>> -> memref<128xi32, #tpu.memory_space<vmem>>
      %dma_wait3A_439 = arith.constant 0 : i32
      %dma_wait3A_440 = arith.constant 0 : i32
      %dma_wait3A_441 = tpu.memref_slice %arg2[%dma_wait3A_439, %dma_wait3A_440] : memref<10240x128xf32, #tpu.memory_space<hbm>> -> memref<10240x128xf32, #tpu.memory_space<hbm>>
      tpu.wait_indirect_dma semaphore(%arg16 : memref<!tpu.dma_semaphore, #tpu.memory_space<semaphore_mem>>) src(%dma_wait3A_441 : memref<10240x128xf32, #tpu.memory_space<hbm>>) dst(%arg13 : memref<128x128xf32, #tpu.memory_space<vmem>>)
      %scan3A_442 = arith.constant 0 : i32
      %scan3A_443 = arith.constant 0 : i32
      %scan3A_444 = arith.constant 8 : i32
      %scan3A_445 = arith.addi %scan3A_443, %scan3A_444 : i32
      %scan3A_446 = arith.constant 1 : i32
      scf.for %scan3A_449 = %scan3A_443 to %scan3A_445 step %scan3A_446  : i32 {
        %mul3A_450 = arith.constant 16 : i32
        %mul3A_451 = arith.muli %scan3A_449, %mul3A_450 : i32
        %get3A_452 = arith.index_cast %mul3A_451 : i32 to index
        %get3A_453 = tpu.vector_load %arg12[%get3A_452] {strides = array<i32>} : memref<128xf32, #tpu.memory_space<vmem>>, vector<16xf32>,
        %broadcast_in_dim3A_454 = arith.constant 0 : i32
        %broadcast_in_dim3A_455 = vector.broadcast %broadcast_in_dim3A_454 : i32 to vector<16x1xi32>
        %gather3A_456 = vector.shape_cast %broadcast_in_dim3A_455 : vector<16x1xi32> to vector<16xi32>
        %gather3A_457 = tpu.dynamic_gather %get3A_453[%gather3A_456] in [0] : vector<16xf32>, vector<16xi32> -> vector<16xf32>
        %mul3A_458 = arith.constant 16 : i32
        %mul3A_459 = arith.muli %scan3A_449, %mul3A_458 : i32
        %add3A_460 = arith.constant 0 : i32
        %add3A_461 = arith.addi %mul3A_459, %add3A_460 : i32
        %get3A_462 = arith.index_cast %add3A_461 : i32 to index
        %get3A_463 = arith.constant 0 : index
        %get3A_464 = tpu.vector_load %arg13[%get3A_462, %get3A_463] {strides = array<i32>} : memref<128x128xf32, #tpu.memory_space<vmem>>, vector<16xf32>,
        %mul3A_465 = arith.mulf %get3A_464, %gather3A_457 : vector<16xf32>
        %swap3A_466 = arith.index_cast %add3A_461 : i32 to index
        %swap3A_467 = arith.constant 0 : index
        %swap3A_468 = tpu.vector_load %arg13[%swap3A_466, %swap3A_467] {strides = array<i32>} : memref<128x128xf32, #tpu.memory_space<vmem>>, vector<16xf32>,
        tpu.vector_store %arg13[%swap3A_466, %swap3A_467], %mul3A_465 {strides = array<i32>} : memref<128x128xf32, #tpu.memory_space<vmem>>, vector<16xf32>,
        %get3A_469 = arith.index_cast %add3A_461 : i32 to index
        %get3A_470 = arith.constant 16 : index
        %get3A_471 = tpu.vector_load %arg13[%get3A_469, %get3A_470] {strides = array<i32>} : memref<128x128xf32, #tpu.memory_space<vmem>>, vector<16xf32>,
        %mul3A_472 = arith.mulf %get3A_471, %gather3A_457 : vector<16xf32>
        %swap3A_473 = arith.index_cast %add3A_461 : i32 to index
        %swap3A_474 = arith.constant 16 : index
        %swap3A_475 = tpu.vector_load %arg13[%swap3A_473, %swap3A_474] {strides = array<i32>} : memref<128x128xf32, #tpu.memory_space<vmem>>, vector<16xf32>,
        tpu.vector_store %arg13[%swap3A_473, %swap3A_474], %mul3A_472 {strides = array<i32>} : memref<128x128xf32, #tpu.memory_space<vmem>>, vector<16xf32>,
        %get3A_476 = arith.index_cast %add3A_461 : i32 to index
        %get3A_477 = arith.constant 32 : index
        %get3A_478 = tpu.vector_load %arg13[%get3A_476, %get3A_477] {strides = array<i32>} : memref<128x128xf32, #tpu.memory_space<vmem>>, vector<16xf32>,
        %mul3A_479 = arith.mulf %get3A_478, %gather3A_457 : vector<16xf32>
        %swap3A_480 = arith.index_cast %add3A_461 : i32 to index
        %swap3A_481 = arith.constant 32 : index
        %swap3A_482 = tpu.vector_load %arg13[%swap3A_480, %swap3A_481] {strides = array<i32>} : memref<128x128xf32, #tpu.memory_space<vmem>>, vector<16xf32>,
        tpu.vector_store %arg13[%swap3A_480, %swap3A_481], %mul3A_479 {strides = array<i32>} : memref<128x128xf32, #tpu.memory_space<vmem>>, vector<16xf32>,
        %get3A_483 = arith.index_cast %add3A_461 : i32 to index
        %get3A_484 = arith.constant 48 : index
        %get3A_485 = tpu.vector_load %arg13[%get3A_483, %get3A_484] {strides = array<i32>} : memref<128x128xf32, #tpu.memory_space<vmem>>, vector<16xf32>,
        %mul3A_486 = arith.mulf %get3A_485, %gather3A_457 : vector<16xf32>
        %swap3A_487 = arith.index_cast %add3A_461 : i32 to index
        %swap3A_488 = arith.constant 48 : index
        %swap3A_489 = tpu.vector_load %arg13[%swap3A_487, %swap3A_488] {strides = array<i32>} : memref<128x128xf32, #tpu.memory_space<vmem>>, vector<16xf32>,
        tpu.vector_store %arg13[%swap3A_487, %swap3A_488], %mul3A_486 {strides = array<i32>} : memref<128x128xf32, #tpu.memory_space<vmem>>, vector<16xf32>,
        %get3A_490 = arith.index_cast %add3A_461 : i32 to index
        %get3A_491 = arith.constant 64 : index
        %get3A_492 = tpu.vector_load %arg13[%get3A_490, %get3A_491] {strides = array<i32>} : memref<128x128xf32, #tpu.memory_space<vmem>>, vector<16xf32>,
        %mul3A_493 = arith.mulf %get3A_492, %gather3A_457 : vector<16xf32>
        %swap3A_494 = arith.index_cast %add3A_461 : i32 to index
        %swap3A_495 = arith.constant 64 : index
        %swap3A_496 = tpu.vector_load %arg13[%swap3A_494, %swap3A_495] {strides = array<i32>} : memref<128x128xf32, #tpu.memory_space<vmem>>, vector<16xf32>,
        tpu.vector_store %arg13[%swap3A_494, %swap3A_495], %mul3A_493 {strides = array<i32>} : memref<128x128xf32, #tpu.memory_space<vmem>>, vector<16xf32>,
        %get3A_497 = arith.index_cast %add3A_461 : i32 to index
        %get3A_498 = arith.constant 80 : index
        %get3A_499 = tpu.vector_load %arg13[%get3A_497, %get3A_498] {strides = array<i32>} : memref<128x128xf32, #tpu.memory_space<vmem>>, vector<16xf32>,
        %mul3A_500 = arith.mulf %get3A_499, %gather3A_457 : vector<16xf32>
        %swap3A_501 = arith.index_cast %add3A_461 : i32 to index
        %swap3A_502 = arith.constant 80 : index
        %swap3A_503 = tpu.vector_load %arg13[%swap3A_501, %swap3A_502] {strides = array<i32>} : memref<128x128xf32, #tpu.memory_space<vmem>>, vector<16xf32>,
        tpu.vector_store %arg13[%swap3A_501, %swap3A_502], %mul3A_500 {strides = array<i32>} : memref<128x128xf32, #tpu.memory_space<vmem>>, vector<16xf32>,
        %get3A_504 = arith.index_cast %add3A_461 : i32 to index
        %get3A_505 = arith.constant 96 : index
        %get3A_506 = tpu.vector_load %arg13[%get3A_504, %get3A_505] {strides = array<i32>} : memref<128x128xf32, #tpu.memory_space<vmem>>, vector<16xf32>,
        %mul3A_507 = arith.mulf %get3A_506, %gather3A_457 : vector<16xf32>
        %swap3A_508 = arith.index_cast %add3A_461 : i32 to index
        %swap3A_509 = arith.constant 96 : index
        %swap3A_510 = tpu.vector_load %arg13[%swap3A_508, %swap3A_509] {strides = array<i32>} : memref<128x128xf32, #tpu.memory_space<vmem>>, vector<16xf32>,
        tpu.vector_store %arg13[%swap3A_508, %swap3A_509], %mul3A_507 {strides = array<i32>} : memref<128x128xf32, #tpu.memory_space<vmem>>, vector<16xf32>,
        %get3A_511 = arith.index_cast %add3A_461 : i32 to index
        %get3A_512 = arith.constant 112 : index
        %get3A_513 = tpu.vector_load %arg13[%get3A_511, %get3A_512] {strides = array<i32>} : memref<128x128xf32, #tpu.memory_space<vmem>>, vector<16xf32>,
        %mul3A_514 = arith.mulf %get3A_513, %gather3A_457 : vector<16xf32>
        %swap3A_515 = arith.index_cast %add3A_461 : i32 to index
        %swap3A_516 = arith.constant 112 : index
        %swap3A_517 = tpu.vector_load %arg13[%swap3A_515, %swap3A_516] {strides = array<i32>} : memref<128x128xf32, #tpu.memory_space<vmem>>, vector<16xf32>,
        tpu.vector_store %arg13[%swap3A_515, %swap3A_516], %mul3A_514 {strides = array<i32>} : memref<128x128xf32, #tpu.memory_space<vmem>>, vector<16xf32>,
        %broadcast_in_dim3A_518 = arith.constant 1 : i32
        %broadcast_in_dim3A_519 = vector.broadcast %broadcast_in_dim3A_518 : i32 to vector<16x1xi32>
        %gather3A_520 = vector.shape_cast %broadcast_in_dim3A_519 : vector<16x1xi32> to vector<16xi32>
        %gather3A_521 = tpu.dynamic_gather %get3A_453[%gather3A_520] in [0] : vector<16xf32>, vector<16xi32> -> vector<16xf32>
        %mul3A_522 = arith.constant 16 : i32
        %mul3A_523 = arith.muli %scan3A_449, %mul3A_522 : i32
        %add3A_524 = arith.constant 1 : i32
        %add3A_525 = arith.addi %mul3A_523, %add3A_524 : i32
        %get3A_526 = arith.index_cast %add3A_525 : i32 to index
        %get3A_527 = arith.constant 0 : index
        %get3A_528 = tpu.vector_load %arg13[%get3A_526, %get3A_527] {strides = array<i32>} : memref<128x128xf32, #tpu.memory_space<vmem>>, vector<16xf32>,
        %mul3A_529 = arith.mulf %get3A_528, %gather3A_521 : vector<16xf32>
        %swap3A_530 = arith.index_cast %add3A_525 : i32 to index
        %swap3A_531 = arith.constant 0 : index
        %swap3A_532 = tpu.vector_load %arg13[%swap3A_530, %swap3A_531] {strides = array<i32>} : memref<128x128xf32, #tpu.memory_space<vmem>>, vector<16xf32>,
        tpu.vector_store %arg13[%swap3A_530, %swap3A_531], %mul3A_529 {strides = array<i32>} : memref<128x128xf32, #tpu.memory_space<vmem>>, vector<16xf32>,
        %get3A_533 = arith.index_cast %add3A_525 : i32 to index
        %get3A_534 = arith.constant 16 : index
        %get3A_535 = tpu.vector_load %arg13[%get3A_533, %get3A_534] {strides = array<i32>} : memref<128x128xf32, #tpu.memory_space<vmem>>, vector<16xf32>,
        %mul3A_536 = arith.mulf %get3A_535, %gather3A_521 : vector<16xf32>
        %swap3A_537 = arith.index_cast %add3A_525 : i32 to index
        %swap3A_538 = arith.constant 16 : index
        %swap3A_539 = tpu.vector_load %arg13[%swap3A_537, %swap3A_538] {strides = array<i32>} : memref<128x128xf32, #tpu.memory_space<vmem>>, vector<16xf32>,
        tpu.vector_store %arg13[%swap3A_537, %swap3A_538], %mul3A_536 {strides = array<i32>} : memref<128x128xf32, #tpu.memory_space<vmem>>, vector<16xf32>,
        %get3A_540 = arith.index_cast %add3A_525 : i32 to index
        %get3A_541 = arith.constant 32 : index
        %get3A_542 = tpu.vector_load %arg13[%get3A_540, %get3A_541] {strides = array<i32>} : memref<128x128xf32, #tpu.memory_space<vmem>>, vector<16xf32>,
        %mul3A_543 = arith.mulf %get3A_542, %gather3A_521 : vector<16xf32>
        %swap3A_544 = arith.index_cast %add3A_525 : i32 to index
        %swap3A_545 = arith.constant 32 : index
        %swap3A_546 = tpu.vector_load %arg13[%swap3A_544, %swap3A_545] {strides = array<i32>} : memref<128x128xf32, #tpu.memory_space<vmem>>, vector<16xf32>,
        tpu.vector_store %arg13[%swap3A_544, %swap3A_545], %mul3A_543 {strides = array<i32>} : memref<128x128xf32, #tpu.memory_space<vmem>>, vector<16xf32>,
        %get3A_547 = arith.index_cast %add3A_525 : i32 to index
        %get3A_548 = arith.constant 48 : index
        %get3A_549 = tpu.vector_load %arg13[%get3A_547, %get3A_548] {strides = array<i32>} : memref<128x128xf32, #tpu.memory_space<vmem>>, vector<16xf32>,
        %mul3A_550 = arith.mulf %get3A_549, %gather3A_521 : vector<16xf32>
        %swap3A_551 = arith.index_cast %add3A_525 : i32 to index
        %swap3A_552 = arith.constant 48 : index
        %swap3A_553 = tpu.vector_load %arg13[%swap3A_551, %swap3A_552] {strides = array<i32>} : memref<128x128xf32, #tpu.memory_space<vmem>>, vector<16xf32>,
        tpu.vector_store %arg13[%swap3A_551, %swap3A_552], %mul3A_550 {strides = array<i32>} : memref<128x128xf32, #tpu.memory_space<vmem>>, vector<16xf32>,
        %get3A_554 = arith.index_cast %add3A_525 : i32 to index
        %get3A_555 = arith.constant 64 : index
        %get3A_556 = tpu.vector_load %arg13[%get3A_554, %get3A_555] {strides = array<i32>} : memref<128x128xf32, #tpu.memory_space<vmem>>, vector<16xf32>,
        %mul3A_557 = arith.mulf %get3A_556, %gather3A_521 : vector<16xf32>
        %swap3A_558 = arith.index_cast %add3A_525 : i32 to index
        %swap3A_559 = arith.constant 64 : index
        %swap3A_560 = tpu.vector_load %arg13[%swap3A_558, %swap3A_559] {strides = array<i32>} : memref<128x128xf32, #tpu.memory_space<vmem>>, vector<16xf32>,
        tpu.vector_store %arg13[%swap3A_558, %swap3A_559], %mul3A_557 {strides = array<i32>} : memref<128x128xf32, #tpu.memory_space<vmem>>, vector<16xf32>,
        %get3A_561 = arith.index_cast %add3A_525 : i32 to index
        %get3A_562 = arith.constant 80 : index
        %get3A_563 = tpu.vector_load %arg13[%get3A_561, %get3A_562] {strides = array<i32>} : memref<128x128xf32, #tpu.memory_space<vmem>>, vector<16xf32>,
        %mul3A_564 = arith.mulf %get3A_563, %gather3A_521 : vector<16xf32>
        %swap3A_565 = arith.index_cast %add3A_525 : i32 to index
        %swap3A_566 = arith.constant 80 : index
        %swap3A_567 = tpu.vector_load %arg13[%swap3A_565, %swap3A_566] {strides = array<i32>} : memref<128x128xf32, #tpu.memory_space<vmem>>, vector<16xf32>,
        tpu.vector_store %arg13[%swap3A_565, %swap3A_566], %mul3A_564 {strides = array<i32>} : memref<128x128xf32, #tpu.memory_space<vmem>>, vector<16xf32>,
        %get3A_568 = arith.index_cast %add3A_525 : i32 to index
        %get3A_569 = arith.constant 96 : index
        %get3A_570 = tpu.vector_load %arg13[%get3A_568, %get3A_569] {strides = array<i32>} : memref<128x128xf32, #tpu.memory_space<vmem>>, vector<16xf32>,
        %mul3A_571 = arith.mulf %get3A_570, %gather3A_521 : vector<16xf32>
        %swap3A_572 = arith.index_cast %add3A_525 : i32 to index
        %swap3A_573 = arith.constant 96 : index
        %swap3A_574 = tpu.vector_load %arg13[%swap3A_572, %swap3A_573] {strides = array<i32>} : memref<128x128xf32, #tpu.memory_space<vmem>>, vector<16xf32>,
        tpu.vector_store %arg13[%swap3A_572, %swap3A_573], %mul3A_571 {strides = array<i32>} : memref<128x128xf32, #tpu.memory_space<vmem>>, vector<16xf32>,
        %get3A_575 = arith.index_cast %add3A_525 : i32 to index
        %get3A_576 = arith.constant 112 : index
        %get3A_577 = tpu.vector_load %arg13[%get3A_575, %get3A_576] {strides = array<i32>} : memref<128x128xf32, #tpu.memory_space<vmem>>, vector<16xf32>,
        %mul3A_578 = arith.mulf %get3A_577, %gather3A_521 : vector<16xf32>
        %swap3A_579 = arith.index_cast %add3A_525 : i32 to index
        %swap3A_580 = arith.constant 112 : index
        %swap3A_581 = tpu.vector_load %arg13[%swap3A_579, %swap3A_580] {strides = array<i32>} : memref<128x128xf32, #tpu.memory_space<vmem>>, vector<16xf32>,
        tpu.vector_store %arg13[%swap3A_579, %swap3A_580], %mul3A_578 {strides = array<i32>} : memref<128x128xf32, #tpu.memory_space<vmem>>, vector<16xf32>,
        %broadcast_in_dim3A_582 = arith.constant 2 : i32
        %broadcast_in_dim3A_583 = vector.broadcast %broadcast_in_dim3A_582 : i32 to vector<16x1xi32>
        %gather3A_584 = vector.shape_cast %broadcast_in_dim3A_583 : vector<16x1xi32> to vector<16xi32>
        %gather3A_585 = tpu.dynamic_gather %get3A_453[%gather3A_584] in [0] : vector<16xf32>, vector<16xi32> -> vector<16xf32>
        %mul3A_586 = arith.constant 16 : i32
        %mul3A_587 = arith.muli %scan3A_449, %mul3A_586 : i32
        %add3A_588 = arith.constant 2 : i32
        %add3A_589 = arith.addi %mul3A_587, %add3A_588 : i32
        %get3A_590 = arith.index_cast %add3A_589 : i32 to index
        %get3A_591 = arith.constant 0 : index
        %get3A_592 = tpu.vector_load %arg13[%get3A_590, %get3A_591] {strides = array<i32>} : memref<128x128xf32, #tpu.memory_space<vmem>>, vector<16xf32>,
        %mul3A_593 = arith.mulf %get3A_592, %gather3A_585 : vector<16xf32>
        %swap3A_594 = arith.index_cast %add3A_589 : i32 to index
        %swap3A_595 = arith.constant 0 : index
        %swap3A_596 = tpu.vector_load %arg13[%swap3A_594, %swap3A_595] {strides = array<i32>} : memref<128x128xf32, #tpu.memory_space<vmem>>, vector<16xf32>,
        tpu.vector_store %arg13[%swap3A_594, %swap3A_595], %mul3A_593 {strides = array<i32>} : memref<128x128xf32, #tpu.memory_space<vmem>>, vector<16xf32>,
        %get3A_597 = arith.index_cast %add3A_589 : i32 to index
        %get3A_598 = arith.constant 16 : index
        %get3A_599 = tpu.vector_load %arg13[%get3A_597, %get3A_598] {strides = array<i32>} : memref<128x128xf32, #tpu.memory_space<vmem>>, vector<16xf32>,
        %mul3A_600 = arith.mulf %get3A_599, %gather3A_585 : vector<16xf32>
        %swap3A_601 = arith.index_cast %add3A_589 : i32 to index
        %swap3A_602 = arith.constant 16 : index
        %swap3A_603 = tpu.vector_load %arg13[%swap3A_601, %swap3A_602] {strides = array<i32>} : memref<128x128xf32, #tpu.memory_space<vmem>>, vector<16xf32>,
        tpu.vector_store %arg13[%swap3A_601, %swap3A_602], %mul3A_600 {strides = array<i32>} : memref<128x128xf32, #tpu.memory_space<vmem>>, vector<16xf32>,
        %get3A_604 = arith.index_cast %add3A_589 : i32 to index
        %get3A_605 = arith.constant 32 : index
        %get3A_606 = tpu.vector_load %arg13[%get3A_604, %get3A_605] {strides = array<i32>} : memref<128x128xf32, #tpu.memory_space<vmem>>, vector<16xf32>,
        %mul3A_607 = arith.mulf %get3A_606, %gather3A_585 : vector<16xf32>
        %swap3A_608 = arith.index_cast %add3A_589 : i32 to index
        %swap3A_609 = arith.constant 32 : index
        %swap3A_610 = tpu.vector_load %arg13[%swap3A_608, %swap3A_609] {strides = array<i32>} : memref<128x128xf32, #tpu.memory_space<vmem>>, vector<16xf32>,
        tpu.vector_store %arg13[%swap3A_608, %swap3A_609], %mul3A_607 {strides = array<i32>} : memref<128x128xf32, #tpu.memory_space<vmem>>, vector<16xf32>,
        %get3A_611 = arith.index_cast %add3A_589 : i32 to index
        %get3A_612 = arith.constant 48 : index
        %get3A_613 = tpu.vector_load %arg13[%get3A_611, %get3A_612] {strides = array<i32>} : memref<128x128xf32, #tpu.memory_space<vmem>>, vector<16xf32>,
        %mul3A_614 = arith.mulf %get3A_613, %gather3A_585 : vector<16xf32>
        %swap3A_615 = arith.index_cast %add3A_589 : i32 to index
        %swap3A_616 = arith.constant 48 : index
        %swap3A_617 = tpu.vector_load %arg13[%swap3A_615, %swap3A_616] {strides = array<i32>} : memref<128x128xf32, #tpu.memory_space<vmem>>, vector<16xf32>,
        tpu.vector_store %arg13[%swap3A_615, %swap3A_616], %mul3A_614 {strides = array<i32>} : memref<128x128xf32, #tpu.memory_space<vmem>>, vector<16xf32>,
        %get3A_618 = arith.index_cast %add3A_589 : i32 to index
        %get3A_619 = arith.constant 64 : index
        %get3A_620 = tpu.vector_load %arg13[%get3A_618, %get3A_619] {strides = array<i32>} : memref<128x128xf32, #tpu.memory_space<vmem>>, vector<16xf32>,
        %mul3A_621 = arith.mulf %get3A_620, %gather3A_585 : vector<16xf32>
        %swap3A_622 = arith.index_cast %add3A_589 : i32 to index
        %swap3A_623 = arith.constant 64 : index
        %swap3A_624 = tpu.vector_load %arg13[%swap3A_622, %swap3A_623] {strides = array<i32>} : memref<128x128xf32, #tpu.memory_space<vmem>>, vector<16xf32>,
        tpu.vector_store %arg13[%swap3A_622, %swap3A_623], %mul3A_621 {strides = array<i32>} : memref<128x128xf32, #tpu.memory_space<vmem>>, vector<16xf32>,
        %get3A_625 = arith.index_cast %add3A_589 : i32 to index
        %get3A_626 = arith.constant 80 : index
        %get3A_627 = tpu.vector_load %arg13[%get3A_625, %get3A_626] {strides = array<i32>} : memref<128x128xf32, #tpu.memory_space<vmem>>, vector<16xf32>,
        %mul3A_628 = arith.mulf %get3A_627, %gather3A_585 : vector<16xf32>
        %swap3A_629 = arith.index_cast %add3A_589 : i32 to index
        %swap3A_630 = arith.constant 80 : index
        %swap3A_631 = tpu.vector_load %arg13[%swap3A_629, %swap3A_630] {strides = array<i32>} : memref<128x128xf32, #tpu.memory_space<vmem>>, vector<16xf32>,
        tpu.vector_store %arg13[%swap3A_629, %swap3A_630], %mul3A_628 {strides = array<i32>} : memref<128x128xf32, #tpu.memory_space<vmem>>, vector<16xf32>,
        %get3A_632 = arith.index_cast %add3A_589 : i32 to index
        %get3A_633 = arith.constant 96 : index
        %get3A_634 = tpu.vector_load %arg13[%get3A_632, %get3A_633] {strides = array<i32>} : memref<128x128xf32, #tpu.memory_space<vmem>>, vector<16xf32>,
        %mul3A_635 = arith.mulf %get3A_634, %gather3A_585 : vector<16xf32>
        %swap3A_636 = arith.index_cast %add3A_589 : i32 to index
        %swap3A_637 = arith.constant 96 : index
        %swap3A_638 = tpu.vector_load %arg13[%swap3A_636, %swap3A_637] {strides = array<i32>} : memref<128x128xf32, #tpu.memory_space<vmem>>, vector<16xf32>,
        tpu.vector_store %arg13[%swap3A_636, %swap3A_637], %mul3A_635 {strides = array<i32>} : memref<128x128xf32, #tpu.memory_space<vmem>>, vector<16xf32>,
        %get3A_639 = arith.index_cast %add3A_589 : i32 to index
        %get3A_640 = arith.constant 112 : index
        %get3A_641 = tpu.vector_load %arg13[%get3A_639, %get3A_640] {strides = array<i32>} : memref<128x128xf32, #tpu.memory_space<vmem>>, vector<16xf32>,
        %mul3A_642 = arith.mulf %get3A_641, %gather3A_585 : vector<16xf32>
        %swap3A_643 = arith.index_cast %add3A_589 : i32 to index
        %swap3A_644 = arith.constant 112 : index
        %swap3A_645 = tpu.vector_load %arg13[%swap3A_643, %swap3A_644] {strides = array<i32>} : memref<128x128xf32, #tpu.memory_space<vmem>>, vector<16xf32>,
        tpu.vector_store %arg13[%swap3A_643, %swap3A_644], %mul3A_642 {strides = array<i32>} : memref<128x128xf32, #tpu.memory_space<vmem>>, vector<16xf32>,
        %broadcast_in_dim3A_646 = arith.constant 3 : i32
        %broadcast_in_dim3A_647 = vector.broadcast %broadcast_in_dim3A_646 : i32 to vector<16x1xi32>
        %gather3A_648 = vector.shape_cast %broadcast_in_dim3A_647 : vector<16x1xi32> to vector<16xi32>
        %gather3A_649 = tpu.dynamic_gather %get3A_453[%gather3A_648] in [0] : vector<16xf32>, vector<16xi32> -> vector<16xf32>
        %mul3A_650 = arith.constant 16 : i32
        %mul3A_651 = arith.muli %scan3A_449, %mul3A_650 : i32
        %add3A_652 = arith.constant 3 : i32
        %add3A_653 = arith.addi %mul3A_651, %add3A_652 : i32
        %get3A_654 = arith.index_cast %add3A_653 : i32 to index
        %get3A_655 = arith.constant 0 : index
        %get3A_656 = tpu.vector_load %arg13[%get3A_654, %get3A_655] {strides = array<i32>} : memref<128x128xf32, #tpu.memory_space<vmem>>, vector<16xf32>,
        %mul3A_657 = arith.mulf %get3A_656, %gather3A_649 : vector<16xf32>
        %swap3A_658 = arith.index_cast %add3A_653 : i32 to index
        %swap3A_659 = arith.constant 0 : index
        %swap3A_660 = tpu.vector_load %arg13[%swap3A_658, %swap3A_659] {strides = array<i32>} : memref<128x128xf32, #tpu.memory_space<vmem>>, vector<16xf32>,
        tpu.vector_store %arg13[%swap3A_658, %swap3A_659], %mul3A_657 {strides = array<i32>} : memref<128x128xf32, #tpu.memory_space<vmem>>, vector<16xf32>,
        %get3A_661 = arith.index_cast %add3A_653 : i32 to index
        %get3A_662 = arith.constant 16 : index
        %get3A_663 = tpu.vector_load %arg13[%get3A_661, %get3A_662] {strides = array<i32>} : memref<128x128xf32, #tpu.memory_space<vmem>>, vector<16xf32>,
        %mul3A_664 = arith.mulf %get3A_663, %gather3A_649 : vector<16xf32>
        %swap3A_665 = arith.index_cast %add3A_653 : i32 to index
        %swap3A_666 = arith.constant 16 : index
        %swap3A_667 = tpu.vector_load %arg13[%swap3A_665, %swap3A_666] {strides = array<i32>} : memref<128x128xf32, #tpu.memory_space<vmem>>, vector<16xf32>,
        tpu.vector_store %arg13[%swap3A_665, %swap3A_666], %mul3A_664 {strides = array<i32>} : memref<128x128xf32, #tpu.memory_space<vmem>>, vector<16xf32>,
        %get3A_668 = arith.index_cast %add3A_653 : i32 to index
        %get3A_669 = arith.constant 32 : index
        %get3A_670 = tpu.vector_load %arg13[%get3A_668, %get3A_669] {strides = array<i32>} : memref<128x128xf32, #tpu.memory_space<vmem>>, vector<16xf32>,
        %mul3A_671 = arith.mulf %get3A_670, %gather3A_649 : vector<16xf32>
        %swap3A_672 = arith.index_cast %add3A_653 : i32 to index
        %swap3A_673 = arith.constant 32 : index
        %swap3A_674 = tpu.vector_load %arg13[%swap3A_672, %swap3A_673] {strides = array<i32>} : memref<128x128xf32, #tpu.memory_space<vmem>>, vector<16xf32>,
        tpu.vector_store %arg13[%swap3A_672, %swap3A_673], %mul3A_671 {strides = array<i32>} : memref<128x128xf32, #tpu.memory_space<vmem>>, vector<16xf32>,
        %get3A_675 = arith.index_cast %add3A_653 : i32 to index
        %get3A_676 = arith.constant 48 : index
        %get3A_677 = tpu.vector_load %arg13[%get3A_675, %get3A_676] {strides = array<i32>} : memref<128x128xf32, #tpu.memory_space<vmem>>, vector<16xf32>,
        %mul3A_678 = arith.mulf %get3A_677, %gather3A_649 : vector<16xf32>
        %swap3A_679 = arith.index_cast %add3A_653 : i32 to index
        %swap3A_680 = arith.constant 48 : index
        %swap3A_681 = tpu.vector_load %arg13[%swap3A_679, %swap3A_680] {strides = array<i32>} : memref<128x128xf32, #tpu.memory_space<vmem>>, vector<16xf32>,
        tpu.vector_store %arg13[%swap3A_679, %swap3A_680], %mul3A_678 {strides = array<i32>} : memref<128x128xf32, #tpu.memory_space<vmem>>, vector<16xf32>,
        %get3A_682 = arith.index_cast %add3A_653 : i32 to index
        %get3A_683 = arith.constant 64 : index
        %get3A_684 = tpu.vector_load %arg13[%get3A_682, %get3A_683] {strides = array<i32>} : memref<128x128xf32, #tpu.memory_space<vmem>>, vector<16xf32>,
        %mul3A_685 = arith.mulf %get3A_684, %gather3A_649 : vector<16xf32>
        %swap3A_686 = arith.index_cast %add3A_653 : i32 to index
        %swap3A_687 = arith.constant 64 : index
        %swap3A_688 = tpu.vector_load %arg13[%swap3A_686, %swap3A_687] {strides = array<i32>} : memref<128x128xf32, #tpu.memory_space<vmem>>, vector<16xf32>,
        tpu.vector_store %arg13[%swap3A_686, %swap3A_687], %mul3A_685 {strides = array<i32>} : memref<128x128xf32, #tpu.memory_space<vmem>>, vector<16xf32>,
        %get3A_689 = arith.index_cast %add3A_653 : i32 to index
        %get3A_690 = arith.constant 80 : index
        %get3A_691 = tpu.vector_load %arg13[%get3A_689, %get3A_690] {strides = array<i32>} : memref<128x128xf32, #tpu.memory_space<vmem>>, vector<16xf32>,
        %mul3A_692 = arith.mulf %get3A_691, %gather3A_649 : vector<16xf32>
        %swap3A_693 = arith.index_cast %add3A_653 : i32 to index
        %swap3A_694 = arith.constant 80 : index
        %swap3A_695 = tpu.vector_load %arg13[%swap3A_693, %swap3A_694] {strides = array<i32>} : memref<128x128xf32, #tpu.memory_space<vmem>>, vector<16xf32>,
        tpu.vector_store %arg13[%swap3A_693, %swap3A_694], %mul3A_692 {strides = array<i32>} : memref<128x128xf32, #tpu.memory_space<vmem>>, vector<16xf32>,
        %get3A_696 = arith.index_cast %add3A_653 : i32 to index
        %get3A_697 = arith.constant 96 : index
        %get3A_698 = tpu.vector_load %arg13[%get3A_696, %get3A_697] {strides = array<i32>} : memref<128x128xf32, #tpu.memory_space<vmem>>, vector<16xf32>,
        %mul3A_699 = arith.mulf %get3A_698, %gather3A_649 : vector<16xf32>
        %swap3A_700 = arith.index_cast %add3A_653 : i32 to index
        %swap3A_701 = arith.constant 96 : index
        %swap3A_702 = tpu.vector_load %arg13[%swap3A_700, %swap3A_701] {strides = array<i32>} : memref<128x128xf32, #tpu.memory_space<vmem>>, vector<16xf32>,
        tpu.vector_store %arg13[%swap3A_700, %swap3A_701], %mul3A_699 {strides = array<i32>} : memref<128x128xf32, #tpu.memory_space<vmem>>, vector<16xf32>,
        %get3A_703 = arith.index_cast %add3A_653 : i32 to index
        %get3A_704 = arith.constant 112 : index
        %get3A_705 = tpu.vector_load %arg13[%get3A_703, %get3A_704] {strides = array<i32>} : memref<128x128xf32, #tpu.memory_space<vmem>>, vector<16xf32>,
        %mul3A_706 = arith.mulf %get3A_705, %gather3A_649 : vector<16xf32>
        %swap3A_707 = arith.index_cast %add3A_653 : i32 to index
        %swap3A_708 = arith.constant 112 : index
        %swap3A_709 = tpu.vector_load %arg13[%swap3A_707, %swap3A_708] {strides = array<i32>} : memref<128x128xf32, #tpu.memory_space<vmem>>, vector<16xf32>,
        tpu.vector_store %arg13[%swap3A_707, %swap3A_708], %mul3A_706 {strides = array<i32>} : memref<128x128xf32, #tpu.memory_space<vmem>>, vector<16xf32>,
        %broadcast_in_dim3A_710 = arith.constant 4 : i32
        %broadcast_in_dim3A_711 = vector.broadcast %broadcast_in_dim3A_710 : i32 to vector<16x1xi32>
        %gather3A_712 = vector.shape_cast %broadcast_in_dim3A_711 : vector<16x1xi32> to vector<16xi32>
        %gather3A_713 = tpu.dynamic_gather %get3A_453[%gather3A_712] in [0] : vector<16xf32>, vector<16xi32> -> vector<16xf32>
        %mul3A_714 = arith.constant 16 : i32
        %mul3A_715 = arith.muli %scan3A_449, %mul3A_714 : i32
        %add3A_716 = arith.constant 4 : i32
        %add3A_717 = arith.addi %mul3A_715, %add3A_716 : i32
        %get3A_718 = arith.index_cast %add3A_717 : i32 to index
        %get3A_719 = arith.constant 0 : index
        %get3A_720 = tpu.vector_load %arg13[%get3A_718, %get3A_719] {strides = array<i32>} : memref<128x128xf32, #tpu.memory_space<vmem>>, vector<16xf32>,
        %mul3A_721 = arith.mulf %get3A_720, %gather3A_713 : vector<16xf32>
        %swap3A_722 = arith.index_cast %add3A_717 : i32 to index
        %swap3A_723 = arith.constant 0 : index
        %swap3A_724 = tpu.vector_load %arg13[%swap3A_722, %swap3A_723] {strides = array<i32>} : memref<128x128xf32, #tpu.memory_space<vmem>>, vector<16xf32>,
        tpu.vector_store %arg13[%swap3A_722, %swap3A_723], %mul3A_721 {strides = array<i32>} : memref<128x128xf32, #tpu.memory_space<vmem>>, vector<16xf32>,
        %get3A_725 = arith.index_cast %add3A_717 : i32 to index
        %get3A_726 = arith.constant 16 : index
        %get3A_727 = tpu.vector_load %arg13[%get3A_725, %get3A_726] {strides = array<i32>} : memref<128x128xf32, #tpu.memory_space<vmem>>, vector<16xf32>,
        %mul3A_728 = arith.mulf %get3A_727, %gather3A_713 : vector<16xf32>
        %swap3A_729 = arith.index_cast %add3A_717 : i32 to index
        %swap3A_730 = arith.constant 16 : index
        %swap3A_731 = tpu.vector_load %arg13[%swap3A_729, %swap3A_730] {strides = array<i32>} : memref<128x128xf32, #tpu.memory_space<vmem>>, vector<16xf32>,
        tpu.vector_store %arg13[%swap3A_729, %swap3A_730], %mul3A_728 {strides = array<i32>} : memref<128x128xf32, #tpu.memory_space<vmem>>, vector<16xf32>,
        %get3A_732 = arith.index_cast %add3A_717 : i32 to index
        %get3A_733 = arith.constant 32 : index
        %get3A_734 = tpu.vector_load %arg13[%get3A_732, %get3A_733] {strides = array<i32>} : memref<128x128xf32, #tpu.memory_space<vmem>>, vector<16xf32>,
        %mul3A_735 = arith.mulf %get3A_734, %gather3A_713 : vector<16xf32>
        %swap3A_736 = arith.index_cast %add3A_717 : i32 to index
        %swap3A_737 = arith.constant 32 : index
        %swap3A_738 = tpu.vector_load %arg13[%swap3A_736, %swap3A_737] {strides = array<i32>} : memref<128x128xf32, #tpu.memory_space<vmem>>, vector<16xf32>,
        tpu.vector_store %arg13[%swap3A_736, %swap3A_737], %mul3A_735 {strides = array<i32>} : memref<128x128xf32, #tpu.memory_space<vmem>>, vector<16xf32>,
        %get3A_739 = arith.index_cast %add3A_717 : i32 to index
        %get3A_740 = arith.constant 48 : index
        %get3A_741 = tpu.vector_load %arg13[%get3A_739, %get3A_740] {strides = array<i32>} : memref<128x128xf32, #tpu.memory_space<vmem>>, vector<16xf32>,
        %mul3A_742 = arith.mulf %get3A_741, %gather3A_713 : vector<16xf32>
        %swap3A_743 = arith.index_cast %add3A_717 : i32 to index
        %swap3A_744 = arith.constant 48 : index
        %swap3A_745 = tpu.vector_load %arg13[%swap3A_743, %swap3A_744] {strides = array<i32>} : memref<128x128xf32, #tpu.memory_space<vmem>>, vector<16xf32>,
        tpu.vector_store %arg13[%swap3A_743, %swap3A_744], %mul3A_742 {strides = array<i32>} : memref<128x128xf32, #tpu.memory_space<vmem>>, vector<16xf32>,
        %get3A_746 = arith.index_cast %add3A_717 : i32 to index
        %get3A_747 = arith.constant 64 : index
        %get3A_748 = tpu.vector_load %arg13[%get3A_746, %get3A_747] {strides = array<i32>} : memref<128x128xf32, #tpu.memory_space<vmem>>, vector<16xf32>,
        %mul3A_749 = arith.mulf %get3A_748, %gather3A_713 : vector<16xf32>
        %swap3A_750 = arith.index_cast %add3A_717 : i32 to index
        %swap3A_751 = arith.constant 64 : index
        %swap3A_752 = tpu.vector_load %arg13[%swap3A_750, %swap3A_751] {strides = array<i32>} : memref<128x128xf32, #tpu.memory_space<vmem>>, vector<16xf32>,
        tpu.vector_store %arg13[%swap3A_750, %swap3A_751], %mul3A_749 {strides = array<i32>} : memref<128x128xf32, #tpu.memory_space<vmem>>, vector<16xf32>,
        %get3A_753 = arith.index_cast %add3A_717 : i32 to index
        %get3A_754 = arith.constant 80 : index
        %get3A_755 = tpu.vector_load %arg13[%get3A_753, %get3A_754] {strides = array<i32>} : memref<128x128xf32, #tpu.memory_space<vmem>>, vector<16xf32>,
        %mul3A_756 = arith.mulf %get3A_755, %gather3A_713 : vector<16xf32>
        %swap3A_757 = arith.index_cast %add3A_717 : i32 to index
        %swap3A_758 = arith.constant 80 : index
        %swap3A_759 = tpu.vector_load %arg13[%swap3A_757, %swap3A_758] {strides = array<i32>} : memref<128x128xf32, #tpu.memory_space<vmem>>, vector<16xf32>,
        tpu.vector_store %arg13[%swap3A_757, %swap3A_758], %mul3A_756 {strides = array<i32>} : memref<128x128xf32, #tpu.memory_space<vmem>>, vector<16xf32>,
        %get3A_760 = arith.index_cast %add3A_717 : i32 to index
        %get3A_761 = arith.constant 96 : index
        %get3A_762 = tpu.vector_load %arg13[%get3A_760, %get3A_761] {strides = array<i32>} : memref<128x128xf32, #tpu.memory_space<vmem>>, vector<16xf32>,
        %mul3A_763 = arith.mulf %get3A_762, %gather3A_713 : vector<16xf32>
        %swap3A_764 = arith.index_cast %add3A_717 : i32 to index
        %swap3A_765 = arith.constant 96 : index
        %swap3A_766 = tpu.vector_load %arg13[%swap3A_764, %swap3A_765] {strides = array<i32>} : memref<128x128xf32, #tpu.memory_space<vmem>>, vector<16xf32>,
        tpu.vector_store %arg13[%swap3A_764, %swap3A_765], %mul3A_763 {strides = array<i32>} : memref<128x128xf32, #tpu.memory_space<vmem>>, vector<16xf32>,
        %get3A_767 = arith.index_cast %add3A_717 : i32 to index
        %get3A_768 = arith.constant 112 : index
        %get3A_769 = tpu.vector_load %arg13[%get3A_767, %get3A_768] {strides = array<i32>} : memref<128x128xf32, #tpu.memory_space<vmem>>, vector<16xf32>,
        %mul3A_770 = arith.mulf %get3A_769, %gather3A_713 : vector<16xf32>
        %swap3A_771 = arith.index_cast %add3A_717 : i32 to index
        %swap3A_772 = arith.constant 112 : index
        %swap3A_773 = tpu.vector_load %arg13[%swap3A_771, %swap3A_772] {strides = array<i32>} : memref<128x128xf32, #tpu.memory_space<vmem>>, vector<16xf32>,
        tpu.vector_store %arg13[%swap3A_771, %swap3A_772], %mul3A_770 {strides = array<i32>} : memref<128x128xf32, #tpu.memory_space<vmem>>, vector<16xf32>,
        %broadcast_in_dim3A_774 = arith.constant 5 : i32
        %broadcast_in_dim3A_775 = vector.broadcast %broadcast_in_dim3A_774 : i32 to vector<16x1xi32>
        %gather3A_776 = vector.shape_cast %broadcast_in_dim3A_775 : vector<16x1xi32> to vector<16xi32>
        %gather3A_777 = tpu.dynamic_gather %get3A_453[%gather3A_776] in [0] : vector<16xf32>, vector<16xi32> -> vector<16xf32>
        %mul3A_778 = arith.constant 16 : i32
        %mul3A_779 = arith.muli %scan3A_449, %mul3A_778 : i32
        %add3A_780 = arith.constant 5 : i32
        %add3A_781 = arith.addi %mul3A_779, %add3A_780 : i32
        %get3A_782 = arith.index_cast %add3A_781 : i32 to index
        %get3A_783 = arith.constant 0 : index
        %get3A_784 = tpu.vector_load %arg13[%get3A_782, %get3A_783] {strides = array<i32>} : memref<128x128xf32, #tpu.memory_space<vmem>>, vector<16xf32>,
        %mul3A_785 = arith.mulf %get3A_784, %gather3A_777 : vector<16xf32>
        %swap3A_786 = arith.index_cast %add3A_781 : i32 to index
        %swap3A_787 = arith.constant 0 : index
        %swap3A_788 = tpu.vector_load %arg13[%swap3A_786, %swap3A_787] {strides = array<i32>} : memref<128x128xf32, #tpu.memory_space<vmem>>, vector<16xf32>,
        tpu.vector_store %arg13[%swap3A_786, %swap3A_787], %mul3A_785 {strides = array<i32>} : memref<128x128xf32, #tpu.memory_space<vmem>>, vector<16xf32>,
        %get3A_789 = arith.index_cast %add3A_781 : i32 to index
        %get3A_790 = arith.constant 16 : index
        %get3A_791 = tpu.vector_load %arg13[%get3A_789, %get3A_790] {strides = array<i32>} : memref<128x128xf32, #tpu.memory_space<vmem>>, vector<16xf32>,
        %mul3A_792 = arith.mulf %get3A_791, %gather3A_777 : vector<16xf32>
        %swap3A_793 = arith.index_cast %add3A_781 : i32 to index
        %swap3A_794 = arith.constant 16 : index
        %swap3A_795 = tpu.vector_load %arg13[%swap3A_793, %swap3A_794] {strides = array<i32>} : memref<128x128xf32, #tpu.memory_space<vmem>>, vector<16xf32>,
        tpu.vector_store %arg13[%swap3A_793, %swap3A_794], %mul3A_792 {strides = array<i32>} : memref<128x128xf32, #tpu.memory_space<vmem>>, vector<16xf32>,
        %get3A_796 = arith.index_cast %add3A_781 : i32 to index
        %get3A_797 = arith.constant 32 : index
        %get3A_798 = tpu.vector_load %arg13[%get3A_796, %get3A_797] {strides = array<i32>} : memref<128x128xf32, #tpu.memory_space<vmem>>, vector<16xf32>,
        %mul3A_799 = arith.mulf %get3A_798, %gather3A_777 : vector<16xf32>
        %swap3A_800 = arith.index_cast %add3A_781 : i32 to index
        %swap3A_801 = arith.constant 32 : index
        %swap3A_802 = tpu.vector_load %arg13[%swap3A_800, %swap3A_801] {strides = array<i32>} : memref<128x128xf32, #tpu.memory_space<vmem>>, vector<16xf32>,
        tpu.vector_store %arg13[%swap3A_800, %swap3A_801], %mul3A_799 {strides = array<i32>} : memref<128x128xf32, #tpu.memory_space<vmem>>, vector<16xf32>,
        %get3A_803 = arith.index_cast %add3A_781 : i32 to index
        %get3A_804 = arith.constant 48 : index
        %get3A_805 = tpu.vector_load %arg13[%get3A_803, %get3A_804] {strides = array<i32>} : memref<128x128xf32, #tpu.memory_space<vmem>>, vector<16xf32>,
        %mul3A_806 = arith.mulf %get3A_805, %gather3A_777 : vector<16xf32>
        %swap3A_807 = arith.index_cast %add3A_781 : i32 to index
        %swap3A_808 = arith.constant 48 : index
        %swap3A_809 = tpu.vector_load %arg13[%swap3A_807, %swap3A_808] {strides = array<i32>} : memref<128x128xf32, #tpu.memory_space<vmem>>, vector<16xf32>,
        tpu.vector_store %arg13[%swap3A_807, %swap3A_808], %mul3A_806 {strides = array<i32>} : memref<128x128xf32, #tpu.memory_space<vmem>>, vector<16xf32>,
        %get3A_810 = arith.index_cast %add3A_781 : i32 to index
        %get3A_811 = arith.constant 64 : index
        %get3A_812 = tpu.vector_load %arg13[%get3A_810, %get3A_811] {strides = array<i32>} : memref<128x128xf32, #tpu.memory_space<vmem>>, vector<16xf32>,
        %mul3A_813 = arith.mulf %get3A_812, %gather3A_777 : vector<16xf32>
        %swap3A_814 = arith.index_cast %add3A_781 : i32 to index
        %swap3A_815 = arith.constant 64 : index
        %swap3A_816 = tpu.vector_load %arg13[%swap3A_814, %swap3A_815] {strides = array<i32>} : memref<128x128xf32, #tpu.memory_space<vmem>>, vector<16xf32>,
        tpu.vector_store %arg13[%swap3A_814, %swap3A_815], %mul3A_813 {strides = array<i32>} : memref<128x128xf32, #tpu.memory_space<vmem>>, vector<16xf32>,
        %get3A_817 = arith.index_cast %add3A_781 : i32 to index
        %get3A_818 = arith.constant 80 : index
        %get3A_819 = tpu.vector_load %arg13[%get3A_817, %get3A_818] {strides = array<i32>} : memref<128x128xf32, #tpu.memory_space<vmem>>, vector<16xf32>,
        %mul3A_820 = arith.mulf %get3A_819, %gather3A_777 : vector<16xf32>
        %swap3A_821 = arith.index_cast %add3A_781 : i32 to index
        %swap3A_822 = arith.constant 80 : index
        %swap3A_823 = tpu.vector_load %arg13[%swap3A_821, %swap3A_822] {strides = array<i32>} : memref<128x128xf32, #tpu.memory_space<vmem>>, vector<16xf32>,
        tpu.vector_store %arg13[%swap3A_821, %swap3A_822], %mul3A_820 {strides = array<i32>} : memref<128x128xf32, #tpu.memory_space<vmem>>, vector<16xf32>,
        %get3A_824 = arith.index_cast %add3A_781 : i32 to index
        %get3A_825 = arith.constant 96 : index
        %get3A_826 = tpu.vector_load %arg13[%get3A_824, %get3A_825] {strides = array<i32>} : memref<128x128xf32, #tpu.memory_space<vmem>>, vector<16xf32>,
        %mul3A_827 = arith.mulf %get3A_826, %gather3A_777 : vector<16xf32>
        %swap3A_828 = arith.index_cast %add3A_781 : i32 to index
        %swap3A_829 = arith.constant 96 : index
        %swap3A_830 = tpu.vector_load %arg13[%swap3A_828, %swap3A_829] {strides = array<i32>} : memref<128x128xf32, #tpu.memory_space<vmem>>, vector<16xf32>,
        tpu.vector_store %arg13[%swap3A_828, %swap3A_829], %mul3A_827 {strides = array<i32>} : memref<128x128xf32, #tpu.memory_space<vmem>>, vector<16xf32>,
        %get3A_831 = arith.index_cast %add3A_781 : i32 to index
        %get3A_832 = arith.constant 112 : index
        %get3A_833 = tpu.vector_load %arg13[%get3A_831, %get3A_832] {strides = array<i32>} : memref<128x128xf32, #tpu.memory_space<vmem>>, vector<16xf32>,
        %mul3A_834 = arith.mulf %get3A_833, %gather3A_777 : vector<16xf32>
        %swap3A_835 = arith.index_cast %add3A_781 : i32 to index
        %swap3A_836 = arith.constant 112 : index
        %swap3A_837 = tpu.vector_load %arg13[%swap3A_835, %swap3A_836] {strides = array<i32>} : memref<128x128xf32, #tpu.memory_space<vmem>>, vector<16xf32>,
        tpu.vector_store %arg13[%swap3A_835, %swap3A_836], %mul3A_834 {strides = array<i32>} : memref<128x128xf32, #tpu.memory_space<vmem>>, vector<16xf32>,
        %broadcast_in_dim3A_838 = arith.constant 6 : i32
        %broadcast_in_dim3A_839 = vector.broadcast %broadcast_in_dim3A_838 : i32 to vector<16x1xi32>
        %gather3A_840 = vector.shape_cast %broadcast_in_dim3A_839 : vector<16x1xi32> to vector<16xi32>
        %gather3A_841 = tpu.dynamic_gather %get3A_453[%gather3A_840] in [0] : vector<16xf32>, vector<16xi32> -> vector<16xf32>
        %mul3A_842 = arith.constant 16 : i32
        %mul3A_843 = arith.muli %scan3A_449, %mul3A_842 : i32
        %add3A_844 = arith.constant 6 : i32
        %add3A_845 = arith.addi %mul3A_843, %add3A_844 : i32
        %get3A_846 = arith.index_cast %add3A_845 : i32 to index
        %get3A_847 = arith.constant 0 : index
        %get3A_848 = tpu.vector_load %arg13[%get3A_846, %get3A_847] {strides = array<i32>} : memref<128x128xf32, #tpu.memory_space<vmem>>, vector<16xf32>,
        %mul3A_849 = arith.mulf %get3A_848, %gather3A_841 : vector<16xf32>
        %swap3A_850 = arith.index_cast %add3A_845 : i32 to index
        %swap3A_851 = arith.constant 0 : index
        %swap3A_852 = tpu.vector_load %arg13[%swap3A_850, %swap3A_851] {strides = array<i32>} : memref<128x128xf32, #tpu.memory_space<vmem>>, vector<16xf32>,
        tpu.vector_store %arg13[%swap3A_850, %swap3A_851], %mul3A_849 {strides = array<i32>} : memref<128x128xf32, #tpu.memory_space<vmem>>, vector<16xf32>,
        %get3A_853 = arith.index_cast %add3A_845 : i32 to index
        %get3A_854 = arith.constant 16 : index
        %get3A_855 = tpu.vector_load %arg13[%get3A_853, %get3A_854] {strides = array<i32>} : memref<128x128xf32, #tpu.memory_space<vmem>>, vector<16xf32>,
        %mul3A_856 = arith.mulf %get3A_855, %gather3A_841 : vector<16xf32>
        %swap3A_857 = arith.index_cast %add3A_845 : i32 to index
        %swap3A_858 = arith.constant 16 : index
        %swap3A_859 = tpu.vector_load %arg13[%swap3A_857, %swap3A_858] {strides = array<i32>} : memref<128x128xf32, #tpu.memory_space<vmem>>, vector<16xf32>,
        tpu.vector_store %arg13[%swap3A_857, %swap3A_858], %mul3A_856 {strides = array<i32>} : memref<128x128xf32, #tpu.memory_space<vmem>>, vector<16xf32>,
        %get3A_860 = arith.index_cast %add3A_845 : i32 to index
        %get3A_861 = arith.constant 32 : index
        %get3A_862 = tpu.vector_load %arg13[%get3A_860, %get3A_861] {strides = array<i32>} : memref<128x128xf32, #tpu.memory_space<vmem>>, vector<16xf32>,
        %mul3A_863 = arith.mulf %get3A_862, %gather3A_841 : vector<16xf32>
        %swap3A_864 = arith.index_cast %add3A_845 : i32 to index
        %swap3A_865 = arith.constant 32 : index
        %swap3A_866 = tpu.vector_load %arg13[%swap3A_864, %swap3A_865] {strides = array<i32>} : memref<128x128xf32, #tpu.memory_space<vmem>>, vector<16xf32>,
        tpu.vector_store %arg13[%swap3A_864, %swap3A_865], %mul3A_863 {strides = array<i32>} : memref<128x128xf32, #tpu.memory_space<vmem>>, vector<16xf32>,
        %get3A_867 = arith.index_cast %add3A_845 : i32 to index
        %get3A_868 = arith.constant 48 : index
        %get3A_869 = tpu.vector_load %arg13[%get3A_867, %get3A_868] {strides = array<i32>} : memref<128x128xf32, #tpu.memory_space<vmem>>, vector<16xf32>,
        %mul3A_870 = arith.mulf %get3A_869, %gather3A_841 : vector<16xf32>
        %swap3A_871 = arith.index_cast %add3A_845 : i32 to index
        %swap3A_872 = arith.constant 48 : index
        %swap3A_873 = tpu.vector_load %arg13[%swap3A_871, %swap3A_872] {strides = array<i32>} : memref<128x128xf32, #tpu.memory_space<vmem>>, vector<16xf32>,
        tpu.vector_store %arg13[%swap3A_871, %swap3A_872], %mul3A_870 {strides = array<i32>} : memref<128x128xf32, #tpu.memory_space<vmem>>, vector<16xf32>,
        %get3A_874 = arith.index_cast %add3A_845 : i32 to index
        %get3A_875 = arith.constant 64 : index
        %get3A_876 = tpu.vector_load %arg13[%get3A_874, %get3A_875] {strides = array<i32>} : memref<128x128xf32, #tpu.memory_space<vmem>>, vector<16xf32>,
        %mul3A_877 = arith.mulf %get3A_876, %gather3A_841 : vector<16xf32>
        %swap3A_878 = arith.index_cast %add3A_845 : i32 to index
        %swap3A_879 = arith.constant 64 : index
        %swap3A_880 = tpu.vector_load %arg13[%swap3A_878, %swap3A_879] {strides = array<i32>} : memref<128x128xf32, #tpu.memory_space<vmem>>, vector<16xf32>,
        tpu.vector_store %arg13[%swap3A_878, %swap3A_879], %mul3A_877 {strides = array<i32>} : memref<128x128xf32, #tpu.memory_space<vmem>>, vector<16xf32>,
        %get3A_881 = arith.index_cast %add3A_845 : i32 to index
        %get3A_882 = arith.constant 80 : index
        %get3A_883 = tpu.vector_load %arg13[%get3A_881, %get3A_882] {strides = array<i32>} : memref<128x128xf32, #tpu.memory_space<vmem>>, vector<16xf32>,
        %mul3A_884 = arith.mulf %get3A_883, %gather3A_841 : vector<16xf32>
        %swap3A_885 = arith.index_cast %add3A_845 : i32 to index
        %swap3A_886 = arith.constant 80 : index
        %swap3A_887 = tpu.vector_load %arg13[%swap3A_885, %swap3A_886] {strides = array<i32>} : memref<128x128xf32, #tpu.memory_space<vmem>>, vector<16xf32>,
        tpu.vector_store %arg13[%swap3A_885, %swap3A_886], %mul3A_884 {strides = array<i32>} : memref<128x128xf32, #tpu.memory_space<vmem>>, vector<16xf32>,
        %get3A_888 = arith.index_cast %add3A_845 : i32 to index
        %get3A_889 = arith.constant 96 : index
        %get3A_890 = tpu.vector_load %arg13[%get3A_888, %get3A_889] {strides = array<i32>} : memref<128x128xf32, #tpu.memory_space<vmem>>, vector<16xf32>,
        %mul3A_891 = arith.mulf %get3A_890, %gather3A_841 : vector<16xf32>
        %swap3A_892 = arith.index_cast %add3A_845 : i32 to index
        %swap3A_893 = arith.constant 96 : index
        %swap3A_894 = tpu.vector_load %arg13[%swap3A_892, %swap3A_893] {strides = array<i32>} : memref<128x128xf32, #tpu.memory_space<vmem>>, vector<16xf32>,
        tpu.vector_store %arg13[%swap3A_892, %swap3A_893], %mul3A_891 {strides = array<i32>} : memref<128x128xf32, #tpu.memory_space<vmem>>, vector<16xf32>,
        %get3A_895 = arith.index_cast %add3A_845 : i32 to index
        %get3A_896 = arith.constant 112 : index
        %get3A_897 = tpu.vector_load %arg13[%get3A_895, %get3A_896] {strides = array<i32>} : memref<128x128xf32, #tpu.memory_space<vmem>>, vector<16xf32>,
        %mul3A_898 = arith.mulf %get3A_897, %gather3A_841 : vector<16xf32>
        %swap3A_899 = arith.index_cast %add3A_845 : i32 to index
        %swap3A_900 = arith.constant 112 : index
        %swap3A_901 = tpu.vector_load %arg13[%swap3A_899, %swap3A_900] {strides = array<i32>} : memref<128x128xf32, #tpu.memory_space<vmem>>, vector<16xf32>,
        tpu.vector_store %arg13[%swap3A_899, %swap3A_900], %mul3A_898 {strides = array<i32>} : memref<128x128xf32, #tpu.memory_space<vmem>>, vector<16xf32>,
        %broadcast_in_dim3A_902 = arith.constant 7 : i32
        %broadcast_in_dim3A_903 = vector.broadcast %broadcast_in_dim3A_902 : i32 to vector<16x1xi32>
        %gather3A_904 = vector.shape_cast %broadcast_in_dim3A_903 : vector<16x1xi32> to vector<16xi32>
        %gather3A_905 = tpu.dynamic_gather %get3A_453[%gather3A_904] in [0] : vector<16xf32>, vector<16xi32> -> vector<16xf32>
        %mul3A_906 = arith.constant 16 : i32
        %mul3A_907 = arith.muli %scan3A_449, %mul3A_906 : i32
        %add3A_908 = arith.constant 7 : i32
        %add3A_909 = arith.addi %mul3A_907, %add3A_908 : i32
        %get3A_910 = arith.index_cast %add3A_909 : i32 to index
        %get3A_911 = arith.constant 0 : index
        %get3A_912 = tpu.vector_load %arg13[%get3A_910, %get3A_911] {strides = array<i32>} : memref<128x128xf32, #tpu.memory_space<vmem>>, vector<16xf32>,
        %mul3A_913 = arith.mulf %get3A_912, %gather3A_905 : vector<16xf32>
        %swap3A_914 = arith.index_cast %add3A_909 : i32 to index
        %swap3A_915 = arith.constant 0 : index
        %swap3A_916 = tpu.vector_load %arg13[%swap3A_914, %swap3A_915] {strides = array<i32>} : memref<128x128xf32, #tpu.memory_space<vmem>>, vector<16xf32>,
        tpu.vector_store %arg13[%swap3A_914, %swap3A_915], %mul3A_913 {strides = array<i32>} : memref<128x128xf32, #tpu.memory_space<vmem>>, vector<16xf32>,
        %get3A_917 = arith.index_cast %add3A_909 : i32 to index
        %get3A_918 = arith.constant 16 : index
        %get3A_919 = tpu.vector_load %arg13[%get3A_917, %get3A_918] {strides = array<i32>} : memref<128x128xf32, #tpu.memory_space<vmem>>, vector<16xf32>,
        %mul3A_920 = arith.mulf %get3A_919, %gather3A_905 : vector<16xf32>
        %swap3A_921 = arith.index_cast %add3A_909 : i32 to index
        %swap3A_922 = arith.constant 16 : index
        %swap3A_923 = tpu.vector_load %arg13[%swap3A_921, %swap3A_922] {strides = array<i32>} : memref<128x128xf32, #tpu.memory_space<vmem>>, vector<16xf32>,
        tpu.vector_store %arg13[%swap3A_921, %swap3A_922], %mul3A_920 {strides = array<i32>} : memref<128x128xf32, #tpu.memory_space<vmem>>, vector<16xf32>,
        %get3A_924 = arith.index_cast %add3A_909 : i32 to index
        %get3A_925 = arith.constant 32 : index
        %get3A_926 = tpu.vector_load %arg13[%get3A_924, %get3A_925] {strides = array<i32>} : memref<128x128xf32, #tpu.memory_space<vmem>>, vector<16xf32>,
        %mul3A_927 = arith.mulf %get3A_926, %gather3A_905 : vector<16xf32>
        %swap3A_928 = arith.index_cast %add3A_909 : i32 to index
        %swap3A_929 = arith.constant 32 : index
        %swap3A_930 = tpu.vector_load %arg13[%swap3A_928, %swap3A_929] {strides = array<i32>} : memref<128x128xf32, #tpu.memory_space<vmem>>, vector<16xf32>,
        tpu.vector_store %arg13[%swap3A_928, %swap3A_929], %mul3A_927 {strides = array<i32>} : memref<128x128xf32, #tpu.memory_space<vmem>>, vector<16xf32>,
        %get3A_931 = arith.index_cast %add3A_909 : i32 to index
        %get3A_932 = arith.constant 48 : index
        %get3A_933 = tpu.vector_load %arg13[%get3A_931, %get3A_932] {strides = array<i32>} : memref<128x128xf32, #tpu.memory_space<vmem>>, vector<16xf32>,
        %mul3A_934 = arith.mulf %get3A_933, %gather3A_905 : vector<16xf32>
        %swap3A_935 = arith.index_cast %add3A_909 : i32 to index
        %swap3A_936 = arith.constant 48 : index
        %swap3A_937 = tpu.vector_load %arg13[%swap3A_935, %swap3A_936] {strides = array<i32>} : memref<128x128xf32, #tpu.memory_space<vmem>>, vector<16xf32>,
        tpu.vector_store %arg13[%swap3A_935, %swap3A_936], %mul3A_934 {strides = array<i32>} : memref<128x128xf32, #tpu.memory_space<vmem>>, vector<16xf32>,
        %get3A_938 = arith.index_cast %add3A_909 : i32 to index
        %get3A_939 = arith.constant 64 : index
        %get3A_940 = tpu.vector_load %arg13[%get3A_938, %get3A_939] {strides = array<i32>} : memref<128x128xf32, #tpu.memory_space<vmem>>, vector<16xf32>,
        %mul3A_941 = arith.mulf %get3A_940, %gather3A_905 : vector<16xf32>
        %swap3A_942 = arith.index_cast %add3A_909 : i32 to index
        %swap3A_943 = arith.constant 64 : index
        %swap3A_944 = tpu.vector_load %arg13[%swap3A_942, %swap3A_943] {strides = array<i32>} : memref<128x128xf32, #tpu.memory_space<vmem>>, vector<16xf32>,
        tpu.vector_store %arg13[%swap3A_942, %swap3A_943], %mul3A_941 {strides = array<i32>} : memref<128x128xf32, #tpu.memory_space<vmem>>, vector<16xf32>,
        %get3A_945 = arith.index_cast %add3A_909 : i32 to index
        %get3A_946 = arith.constant 80 : index
        %get3A_947 = tpu.vector_load %arg13[%get3A_945, %get3A_946] {strides = array<i32>} : memref<128x128xf32, #tpu.memory_space<vmem>>, vector<16xf32>,
        %mul3A_948 = arith.mulf %get3A_947, %gather3A_905 : vector<16xf32>
        %swap3A_949 = arith.index_cast %add3A_909 : i32 to index
        %swap3A_950 = arith.constant 80 : index
        %swap3A_951 = tpu.vector_load %arg13[%swap3A_949, %swap3A_950] {strides = array<i32>} : memref<128x128xf32, #tpu.memory_space<vmem>>, vector<16xf32>,
        tpu.vector_store %arg13[%swap3A_949, %swap3A_950], %mul3A_948 {strides = array<i32>} : memref<128x128xf32, #tpu.memory_space<vmem>>, vector<16xf32>,
        %get3A_952 = arith.index_cast %add3A_909 : i32 to index
        %get3A_953 = arith.constant 96 : index
        %get3A_954 = tpu.vector_load %arg13[%get3A_952, %get3A_953] {strides = array<i32>} : memref<128x128xf32, #tpu.memory_space<vmem>>, vector<16xf32>,
        %mul3A_955 = arith.mulf %get3A_954, %gather3A_905 : vector<16xf32>
        %swap3A_956 = arith.index_cast %add3A_909 : i32 to index
        %swap3A_957 = arith.constant 96 : index
        %swap3A_958 = tpu.vector_load %arg13[%swap3A_956, %swap3A_957] {strides = array<i32>} : memref<128x128xf32, #tpu.memory_space<vmem>>, vector<16xf32>,
        tpu.vector_store %arg13[%swap3A_956, %swap3A_957], %mul3A_955 {strides = array<i32>} : memref<128x128xf32, #tpu.memory_space<vmem>>, vector<16xf32>,
        %get3A_959 = arith.index_cast %add3A_909 : i32 to index
        %get3A_960 = arith.constant 112 : index
        %get3A_961 = tpu.vector_load %arg13[%get3A_959, %get3A_960] {strides = array<i32>} : memref<128x128xf32, #tpu.memory_space<vmem>>, vector<16xf32>,
        %mul3A_962 = arith.mulf %get3A_961, %gather3A_905 : vector<16xf32>
        %swap3A_963 = arith.index_cast %add3A_909 : i32 to index
        %swap3A_964 = arith.constant 112 : index
        %swap3A_965 = tpu.vector_load %arg13[%swap3A_963, %swap3A_964] {strides = array<i32>} : memref<128x128xf32, #tpu.memory_space<vmem>>, vector<16xf32>,
        tpu.vector_store %arg13[%swap3A_963, %swap3A_964], %mul3A_962 {strides = array<i32>} : memref<128x128xf32, #tpu.memory_space<vmem>>, vector<16xf32>,
        %broadcast_in_dim3A_966 = arith.constant 8 : i32
        %broadcast_in_dim3A_967 = vector.broadcast %broadcast_in_dim3A_966 : i32 to vector<16x1xi32>
        %gather3A_968 = vector.shape_cast %broadcast_in_dim3A_967 : vector<16x1xi32> to vector<16xi32>
        %gather3A_969 = tpu.dynamic_gather %get3A_453[%gather3A_968] in [0] : vector<16xf32>, vector<16xi32> -> vector<16xf32>
        %mul3A_970 = arith.constant 16 : i32
        %mul3A_971 = arith.muli %scan3A_449, %mul3A_970 : i32
        %add3A_972 = arith.constant 8 : i32
        %add3A_973 = arith.addi %mul3A_971, %add3A_972 : i32
        %get3A_974 = arith.index_cast %add3A_973 : i32 to index
        %get3A_975 = arith.constant 0 : index
        %get3A_976 = tpu.vector_load %arg13[%get3A_974, %get3A_975] {strides = array<i32>} : memref<128x128xf32, #tpu.memory_space<vmem>>, vector<16xf32>,
        %mul3A_977 = arith.mulf %get3A_976, %gather3A_969 : vector<16xf32>
        %swap3A_978 = arith.index_cast %add3A_973 : i32 to index
        %swap3A_979 = arith.constant 0 : index
        %swap3A_980 = tpu.vector_load %arg13[%swap3A_978, %swap3A_979] {strides = array<i32>} : memref<128x128xf32, #tpu.memory_space<vmem>>, vector<16xf32>,
        tpu.vector_store %arg13[%swap3A_978, %swap3A_979], %mul3A_977 {strides = array<i32>} : memref<128x128xf32, #tpu.memory_space<vmem>>, vector<16xf32>,
        %get3A_981 = arith.index_cast %add3A_973 : i32 to index
        %get3A_982 = arith.constant 16 : index
        %get3A_983 = tpu.vector_load %arg13[%get3A_981, %get3A_982] {strides = array<i32>} : memref<128x128xf32, #tpu.memory_space<vmem>>, vector<16xf32>,
        %mul3A_984 = arith.mulf %get3A_983, %gather3A_969 : vector<16xf32>
        %swap3A_985 = arith.index_cast %add3A_973 : i32 to index
        %swap3A_986 = arith.constant 16 : index
        %swap3A_987 = tpu.vector_load %arg13[%swap3A_985, %swap3A_986] {strides = array<i32>} : memref<128x128xf32, #tpu.memory_space<vmem>>, vector<16xf32>,
        tpu.vector_store %arg13[%swap3A_985, %swap3A_986], %mul3A_984 {strides = array<i32>} : memref<128x128xf32, #tpu.memory_space<vmem>>, vector<16xf32>,
        %get3A_988 = arith.index_cast %add3A_973 : i32 to index
        %get3A_989 = arith.constant 32 : index
        %get3A_990 = tpu.vector_load %arg13[%get3A_988, %get3A_989] {strides = array<i32>} : memref<128x128xf32, #tpu.memory_space<vmem>>, vector<16xf32>,
        %mul3A_991 = arith.mulf %get3A_990, %gather3A_969 : vector<16xf32>
        %swap3A_992 = arith.index_cast %add3A_973 : i32 to index
        %swap3A_993 = arith.constant 32 : index
        %swap3A_994 = tpu.vector_load %arg13[%swap3A_992, %swap3A_993] {strides = array<i32>} : memref<128x128xf32, #tpu.memory_space<vmem>>, vector<16xf32>,
        tpu.vector_store %arg13[%swap3A_992, %swap3A_993], %mul3A_991 {strides = array<i32>} : memref<128x128xf32, #tpu.memory_space<vmem>>, vector<16xf32>,
        %get3A_995 = arith.index_cast %add3A_973 : i32 to index
        %get3A_996 = arith.constant 48 : index
        %get3A_997 = tpu.vector_load %arg13[%get3A_995, %get3A_996] {strides = array<i32>} : memref<128x128xf32, #tpu.memory_space<vmem>>, vector<16xf32>,
        %mul3A_998 = arith.mulf %get3A_997, %gather3A_969 : vector<16xf32>
        %swap3A_999 = arith.index_cast %add3A_973 : i32 to index
        %swap3A_1000 = arith.constant 48 : index
        %swap3A_1001 = tpu.vector_load %arg13[%swap3A_999, %swap3A_1000] {strides = array<i32>} : memref<128x128xf32, #tpu.memory_space<vmem>>, vector<16xf32>,
        tpu.vector_store %arg13[%swap3A_999, %swap3A_1000], %mul3A_998 {strides = array<i32>} : memref<128x128xf32, #tpu.memory_space<vmem>>, vector<16xf32>,
        %get3A_1002 = arith.index_cast %add3A_973 : i32 to index
        %get3A_1003 = arith.constant 64 : index
        %get3A_1004 = tpu.vector_load %arg13[%get3A_1002, %get3A_1003] {strides = array<i32>} : memref<128x128xf32, #tpu.memory_space<vmem>>, vector<16xf32>,
        %mul3A_1005 = arith.mulf %get3A_1004, %gather3A_969 : vector<16xf32>
        %swap3A_1006 = arith.index_cast %add3A_973 : i32 to index
        %swap3A_1007 = arith.constant 64 : index
        %swap3A_1008 = tpu.vector_load %arg13[%swap3A_1006, %swap3A_1007] {strides = array<i32>} : memref<128x128xf32, #tpu.memory_space<vmem>>, vector<16xf32>,
        tpu.vector_store %arg13[%swap3A_1006, %swap3A_1007], %mul3A_1005 {strides = array<i32>} : memref<128x128xf32, #tpu.memory_space<vmem>>, vector<16xf32>,
        %get3A_1009 = arith.index_cast %add3A_973 : i32 to index
        %get3A_1010 = arith.constant 80 : index
        %get3A_1011 = tpu.vector_load %arg13[%get3A_1009, %get3A_1010] {strides = array<i32>} : memref<128x128xf32, #tpu.memory_space<vmem>>, vector<16xf32>,
        %mul3A_1012 = arith.mulf %get3A_1011, %gather3A_969 : vector<16xf32>
        %swap3A_1013 = arith.index_cast %add3A_973 : i32 to index
        %swap3A_1014 = arith.constant 80 : index
        %swap3A_1015 = tpu.vector_load %arg13[%swap3A_1013, %swap3A_1014] {strides = array<i32>} : memref<128x128xf32, #tpu.memory_space<vmem>>, vector<16xf32>,
        tpu.vector_store %arg13[%swap3A_1013, %swap3A_1014], %mul3A_1012 {strides = array<i32>} : memref<128x128xf32, #tpu.memory_space<vmem>>, vector<16xf32>,
        %get3A_1016 = arith.index_cast %add3A_973 : i32 to index
        %get3A_1017 = arith.constant 96 : index
        %get3A_1018 = tpu.vector_load %arg13[%get3A_1016, %get3A_1017] {strides = array<i32>} : memref<128x128xf32, #tpu.memory_space<vmem>>, vector<16xf32>,
        %mul3A_1019 = arith.mulf %get3A_1018, %gather3A_969 : vector<16xf32>
        %swap3A_1020 = arith.index_cast %add3A_973 : i32 to index
        %swap3A_1021 = arith.constant 96 : index
        %swap3A_1022 = tpu.vector_load %arg13[%swap3A_1020, %swap3A_1021] {strides = array<i32>} : memref<128x128xf32, #tpu.memory_space<vmem>>, vector<16xf32>,
        tpu.vector_store %arg13[%swap3A_1020, %swap3A_1021], %mul3A_1019 {strides = array<i32>} : memref<128x128xf32, #tpu.memory_space<vmem>>, vector<16xf32>,
        %get3A_1023 = arith.index_cast %add3A_973 : i32 to index
        %get3A_1024 = arith.constant 112 : index
        %get3A_1025 = tpu.vector_load %arg13[%get3A_1023, %get3A_1024] {strides = array<i32>} : memref<128x128xf32, #tpu.memory_space<vmem>>, vector<16xf32>,
        %mul3A_1026 = arith.mulf %get3A_1025, %gather3A_969 : vector<16xf32>
        %swap3A_1027 = arith.index_cast %add3A_973 : i32 to index
        %swap3A_1028 = arith.constant 112 : index
        %swap3A_1029 = tpu.vector_load %arg13[%swap3A_1027, %swap3A_1028] {strides = array<i32>} : memref<128x128xf32, #tpu.memory_space<vmem>>, vector<16xf32>,
        tpu.vector_store %arg13[%swap3A_1027, %swap3A_1028], %mul3A_1026 {strides = array<i32>} : memref<128x128xf32, #tpu.memory_space<vmem>>, vector<16xf32>,
        %broadcast_in_dim3A_1030 = arith.constant 9 : i32
        %broadcast_in_dim3A_1031 = vector.broadcast %broadcast_in_dim3A_1030 : i32 to vector<16x1xi32>
        %gather3A_1032 = vector.shape_cast %broadcast_in_dim3A_1031 : vector<16x1xi32> to vector<16xi32>
        %gather3A_1033 = tpu.dynamic_gather %get3A_453[%gather3A_1032] in [0] : vector<16xf32>, vector<16xi32> -> vector<16xf32>
        %mul3A_1034 = arith.constant 16 : i32
        %mul3A_1035 = arith.muli %scan3A_449, %mul3A_1034 : i32
        %add3A_1036 = arith.constant 9 : i32
        %add3A_1037 = arith.addi %mul3A_1035, %add3A_1036 : i32
        %get3A_1038 = arith.index_cast %add3A_1037 : i32 to index
        %get3A_1039 = arith.constant 0 : index
        %get3A_1040 = tpu.vector_load %arg13[%get3A_1038, %get3A_1039] {strides = array<i32>} : memref<128x128xf32, #tpu.memory_space<vmem>>, vector<16xf32>,
        %mul3A_1041 = arith.mulf %get3A_1040, %gather3A_1033 : vector<16xf32>
        %swap3A_1042 = arith.index_cast %add3A_1037 : i32 to index
        %swap3A_1043 = arith.constant 0 : index
        %swap3A_1044 = tpu.vector_load %arg13[%swap3A_1042, %swap3A_1043] {strides = array<i32>} : memref<128x128xf32, #tpu.memory_space<vmem>>, vector<16xf32>,
        tpu.vector_store %arg13[%swap3A_1042, %swap3A_1043], %mul3A_1041 {strides = array<i32>} : memref<128x128xf32, #tpu.memory_space<vmem>>, vector<16xf32>,
        %get3A_1045 = arith.index_cast %add3A_1037 : i32 to index
        %get3A_1046 = arith.constant 16 : index
        %get3A_1047 = tpu.vector_load %arg13[%get3A_1045, %get3A_1046] {strides = array<i32>} : memref<128x128xf32, #tpu.memory_space<vmem>>, vector<16xf32>,
        %mul3A_1048 = arith.mulf %get3A_1047, %gather3A_1033 : vector<16xf32>
        %swap3A_1049 = arith.index_cast %add3A_1037 : i32 to index
        %swap3A_1050 = arith.constant 16 : index
        %swap3A_1051 = tpu.vector_load %arg13[%swap3A_1049, %swap3A_1050] {strides = array<i32>} : memref<128x128xf32, #tpu.memory_space<vmem>>, vector<16xf32>,
        tpu.vector_store %arg13[%swap3A_1049, %swap3A_1050], %mul3A_1048 {strides = array<i32>} : memref<128x128xf32, #tpu.memory_space<vmem>>, vector<16xf32>,
        %get3A_1052 = arith.index_cast %add3A_1037 : i32 to index
        %get3A_1053 = arith.constant 32 : index
        %get3A_1054 = tpu.vector_load %arg13[%get3A_1052, %get3A_1053] {strides = array<i32>} : memref<128x128xf32, #tpu.memory_space<vmem>>, vector<16xf32>,
        %mul3A_1055 = arith.mulf %get3A_1054, %gather3A_1033 : vector<16xf32>
        %swap3A_1056 = arith.index_cast %add3A_1037 : i32 to index
        %swap3A_1057 = arith.constant 32 : index
        %swap3A_1058 = tpu.vector_load %arg13[%swap3A_1056, %swap3A_1057] {strides = array<i32>} : memref<128x128xf32, #tpu.memory_space<vmem>>, vector<16xf32>,
        tpu.vector_store %arg13[%swap3A_1056, %swap3A_1057], %mul3A_1055 {strides = array<i32>} : memref<128x128xf32, #tpu.memory_space<vmem>>, vector<16xf32>,
        %get3A_1059 = arith.index_cast %add3A_1037 : i32 to index
        %get3A_1060 = arith.constant 48 : index
        %get3A_1061 = tpu.vector_load %arg13[%get3A_1059, %get3A_1060] {strides = array<i32>} : memref<128x128xf32, #tpu.memory_space<vmem>>, vector<16xf32>,
        %mul3A_1062 = arith.mulf %get3A_1061, %gather3A_1033 : vector<16xf32>
        %swap3A_1063 = arith.index_cast %add3A_1037 : i32 to index
        %swap3A_1064 = arith.constant 48 : index
        %swap3A_1065 = tpu.vector_load %arg13[%swap3A_1063, %swap3A_1064] {strides = array<i32>} : memref<128x128xf32, #tpu.memory_space<vmem>>, vector<16xf32>,
        tpu.vector_store %arg13[%swap3A_1063, %swap3A_1064], %mul3A_1062 {strides = array<i32>} : memref<128x128xf32, #tpu.memory_space<vmem>>, vector<16xf32>,
        %get3A_1066 = arith.index_cast %add3A_1037 : i32 to index
        %get3A_1067 = arith.constant 64 : index
        %get3A_1068 = tpu.vector_load %arg13[%get3A_1066, %get3A_1067] {strides = array<i32>} : memref<128x128xf32, #tpu.memory_space<vmem>>, vector<16xf32>,
        %mul3A_1069 = arith.mulf %get3A_1068, %gather3A_1033 : vector<16xf32>
        %swap3A_1070 = arith.index_cast %add3A_1037 : i32 to index
        %swap3A_1071 = arith.constant 64 : index
        %swap3A_1072 = tpu.vector_load %arg13[%swap3A_1070, %swap3A_1071] {strides = array<i32>} : memref<128x128xf32, #tpu.memory_space<vmem>>, vector<16xf32>,
        tpu.vector_store %arg13[%swap3A_1070, %swap3A_1071], %mul3A_1069 {strides = array<i32>} : memref<128x128xf32, #tpu.memory_space<vmem>>, vector<16xf32>,
        %get3A_1073 = arith.index_cast %add3A_1037 : i32 to index
        %get3A_1074 = arith.constant 80 : index
        %get3A_1075 = tpu.vector_load %arg13[%get3A_1073, %get3A_1074] {strides = array<i32>} : memref<128x128xf32, #tpu.memory_space<vmem>>, vector<16xf32>,
        %mul3A_1076 = arith.mulf %get3A_1075, %gather3A_1033 : vector<16xf32>
        %swap3A_1077 = arith.index_cast %add3A_1037 : i32 to index
        %swap3A_1078 = arith.constant 80 : index
        %swap3A_1079 = tpu.vector_load %arg13[%swap3A_1077, %swap3A_1078] {strides = array<i32>} : memref<128x128xf32, #tpu.memory_space<vmem>>, vector<16xf32>,
        tpu.vector_store %arg13[%swap3A_1077, %swap3A_1078], %mul3A_1076 {strides = array<i32>} : memref<128x128xf32, #tpu.memory_space<vmem>>, vector<16xf32>,
        %get3A_1080 = arith.index_cast %add3A_1037 : i32 to index
        %get3A_1081 = arith.constant 96 : index
        %get3A_1082 = tpu.vector_load %arg13[%get3A_1080, %get3A_1081] {strides = array<i32>} : memref<128x128xf32, #tpu.memory_space<vmem>>, vector<16xf32>,
        %mul3A_1083 = arith.mulf %get3A_1082, %gather3A_1033 : vector<16xf32>
        %swap3A_1084 = arith.index_cast %add3A_1037 : i32 to index
        %swap3A_1085 = arith.constant 96 : index
        %swap3A_1086 = tpu.vector_load %arg13[%swap3A_1084, %swap3A_1085] {strides = array<i32>} : memref<128x128xf32, #tpu.memory_space<vmem>>, vector<16xf32>,
        tpu.vector_store %arg13[%swap3A_1084, %swap3A_1085], %mul3A_1083 {strides = array<i32>} : memref<128x128xf32, #tpu.memory_space<vmem>>, vector<16xf32>,
        %get3A_1087 = arith.index_cast %add3A_1037 : i32 to index
        %get3A_1088 = arith.constant 112 : index
        %get3A_1089 = tpu.vector_load %arg13[%get3A_1087, %get3A_1088] {strides = array<i32>} : memref<128x128xf32, #tpu.memory_space<vmem>>, vector<16xf32>,
        %mul3A_1090 = arith.mulf %get3A_1089, %gather3A_1033 : vector<16xf32>
        %swap3A_1091 = arith.index_cast %add3A_1037 : i32 to index
        %swap3A_1092 = arith.constant 112 : index
        %swap3A_1093 = tpu.vector_load %arg13[%swap3A_1091, %swap3A_1092] {strides = array<i32>} : memref<128x128xf32, #tpu.memory_space<vmem>>, vector<16xf32>,
        tpu.vector_store %arg13[%swap3A_1091, %swap3A_1092], %mul3A_1090 {strides = array<i32>} : memref<128x128xf32, #tpu.memory_space<vmem>>, vector<16xf32>,
        %broadcast_in_dim3A_1094 = arith.constant 10 : i32
        %broadcast_in_dim3A_1095 = vector.broadcast %broadcast_in_dim3A_1094 : i32 to vector<16x1xi32>
        %gather3A_1096 = vector.shape_cast %broadcast_in_dim3A_1095 : vector<16x1xi32> to vector<16xi32>
        %gather3A_1097 = tpu.dynamic_gather %get3A_453[%gather3A_1096] in [0] : vector<16xf32>, vector<16xi32> -> vector<16xf32>
        %mul3A_1098 = arith.constant 16 : i32
        %mul3A_1099 = arith.muli %scan3A_449, %mul3A_1098 : i32
        %add3A_1100 = arith.constant 10 : i32
        %add3A_1101 = arith.addi %mul3A_1099, %add3A_1100 : i32
        %get3A_1102 = arith.index_cast %add3A_1101 : i32 to index
        %get3A_1103 = arith.constant 0 : index
        %get3A_1104 = tpu.vector_load %arg13[%get3A_1102, %get3A_1103] {strides = array<i32>} : memref<128x128xf32, #tpu.memory_space<vmem>>, vector<16xf32>,
        %mul3A_1105 = arith.mulf %get3A_1104, %gather3A_1097 : vector<16xf32>
        %swap3A_1106 = arith.index_cast %add3A_1101 : i32 to index
        %swap3A_1107 = arith.constant 0 : index
        %swap3A_1108 = tpu.vector_load %arg13[%swap3A_1106, %swap3A_1107] {strides = array<i32>} : memref<128x128xf32, #tpu.memory_space<vmem>>, vector<16xf32>,
        tpu.vector_store %arg13[%swap3A_1106, %swap3A_1107], %mul3A_1105 {strides = array<i32>} : memref<128x128xf32, #tpu.memory_space<vmem>>, vector<16xf32>,
        %get3A_1109 = arith.index_cast %add3A_1101 : i32 to index
        %get3A_1110 = arith.constant 16 : index
        %get3A_1111 = tpu.vector_load %arg13[%get3A_1109, %get3A_1110] {strides = array<i32>} : memref<128x128xf32, #tpu.memory_space<vmem>>, vector<16xf32>,
        %mul3A_1112 = arith.mulf %get3A_1111, %gather3A_1097 : vector<16xf32>
        %swap3A_1113 = arith.index_cast %add3A_1101 : i32 to index
        %swap3A_1114 = arith.constant 16 : index
        %swap3A_1115 = tpu.vector_load %arg13[%swap3A_1113, %swap3A_1114] {strides = array<i32>} : memref<128x128xf32, #tpu.memory_space<vmem>>, vector<16xf32>,
        tpu.vector_store %arg13[%swap3A_1113, %swap3A_1114], %mul3A_1112 {strides = array<i32>} : memref<128x128xf32, #tpu.memory_space<vmem>>, vector<16xf32>,
        %get3A_1116 = arith.index_cast %add3A_1101 : i32 to index
        %get3A_1117 = arith.constant 32 : index
        %get3A_1118 = tpu.vector_load %arg13[%get3A_1116, %get3A_1117] {strides = array<i32>} : memref<128x128xf32, #tpu.memory_space<vmem>>, vector<16xf32>,
        %mul3A_1119 = arith.mulf %get3A_1118, %gather3A_1097 : vector<16xf32>
        %swap3A_1120 = arith.index_cast %add3A_1101 : i32 to index
        %swap3A_1121 = arith.constant 32 : index
        %swap3A_1122 = tpu.vector_load %arg13[%swap3A_1120, %swap3A_1121] {strides = array<i32>} : memref<128x128xf32, #tpu.memory_space<vmem>>, vector<16xf32>,
        tpu.vector_store %arg13[%swap3A_1120, %swap3A_1121], %mul3A_1119 {strides = array<i32>} : memref<128x128xf32, #tpu.memory_space<vmem>>, vector<16xf32>,
        %get3A_1123 = arith.index_cast %add3A_1101 : i32 to index
        %get3A_1124 = arith.constant 48 : index
        %get3A_1125 = tpu.vector_load %arg13[%get3A_1123, %get3A_1124] {strides = array<i32>} : memref<128x128xf32, #tpu.memory_space<vmem>>, vector<16xf32>,
        %mul3A_1126 = arith.mulf %get3A_1125, %gather3A_1097 : vector<16xf32>
        %swap3A_1127 = arith.index_cast %add3A_1101 : i32 to index
        %swap3A_1128 = arith.constant 48 : index
        %swap3A_1129 = tpu.vector_load %arg13[%swap3A_1127, %swap3A_1128] {strides = array<i32>} : memref<128x128xf32, #tpu.memory_space<vmem>>, vector<16xf32>,
        tpu.vector_store %arg13[%swap3A_1127, %swap3A_1128], %mul3A_1126 {strides = array<i32>} : memref<128x128xf32, #tpu.memory_space<vmem>>, vector<16xf32>,
        %get3A_1130 = arith.index_cast %add3A_1101 : i32 to index
        %get3A_1131 = arith.constant 64 : index
        %get3A_1132 = tpu.vector_load %arg13[%get3A_1130, %get3A_1131] {strides = array<i32>} : memref<128x128xf32, #tpu.memory_space<vmem>>, vector<16xf32>,
        %mul3A_1133 = arith.mulf %get3A_1132, %gather3A_1097 : vector<16xf32>
        %swap3A_1134 = arith.index_cast %add3A_1101 : i32 to index
        %swap3A_1135 = arith.constant 64 : index
        %swap3A_1136 = tpu.vector_load %arg13[%swap3A_1134, %swap3A_1135] {strides = array<i32>} : memref<128x128xf32, #tpu.memory_space<vmem>>, vector<16xf32>,
        tpu.vector_store %arg13[%swap3A_1134, %swap3A_1135], %mul3A_1133 {strides = array<i32>} : memref<128x128xf32, #tpu.memory_space<vmem>>, vector<16xf32>,
        %get3A_1137 = arith.index_cast %add3A_1101 : i32 to index
        %get3A_1138 = arith.constant 80 : index
        %get3A_1139 = tpu.vector_load %arg13[%get3A_1137, %get3A_1138] {strides = array<i32>} : memref<128x128xf32, #tpu.memory_space<vmem>>, vector<16xf32>,
        %mul3A_1140 = arith.mulf %get3A_1139, %gather3A_1097 : vector<16xf32>
        %swap3A_1141 = arith.index_cast %add3A_1101 : i32 to index
        %swap3A_1142 = arith.constant 80 : index
        %swap3A_1143 = tpu.vector_load %arg13[%swap3A_1141, %swap3A_1142] {strides = array<i32>} : memref<128x128xf32, #tpu.memory_space<vmem>>, vector<16xf32>,
        tpu.vector_store %arg13[%swap3A_1141, %swap3A_1142], %mul3A_1140 {strides = array<i32>} : memref<128x128xf32, #tpu.memory_space<vmem>>, vector<16xf32>,
        %get3A_1144 = arith.index_cast %add3A_1101 : i32 to index
        %get3A_1145 = arith.constant 96 : index
        %get3A_1146 = tpu.vector_load %arg13[%get3A_1144, %get3A_1145] {strides = array<i32>} : memref<128x128xf32, #tpu.memory_space<vmem>>, vector<16xf32>,
        %mul3A_1147 = arith.mulf %get3A_1146, %gather3A_1097 : vector<16xf32>
        %swap3A_1148 = arith.index_cast %add3A_1101 : i32 to index
        %swap3A_1149 = arith.constant 96 : index
        %swap3A_1150 = tpu.vector_load %arg13[%swap3A_1148, %swap3A_1149] {strides = array<i32>} : memref<128x128xf32, #tpu.memory_space<vmem>>, vector<16xf32>,
        tpu.vector_store %arg13[%swap3A_1148, %swap3A_1149], %mul3A_1147 {strides = array<i32>} : memref<128x128xf32, #tpu.memory_space<vmem>>, vector<16xf32>,
        %get3A_1151 = arith.index_cast %add3A_1101 : i32 to index
        %get3A_1152 = arith.constant 112 : index
        %get3A_1153 = tpu.vector_load %arg13[%get3A_1151, %get3A_1152] {strides = array<i32>} : memref<128x128xf32, #tpu.memory_space<vmem>>, vector<16xf32>,
        %mul3A_1154 = arith.mulf %get3A_1153, %gather3A_1097 : vector<16xf32>
        %swap3A_1155 = arith.index_cast %add3A_1101 : i32 to index
        %swap3A_1156 = arith.constant 112 : index
        %swap3A_1157 = tpu.vector_load %arg13[%swap3A_1155, %swap3A_1156] {strides = array<i32>} : memref<128x128xf32, #tpu.memory_space<vmem>>, vector<16xf32>,
        tpu.vector_store %arg13[%swap3A_1155, %swap3A_1156], %mul3A_1154 {strides = array<i32>} : memref<128x128xf32, #tpu.memory_space<vmem>>, vector<16xf32>,
        %broadcast_in_dim3A_1158 = arith.constant 11 : i32
        %broadcast_in_dim3A_1159 = vector.broadcast %broadcast_in_dim3A_1158 : i32 to vector<16x1xi32>
        %gather3A_1160 = vector.shape_cast %broadcast_in_dim3A_1159 : vector<16x1xi32> to vector<16xi32>
        %gather3A_1161 = tpu.dynamic_gather %get3A_453[%gather3A_1160] in [0] : vector<16xf32>, vector<16xi32> -> vector<16xf32>
        %mul3A_1162 = arith.constant 16 : i32
        %mul3A_1163 = arith.muli %scan3A_449, %mul3A_1162 : i32
        %add3A_1164 = arith.constant 11 : i32
        %add3A_1165 = arith.addi %mul3A_1163, %add3A_1164 : i32
        %get3A_1166 = arith.index_cast %add3A_1165 : i32 to index
        %get3A_1167 = arith.constant 0 : index
        %get3A_1168 = tpu.vector_load %arg13[%get3A_1166, %get3A_1167] {strides = array<i32>} : memref<128x128xf32, #tpu.memory_space<vmem>>, vector<16xf32>,
        %mul3A_1169 = arith.mulf %get3A_1168, %gather3A_1161 : vector<16xf32>
        %swap3A_1170 = arith.index_cast %add3A_1165 : i32 to index
        %swap3A_1171 = arith.constant 0 : index
        %swap3A_1172 = tpu.vector_load %arg13[%swap3A_1170, %swap3A_1171] {strides = array<i32>} : memref<128x128xf32, #tpu.memory_space<vmem>>, vector<16xf32>,
        tpu.vector_store %arg13[%swap3A_1170, %swap3A_1171], %mul3A_1169 {strides = array<i32>} : memref<128x128xf32, #tpu.memory_space<vmem>>, vector<16xf32>,
        %get3A_1173 = arith.index_cast %add3A_1165 : i32 to index
        %get3A_1174 = arith.constant 16 : index
        %get3A_1175 = tpu.vector_load %arg13[%get3A_1173, %get3A_1174] {strides = array<i32>} : memref<128x128xf32, #tpu.memory_space<vmem>>, vector<16xf32>,
        %mul3A_1176 = arith.mulf %get3A_1175, %gather3A_1161 : vector<16xf32>
        %swap3A_1177 = arith.index_cast %add3A_1165 : i32 to index
        %swap3A_1178 = arith.constant 16 : index
        %swap3A_1179 = tpu.vector_load %arg13[%swap3A_1177, %swap3A_1178] {strides = array<i32>} : memref<128x128xf32, #tpu.memory_space<vmem>>, vector<16xf32>,
        tpu.vector_store %arg13[%swap3A_1177, %swap3A_1178], %mul3A_1176 {strides = array<i32>} : memref<128x128xf32, #tpu.memory_space<vmem>>, vector<16xf32>,
        %get3A_1180 = arith.index_cast %add3A_1165 : i32 to index
        %get3A_1181 = arith.constant 32 : index
        %get3A_1182 = tpu.vector_load %arg13[%get3A_1180, %get3A_1181] {strides = array<i32>} : memref<128x128xf32, #tpu.memory_space<vmem>>, vector<16xf32>,
        %mul3A_1183 = arith.mulf %get3A_1182, %gather3A_1161 : vector<16xf32>
        %swap3A_1184 = arith.index_cast %add3A_1165 : i32 to index
        %swap3A_1185 = arith.constant 32 : index
        %swap3A_1186 = tpu.vector_load %arg13[%swap3A_1184, %swap3A_1185] {strides = array<i32>} : memref<128x128xf32, #tpu.memory_space<vmem>>, vector<16xf32>,
        tpu.vector_store %arg13[%swap3A_1184, %swap3A_1185], %mul3A_1183 {strides = array<i32>} : memref<128x128xf32, #tpu.memory_space<vmem>>, vector<16xf32>,
        %get3A_1187 = arith.index_cast %add3A_1165 : i32 to index
        %get3A_1188 = arith.constant 48 : index
        %get3A_1189 = tpu.vector_load %arg13[%get3A_1187, %get3A_1188] {strides = array<i32>} : memref<128x128xf32, #tpu.memory_space<vmem>>, vector<16xf32>,
        %mul3A_1190 = arith.mulf %get3A_1189, %gather3A_1161 : vector<16xf32>
        %swap3A_1191 = arith.index_cast %add3A_1165 : i32 to index
        %swap3A_1192 = arith.constant 48 : index
        %swap3A_1193 = tpu.vector_load %arg13[%swap3A_1191, %swap3A_1192] {strides = array<i32>} : memref<128x128xf32, #tpu.memory_space<vmem>>, vector<16xf32>,
        tpu.vector_store %arg13[%swap3A_1191, %swap3A_1192], %mul3A_1190 {strides = array<i32>} : memref<128x128xf32, #tpu.memory_space<vmem>>, vector<16xf32>,
        %get3A_1194 = arith.index_cast %add3A_1165 : i32 to index
        %get3A_1195 = arith.constant 64 : index
        %get3A_1196 = tpu.vector_load %arg13[%get3A_1194, %get3A_1195] {strides = array<i32>} : memref<128x128xf32, #tpu.memory_space<vmem>>, vector<16xf32>,
        %mul3A_1197 = arith.mulf %get3A_1196, %gather3A_1161 : vector<16xf32>
        %swap3A_1198 = arith.index_cast %add3A_1165 : i32 to index
        %swap3A_1199 = arith.constant 64 : index
        %swap3A_1200 = tpu.vector_load %arg13[%swap3A_1198, %swap3A_1199] {strides = array<i32>} : memref<128x128xf32, #tpu.memory_space<vmem>>, vector<16xf32>,
        tpu.vector_store %arg13[%swap3A_1198, %swap3A_1199], %mul3A_1197 {strides = array<i32>} : memref<128x128xf32, #tpu.memory_space<vmem>>, vector<16xf32>,
        %get3A_1201 = arith.index_cast %add3A_1165 : i32 to index
        %get3A_1202 = arith.constant 80 : index
        %get3A_1203 = tpu.vector_load %arg13[%get3A_1201, %get3A_1202] {strides = array<i32>} : memref<128x128xf32, #tpu.memory_space<vmem>>, vector<16xf32>,
        %mul3A_1204 = arith.mulf %get3A_1203, %gather3A_1161 : vector<16xf32>
        %swap3A_1205 = arith.index_cast %add3A_1165 : i32 to index
        %swap3A_1206 = arith.constant 80 : index
        %swap3A_1207 = tpu.vector_load %arg13[%swap3A_1205, %swap3A_1206] {strides = array<i32>} : memref<128x128xf32, #tpu.memory_space<vmem>>, vector<16xf32>,
        tpu.vector_store %arg13[%swap3A_1205, %swap3A_1206], %mul3A_1204 {strides = array<i32>} : memref<128x128xf32, #tpu.memory_space<vmem>>, vector<16xf32>,
        %get3A_1208 = arith.index_cast %add3A_1165 : i32 to index
        %get3A_1209 = arith.constant 96 : index
        %get3A_1210 = tpu.vector_load %arg13[%get3A_1208, %get3A_1209] {strides = array<i32>} : memref<128x128xf32, #tpu.memory_space<vmem>>, vector<16xf32>,
        %mul3A_1211 = arith.mulf %get3A_1210, %gather3A_1161 : vector<16xf32>
        %swap3A_1212 = arith.index_cast %add3A_1165 : i32 to index
        %swap3A_1213 = arith.constant 96 : index
        %swap3A_1214 = tpu.vector_load %arg13[%swap3A_1212, %swap3A_1213] {strides = array<i32>} : memref<128x128xf32, #tpu.memory_space<vmem>>, vector<16xf32>,
        tpu.vector_store %arg13[%swap3A_1212, %swap3A_1213], %mul3A_1211 {strides = array<i32>} : memref<128x128xf32, #tpu.memory_space<vmem>>, vector<16xf32>,
        %get3A_1215 = arith.index_cast %add3A_1165 : i32 to index
        %get3A_1216 = arith.constant 112 : index
        %get3A_1217 = tpu.vector_load %arg13[%get3A_1215, %get3A_1216] {strides = array<i32>} : memref<128x128xf32, #tpu.memory_space<vmem>>, vector<16xf32>,
        %mul3A_1218 = arith.mulf %get3A_1217, %gather3A_1161 : vector<16xf32>
        %swap3A_1219 = arith.index_cast %add3A_1165 : i32 to index
        %swap3A_1220 = arith.constant 112 : index
        %swap3A_1221 = tpu.vector_load %arg13[%swap3A_1219, %swap3A_1220] {strides = array<i32>} : memref<128x128xf32, #tpu.memory_space<vmem>>, vector<16xf32>,
        tpu.vector_store %arg13[%swap3A_1219, %swap3A_1220], %mul3A_1218 {strides = array<i32>} : memref<128x128xf32, #tpu.memory_space<vmem>>, vector<16xf32>,
        %broadcast_in_dim3A_1222 = arith.constant 12 : i32
        %broadcast_in_dim3A_1223 = vector.broadcast %broadcast_in_dim3A_1222 : i32 to vector<16x1xi32>
        %gather3A_1224 = vector.shape_cast %broadcast_in_dim3A_1223 : vector<16x1xi32> to vector<16xi32>
        %gather3A_1225 = tpu.dynamic_gather %get3A_453[%gather3A_1224] in [0] : vector<16xf32>, vector<16xi32> -> vector<16xf32>
        %mul3A_1226 = arith.constant 16 : i32
        %mul3A_1227 = arith.muli %scan3A_449, %mul3A_1226 : i32
        %add3A_1228 = arith.constant 12 : i32
        %add3A_1229 = arith.addi %mul3A_1227, %add3A_1228 : i32
        %get3A_1230 = arith.index_cast %add3A_1229 : i32 to index
        %get3A_1231 = arith.constant 0 : index
        %get3A_1232 = tpu.vector_load %arg13[%get3A_1230, %get3A_1231] {strides = array<i32>} : memref<128x128xf32, #tpu.memory_space<vmem>>, vector<16xf32>,
        %mul3A_1233 = arith.mulf %get3A_1232, %gather3A_1225 : vector<16xf32>
        %swap3A_1234 = arith.index_cast %add3A_1229 : i32 to index
        %swap3A_1235 = arith.constant 0 : index
        %swap3A_1236 = tpu.vector_load %arg13[%swap3A_1234, %swap3A_1235] {strides = array<i32>} : memref<128x128xf32, #tpu.memory_space<vmem>>, vector<16xf32>,
        tpu.vector_store %arg13[%swap3A_1234, %swap3A_1235], %mul3A_1233 {strides = array<i32>} : memref<128x128xf32, #tpu.memory_space<vmem>>, vector<16xf32>,
        %get3A_1237 = arith.index_cast %add3A_1229 : i32 to index
        %get3A_1238 = arith.constant 16 : index
        %get3A_1239 = tpu.vector_load %arg13[%get3A_1237, %get3A_1238] {strides = array<i32>} : memref<128x128xf32, #tpu.memory_space<vmem>>, vector<16xf32>,
        %mul3A_1240 = arith.mulf %get3A_1239, %gather3A_1225 : vector<16xf32>
        %swap3A_1241 = arith.index_cast %add3A_1229 : i32 to index
        %swap3A_1242 = arith.constant 16 : index
        %swap3A_1243 = tpu.vector_load %arg13[%swap3A_1241, %swap3A_1242] {strides = array<i32>} : memref<128x128xf32, #tpu.memory_space<vmem>>, vector<16xf32>,
        tpu.vector_store %arg13[%swap3A_1241, %swap3A_1242], %mul3A_1240 {strides = array<i32>} : memref<128x128xf32, #tpu.memory_space<vmem>>, vector<16xf32>,
        %get3A_1244 = arith.index_cast %add3A_1229 : i32 to index
        %get3A_1245 = arith.constant 32 : index
        %get3A_1246 = tpu.vector_load %arg13[%get3A_1244, %get3A_1245] {strides = array<i32>} : memref<128x128xf32, #tpu.memory_space<vmem>>, vector<16xf32>,
        %mul3A_1247 = arith.mulf %get3A_1246, %gather3A_1225 : vector<16xf32>
        %swap3A_1248 = arith.index_cast %add3A_1229 : i32 to index
        %swap3A_1249 = arith.constant 32 : index
        %swap3A_1250 = tpu.vector_load %arg13[%swap3A_1248, %swap3A_1249] {strides = array<i32>} : memref<128x128xf32, #tpu.memory_space<vmem>>, vector<16xf32>,
        tpu.vector_store %arg13[%swap3A_1248, %swap3A_1249], %mul3A_1247 {strides = array<i32>} : memref<128x128xf32, #tpu.memory_space<vmem>>, vector<16xf32>,
        %get3A_1251 = arith.index_cast %add3A_1229 : i32 to index
        %get3A_1252 = arith.constant 48 : index
        %get3A_1253 = tpu.vector_load %arg13[%get3A_1251, %get3A_1252] {strides = array<i32>} : memref<128x128xf32, #tpu.memory_space<vmem>>, vector<16xf32>,
        %mul3A_1254 = arith.mulf %get3A_1253, %gather3A_1225 : vector<16xf32>
        %swap3A_1255 = arith.index_cast %add3A_1229 : i32 to index
        %swap3A_1256 = arith.constant 48 : index
        %swap3A_1257 = tpu.vector_load %arg13[%swap3A_1255, %swap3A_1256] {strides = array<i32>} : memref<128x128xf32, #tpu.memory_space<vmem>>, vector<16xf32>,
        tpu.vector_store %arg13[%swap3A_1255, %swap3A_1256], %mul3A_1254 {strides = array<i32>} : memref<128x128xf32, #tpu.memory_space<vmem>>, vector<16xf32>,
        %get3A_1258 = arith.index_cast %add3A_1229 : i32 to index
        %get3A_1259 = arith.constant 64 : index
        %get3A_1260 = tpu.vector_load %arg13[%get3A_1258, %get3A_1259] {strides = array<i32>} : memref<128x128xf32, #tpu.memory_space<vmem>>, vector<16xf32>,
        %mul3A_1261 = arith.mulf %get3A_1260, %gather3A_1225 : vector<16xf32>
        %swap3A_1262 = arith.index_cast %add3A_1229 : i32 to index
        %swap3A_1263 = arith.constant 64 : index
        %swap3A_1264 = tpu.vector_load %arg13[%swap3A_1262, %swap3A_1263] {strides = array<i32>} : memref<128x128xf32, #tpu.memory_space<vmem>>, vector<16xf32>,
        tpu.vector_store %arg13[%swap3A_1262, %swap3A_1263], %mul3A_1261 {strides = array<i32>} : memref<128x128xf32, #tpu.memory_space<vmem>>, vector<16xf32>,
        %get3A_1265 = arith.index_cast %add3A_1229 : i32 to index
        %get3A_1266 = arith.constant 80 : index
        %get3A_1267 = tpu.vector_load %arg13[%get3A_1265, %get3A_1266] {strides = array<i32>} : memref<128x128xf32, #tpu.memory_space<vmem>>, vector<16xf32>,
        %mul3A_1268 = arith.mulf %get3A_1267, %gather3A_1225 : vector<16xf32>
        %swap3A_1269 = arith.index_cast %add3A_1229 : i32 to index
        %swap3A_1270 = arith.constant 80 : index
        %swap3A_1271 = tpu.vector_load %arg13[%swap3A_1269, %swap3A_1270] {strides = array<i32>} : memref<128x128xf32, #tpu.memory_space<vmem>>, vector<16xf32>,
        tpu.vector_store %arg13[%swap3A_1269, %swap3A_1270], %mul3A_1268 {strides = array<i32>} : memref<128x128xf32, #tpu.memory_space<vmem>>, vector<16xf32>,
        %get3A_1272 = arith.index_cast %add3A_1229 : i32 to index
        %get3A_1273 = arith.constant 96 : index
        %get3A_1274 = tpu.vector_load %arg13[%get3A_1272, %get3A_1273] {strides = array<i32>} : memref<128x128xf32, #tpu.memory_space<vmem>>, vector<16xf32>,
        %mul3A_1275 = arith.mulf %get3A_1274, %gather3A_1225 : vector<16xf32>
        %swap3A_1276 = arith.index_cast %add3A_1229 : i32 to index
        %swap3A_1277 = arith.constant 96 : index
        %swap3A_1278 = tpu.vector_load %arg13[%swap3A_1276, %swap3A_1277] {strides = array<i32>} : memref<128x128xf32, #tpu.memory_space<vmem>>, vector<16xf32>,
        tpu.vector_store %arg13[%swap3A_1276, %swap3A_1277], %mul3A_1275 {strides = array<i32>} : memref<128x128xf32, #tpu.memory_space<vmem>>, vector<16xf32>,
        %get3A_1279 = arith.index_cast %add3A_1229 : i32 to index
        %get3A_1280 = arith.constant 112 : index
        %get3A_1281 = tpu.vector_load %arg13[%get3A_1279, %get3A_1280] {strides = array<i32>} : memref<128x128xf32, #tpu.memory_space<vmem>>, vector<16xf32>,
        %mul3A_1282 = arith.mulf %get3A_1281, %gather3A_1225 : vector<16xf32>
        %swap3A_1283 = arith.index_cast %add3A_1229 : i32 to index
        %swap3A_1284 = arith.constant 112 : index
        %swap3A_1285 = tpu.vector_load %arg13[%swap3A_1283, %swap3A_1284] {strides = array<i32>} : memref<128x128xf32, #tpu.memory_space<vmem>>, vector<16xf32>,
        tpu.vector_store %arg13[%swap3A_1283, %swap3A_1284], %mul3A_1282 {strides = array<i32>} : memref<128x128xf32, #tpu.memory_space<vmem>>, vector<16xf32>,
        %broadcast_in_dim3A_1286 = arith.constant 13 : i32
        %broadcast_in_dim3A_1287 = vector.broadcast %broadcast_in_dim3A_1286 : i32 to vector<16x1xi32>
        %gather3A_1288 = vector.shape_cast %broadcast_in_dim3A_1287 : vector<16x1xi32> to vector<16xi32>
        %gather3A_1289 = tpu.dynamic_gather %get3A_453[%gather3A_1288] in [0] : vector<16xf32>, vector<16xi32> -> vector<16xf32>
        %mul3A_1290 = arith.constant 16 : i32
        %mul3A_1291 = arith.muli %scan3A_449, %mul3A_1290 : i32
        %add3A_1292 = arith.constant 13 : i32
        %add3A_1293 = arith.addi %mul3A_1291, %add3A_1292 : i32
        %get3A_1294 = arith.index_cast %add3A_1293 : i32 to index
        %get3A_1295 = arith.constant 0 : index
        %get3A_1296 = tpu.vector_load %arg13[%get3A_1294, %get3A_1295] {strides = array<i32>} : memref<128x128xf32, #tpu.memory_space<vmem>>, vector<16xf32>,
        %mul3A_1297 = arith.mulf %get3A_1296, %gather3A_1289 : vector<16xf32>
        %swap3A_1298 = arith.index_cast %add3A_1293 : i32 to index
        %swap3A_1299 = arith.constant 0 : index
        %swap3A_1300 = tpu.vector_load %arg13[%swap3A_1298, %swap3A_1299] {strides = array<i32>} : memref<128x128xf32, #tpu.memory_space<vmem>>, vector<16xf32>,
        tpu.vector_store %arg13[%swap3A_1298, %swap3A_1299], %mul3A_1297 {strides = array<i32>} : memref<128x128xf32, #tpu.memory_space<vmem>>, vector<16xf32>,
        %get3A_1301 = arith.index_cast %add3A_1293 : i32 to index
        %get3A_1302 = arith.constant 16 : index
        %get3A_1303 = tpu.vector_load %arg13[%get3A_1301, %get3A_1302] {strides = array<i32>} : memref<128x128xf32, #tpu.memory_space<vmem>>, vector<16xf32>,
        %mul3A_1304 = arith.mulf %get3A_1303, %gather3A_1289 : vector<16xf32>
        %swap3A_1305 = arith.index_cast %add3A_1293 : i32 to index
        %swap3A_1306 = arith.constant 16 : index
        %swap3A_1307 = tpu.vector_load %arg13[%swap3A_1305, %swap3A_1306] {strides = array<i32>} : memref<128x128xf32, #tpu.memory_space<vmem>>, vector<16xf32>,
        tpu.vector_store %arg13[%swap3A_1305, %swap3A_1306], %mul3A_1304 {strides = array<i32>} : memref<128x128xf32, #tpu.memory_space<vmem>>, vector<16xf32>,
        %get3A_1308 = arith.index_cast %add3A_1293 : i32 to index
        %get3A_1309 = arith.constant 32 : index
        %get3A_1310 = tpu.vector_load %arg13[%get3A_1308, %get3A_1309] {strides = array<i32>} : memref<128x128xf32, #tpu.memory_space<vmem>>, vector<16xf32>,
        %mul3A_1311 = arith.mulf %get3A_1310, %gather3A_1289 : vector<16xf32>
        %swap3A_1312 = arith.index_cast %add3A_1293 : i32 to index
        %swap3A_1313 = arith.constant 32 : index
        %swap3A_1314 = tpu.vector_load %arg13[%swap3A_1312, %swap3A_1313] {strides = array<i32>} : memref<128x128xf32, #tpu.memory_space<vmem>>, vector<16xf32>,
        tpu.vector_store %arg13[%swap3A_1312, %swap3A_1313], %mul3A_1311 {strides = array<i32>} : memref<128x128xf32, #tpu.memory_space<vmem>>, vector<16xf32>,
        %get3A_1315 = arith.index_cast %add3A_1293 : i32 to index
        %get3A_1316 = arith.constant 48 : index
        %get3A_1317 = tpu.vector_load %arg13[%get3A_1315, %get3A_1316] {strides = array<i32>} : memref<128x128xf32, #tpu.memory_space<vmem>>, vector<16xf32>,
        %mul3A_1318 = arith.mulf %get3A_1317, %gather3A_1289 : vector<16xf32>
        %swap3A_1319 = arith.index_cast %add3A_1293 : i32 to index
        %swap3A_1320 = arith.constant 48 : index
        %swap3A_1321 = tpu.vector_load %arg13[%swap3A_1319, %swap3A_1320] {strides = array<i32>} : memref<128x128xf32, #tpu.memory_space<vmem>>, vector<16xf32>,
        tpu.vector_store %arg13[%swap3A_1319, %swap3A_1320], %mul3A_1318 {strides = array<i32>} : memref<128x128xf32, #tpu.memory_space<vmem>>, vector<16xf32>,
        %get3A_1322 = arith.index_cast %add3A_1293 : i32 to index
        %get3A_1323 = arith.constant 64 : index
        %get3A_1324 = tpu.vector_load %arg13[%get3A_1322, %get3A_1323] {strides = array<i32>} : memref<128x128xf32, #tpu.memory_space<vmem>>, vector<16xf32>,
        %mul3A_1325 = arith.mulf %get3A_1324, %gather3A_1289 : vector<16xf32>
        %swap3A_1326 = arith.index_cast %add3A_1293 : i32 to index
        %swap3A_1327 = arith.constant 64 : index
        %swap3A_1328 = tpu.vector_load %arg13[%swap3A_1326, %swap3A_1327] {strides = array<i32>} : memref<128x128xf32, #tpu.memory_space<vmem>>, vector<16xf32>,
        tpu.vector_store %arg13[%swap3A_1326, %swap3A_1327], %mul3A_1325 {strides = array<i32>} : memref<128x128xf32, #tpu.memory_space<vmem>>, vector<16xf32>,
        %get3A_1329 = arith.index_cast %add3A_1293 : i32 to index
        %get3A_1330 = arith.constant 80 : index
        %get3A_1331 = tpu.vector_load %arg13[%get3A_1329, %get3A_1330] {strides = array<i32>} : memref<128x128xf32, #tpu.memory_space<vmem>>, vector<16xf32>,
        %mul3A_1332 = arith.mulf %get3A_1331, %gather3A_1289 : vector<16xf32>
        %swap3A_1333 = arith.index_cast %add3A_1293 : i32 to index
        %swap3A_1334 = arith.constant 80 : index
        %swap3A_1335 = tpu.vector_load %arg13[%swap3A_1333, %swap3A_1334] {strides = array<i32>} : memref<128x128xf32, #tpu.memory_space<vmem>>, vector<16xf32>,
        tpu.vector_store %arg13[%swap3A_1333, %swap3A_1334], %mul3A_1332 {strides = array<i32>} : memref<128x128xf32, #tpu.memory_space<vmem>>, vector<16xf32>,
        %get3A_1336 = arith.index_cast %add3A_1293 : i32 to index
        %get3A_1337 = arith.constant 96 : index
        %get3A_1338 = tpu.vector_load %arg13[%get3A_1336, %get3A_1337] {strides = array<i32>} : memref<128x128xf32, #tpu.memory_space<vmem>>, vector<16xf32>,
        %mul3A_1339 = arith.mulf %get3A_1338, %gather3A_1289 : vector<16xf32>
        %swap3A_1340 = arith.index_cast %add3A_1293 : i32 to index
        %swap3A_1341 = arith.constant 96 : index
        %swap3A_1342 = tpu.vector_load %arg13[%swap3A_1340, %swap3A_1341] {strides = array<i32>} : memref<128x128xf32, #tpu.memory_space<vmem>>, vector<16xf32>,
        tpu.vector_store %arg13[%swap3A_1340, %swap3A_1341], %mul3A_1339 {strides = array<i32>} : memref<128x128xf32, #tpu.memory_space<vmem>>, vector<16xf32>,
        %get3A_1343 = arith.index_cast %add3A_1293 : i32 to index
        %get3A_1344 = arith.constant 112 : index
        %get3A_1345 = tpu.vector_load %arg13[%get3A_1343, %get3A_1344] {strides = array<i32>} : memref<128x128xf32, #tpu.memory_space<vmem>>, vector<16xf32>,
        %mul3A_1346 = arith.mulf %get3A_1345, %gather3A_1289 : vector<16xf32>
        %swap3A_1347 = arith.index_cast %add3A_1293 : i32 to index
        %swap3A_1348 = arith.constant 112 : index
        %swap3A_1349 = tpu.vector_load %arg13[%swap3A_1347, %swap3A_1348] {strides = array<i32>} : memref<128x128xf32, #tpu.memory_space<vmem>>, vector<16xf32>,
        tpu.vector_store %arg13[%swap3A_1347, %swap3A_1348], %mul3A_1346 {strides = array<i32>} : memref<128x128xf32, #tpu.memory_space<vmem>>, vector<16xf32>,
        %broadcast_in_dim3A_1350 = arith.constant 14 : i32
        %broadcast_in_dim3A_1351 = vector.broadcast %broadcast_in_dim3A_1350 : i32 to vector<16x1xi32>
        %gather3A_1352 = vector.shape_cast %broadcast_in_dim3A_1351 : vector<16x1xi32> to vector<16xi32>
        %gather3A_1353 = tpu.dynamic_gather %get3A_453[%gather3A_1352] in [0] : vector<16xf32>, vector<16xi32> -> vector<16xf32>
        %mul3A_1354 = arith.constant 16 : i32
        %mul3A_1355 = arith.muli %scan3A_449, %mul3A_1354 : i32
        %add3A_1356 = arith.constant 14 : i32
        %add3A_1357 = arith.addi %mul3A_1355, %add3A_1356 : i32
        %get3A_1358 = arith.index_cast %add3A_1357 : i32 to index
        %get3A_1359 = arith.constant 0 : index
        %get3A_1360 = tpu.vector_load %arg13[%get3A_1358, %get3A_1359] {strides = array<i32>} : memref<128x128xf32, #tpu.memory_space<vmem>>, vector<16xf32>,
        %mul3A_1361 = arith.mulf %get3A_1360, %gather3A_1353 : vector<16xf32>
        %swap3A_1362 = arith.index_cast %add3A_1357 : i32 to index
        %swap3A_1363 = arith.constant 0 : index
        %swap3A_1364 = tpu.vector_load %arg13[%swap3A_1362, %swap3A_1363] {strides = array<i32>} : memref<128x128xf32, #tpu.memory_space<vmem>>, vector<16xf32>,
        tpu.vector_store %arg13[%swap3A_1362, %swap3A_1363], %mul3A_1361 {strides = array<i32>} : memref<128x128xf32, #tpu.memory_space<vmem>>, vector<16xf32>,
        %get3A_1365 = arith.index_cast %add3A_1357 : i32 to index
        %get3A_1366 = arith.constant 16 : index
        %get3A_1367 = tpu.vector_load %arg13[%get3A_1365, %get3A_1366] {strides = array<i32>} : memref<128x128xf32, #tpu.memory_space<vmem>>, vector<16xf32>,
        %mul3A_1368 = arith.mulf %get3A_1367, %gather3A_1353 : vector<16xf32>
        %swap3A_1369 = arith.index_cast %add3A_1357 : i32 to index
        %swap3A_1370 = arith.constant 16 : index
        %swap3A_1371 = tpu.vector_load %arg13[%swap3A_1369, %swap3A_1370] {strides = array<i32>} : memref<128x128xf32, #tpu.memory_space<vmem>>, vector<16xf32>,
        tpu.vector_store %arg13[%swap3A_1369, %swap3A_1370], %mul3A_1368 {strides = array<i32>} : memref<128x128xf32, #tpu.memory_space<vmem>>, vector<16xf32>,
        %get3A_1372 = arith.index_cast %add3A_1357 : i32 to index
        %get3A_1373 = arith.constant 32 : index
        %get3A_1374 = tpu.vector_load %arg13[%get3A_1372, %get3A_1373] {strides = array<i32>} : memref<128x128xf32, #tpu.memory_space<vmem>>, vector<16xf32>,
        %mul3A_1375 = arith.mulf %get3A_1374, %gather3A_1353 : vector<16xf32>
        %swap3A_1376 = arith.index_cast %add3A_1357 : i32 to index
        %swap3A_1377 = arith.constant 32 : index
        %swap3A_1378 = tpu.vector_load %arg13[%swap3A_1376, %swap3A_1377] {strides = array<i32>} : memref<128x128xf32, #tpu.memory_space<vmem>>, vector<16xf32>,
        tpu.vector_store %arg13[%swap3A_1376, %swap3A_1377], %mul3A_1375 {strides = array<i32>} : memref<128x128xf32, #tpu.memory_space<vmem>>, vector<16xf32>,
        %get3A_1379 = arith.index_cast %add3A_1357 : i32 to index
        %get3A_1380 = arith.constant 48 : index
        %get3A_1381 = tpu.vector_load %arg13[%get3A_1379, %get3A_1380] {strides = array<i32>} : memref<128x128xf32, #tpu.memory_space<vmem>>, vector<16xf32>,
        %mul3A_1382 = arith.mulf %get3A_1381, %gather3A_1353 : vector<16xf32>
        %swap3A_1383 = arith.index_cast %add3A_1357 : i32 to index
        %swap3A_1384 = arith.constant 48 : index
        %swap3A_1385 = tpu.vector_load %arg13[%swap3A_1383, %swap3A_1384] {strides = array<i32>} : memref<128x128xf32, #tpu.memory_space<vmem>>, vector<16xf32>,
        tpu.vector_store %arg13[%swap3A_1383, %swap3A_1384], %mul3A_1382 {strides = array<i32>} : memref<128x128xf32, #tpu.memory_space<vmem>>, vector<16xf32>,
        %get3A_1386 = arith.index_cast %add3A_1357 : i32 to index
        %get3A_1387 = arith.constant 64 : index
        %get3A_1388 = tpu.vector_load %arg13[%get3A_1386, %get3A_1387] {strides = array<i32>} : memref<128x128xf32, #tpu.memory_space<vmem>>, vector<16xf32>,
        %mul3A_1389 = arith.mulf %get3A_1388, %gather3A_1353 : vector<16xf32>
        %swap3A_1390 = arith.index_cast %add3A_1357 : i32 to index
        %swap3A_1391 = arith.constant 64 : index
        %swap3A_1392 = tpu.vector_load %arg13[%swap3A_1390, %swap3A_1391] {strides = array<i32>} : memref<128x128xf32, #tpu.memory_space<vmem>>, vector<16xf32>,
        tpu.vector_store %arg13[%swap3A_1390, %swap3A_1391], %mul3A_1389 {strides = array<i32>} : memref<128x128xf32, #tpu.memory_space<vmem>>, vector<16xf32>,
        %get3A_1393 = arith.index_cast %add3A_1357 : i32 to index
        %get3A_1394 = arith.constant 80 : index
        %get3A_1395 = tpu.vector_load %arg13[%get3A_1393, %get3A_1394] {strides = array<i32>} : memref<128x128xf32, #tpu.memory_space<vmem>>, vector<16xf32>,
        %mul3A_1396 = arith.mulf %get3A_1395, %gather3A_1353 : vector<16xf32>
        %swap3A_1397 = arith.index_cast %add3A_1357 : i32 to index
        %swap3A_1398 = arith.constant 80 : index
        %swap3A_1399 = tpu.vector_load %arg13[%swap3A_1397, %swap3A_1398] {strides = array<i32>} : memref<128x128xf32, #tpu.memory_space<vmem>>, vector<16xf32>,
        tpu.vector_store %arg13[%swap3A_1397, %swap3A_1398], %mul3A_1396 {strides = array<i32>} : memref<128x128xf32, #tpu.memory_space<vmem>>, vector<16xf32>,
        %get3A_1400 = arith.index_cast %add3A_1357 : i32 to index
        %get3A_1401 = arith.constant 96 : index
        %get3A_1402 = tpu.vector_load %arg13[%get3A_1400, %get3A_1401] {strides = array<i32>} : memref<128x128xf32, #tpu.memory_space<vmem>>, vector<16xf32>,
        %mul3A_1403 = arith.mulf %get3A_1402, %gather3A_1353 : vector<16xf32>
        %swap3A_1404 = arith.index_cast %add3A_1357 : i32 to index
        %swap3A_1405 = arith.constant 96 : index
        %swap3A_1406 = tpu.vector_load %arg13[%swap3A_1404, %swap3A_1405] {strides = array<i32>} : memref<128x128xf32, #tpu.memory_space<vmem>>, vector<16xf32>,
        tpu.vector_store %arg13[%swap3A_1404, %swap3A_1405], %mul3A_1403 {strides = array<i32>} : memref<128x128xf32, #tpu.memory_space<vmem>>, vector<16xf32>,
        %get3A_1407 = arith.index_cast %add3A_1357 : i32 to index
        %get3A_1408 = arith.constant 112 : index
        %get3A_1409 = tpu.vector_load %arg13[%get3A_1407, %get3A_1408] {strides = array<i32>} : memref<128x128xf32, #tpu.memory_space<vmem>>, vector<16xf32>,
        %mul3A_1410 = arith.mulf %get3A_1409, %gather3A_1353 : vector<16xf32>
        %swap3A_1411 = arith.index_cast %add3A_1357 : i32 to index
        %swap3A_1412 = arith.constant 112 : index
        %swap3A_1413 = tpu.vector_load %arg13[%swap3A_1411, %swap3A_1412] {strides = array<i32>} : memref<128x128xf32, #tpu.memory_space<vmem>>, vector<16xf32>,
        tpu.vector_store %arg13[%swap3A_1411, %swap3A_1412], %mul3A_1410 {strides = array<i32>} : memref<128x128xf32, #tpu.memory_space<vmem>>, vector<16xf32>,
        %broadcast_in_dim3A_1414 = arith.constant 15 : i32
        %broadcast_in_dim3A_1415 = vector.broadcast %broadcast_in_dim3A_1414 : i32 to vector<16x1xi32>
        %gather3A_1416 = vector.shape_cast %broadcast_in_dim3A_1415 : vector<16x1xi32> to vector<16xi32>
        %gather3A_1417 = tpu.dynamic_gather %get3A_453[%gather3A_1416] in [0] : vector<16xf32>, vector<16xi32> -> vector<16xf32>
        %mul3A_1418 = arith.constant 16 : i32
        %mul3A_1419 = arith.muli %scan3A_449, %mul3A_1418 : i32
        %add3A_1420 = arith.constant 15 : i32
        %add3A_1421 = arith.addi %mul3A_1419, %add3A_1420 : i32
        %get3A_1422 = arith.index_cast %add3A_1421 : i32 to index
        %get3A_1423 = arith.constant 0 : index
        %get3A_1424 = tpu.vector_load %arg13[%get3A_1422, %get3A_1423] {strides = array<i32>} : memref<128x128xf32, #tpu.memory_space<vmem>>, vector<16xf32>,
        %mul3A_1425 = arith.mulf %get3A_1424, %gather3A_1417 : vector<16xf32>
        %swap3A_1426 = arith.index_cast %add3A_1421 : i32 to index
        %swap3A_1427 = arith.constant 0 : index
        %swap3A_1428 = tpu.vector_load %arg13[%swap3A_1426, %swap3A_1427] {strides = array<i32>} : memref<128x128xf32, #tpu.memory_space<vmem>>, vector<16xf32>,
        tpu.vector_store %arg13[%swap3A_1426, %swap3A_1427], %mul3A_1425 {strides = array<i32>} : memref<128x128xf32, #tpu.memory_space<vmem>>, vector<16xf32>,
        %get3A_1429 = arith.index_cast %add3A_1421 : i32 to index
        %get3A_1430 = arith.constant 16 : index
        %get3A_1431 = tpu.vector_load %arg13[%get3A_1429, %get3A_1430] {strides = array<i32>} : memref<128x128xf32, #tpu.memory_space<vmem>>, vector<16xf32>,
        %mul3A_1432 = arith.mulf %get3A_1431, %gather3A_1417 : vector<16xf32>
        %swap3A_1433 = arith.index_cast %add3A_1421 : i32 to index
        %swap3A_1434 = arith.constant 16 : index
        %swap3A_1435 = tpu.vector_load %arg13[%swap3A_1433, %swap3A_1434] {strides = array<i32>} : memref<128x128xf32, #tpu.memory_space<vmem>>, vector<16xf32>,
        tpu.vector_store %arg13[%swap3A_1433, %swap3A_1434], %mul3A_1432 {strides = array<i32>} : memref<128x128xf32, #tpu.memory_space<vmem>>, vector<16xf32>,
        %get3A_1436 = arith.index_cast %add3A_1421 : i32 to index
        %get3A_1437 = arith.constant 32 : index
        %get3A_1438 = tpu.vector_load %arg13[%get3A_1436, %get3A_1437] {strides = array<i32>} : memref<128x128xf32, #tpu.memory_space<vmem>>, vector<16xf32>,
        %mul3A_1439 = arith.mulf %get3A_1438, %gather3A_1417 : vector<16xf32>
        %swap3A_1440 = arith.index_cast %add3A_1421 : i32 to index
        %swap3A_1441 = arith.constant 32 : index
        %swap3A_1442 = tpu.vector_load %arg13[%swap3A_1440, %swap3A_1441] {strides = array<i32>} : memref<128x128xf32, #tpu.memory_space<vmem>>, vector<16xf32>,
        tpu.vector_store %arg13[%swap3A_1440, %swap3A_1441], %mul3A_1439 {strides = array<i32>} : memref<128x128xf32, #tpu.memory_space<vmem>>, vector<16xf32>,
        %get3A_1443 = arith.index_cast %add3A_1421 : i32 to index
        %get3A_1444 = arith.constant 48 : index
        %get3A_1445 = tpu.vector_load %arg13[%get3A_1443, %get3A_1444] {strides = array<i32>} : memref<128x128xf32, #tpu.memory_space<vmem>>, vector<16xf32>,
        %mul3A_1446 = arith.mulf %get3A_1445, %gather3A_1417 : vector<16xf32>
        %swap3A_1447 = arith.index_cast %add3A_1421 : i32 to index
        %swap3A_1448 = arith.constant 48 : index
        %swap3A_1449 = tpu.vector_load %arg13[%swap3A_1447, %swap3A_1448] {strides = array<i32>} : memref<128x128xf32, #tpu.memory_space<vmem>>, vector<16xf32>,
        tpu.vector_store %arg13[%swap3A_1447, %swap3A_1448], %mul3A_1446 {strides = array<i32>} : memref<128x128xf32, #tpu.memory_space<vmem>>, vector<16xf32>,
        %get3A_1450 = arith.index_cast %add3A_1421 : i32 to index
        %get3A_1451 = arith.constant 64 : index
        %get3A_1452 = tpu.vector_load %arg13[%get3A_1450, %get3A_1451] {strides = array<i32>} : memref<128x128xf32, #tpu.memory_space<vmem>>, vector<16xf32>,
        %mul3A_1453 = arith.mulf %get3A_1452, %gather3A_1417 : vector<16xf32>
        %swap3A_1454 = arith.index_cast %add3A_1421 : i32 to index
        %swap3A_1455 = arith.constant 64 : index
        %swap3A_1456 = tpu.vector_load %arg13[%swap3A_1454, %swap3A_1455] {strides = array<i32>} : memref<128x128xf32, #tpu.memory_space<vmem>>, vector<16xf32>,
        tpu.vector_store %arg13[%swap3A_1454, %swap3A_1455], %mul3A_1453 {strides = array<i32>} : memref<128x128xf32, #tpu.memory_space<vmem>>, vector<16xf32>,
        %get3A_1457 = arith.index_cast %add3A_1421 : i32 to index
        %get3A_1458 = arith.constant 80 : index
        %get3A_1459 = tpu.vector_load %arg13[%get3A_1457, %get3A_1458] {strides = array<i32>} : memref<128x128xf32, #tpu.memory_space<vmem>>, vector<16xf32>,
        %mul3A_1460 = arith.mulf %get3A_1459, %gather3A_1417 : vector<16xf32>
        %swap3A_1461 = arith.index_cast %add3A_1421 : i32 to index
        %swap3A_1462 = arith.constant 80 : index
        %swap3A_1463 = tpu.vector_load %arg13[%swap3A_1461, %swap3A_1462] {strides = array<i32>} : memref<128x128xf32, #tpu.memory_space<vmem>>, vector<16xf32>,
        tpu.vector_store %arg13[%swap3A_1461, %swap3A_1462], %mul3A_1460 {strides = array<i32>} : memref<128x128xf32, #tpu.memory_space<vmem>>, vector<16xf32>,
        %get3A_1464 = arith.index_cast %add3A_1421 : i32 to index
        %get3A_1465 = arith.constant 96 : index
        %get3A_1466 = tpu.vector_load %arg13[%get3A_1464, %get3A_1465] {strides = array<i32>} : memref<128x128xf32, #tpu.memory_space<vmem>>, vector<16xf32>,
        %mul3A_1467 = arith.mulf %get3A_1466, %gather3A_1417 : vector<16xf32>
        %swap3A_1468 = arith.index_cast %add3A_1421 : i32 to index
        %swap3A_1469 = arith.constant 96 : index
        %swap3A_1470 = tpu.vector_load %arg13[%swap3A_1468, %swap3A_1469] {strides = array<i32>} : memref<128x128xf32, #tpu.memory_space<vmem>>, vector<16xf32>,
        tpu.vector_store %arg13[%swap3A_1468, %swap3A_1469], %mul3A_1467 {strides = array<i32>} : memref<128x128xf32, #tpu.memory_space<vmem>>, vector<16xf32>,
        %get3A_1471 = arith.index_cast %add3A_1421 : i32 to index
        %get3A_1472 = arith.constant 112 : index
        %get3A_1473 = tpu.vector_load %arg13[%get3A_1471, %get3A_1472] {strides = array<i32>} : memref<128x128xf32, #tpu.memory_space<vmem>>, vector<16xf32>,
        %mul3A_1474 = arith.mulf %get3A_1473, %gather3A_1417 : vector<16xf32>
        %swap3A_1475 = arith.index_cast %add3A_1421 : i32 to index
        %swap3A_1476 = arith.constant 112 : index
        %swap3A_1477 = tpu.vector_load %arg13[%swap3A_1475, %swap3A_1476] {strides = array<i32>} : memref<128x128xf32, #tpu.memory_space<vmem>>, vector<16xf32>,
        tpu.vector_store %arg13[%swap3A_1475, %swap3A_1476], %mul3A_1474 {strides = array<i32>} : memref<128x128xf32, #tpu.memory_space<vmem>>, vector<16xf32>,
      }
      %scan3A_447 = arith.constant 8 : i32
      %run_scoped3A_448 = arith.constant 0 : i32
      "tpu.region"() ({
        %run_scoped3A_449 = tpu.sem_alloc : memref<!tpu.dma_semaphore, #tpu.memory_space<semaphore_mem>>
        %dma_start3A_450 = arith.constant 0 : i32
        %dma_start3A_451 = tpu.memref_slice %arg11[%run_scoped3A_448, %dma_start3A_450] : memref<1x128xi32, #tpu.memory_space<vmem>> -> memref<1x128xi32, #tpu.memory_space<vmem>>
        %dma_start3A_452 = tpu.memref_squeeze %dma_start3A_451 : memref<1x128xi32, #tpu.memory_space<vmem>> -> memref<128xi32, #tpu.memory_space<vmem>>
        %dma_start3A_453 = arith.constant 0 : i32
        %dma_start3A_454 = arith.constant 0 : i32
        %dma_start3A_455 = tpu.memref_slice %arg14[%dma_start3A_453, %dma_start3A_454] : memref<10240x128xf32, #tpu.memory_space<vmem_shared>> -> memref<10240x128xf32, #tpu.memory_space<vmem_shared>>
        tpu.enqueue_indirect_dma source(%arg13 : memref<128x128xf32, #tpu.memory_space<vmem>>) target(%dma_start3A_455 : memref<10240x128xf32, #tpu.memory_space<vmem_shared>>) offsets(%dma_start3A_452 : memref<128xi32, #tpu.memory_space<vmem>>) semaphore(%run_scoped3A_449 : memref<!tpu.dma_semaphore, #tpu.memory_space<semaphore_mem>>) {add = true}
        %dma_wait3A_456 = arith.constant 0 : i32
        %dma_wait3A_457 = tpu.memref_slice %arg11[%run_scoped3A_448, %dma_wait3A_456] : memref<1x128xi32, #tpu.memory_space<vmem>> -> memref<1x128xi32, #tpu.memory_space<vmem>>
        %dma_wait3A_458 = tpu.memref_squeeze %dma_wait3A_457 : memref<1x128xi32, #tpu.memory_space<vmem>> -> memref<128xi32, #tpu.memory_space<vmem>>
        %dma_wait3A_459 = arith.constant 0 : i32
        %dma_wait3A_460 = arith.constant 0 : i32
        %dma_wait3A_461 = tpu.memref_slice %arg14[%dma_wait3A_459, %dma_wait3A_460] : memref<10240x128xf32, #tpu.memory_space<vmem_shared>> -> memref<10240x128xf32, #tpu.memory_space<vmem_shared>>
        tpu.wait_indirect_dma semaphore(%run_scoped3A_449 : memref<!tpu.dma_semaphore, #tpu.memory_space<semaphore_mem>>) src(%arg13 : memref<128x128xf32, #tpu.memory_space<vmem>>) dst(%dma_wait3A_461 : memref<10240x128xf32, #tpu.memory_space<vmem_shared>>)
        tpu.yield
      }) : () -> ()
    }
    %scan3A_57 = arith.constant 79 : i32
    %barrier3A_58 = arith.constant 0 : index
    tpu.barrier barrier_id(%barrier3A_58)
    %mul3A_59 = arith.constant 640 : i32
    %mul3A_60 = arith.muli %arg1, %mul3A_59 : i32
    %mul3A_61 = arith.constant 640 : i32
    %mul3A_62 = arith.muli %arg1, %mul3A_61 : i32
    "tpu.region"() ({
      %run_scoped3A = tpu.sem_alloc : memref<!tpu.dma_semaphore, #tpu.memory_space<semaphore_mem>>
      %dma_start3A = tpu.memref_slice %arg8[%arg0, %mul3A_62] : memref<2x10240xf32, #tpu.memory_space<hbm>> -> memref<1x640xf32, #tpu.memory_space<hbm>>
      %dma_start3A_67 = tpu.memref_squeeze %dma_start3A : memref<1x640xf32, #tpu.memory_space<hbm>> -> memref<640xf32, #tpu.memory_space<hbm>>
      %dma_start3A_68 = tpu.memref_slice %arg15[%mul3A_60] : memref<10240xf32, #tpu.memory_space<vmem_shared>> -> memref<640xf32, #tpu.memory_space<vmem_shared>>
      tpu.enqueue_dma source(%dma_start3A_68 : memref<640xf32, #tpu.memory_space<vmem_shared>>) target(%dma_start3A_67 : memref<640xf32, #tpu.memory_space<hbm>>) target_semaphore(%run_scoped3A : memref<!tpu.dma_semaphore, #tpu.memory_space<semaphore_mem>>)
      %dma_wait3A = tpu.memref_slice %arg8[%arg0, %mul3A_62] : memref<2x10240xf32, #tpu.memory_space<hbm>> -> memref<1x640xf32, #tpu.memory_space<hbm>>
      %dma_wait3A_69 = tpu.memref_squeeze %dma_wait3A : memref<1x640xf32, #tpu.memory_space<hbm>> -> memref<640xf32, #tpu.memory_space<hbm>>
      %dma_wait3A_70 = tpu.memref_slice %arg15[%mul3A_60] : memref<10240xf32, #tpu.memory_space<vmem_shared>> -> memref<640xf32, #tpu.memory_space<vmem_shared>>
      tpu.wait_dma2 semaphore(%run_scoped3A : memref<!tpu.dma_semaphore, #tpu.memory_space<semaphore_mem>>) src(%dma_wait3A_70 : memref<640xf32, #tpu.memory_space<vmem_shared>>) dst(%dma_wait3A_69 : memref<640xf32, #tpu.memory_space<hbm>>)
      tpu.yield
    }) : () -> ()
    %mul3A_63 = arith.constant 640 : i32
    %mul3A_64 = arith.muli %arg1, %mul3A_63 : i32
    %mul3A_65 = arith.constant 640 : i32
    %mul3A_66 = arith.muli %arg1, %mul3A_65 : i32
    "tpu.region"() ({
      %run_scoped3A = tpu.sem_alloc : memref<!tpu.dma_semaphore, #tpu.memory_space<semaphore_mem>>
      %dma_start3A = arith.constant 0 : i32
      %dma_start3A_67 = tpu.memref_slice %arg7[%arg0, %mul3A_66, %dma_start3A] : memref<2x10240x128xf32, #tpu.memory_space<hbm>> -> memref<1x640x128xf32, #tpu.memory_space<hbm>>
      %dma_start3A_68 = tpu.memref_squeeze %dma_start3A_67 : memref<1x640x128xf32, #tpu.memory_space<hbm>> -> memref<640x128xf32, #tpu.memory_space<hbm>>
      %dma_start3A_69 = arith.constant 0 : i32
      %dma_start3A_70 = tpu.memref_slice %arg14[%mul3A_64, %dma_start3A_69] : memref<10240x128xf32, #tpu.memory_space<vmem_shared>> -> memref<640x128xf32, #tpu.memory_space<vmem_shared>>
      tpu.enqueue_dma source(%dma_start3A_70 : memref<640x128xf32, #tpu.memory_space<vmem_shared>>) target(%dma_start3A_68 : memref<640x128xf32, #tpu.memory_space<hbm>>) target_semaphore(%run_scoped3A : memref<!tpu.dma_semaphore, #tpu.memory_space<semaphore_mem>>)
      %dma_wait3A = arith.constant 0 : i32
      %dma_wait3A_71 = tpu.memref_slice %arg7[%arg0, %mul3A_66, %dma_wait3A] : memref<2x10240x128xf32, #tpu.memory_space<hbm>> -> memref<1x640x128xf32, #tpu.memory_space<hbm>>
      %dma_wait3A_72 = tpu.memref_squeeze %dma_wait3A_71 : memref<1x640x128xf32, #tpu.memory_space<hbm>> -> memref<640x128xf32, #tpu.memory_space<hbm>>
      %dma_wait3A_73 = arith.constant 0 : i32
      %dma_wait3A_74 = tpu.memref_slice %arg14[%mul3A_64, %dma_wait3A_73] : memref<10240x128xf32, #tpu.memory_space<vmem_shared>> -> memref<640x128xf32, #tpu.memory_space<vmem_shared>>
      tpu.wait_dma2 semaphore(%run_scoped3A : memref<!tpu.dma_semaphore, #tpu.memory_space<semaphore_mem>>) src(%dma_wait3A_74 : memref<640x128xf32, #tpu.memory_space<vmem_shared>>) dst(%dma_wait3A_72 : memref<640x128xf32, #tpu.memory_space<hbm>>)
      tpu.yield
    }) : () -> ()
    return
  }
}

#map = affine_map<(d0, d1) -> (0, 0)>
#map1 = affine_map<(d0, d1) -> (0)>
#map2 = affine_map<(d0, d1) -> (0, 0, 0)>
module attributes {stable_mosaic.version = 14 : i64} {
  func.func @_sc_edge_body(%arg0: i32, %arg1: i32, %arg2: memref<10240x128xf32, #tpu.memory_space<hbm>>, %arg3: memref<20480xf32, #tpu.memory_space<hbm>>, %arg4: memref<32x79x128xi32, #tpu.memory_space<hbm>>, %arg5: memref<32x79x128xi32, #tpu.memory_space<hbm>>, %arg6: memref<10240x128xf32, #tpu.memory_space<hbm>>, %arg7: memref<2x10240x128xf32, #tpu.memory_space<hbm>>, %arg8: memref<2x10240xf32, #tpu.memory_space<hbm>>, %arg9: memref<20480xf32, #tpu.memory_space<vmem>>, %arg10: memref<1x128xi32, #tpu.memory_space<vmem>>, %arg11: memref<1x128xi32, #tpu.memory_space<vmem>>, %arg12: memref<128xf32, #tpu.memory_space<vmem>>, %arg13: memref<128x128xf32, #tpu.memory_space<vmem>>, %arg14: memref<10240x128xf32, #tpu.memory_space<vmem_shared>>, %arg15: memref<10240xf32, #tpu.memory_space<vmem_shared>>, %arg16: memref<!tpu.dma_semaphore, #tpu.memory_space<semaphore_mem>>) attributes {dimension_semantics = [#tpu.dimension_semantics<core_parallel>, #tpu.dimension_semantics<subcore_parallel>], iteration_bounds = array<i64: 2, 16>, scalar_prefetch = 0 : i64, scratch_operands = 8 : i64, tpu.core_type = #tpu.core_type<sc_vector_subcore>, window_params = [{transform_indices = #map}, {transform_indices = #map1}, {transform_indices = #map2}, {transform_indices = #map2}, {transform_indices = #map}, {transform_indices = #map2}, {transform_indices = #map}]} {
    %mul3A = arith.constant 16 : i32
    %mul3A_0 = arith.muli %arg0, %mul3A : i32
    %add3A = arith.addi %mul3A_0, %arg1 : i32
    "tpu.region"() ({
      %run_scoped3A = tpu.sem_alloc : memref<!tpu.dma_semaphore, #tpu.memory_space<semaphore_mem>>
      tpu.enqueue_dma source(%arg3 : memref<20480xf32, #tpu.memory_space<hbm>>) target(%arg9 : memref<20480xf32, #tpu.memory_space<vmem>>) target_semaphore(%run_scoped3A : memref<!tpu.dma_semaphore, #tpu.memory_space<semaphore_mem>>)
      tpu.wait_dma2 semaphore(%run_scoped3A : memref<!tpu.dma_semaphore, #tpu.memory_space<semaphore_mem>>) src(%arg3 : memref<20480xf32, #tpu.memory_space<hbm>>) dst(%arg9 : memref<20480xf32, #tpu.memory_space<vmem>>)
      tpu.yield
    }) : () -> ()
    %mul3A_1 = arith.constant 640 : i32
    %mul3A_2 = arith.muli %arg1, %mul3A_1 : i32
    "tpu.region"() ({
      %run_scoped3A = tpu.sem_alloc : memref<!tpu.dma_semaphore, #tpu.memory_space<semaphore_mem>>
      %dma_start3A = arith.constant 0 : i32
      %dma_start3A_67 = tpu.memref_slice %arg14[%mul3A_2, %dma_start3A] : memref<10240x128xf32, #tpu.memory_space<vmem_shared>> -> memref<640x128xf32, #tpu.memory_space<vmem_shared>>
      %dma_start3A_68 = arith.constant 0 : i32
      %dma_start3A_69 = arith.constant 0 : i32
      %dma_start3A_70 = tpu.memref_slice %arg6[%dma_start3A_68, %dma_start3A_69] : memref<10240x128xf32, #tpu.memory_space<hbm>> -> memref<640x128xf32, #tpu.memory_space<hbm>>
      tpu.enqueue_dma source(%dma_start3A_70 : memref<640x128xf32, #tpu.memory_space<hbm>>) target(%dma_start3A_67 : memref<640x128xf32, #tpu.memory_space<vmem_shared>>) target_semaphore(%run_scoped3A : memref<!tpu.dma_semaphore, #tpu.memory_space<semaphore_mem>>)
      %dma_wait3A = arith.constant 0 : i32
      %dma_wait3A_71 = tpu.memref_slice %arg14[%mul3A_2, %dma_wait3A] : memref<10240x128xf32, #tpu.memory_space<vmem_shared>> -> memref<640x128xf32, #tpu.memory_space<vmem_shared>>
      %dma_wait3A_72 = arith.constant 0 : i32
      %dma_wait3A_73 = arith.constant 0 : i32
      %dma_wait3A_74 = tpu.memref_slice %arg6[%dma_wait3A_72, %dma_wait3A_73] : memref<10240x128xf32, #tpu.memory_space<hbm>> -> memref<640x128xf32, #tpu.memory_space<hbm>>
      tpu.wait_dma2 semaphore(%run_scoped3A : memref<!tpu.dma_semaphore, #tpu.memory_space<semaphore_mem>>) src(%dma_wait3A_74 : memref<640x128xf32, #tpu.memory_space<hbm>>) dst(%dma_wait3A_71 : memref<640x128xf32, #tpu.memory_space<vmem_shared>>)
      tpu.yield
    }) : () -> ()
    %broadcast_in_dim3A = arith.constant 0.000000e+00 : f32
    %broadcast_in_dim3A_3 = vector.broadcast %broadcast_in_dim3A : f32 to vector<16xf32>
    %swap3A = arith.constant 0 : index
    %swap3A_4 = tpu.vector_load %arg12[%swap3A] {strides = array<i32>} : memref<128xf32, #tpu.memory_space<vmem>>, vector<16xf32>,
    tpu.vector_store %arg12[%swap3A], %broadcast_in_dim3A_3 {strides = array<i32>} : memref<128xf32, #tpu.memory_space<vmem>>, vector<16xf32>,
    %broadcast_in_dim3A_5 = arith.constant 0.000000e+00 : f32
    %broadcast_in_dim3A_6 = vector.broadcast %broadcast_in_dim3A_5 : f32 to vector<16xf32>
    %swap3A_7 = arith.constant 16 : index
    %swap3A_8 = tpu.vector_load %arg12[%swap3A_7] {strides = array<i32>} : memref<128xf32, #tpu.memory_space<vmem>>, vector<16xf32>,
    tpu.vector_store %arg12[%swap3A_7], %broadcast_in_dim3A_6 {strides = array<i32>} : memref<128xf32, #tpu.memory_space<vmem>>, vector<16xf32>,
    %broadcast_in_dim3A_9 = arith.constant 0.000000e+00 : f32
    %broadcast_in_dim3A_10 = vector.broadcast %broadcast_in_dim3A_9 : f32 to vector<16xf32>
    %swap3A_11 = arith.constant 32 : index
    %swap3A_12 = tpu.vector_load %arg12[%swap3A_11] {strides = array<i32>} : memref<128xf32, #tpu.memory_space<vmem>>, vector<16xf32>,
    tpu.vector_store %arg12[%swap3A_11], %broadcast_in_dim3A_10 {strides = array<i32>} : memref<128xf32, #tpu.memory_space<vmem>>, vector<16xf32>,
    %broadcast_in_dim3A_13 = arith.constant 0.000000e+00 : f32
    %broadcast_in_dim3A_14 = vector.broadcast %broadcast_in_dim3A_13 : f32 to vector<16xf32>
    %swap3A_15 = arith.constant 48 : index
    %swap3A_16 = tpu.vector_load %arg12[%swap3A_15] {strides = array<i32>} : memref<128xf32, #tpu.memory_space<vmem>>, vector<16xf32>,
    tpu.vector_store %arg12[%swap3A_15], %broadcast_in_dim3A_14 {strides = array<i32>} : memref<128xf32, #tpu.memory_space<vmem>>, vector<16xf32>,
    %broadcast_in_dim3A_17 = arith.constant 0.000000e+00 : f32
    %broadcast_in_dim3A_18 = vector.broadcast %broadcast_in_dim3A_17 : f32 to vector<16xf32>
    %swap3A_19 = arith.constant 64 : index
    %swap3A_20 = tpu.vector_load %arg12[%swap3A_19] {strides = array<i32>} : memref<128xf32, #tpu.memory_space<vmem>>, vector<16xf32>,
    tpu.vector_store %arg12[%swap3A_19], %broadcast_in_dim3A_18 {strides = array<i32>} : memref<128xf32, #tpu.memory_space<vmem>>, vector<16xf32>,
    %broadcast_in_dim3A_21 = arith.constant 0.000000e+00 : f32
    %broadcast_in_dim3A_22 = vector.broadcast %broadcast_in_dim3A_21 : f32 to vector<16xf32>
    %swap3A_23 = arith.constant 80 : index
    %swap3A_24 = tpu.vector_load %arg12[%swap3A_23] {strides = array<i32>} : memref<128xf32, #tpu.memory_space<vmem>>, vector<16xf32>,
    tpu.vector_store %arg12[%swap3A_23], %broadcast_in_dim3A_22 {strides = array<i32>} : memref<128xf32, #tpu.memory_space<vmem>>, vector<16xf32>,
    %broadcast_in_dim3A_25 = arith.constant 0.000000e+00 : f32
    %broadcast_in_dim3A_26 = vector.broadcast %broadcast_in_dim3A_25 : f32 to vector<16xf32>
    %swap3A_27 = arith.constant 96 : index
    %swap3A_28 = tpu.vector_load %arg12[%swap3A_27] {strides = array<i32>} : memref<128xf32, #tpu.memory_space<vmem>>, vector<16xf32>,
    tpu.vector_store %arg12[%swap3A_27], %broadcast_in_dim3A_26 {strides = array<i32>} : memref<128xf32, #tpu.memory_space<vmem>>, vector<16xf32>,
    %broadcast_in_dim3A_29 = arith.constant 0.000000e+00 : f32
    %broadcast_in_dim3A_30 = vector.broadcast %broadcast_in_dim3A_29 : f32 to vector<16xf32>
    %swap3A_31 = arith.constant 112 : index
    %swap3A_32 = tpu.vector_load %arg12[%swap3A_31] {strides = array<i32>} : memref<128xf32, #tpu.memory_space<vmem>>, vector<16xf32>,
    tpu.vector_store %arg12[%swap3A_31], %broadcast_in_dim3A_30 {strides = array<i32>} : memref<128xf32, #tpu.memory_space<vmem>>, vector<16xf32>,
    %mul3A_33 = arith.constant 640 : i32
    %mul3A_34 = arith.muli %arg1, %mul3A_33 : i32
    %add3A_35 = arith.constant 0 : i32
    %add3A_36 = arith.addi %mul3A_34, %add3A_35 : i32
    "tpu.region"() ({
      %run_scoped3A = tpu.sem_alloc : memref<!tpu.dma_semaphore, #tpu.memory_space<semaphore_mem>>
      %dma_start3A = tpu.memref_slice %arg15[%add3A_36] : memref<10240xf32, #tpu.memory_space<vmem_shared>> -> memref<128xf32, #tpu.memory_space<vmem_shared>>
      %dma_start3A_67 = tpu.memref_slice %arg15[%add3A_36] : memref<10240xf32, #tpu.memory_space<vmem_shared>> -> memref<128xf32, #tpu.memory_space<vmem_shared>>
      tpu.enqueue_dma source(%arg12 : memref<128xf32, #tpu.memory_space<vmem>>) target(%dma_start3A_67 : memref<128xf32, #tpu.memory_space<vmem_shared>>) target_semaphore(%run_scoped3A : memref<!tpu.dma_semaphore, #tpu.memory_space<semaphore_mem>>)
      %dma_wait3A = tpu.memref_slice %arg15[%add3A_36] : memref<10240xf32, #tpu.memory_space<vmem_shared>> -> memref<128xf32, #tpu.memory_space<vmem_shared>>
      %dma_wait3A_68 = tpu.memref_slice %arg15[%add3A_36] : memref<10240xf32, #tpu.memory_space<vmem_shared>> -> memref<128xf32, #tpu.memory_space<vmem_shared>>
      tpu.wait_dma2 semaphore(%run_scoped3A : memref<!tpu.dma_semaphore, #tpu.memory_space<semaphore_mem>>) src(%arg12 : memref<128xf32, #tpu.memory_space<vmem>>) dst(%dma_wait3A_68 : memref<128xf32, #tpu.memory_space<vmem_shared>>)
      tpu.yield
    }) : () -> ()
    %mul3A_37 = arith.constant 640 : i32
    %mul3A_38 = arith.muli %arg1, %mul3A_37 : i32
    %add3A_39 = arith.constant 128 : i32
    %add3A_40 = arith.addi %mul3A_38, %add3A_39 : i32
    "tpu.region"() ({
      %run_scoped3A = tpu.sem_alloc : memref<!tpu.dma_semaphore, #tpu.memory_space<semaphore_mem>>
      %dma_start3A = tpu.memref_slice %arg15[%add3A_40] : memref<10240xf32, #tpu.memory_space<vmem_shared>> -> memref<128xf32, #tpu.memory_space<vmem_shared>>
      %dma_start3A_67 = tpu.memref_slice %arg15[%add3A_40] : memref<10240xf32, #tpu.memory_space<vmem_shared>> -> memref<128xf32, #tpu.memory_space<vmem_shared>>
      tpu.enqueue_dma source(%arg12 : memref<128xf32, #tpu.memory_space<vmem>>) target(%dma_start3A_67 : memref<128xf32, #tpu.memory_space<vmem_shared>>) target_semaphore(%run_scoped3A : memref<!tpu.dma_semaphore, #tpu.memory_space<semaphore_mem>>)
      %dma_wait3A = tpu.memref_slice %arg15[%add3A_40] : memref<10240xf32, #tpu.memory_space<vmem_shared>> -> memref<128xf32, #tpu.memory_space<vmem_shared>>
      %dma_wait3A_68 = tpu.memref_slice %arg15[%add3A_40] : memref<10240xf32, #tpu.memory_space<vmem_shared>> -> memref<128xf32, #tpu.memory_space<vmem_shared>>
      tpu.wait_dma2 semaphore(%run_scoped3A : memref<!tpu.dma_semaphore, #tpu.memory_space<semaphore_mem>>) src(%arg12 : memref<128xf32, #tpu.memory_space<vmem>>) dst(%dma_wait3A_68 : memref<128xf32, #tpu.memory_space<vmem_shared>>)
      tpu.yield
    }) : () -> ()
    %mul3A_41 = arith.constant 640 : i32
    %mul3A_42 = arith.muli %arg1, %mul3A_41 : i32
    %add3A_43 = arith.constant 256 : i32
    %add3A_44 = arith.addi %mul3A_42, %add3A_43 : i32
    "tpu.region"() ({
      %run_scoped3A = tpu.sem_alloc : memref<!tpu.dma_semaphore, #tpu.memory_space<semaphore_mem>>
      %dma_start3A = tpu.memref_slice %arg15[%add3A_44] : memref<10240xf32, #tpu.memory_space<vmem_shared>> -> memref<128xf32, #tpu.memory_space<vmem_shared>>
      %dma_start3A_67 = tpu.memref_slice %arg15[%add3A_44] : memref<10240xf32, #tpu.memory_space<vmem_shared>> -> memref<128xf32, #tpu.memory_space<vmem_shared>>
      tpu.enqueue_dma source(%arg12 : memref<128xf32, #tpu.memory_space<vmem>>) target(%dma_start3A_67 : memref<128xf32, #tpu.memory_space<vmem_shared>>) target_semaphore(%run_scoped3A : memref<!tpu.dma_semaphore, #tpu.memory_space<semaphore_mem>>)
      %dma_wait3A = tpu.memref_slice %arg15[%add3A_44] : memref<10240xf32, #tpu.memory_space<vmem_shared>> -> memref<128xf32, #tpu.memory_space<vmem_shared>>
      %dma_wait3A_68 = tpu.memref_slice %arg15[%add3A_44] : memref<10240xf32, #tpu.memory_space<vmem_shared>> -> memref<128xf32, #tpu.memory_space<vmem_shared>>
      tpu.wait_dma2 semaphore(%run_scoped3A : memref<!tpu.dma_semaphore, #tpu.memory_space<semaphore_mem>>) src(%arg12 : memref<128xf32, #tpu.memory_space<vmem>>) dst(%dma_wait3A_68 : memref<128xf32, #tpu.memory_space<vmem_shared>>)
      tpu.yield
    }) : () -> ()
    %mul3A_45 = arith.constant 640 : i32
    %mul3A_46 = arith.muli %arg1, %mul3A_45 : i32
    %add3A_47 = arith.constant 384 : i32
    %add3A_48 = arith.addi %mul3A_46, %add3A_47 : i32
    "tpu.region"() ({
      %run_scoped3A = tpu.sem_alloc : memref<!tpu.dma_semaphore, #tpu.memory_space<semaphore_mem>>
      %dma_start3A = tpu.memref_slice %arg15[%add3A_48] : memref<10240xf32, #tpu.memory_space<vmem_shared>> -> memref<128xf32, #tpu.memory_space<vmem_shared>>
      %dma_start3A_67 = tpu.memref_slice %arg15[%add3A_48] : memref<10240xf32, #tpu.memory_space<vmem_shared>> -> memref<128xf32, #tpu.memory_space<vmem_shared>>
      tpu.enqueue_dma source(%arg12 : memref<128xf32, #tpu.memory_space<vmem>>) target(%dma_start3A_67 : memref<128xf32, #tpu.memory_space<vmem_shared>>) target_semaphore(%run_scoped3A : memref<!tpu.dma_semaphore, #tpu.memory_space<semaphore_mem>>)
      %dma_wait3A = tpu.memref_slice %arg15[%add3A_48] : memref<10240xf32, #tpu.memory_space<vmem_shared>> -> memref<128xf32, #tpu.memory_space<vmem_shared>>
      %dma_wait3A_68 = tpu.memref_slice %arg15[%add3A_48] : memref<10240xf32, #tpu.memory_space<vmem_shared>> -> memref<128xf32, #tpu.memory_space<vmem_shared>>
      tpu.wait_dma2 semaphore(%run_scoped3A : memref<!tpu.dma_semaphore, #tpu.memory_space<semaphore_mem>>) src(%arg12 : memref<128xf32, #tpu.memory_space<vmem>>) dst(%dma_wait3A_68 : memref<128xf32, #tpu.memory_space<vmem_shared>>)
      tpu.yield
    }) : () -> ()
    %mul3A_49 = arith.constant 640 : i32
    %mul3A_50 = arith.muli %arg1, %mul3A_49 : i32
    %add3A_51 = arith.constant 512 : i32
    %add3A_52 = arith.addi %mul3A_50, %add3A_51 : i32
    "tpu.region"() ({
      %run_scoped3A = tpu.sem_alloc : memref<!tpu.dma_semaphore, #tpu.memory_space<semaphore_mem>>
      %dma_start3A = tpu.memref_slice %arg15[%add3A_52] : memref<10240xf32, #tpu.memory_space<vmem_shared>> -> memref<128xf32, #tpu.memory_space<vmem_shared>>
      %dma_start3A_67 = tpu.memref_slice %arg15[%add3A_52] : memref<10240xf32, #tpu.memory_space<vmem_shared>> -> memref<128xf32, #tpu.memory_space<vmem_shared>>
      tpu.enqueue_dma source(%arg12 : memref<128xf32, #tpu.memory_space<vmem>>) target(%dma_start3A_67 : memref<128xf32, #tpu.memory_space<vmem_shared>>) target_semaphore(%run_scoped3A : memref<!tpu.dma_semaphore, #tpu.memory_space<semaphore_mem>>)
      %dma_wait3A = tpu.memref_slice %arg15[%add3A_52] : memref<10240xf32, #tpu.memory_space<vmem_shared>> -> memref<128xf32, #tpu.memory_space<vmem_shared>>
      %dma_wait3A_68 = tpu.memref_slice %arg15[%add3A_52] : memref<10240xf32, #tpu.memory_space<vmem_shared>> -> memref<128xf32, #tpu.memory_space<vmem_shared>>
      tpu.wait_dma2 semaphore(%run_scoped3A : memref<!tpu.dma_semaphore, #tpu.memory_space<semaphore_mem>>) src(%arg12 : memref<128xf32, #tpu.memory_space<vmem>>) dst(%dma_wait3A_68 : memref<128xf32, #tpu.memory_space<vmem_shared>>)
      tpu.yield
    }) : () -> ()
    %barrier3A = arith.constant 0 : index
    tpu.barrier barrier_id(%barrier3A)
    %scan3A = arith.constant 0 : i32
    %scan3A_53 = arith.constant 0 : i32
    %scan3A_54 = arith.constant 79 : i32
    %scan3A_55 = arith.addi %scan3A_53, %scan3A_54 : i32
    %scan3A_56 = arith.constant 1 : i32
    scf.for %scan3A_67 = %scan3A_53 to %scan3A_55 step %scan3A_56  : i32 {
      %run_scoped3A = arith.constant 0 : i32
      "tpu.region"() ({
        %run_scoped3A_449 = tpu.sem_alloc : memref<!tpu.dma_semaphore, #tpu.memory_space<semaphore_mem>>
        %dma_start3A_450 = arith.constant 0 : i32
        %dma_start3A_451 = tpu.memref_slice %arg10[%run_scoped3A, %dma_start3A_450] : memref<1x128xi32, #tpu.memory_space<vmem>> -> memref<1x128xi32, #tpu.memory_space<vmem>>
        %dma_start3A_452 = tpu.memref_squeeze %dma_start3A_451 : memref<1x128xi32, #tpu.memory_space<vmem>> -> memref<128xi32, #tpu.memory_space<vmem>>
        %dma_start3A_453 = arith.constant 0 : i32
        %dma_start3A_454 = tpu.memref_slice %arg4[%add3A, %scan3A_67, %dma_start3A_453] : memref<32x79x128xi32, #tpu.memory_space<hbm>> -> memref<1x1x128xi32, #tpu.memory_space<hbm>>
        %dma_start3A_455 = tpu.memref_squeeze %dma_start3A_454 : memref<1x1x128xi32, #tpu.memory_space<hbm>> -> memref<128xi32, #tpu.memory_space<hbm>>
        %dma_start3A_456 = arith.constant 0 : i32
        %dma_start3A_457 = tpu.memref_slice %arg10[%run_scoped3A, %dma_start3A_456] : memref<1x128xi32, #tpu.memory_space<vmem>> -> memref<1x128xi32, #tpu.memory_space<vmem>>
        %dma_start3A_458 = tpu.memref_squeeze %dma_start3A_457 : memref<1x128xi32, #tpu.memory_space<vmem>> -> memref<128xi32, #tpu.memory_space<vmem>>
        %dma_start3A_459 = arith.constant 0 : i32
        %dma_start3A_460 = tpu.memref_slice %arg4[%add3A, %scan3A_67, %dma_start3A_459] : memref<32x79x128xi32, #tpu.memory_space<hbm>> -> memref<1x1x128xi32, #tpu.memory_space<hbm>>
        %dma_start3A_461 = tpu.memref_squeeze %dma_start3A_460 : memref<1x1x128xi32, #tpu.memory_space<hbm>> -> memref<128xi32, #tpu.memory_space<hbm>>
        tpu.enqueue_dma source(%dma_start3A_461 : memref<128xi32, #tpu.memory_space<hbm>>) target(%dma_start3A_458 : memref<128xi32, #tpu.memory_space<vmem>>) target_semaphore(%run_scoped3A_449 : memref<!tpu.dma_semaphore, #tpu.memory_space<semaphore_mem>>)
        %dma_wait3A_462 = arith.constant 0 : i32
        %dma_wait3A_463 = tpu.memref_slice %arg10[%run_scoped3A, %dma_wait3A_462] : memref<1x128xi32, #tpu.memory_space<vmem>> -> memref<1x128xi32, #tpu.memory_space<vmem>>
        %dma_wait3A_464 = tpu.memref_squeeze %dma_wait3A_463 : memref<1x128xi32, #tpu.memory_space<vmem>> -> memref<128xi32, #tpu.memory_space<vmem>>
        %dma_wait3A_465 = arith.constant 0 : i32
        %dma_wait3A_466 = tpu.memref_slice %arg4[%add3A, %scan3A_67, %dma_wait3A_465] : memref<32x79x128xi32, #tpu.memory_space<hbm>> -> memref<1x1x128xi32, #tpu.memory_space<hbm>>
        %dma_wait3A_467 = tpu.memref_squeeze %dma_wait3A_466 : memref<1x1x128xi32, #tpu.memory_space<hbm>> -> memref<128xi32, #tpu.memory_space<hbm>>
        %dma_wait3A_468 = arith.constant 0 : i32
        %dma_wait3A_469 = tpu.memref_slice %arg10[%run_scoped3A, %dma_wait3A_468] : memref<1x128xi32, #tpu.memory_space<vmem>> -> memref<1x128xi32, #tpu.memory_space<vmem>>
        %dma_wait3A_470 = tpu.memref_squeeze %dma_wait3A_469 : memref<1x128xi32, #tpu.memory_space<vmem>> -> memref<128xi32, #tpu.memory_space<vmem>>
        %dma_wait3A_471 = arith.constant 0 : i32
        %dma_wait3A_472 = tpu.memref_slice %arg4[%add3A, %scan3A_67, %dma_wait3A_471] : memref<32x79x128xi32, #tpu.memory_space<hbm>> -> memref<1x1x128xi32, #tpu.memory_space<hbm>>
        %dma_wait3A_473 = tpu.memref_squeeze %dma_wait3A_472 : memref<1x1x128xi32, #tpu.memory_space<hbm>> -> memref<128xi32, #tpu.memory_space<hbm>>
        tpu.wait_dma2 semaphore(%run_scoped3A_449 : memref<!tpu.dma_semaphore, #tpu.memory_space<semaphore_mem>>) src(%dma_wait3A_473 : memref<128xi32, #tpu.memory_space<hbm>>) dst(%dma_wait3A_470 : memref<128xi32, #tpu.memory_space<vmem>>)
        tpu.yield
      }) : () -> ()
      %run_scoped3A_68 = arith.constant 0 : i32
      "tpu.region"() ({
        %run_scoped3A_449 = tpu.sem_alloc : memref<!tpu.dma_semaphore, #tpu.memory_space<semaphore_mem>>
        %dma_start3A_450 = arith.constant 0 : i32
        %dma_start3A_451 = tpu.memref_slice %arg11[%run_scoped3A_68, %dma_start3A_450] : memref<1x128xi32, #tpu.memory_space<vmem>> -> memref<1x128xi32, #tpu.memory_space<vmem>>
        %dma_start3A_452 = tpu.memref_squeeze %dma_start3A_451 : memref<1x128xi32, #tpu.memory_space<vmem>> -> memref<128xi32, #tpu.memory_space<vmem>>
        %dma_start3A_453 = arith.constant 0 : i32
        %dma_start3A_454 = tpu.memref_slice %arg5[%add3A, %scan3A_67, %dma_start3A_453] : memref<32x79x128xi32, #tpu.memory_space<hbm>> -> memref<1x1x128xi32, #tpu.memory_space<hbm>>
        %dma_start3A_455 = tpu.memref_squeeze %dma_start3A_454 : memref<1x1x128xi32, #tpu.memory_space<hbm>> -> memref<128xi32, #tpu.memory_space<hbm>>
        %dma_start3A_456 = arith.constant 0 : i32
        %dma_start3A_457 = tpu.memref_slice %arg11[%run_scoped3A_68, %dma_start3A_456] : memref<1x128xi32, #tpu.memory_space<vmem>> -> memref<1x128xi32, #tpu.memory_space<vmem>>
        %dma_start3A_458 = tpu.memref_squeeze %dma_start3A_457 : memref<1x128xi32, #tpu.memory_space<vmem>> -> memref<128xi32, #tpu.memory_space<vmem>>
        %dma_start3A_459 = arith.constant 0 : i32
        %dma_start3A_460 = tpu.memref_slice %arg5[%add3A, %scan3A_67, %dma_start3A_459] : memref<32x79x128xi32, #tpu.memory_space<hbm>> -> memref<1x1x128xi32, #tpu.memory_space<hbm>>
        %dma_start3A_461 = tpu.memref_squeeze %dma_start3A_460 : memref<1x1x128xi32, #tpu.memory_space<hbm>> -> memref<128xi32, #tpu.memory_space<hbm>>
        tpu.enqueue_dma source(%dma_start3A_461 : memref<128xi32, #tpu.memory_space<hbm>>) target(%dma_start3A_458 : memref<128xi32, #tpu.memory_space<vmem>>) target_semaphore(%run_scoped3A_449 : memref<!tpu.dma_semaphore, #tpu.memory_space<semaphore_mem>>)
        %dma_wait3A_462 = arith.constant 0 : i32
        %dma_wait3A_463 = tpu.memref_slice %arg11[%run_scoped3A_68, %dma_wait3A_462] : memref<1x128xi32, #tpu.memory_space<vmem>> -> memref<1x128xi32, #tpu.memory_space<vmem>>
        %dma_wait3A_464 = tpu.memref_squeeze %dma_wait3A_463 : memref<1x128xi32, #tpu.memory_space<vmem>> -> memref<128xi32, #tpu.memory_space<vmem>>
        %dma_wait3A_465 = arith.constant 0 : i32
        %dma_wait3A_466 = tpu.memref_slice %arg5[%add3A, %scan3A_67, %dma_wait3A_465] : memref<32x79x128xi32, #tpu.memory_space<hbm>> -> memref<1x1x128xi32, #tpu.memory_space<hbm>>
        %dma_wait3A_467 = tpu.memref_squeeze %dma_wait3A_466 : memref<1x1x128xi32, #tpu.memory_space<hbm>> -> memref<128xi32, #tpu.memory_space<hbm>>
        %dma_wait3A_468 = arith.constant 0 : i32
        %dma_wait3A_469 = tpu.memref_slice %arg11[%run_scoped3A_68, %dma_wait3A_468] : memref<1x128xi32, #tpu.memory_space<vmem>> -> memref<1x128xi32, #tpu.memory_space<vmem>>
        %dma_wait3A_470 = tpu.memref_squeeze %dma_wait3A_469 : memref<1x128xi32, #tpu.memory_space<vmem>> -> memref<128xi32, #tpu.memory_space<vmem>>
        %dma_wait3A_471 = arith.constant 0 : i32
        %dma_wait3A_472 = tpu.memref_slice %arg5[%add3A, %scan3A_67, %dma_wait3A_471] : memref<32x79x128xi32, #tpu.memory_space<hbm>> -> memref<1x1x128xi32, #tpu.memory_space<hbm>>
        %dma_wait3A_473 = tpu.memref_squeeze %dma_wait3A_472 : memref<1x1x128xi32, #tpu.memory_space<hbm>> -> memref<128xi32, #tpu.memory_space<hbm>>
        tpu.wait_dma2 semaphore(%run_scoped3A_449 : memref<!tpu.dma_semaphore, #tpu.memory_space<semaphore_mem>>) src(%dma_wait3A_473 : memref<128xi32, #tpu.memory_space<hbm>>) dst(%dma_wait3A_470 : memref<128xi32, #tpu.memory_space<vmem>>)
        tpu.yield
      }) : () -> ()
      %dma_start3A = arith.constant 0 : i32
      %dma_start3A_69 = arith.constant 0 : i32
      %dma_start3A_70 = tpu.memref_slice %arg10[%dma_start3A, %dma_start3A_69] : memref<1x128xi32, #tpu.memory_space<vmem>> -> memref<1x128xi32, #tpu.memory_space<vmem>>
      %dma_start3A_71 = tpu.memref_squeeze %dma_start3A_70 : memref<1x128xi32, #tpu.memory_space<vmem>> -> memref<128xi32, #tpu.memory_space<vmem>>
      %dma_start3A_72 = arith.constant 0 : i32
      %dma_start3A_73 = arith.constant 0 : i32
      %dma_start3A_74 = tpu.memref_slice %arg2[%dma_start3A_72, %dma_start3A_73] : memref<10240x128xf32, #tpu.memory_space<hbm>> -> memref<10240x128xf32, #tpu.memory_space<hbm>>
      tpu.enqueue_indirect_dma source(%dma_start3A_74 : memref<10240x128xf32, #tpu.memory_space<hbm>>) target(%arg13 : memref<128x128xf32, #tpu.memory_space<vmem>>) offsets(%dma_start3A_71 : memref<128xi32, #tpu.memory_space<vmem>>) semaphore(%arg16 : memref<!tpu.dma_semaphore, #tpu.memory_space<semaphore_mem>>)
      %get3A = arith.constant 0 : i32
      %get3A_75 = arith.index_cast %get3A : i32 to index
      %get3A_76 = arith.constant 0 : index
      %get3A_77 = tpu.vector_load %arg10[%get3A_75, %get3A_76] {strides = array<i32>} : memref<1x128xi32, #tpu.memory_space<vmem>>, vector<16xi32>,
      %get3A_78 = arith.constant 0 : i32
      %get3A_79 = arith.index_cast %get3A_78 : i32 to index
      %get3A_80 = arith.constant 0 : index
      %get3A_81 = tpu.vector_load %arg11[%get3A_79, %get3A_80] {strides = array<i32>} : memref<1x128xi32, #tpu.memory_space<vmem>>, vector<16xi32>,
      %mul3A_82 = arith.constant 2 : i32
      %mul3A_83 = vector.broadcast %mul3A_82 : i32 to vector<16xi32>
      %mul3A_84 = arith.muli %get3A_77, %mul3A_83 : vector<16xi32>
      %gather3A = tpu.vector_load_idx %arg9[%mul3A_84] : memref<20480xf32, #tpu.memory_space<vmem>>[vector<16xi32>], vector<16xf32>,
      %mul3A_85 = arith.constant 2 : i32
      %mul3A_86 = vector.broadcast %mul3A_85 : i32 to vector<16xi32>
      %mul3A_87 = arith.muli %get3A_81, %mul3A_86 : vector<16xi32>
      %add3A_88 = arith.constant 1 : i32
      %add3A_89 = vector.broadcast %add3A_88 : i32 to vector<16xi32>
      %add3A_90 = arith.addi %mul3A_87, %add3A_89 : vector<16xi32>
      %gather3A_91 = tpu.vector_load_idx %arg9[%add3A_90] : memref<20480xf32, #tpu.memory_space<vmem>>[vector<16xi32>], vector<16xf32>,
      %add3A_92 = arith.addf %gather3A, %gather3A_91 : vector<16xf32>
      %ge3A = arith.constant 0.000000e+00 : f32
      %ge3A_93 = vector.broadcast %ge3A : f32 to vector<16xf32>
      %ge3A_94 = arith.cmpf oge, %add3A_92, %ge3A_93 : vector<16xf32>
      %mul3A_95 = arith.constant 2.000000e-01 : f32
      %mul3A_96 = vector.broadcast %mul3A_95 : f32 to vector<16xf32>
      %mul3A_97 = arith.mulf %add3A_92, %mul3A_96 : vector<16xf32>
      %select_n3A = arith.select %ge3A_94, %add3A_92, %mul3A_97 : vector<16xi1>, vector<16xf32>
      %exp3A = math.exp %select_n3A : vector<16xf32>
      %mul3A_98 = arith.constant 10112 : i32
      %mul3A_99 = arith.muli %add3A, %mul3A_98 : i32
      %mul3A_100 = arith.constant 128 : i32
      %mul3A_101 = arith.muli %scan3A_67, %mul3A_100 : i32
      %add3A_102 = arith.addi %mul3A_99, %mul3A_101 : i32
      %add3A_103 = arith.constant 0 : i32
      %add3A_104 = arith.addi %add3A_102, %add3A_103 : i32
      %iota3A = tpu.iota {dimensions = array<i32: 0>} : vector<16xi32>
      %add3A_105 = vector.broadcast %add3A_104 : i32 to vector<16xi32>
      %add3A_106 = arith.addi %add3A_105, %iota3A : vector<16xi32>
      %lt3A = arith.constant 320000 : i32
      %lt3A_107 = vector.broadcast %lt3A : i32 to vector<16xi32>
      %lt3A_108 = arith.cmpi slt, %add3A_106, %lt3A_107 : vector<16xi32>
      %jit3A = arith.constant 0.000000e+00 : f32
      %broadcast_in_dim3A_109 = vector.broadcast %jit3A : f32 to vector<16xf32>
      %select_n3A_110 = arith.select %lt3A_108, %exp3A, %broadcast_in_dim3A_109 : vector<16xi1>, vector<16xf32>
      %swap3A_111 = arith.constant 0 : index
      %swap3A_112 = tpu.vector_load %arg12[%swap3A_111] {strides = array<i32>} : memref<128xf32, #tpu.memory_space<vmem>>, vector<16xf32>,
      tpu.vector_store %arg12[%swap3A_111], %select_n3A_110 {strides = array<i32>} : memref<128xf32, #tpu.memory_space<vmem>>, vector<16xf32>,
      %get3A_113 = arith.constant 0 : i32
      %get3A_114 = arith.index_cast %get3A_113 : i32 to index
      %get3A_115 = arith.constant 16 : index
      %get3A_116 = tpu.vector_load %arg10[%get3A_114, %get3A_115] {strides = array<i32>} : memref<1x128xi32, #tpu.memory_space<vmem>>, vector<16xi32>,
      %get3A_117 = arith.constant 0 : i32
      %get3A_118 = arith.index_cast %get3A_117 : i32 to index
      %get3A_119 = arith.constant 16 : index
      %get3A_120 = tpu.vector_load %arg11[%get3A_118, %get3A_119] {strides = array<i32>} : memref<1x128xi32, #tpu.memory_space<vmem>>, vector<16xi32>,
      %mul3A_121 = arith.constant 2 : i32
      %mul3A_122 = vector.broadcast %mul3A_121 : i32 to vector<16xi32>
      %mul3A_123 = arith.muli %get3A_116, %mul3A_122 : vector<16xi32>
      %gather3A_124 = tpu.vector_load_idx %arg9[%mul3A_123] : memref<20480xf32, #tpu.memory_space<vmem>>[vector<16xi32>], vector<16xf32>,
      %mul3A_125 = arith.constant 2 : i32
      %mul3A_126 = vector.broadcast %mul3A_125 : i32 to vector<16xi32>
      %mul3A_127 = arith.muli %get3A_120, %mul3A_126 : vector<16xi32>
      %add3A_128 = arith.constant 1 : i32
      %add3A_129 = vector.broadcast %add3A_128 : i32 to vector<16xi32>
      %add3A_130 = arith.addi %mul3A_127, %add3A_129 : vector<16xi32>
      %gather3A_131 = tpu.vector_load_idx %arg9[%add3A_130] : memref<20480xf32, #tpu.memory_space<vmem>>[vector<16xi32>], vector<16xf32>,
      %add3A_132 = arith.addf %gather3A_124, %gather3A_131 : vector<16xf32>
      %ge3A_133 = arith.constant 0.000000e+00 : f32
      %ge3A_134 = vector.broadcast %ge3A_133 : f32 to vector<16xf32>
      %ge3A_135 = arith.cmpf oge, %add3A_132, %ge3A_134 : vector<16xf32>
      %mul3A_136 = arith.constant 2.000000e-01 : f32
      %mul3A_137 = vector.broadcast %mul3A_136 : f32 to vector<16xf32>
      %mul3A_138 = arith.mulf %add3A_132, %mul3A_137 : vector<16xf32>
      %select_n3A_139 = arith.select %ge3A_135, %add3A_132, %mul3A_138 : vector<16xi1>, vector<16xf32>
      %exp3A_140 = math.exp %select_n3A_139 : vector<16xf32>
      %mul3A_141 = arith.constant 10112 : i32
      %mul3A_142 = arith.muli %add3A, %mul3A_141 : i32
      %mul3A_143 = arith.constant 128 : i32
      %mul3A_144 = arith.muli %scan3A_67, %mul3A_143 : i32
      %add3A_145 = arith.addi %mul3A_142, %mul3A_144 : i32
      %add3A_146 = arith.constant 16 : i32
      %add3A_147 = arith.addi %add3A_145, %add3A_146 : i32
      %iota3A_148 = tpu.iota {dimensions = array<i32: 0>} : vector<16xi32>
      %add3A_149 = vector.broadcast %add3A_147 : i32 to vector<16xi32>
      %add3A_150 = arith.addi %add3A_149, %iota3A_148 : vector<16xi32>
      %lt3A_151 = arith.constant 320000 : i32
      %lt3A_152 = vector.broadcast %lt3A_151 : i32 to vector<16xi32>
      %lt3A_153 = arith.cmpi slt, %add3A_150, %lt3A_152 : vector<16xi32>
      %jit3A_154 = arith.constant 0.000000e+00 : f32
      %broadcast_in_dim3A_155 = vector.broadcast %jit3A_154 : f32 to vector<16xf32>
      %select_n3A_156 = arith.select %lt3A_153, %exp3A_140, %broadcast_in_dim3A_155 : vector<16xi1>, vector<16xf32>
      %swap3A_157 = arith.constant 16 : index
      %swap3A_158 = tpu.vector_load %arg12[%swap3A_157] {strides = array<i32>} : memref<128xf32, #tpu.memory_space<vmem>>, vector<16xf32>,
      tpu.vector_store %arg12[%swap3A_157], %select_n3A_156 {strides = array<i32>} : memref<128xf32, #tpu.memory_space<vmem>>, vector<16xf32>,
      %get3A_159 = arith.constant 0 : i32
      %get3A_160 = arith.index_cast %get3A_159 : i32 to index
      %get3A_161 = arith.constant 32 : index
      %get3A_162 = tpu.vector_load %arg10[%get3A_160, %get3A_161] {strides = array<i32>} : memref<1x128xi32, #tpu.memory_space<vmem>>, vector<16xi32>,
      %get3A_163 = arith.constant 0 : i32
      %get3A_164 = arith.index_cast %get3A_163 : i32 to index
      %get3A_165 = arith.constant 32 : index
      %get3A_166 = tpu.vector_load %arg11[%get3A_164, %get3A_165] {strides = array<i32>} : memref<1x128xi32, #tpu.memory_space<vmem>>, vector<16xi32>,
      %mul3A_167 = arith.constant 2 : i32
      %mul3A_168 = vector.broadcast %mul3A_167 : i32 to vector<16xi32>
      %mul3A_169 = arith.muli %get3A_162, %mul3A_168 : vector<16xi32>
      %gather3A_170 = tpu.vector_load_idx %arg9[%mul3A_169] : memref<20480xf32, #tpu.memory_space<vmem>>[vector<16xi32>], vector<16xf32>,
      %mul3A_171 = arith.constant 2 : i32
      %mul3A_172 = vector.broadcast %mul3A_171 : i32 to vector<16xi32>
      %mul3A_173 = arith.muli %get3A_166, %mul3A_172 : vector<16xi32>
      %add3A_174 = arith.constant 1 : i32
      %add3A_175 = vector.broadcast %add3A_174 : i32 to vector<16xi32>
      %add3A_176 = arith.addi %mul3A_173, %add3A_175 : vector<16xi32>
      %gather3A_177 = tpu.vector_load_idx %arg9[%add3A_176] : memref<20480xf32, #tpu.memory_space<vmem>>[vector<16xi32>], vector<16xf32>,
      %add3A_178 = arith.addf %gather3A_170, %gather3A_177 : vector<16xf32>
      %ge3A_179 = arith.constant 0.000000e+00 : f32
      %ge3A_180 = vector.broadcast %ge3A_179 : f32 to vector<16xf32>
      %ge3A_181 = arith.cmpf oge, %add3A_178, %ge3A_180 : vector<16xf32>
      %mul3A_182 = arith.constant 2.000000e-01 : f32
      %mul3A_183 = vector.broadcast %mul3A_182 : f32 to vector<16xf32>
      %mul3A_184 = arith.mulf %add3A_178, %mul3A_183 : vector<16xf32>
      %select_n3A_185 = arith.select %ge3A_181, %add3A_178, %mul3A_184 : vector<16xi1>, vector<16xf32>
      %exp3A_186 = math.exp %select_n3A_185 : vector<16xf32>
      %mul3A_187 = arith.constant 10112 : i32
      %mul3A_188 = arith.muli %add3A, %mul3A_187 : i32
      %mul3A_189 = arith.constant 128 : i32
      %mul3A_190 = arith.muli %scan3A_67, %mul3A_189 : i32
      %add3A_191 = arith.addi %mul3A_188, %mul3A_190 : i32
      %add3A_192 = arith.constant 32 : i32
      %add3A_193 = arith.addi %add3A_191, %add3A_192 : i32
      %iota3A_194 = tpu.iota {dimensions = array<i32: 0>} : vector<16xi32>
      %add3A_195 = vector.broadcast %add3A_193 : i32 to vector<16xi32>
      %add3A_196 = arith.addi %add3A_195, %iota3A_194 : vector<16xi32>
      %lt3A_197 = arith.constant 320000 : i32
      %lt3A_198 = vector.broadcast %lt3A_197 : i32 to vector<16xi32>
      %lt3A_199 = arith.cmpi slt, %add3A_196, %lt3A_198 : vector<16xi32>
      %jit3A_200 = arith.constant 0.000000e+00 : f32
      %broadcast_in_dim3A_201 = vector.broadcast %jit3A_200 : f32 to vector<16xf32>
      %select_n3A_202 = arith.select %lt3A_199, %exp3A_186, %broadcast_in_dim3A_201 : vector<16xi1>, vector<16xf32>
      %swap3A_203 = arith.constant 32 : index
      %swap3A_204 = tpu.vector_load %arg12[%swap3A_203] {strides = array<i32>} : memref<128xf32, #tpu.memory_space<vmem>>, vector<16xf32>,
      tpu.vector_store %arg12[%swap3A_203], %select_n3A_202 {strides = array<i32>} : memref<128xf32, #tpu.memory_space<vmem>>, vector<16xf32>,
      %get3A_205 = arith.constant 0 : i32
      %get3A_206 = arith.index_cast %get3A_205 : i32 to index
      %get3A_207 = arith.constant 48 : index
      %get3A_208 = tpu.vector_load %arg10[%get3A_206, %get3A_207] {strides = array<i32>} : memref<1x128xi32, #tpu.memory_space<vmem>>, vector<16xi32>,
      %get3A_209 = arith.constant 0 : i32
      %get3A_210 = arith.index_cast %get3A_209 : i32 to index
      %get3A_211 = arith.constant 48 : index
      %get3A_212 = tpu.vector_load %arg11[%get3A_210, %get3A_211] {strides = array<i32>} : memref<1x128xi32, #tpu.memory_space<vmem>>, vector<16xi32>,
      %mul3A_213 = arith.constant 2 : i32
      %mul3A_214 = vector.broadcast %mul3A_213 : i32 to vector<16xi32>
      %mul3A_215 = arith.muli %get3A_208, %mul3A_214 : vector<16xi32>
      %gather3A_216 = tpu.vector_load_idx %arg9[%mul3A_215] : memref<20480xf32, #tpu.memory_space<vmem>>[vector<16xi32>], vector<16xf32>,
      %mul3A_217 = arith.constant 2 : i32
      %mul3A_218 = vector.broadcast %mul3A_217 : i32 to vector<16xi32>
      %mul3A_219 = arith.muli %get3A_212, %mul3A_218 : vector<16xi32>
      %add3A_220 = arith.constant 1 : i32
      %add3A_221 = vector.broadcast %add3A_220 : i32 to vector<16xi32>
      %add3A_222 = arith.addi %mul3A_219, %add3A_221 : vector<16xi32>
      %gather3A_223 = tpu.vector_load_idx %arg9[%add3A_222] : memref<20480xf32, #tpu.memory_space<vmem>>[vector<16xi32>], vector<16xf32>,
      %add3A_224 = arith.addf %gather3A_216, %gather3A_223 : vector<16xf32>
      %ge3A_225 = arith.constant 0.000000e+00 : f32
      %ge3A_226 = vector.broadcast %ge3A_225 : f32 to vector<16xf32>
      %ge3A_227 = arith.cmpf oge, %add3A_224, %ge3A_226 : vector<16xf32>
      %mul3A_228 = arith.constant 2.000000e-01 : f32
      %mul3A_229 = vector.broadcast %mul3A_228 : f32 to vector<16xf32>
      %mul3A_230 = arith.mulf %add3A_224, %mul3A_229 : vector<16xf32>
      %select_n3A_231 = arith.select %ge3A_227, %add3A_224, %mul3A_230 : vector<16xi1>, vector<16xf32>
      %exp3A_232 = math.exp %select_n3A_231 : vector<16xf32>
      %mul3A_233 = arith.constant 10112 : i32
      %mul3A_234 = arith.muli %add3A, %mul3A_233 : i32
      %mul3A_235 = arith.constant 128 : i32
      %mul3A_236 = arith.muli %scan3A_67, %mul3A_235 : i32
      %add3A_237 = arith.addi %mul3A_234, %mul3A_236 : i32
      %add3A_238 = arith.constant 48 : i32
      %add3A_239 = arith.addi %add3A_237, %add3A_238 : i32
      %iota3A_240 = tpu.iota {dimensions = array<i32: 0>} : vector<16xi32>
      %add3A_241 = vector.broadcast %add3A_239 : i32 to vector<16xi32>
      %add3A_242 = arith.addi %add3A_241, %iota3A_240 : vector<16xi32>
      %lt3A_243 = arith.constant 320000 : i32
      %lt3A_244 = vector.broadcast %lt3A_243 : i32 to vector<16xi32>
      %lt3A_245 = arith.cmpi slt, %add3A_242, %lt3A_244 : vector<16xi32>
      %jit3A_246 = arith.constant 0.000000e+00 : f32
      %broadcast_in_dim3A_247 = vector.broadcast %jit3A_246 : f32 to vector<16xf32>
      %select_n3A_248 = arith.select %lt3A_245, %exp3A_232, %broadcast_in_dim3A_247 : vector<16xi1>, vector<16xf32>
      %swap3A_249 = arith.constant 48 : index
      %swap3A_250 = tpu.vector_load %arg12[%swap3A_249] {strides = array<i32>} : memref<128xf32, #tpu.memory_space<vmem>>, vector<16xf32>,
      tpu.vector_store %arg12[%swap3A_249], %select_n3A_248 {strides = array<i32>} : memref<128xf32, #tpu.memory_space<vmem>>, vector<16xf32>,
      %get3A_251 = arith.constant 0 : i32
      %get3A_252 = arith.index_cast %get3A_251 : i32 to index
      %get3A_253 = arith.constant 64 : index
      %get3A_254 = tpu.vector_load %arg10[%get3A_252, %get3A_253] {strides = array<i32>} : memref<1x128xi32, #tpu.memory_space<vmem>>, vector<16xi32>,
      %get3A_255 = arith.constant 0 : i32
      %get3A_256 = arith.index_cast %get3A_255 : i32 to index
      %get3A_257 = arith.constant 64 : index
      %get3A_258 = tpu.vector_load %arg11[%get3A_256, %get3A_257] {strides = array<i32>} : memref<1x128xi32, #tpu.memory_space<vmem>>, vector<16xi32>,
      %mul3A_259 = arith.constant 2 : i32
      %mul3A_260 = vector.broadcast %mul3A_259 : i32 to vector<16xi32>
      %mul3A_261 = arith.muli %get3A_254, %mul3A_260 : vector<16xi32>
      %gather3A_262 = tpu.vector_load_idx %arg9[%mul3A_261] : memref<20480xf32, #tpu.memory_space<vmem>>[vector<16xi32>], vector<16xf32>,
      %mul3A_263 = arith.constant 2 : i32
      %mul3A_264 = vector.broadcast %mul3A_263 : i32 to vector<16xi32>
      %mul3A_265 = arith.muli %get3A_258, %mul3A_264 : vector<16xi32>
      %add3A_266 = arith.constant 1 : i32
      %add3A_267 = vector.broadcast %add3A_266 : i32 to vector<16xi32>
      %add3A_268 = arith.addi %mul3A_265, %add3A_267 : vector<16xi32>
      %gather3A_269 = tpu.vector_load_idx %arg9[%add3A_268] : memref<20480xf32, #tpu.memory_space<vmem>>[vector<16xi32>], vector<16xf32>,
      %add3A_270 = arith.addf %gather3A_262, %gather3A_269 : vector<16xf32>
      %ge3A_271 = arith.constant 0.000000e+00 : f32
      %ge3A_272 = vector.broadcast %ge3A_271 : f32 to vector<16xf32>
      %ge3A_273 = arith.cmpf oge, %add3A_270, %ge3A_272 : vector<16xf32>
      %mul3A_274 = arith.constant 2.000000e-01 : f32
      %mul3A_275 = vector.broadcast %mul3A_274 : f32 to vector<16xf32>
      %mul3A_276 = arith.mulf %add3A_270, %mul3A_275 : vector<16xf32>
      %select_n3A_277 = arith.select %ge3A_273, %add3A_270, %mul3A_276 : vector<16xi1>, vector<16xf32>
      %exp3A_278 = math.exp %select_n3A_277 : vector<16xf32>
      %mul3A_279 = arith.constant 10112 : i32
      %mul3A_280 = arith.muli %add3A, %mul3A_279 : i32
      %mul3A_281 = arith.constant 128 : i32
      %mul3A_282 = arith.muli %scan3A_67, %mul3A_281 : i32
      %add3A_283 = arith.addi %mul3A_280, %mul3A_282 : i32
      %add3A_284 = arith.constant 64 : i32
      %add3A_285 = arith.addi %add3A_283, %add3A_284 : i32
      %iota3A_286 = tpu.iota {dimensions = array<i32: 0>} : vector<16xi32>
      %add3A_287 = vector.broadcast %add3A_285 : i32 to vector<16xi32>
      %add3A_288 = arith.addi %add3A_287, %iota3A_286 : vector<16xi32>
      %lt3A_289 = arith.constant 320000 : i32
      %lt3A_290 = vector.broadcast %lt3A_289 : i32 to vector<16xi32>
      %lt3A_291 = arith.cmpi slt, %add3A_288, %lt3A_290 : vector<16xi32>
      %jit3A_292 = arith.constant 0.000000e+00 : f32
      %broadcast_in_dim3A_293 = vector.broadcast %jit3A_292 : f32 to vector<16xf32>
      %select_n3A_294 = arith.select %lt3A_291, %exp3A_278, %broadcast_in_dim3A_293 : vector<16xi1>, vector<16xf32>
      %swap3A_295 = arith.constant 64 : index
      %swap3A_296 = tpu.vector_load %arg12[%swap3A_295] {strides = array<i32>} : memref<128xf32, #tpu.memory_space<vmem>>, vector<16xf32>,
      tpu.vector_store %arg12[%swap3A_295], %select_n3A_294 {strides = array<i32>} : memref<128xf32, #tpu.memory_space<vmem>>, vector<16xf32>,
      %get3A_297 = arith.constant 0 : i32
      %get3A_298 = arith.index_cast %get3A_297 : i32 to index
      %get3A_299 = arith.constant 80 : index
      %get3A_300 = tpu.vector_load %arg10[%get3A_298, %get3A_299] {strides = array<i32>} : memref<1x128xi32, #tpu.memory_space<vmem>>, vector<16xi32>,
      %get3A_301 = arith.constant 0 : i32
      %get3A_302 = arith.index_cast %get3A_301 : i32 to index
      %get3A_303 = arith.constant 80 : index
      %get3A_304 = tpu.vector_load %arg11[%get3A_302, %get3A_303] {strides = array<i32>} : memref<1x128xi32, #tpu.memory_space<vmem>>, vector<16xi32>,
      %mul3A_305 = arith.constant 2 : i32
      %mul3A_306 = vector.broadcast %mul3A_305 : i32 to vector<16xi32>
      %mul3A_307 = arith.muli %get3A_300, %mul3A_306 : vector<16xi32>
      %gather3A_308 = tpu.vector_load_idx %arg9[%mul3A_307] : memref<20480xf32, #tpu.memory_space<vmem>>[vector<16xi32>], vector<16xf32>,
      %mul3A_309 = arith.constant 2 : i32
      %mul3A_310 = vector.broadcast %mul3A_309 : i32 to vector<16xi32>
      %mul3A_311 = arith.muli %get3A_304, %mul3A_310 : vector<16xi32>
      %add3A_312 = arith.constant 1 : i32
      %add3A_313 = vector.broadcast %add3A_312 : i32 to vector<16xi32>
      %add3A_314 = arith.addi %mul3A_311, %add3A_313 : vector<16xi32>
      %gather3A_315 = tpu.vector_load_idx %arg9[%add3A_314] : memref<20480xf32, #tpu.memory_space<vmem>>[vector<16xi32>], vector<16xf32>,
      %add3A_316 = arith.addf %gather3A_308, %gather3A_315 : vector<16xf32>
      %ge3A_317 = arith.constant 0.000000e+00 : f32
      %ge3A_318 = vector.broadcast %ge3A_317 : f32 to vector<16xf32>
      %ge3A_319 = arith.cmpf oge, %add3A_316, %ge3A_318 : vector<16xf32>
      %mul3A_320 = arith.constant 2.000000e-01 : f32
      %mul3A_321 = vector.broadcast %mul3A_320 : f32 to vector<16xf32>
      %mul3A_322 = arith.mulf %add3A_316, %mul3A_321 : vector<16xf32>
      %select_n3A_323 = arith.select %ge3A_319, %add3A_316, %mul3A_322 : vector<16xi1>, vector<16xf32>
      %exp3A_324 = math.exp %select_n3A_323 : vector<16xf32>
      %mul3A_325 = arith.constant 10112 : i32
      %mul3A_326 = arith.muli %add3A, %mul3A_325 : i32
      %mul3A_327 = arith.constant 128 : i32
      %mul3A_328 = arith.muli %scan3A_67, %mul3A_327 : i32
      %add3A_329 = arith.addi %mul3A_326, %mul3A_328 : i32
      %add3A_330 = arith.constant 80 : i32
      %add3A_331 = arith.addi %add3A_329, %add3A_330 : i32
      %iota3A_332 = tpu.iota {dimensions = array<i32: 0>} : vector<16xi32>
      %add3A_333 = vector.broadcast %add3A_331 : i32 to vector<16xi32>
      %add3A_334 = arith.addi %add3A_333, %iota3A_332 : vector<16xi32>
      %lt3A_335 = arith.constant 320000 : i32
      %lt3A_336 = vector.broadcast %lt3A_335 : i32 to vector<16xi32>
      %lt3A_337 = arith.cmpi slt, %add3A_334, %lt3A_336 : vector<16xi32>
      %jit3A_338 = arith.constant 0.000000e+00 : f32
      %broadcast_in_dim3A_339 = vector.broadcast %jit3A_338 : f32 to vector<16xf32>
      %select_n3A_340 = arith.select %lt3A_337, %exp3A_324, %broadcast_in_dim3A_339 : vector<16xi1>, vector<16xf32>
      %swap3A_341 = arith.constant 80 : index
      %swap3A_342 = tpu.vector_load %arg12[%swap3A_341] {strides = array<i32>} : memref<128xf32, #tpu.memory_space<vmem>>, vector<16xf32>,
      tpu.vector_store %arg12[%swap3A_341], %select_n3A_340 {strides = array<i32>} : memref<128xf32, #tpu.memory_space<vmem>>, vector<16xf32>,
      %get3A_343 = arith.constant 0 : i32
      %get3A_344 = arith.index_cast %get3A_343 : i32 to index
      %get3A_345 = arith.constant 96 : index
      %get3A_346 = tpu.vector_load %arg10[%get3A_344, %get3A_345] {strides = array<i32>} : memref<1x128xi32, #tpu.memory_space<vmem>>, vector<16xi32>,
      %get3A_347 = arith.constant 0 : i32
      %get3A_348 = arith.index_cast %get3A_347 : i32 to index
      %get3A_349 = arith.constant 96 : index
      %get3A_350 = tpu.vector_load %arg11[%get3A_348, %get3A_349] {strides = array<i32>} : memref<1x128xi32, #tpu.memory_space<vmem>>, vector<16xi32>,
      %mul3A_351 = arith.constant 2 : i32
      %mul3A_352 = vector.broadcast %mul3A_351 : i32 to vector<16xi32>
      %mul3A_353 = arith.muli %get3A_346, %mul3A_352 : vector<16xi32>
      %gather3A_354 = tpu.vector_load_idx %arg9[%mul3A_353] : memref<20480xf32, #tpu.memory_space<vmem>>[vector<16xi32>], vector<16xf32>,
      %mul3A_355 = arith.constant 2 : i32
      %mul3A_356 = vector.broadcast %mul3A_355 : i32 to vector<16xi32>
      %mul3A_357 = arith.muli %get3A_350, %mul3A_356 : vector<16xi32>
      %add3A_358 = arith.constant 1 : i32
      %add3A_359 = vector.broadcast %add3A_358 : i32 to vector<16xi32>
      %add3A_360 = arith.addi %mul3A_357, %add3A_359 : vector<16xi32>
      %gather3A_361 = tpu.vector_load_idx %arg9[%add3A_360] : memref<20480xf32, #tpu.memory_space<vmem>>[vector<16xi32>], vector<16xf32>,
      %add3A_362 = arith.addf %gather3A_354, %gather3A_361 : vector<16xf32>
      %ge3A_363 = arith.constant 0.000000e+00 : f32
      %ge3A_364 = vector.broadcast %ge3A_363 : f32 to vector<16xf32>
      %ge3A_365 = arith.cmpf oge, %add3A_362, %ge3A_364 : vector<16xf32>
      %mul3A_366 = arith.constant 2.000000e-01 : f32
      %mul3A_367 = vector.broadcast %mul3A_366 : f32 to vector<16xf32>
      %mul3A_368 = arith.mulf %add3A_362, %mul3A_367 : vector<16xf32>
      %select_n3A_369 = arith.select %ge3A_365, %add3A_362, %mul3A_368 : vector<16xi1>, vector<16xf32>
      %exp3A_370 = math.exp %select_n3A_369 : vector<16xf32>
      %mul3A_371 = arith.constant 10112 : i32
      %mul3A_372 = arith.muli %add3A, %mul3A_371 : i32
      %mul3A_373 = arith.constant 128 : i32
      %mul3A_374 = arith.muli %scan3A_67, %mul3A_373 : i32
      %add3A_375 = arith.addi %mul3A_372, %mul3A_374 : i32
      %add3A_376 = arith.constant 96 : i32
      %add3A_377 = arith.addi %add3A_375, %add3A_376 : i32
      %iota3A_378 = tpu.iota {dimensions = array<i32: 0>} : vector<16xi32>
      %add3A_379 = vector.broadcast %add3A_377 : i32 to vector<16xi32>
      %add3A_380 = arith.addi %add3A_379, %iota3A_378 : vector<16xi32>
      %lt3A_381 = arith.constant 320000 : i32
      %lt3A_382 = vector.broadcast %lt3A_381 : i32 to vector<16xi32>
      %lt3A_383 = arith.cmpi slt, %add3A_380, %lt3A_382 : vector<16xi32>
      %jit3A_384 = arith.constant 0.000000e+00 : f32
      %broadcast_in_dim3A_385 = vector.broadcast %jit3A_384 : f32 to vector<16xf32>
      %select_n3A_386 = arith.select %lt3A_383, %exp3A_370, %broadcast_in_dim3A_385 : vector<16xi1>, vector<16xf32>
      %swap3A_387 = arith.constant 96 : index
      %swap3A_388 = tpu.vector_load %arg12[%swap3A_387] {strides = array<i32>} : memref<128xf32, #tpu.memory_space<vmem>>, vector<16xf32>,
      tpu.vector_store %arg12[%swap3A_387], %select_n3A_386 {strides = array<i32>} : memref<128xf32, #tpu.memory_space<vmem>>, vector<16xf32>,
      %get3A_389 = arith.constant 0 : i32
      %get3A_390 = arith.index_cast %get3A_389 : i32 to index
      %get3A_391 = arith.constant 112 : index
      %get3A_392 = tpu.vector_load %arg10[%get3A_390, %get3A_391] {strides = array<i32>} : memref<1x128xi32, #tpu.memory_space<vmem>>, vector<16xi32>,
      %get3A_393 = arith.constant 0 : i32
      %get3A_394 = arith.index_cast %get3A_393 : i32 to index
      %get3A_395 = arith.constant 112 : index
      %get3A_396 = tpu.vector_load %arg11[%get3A_394, %get3A_395] {strides = array<i32>} : memref<1x128xi32, #tpu.memory_space<vmem>>, vector<16xi32>,
      %mul3A_397 = arith.constant 2 : i32
      %mul3A_398 = vector.broadcast %mul3A_397 : i32 to vector<16xi32>
      %mul3A_399 = arith.muli %get3A_392, %mul3A_398 : vector<16xi32>
      %gather3A_400 = tpu.vector_load_idx %arg9[%mul3A_399] : memref<20480xf32, #tpu.memory_space<vmem>>[vector<16xi32>], vector<16xf32>,
      %mul3A_401 = arith.constant 2 : i32
      %mul3A_402 = vector.broadcast %mul3A_401 : i32 to vector<16xi32>
      %mul3A_403 = arith.muli %get3A_396, %mul3A_402 : vector<16xi32>
      %add3A_404 = arith.constant 1 : i32
      %add3A_405 = vector.broadcast %add3A_404 : i32 to vector<16xi32>
      %add3A_406 = arith.addi %mul3A_403, %add3A_405 : vector<16xi32>
      %gather3A_407 = tpu.vector_load_idx %arg9[%add3A_406] : memref<20480xf32, #tpu.memory_space<vmem>>[vector<16xi32>], vector<16xf32>,
      %add3A_408 = arith.addf %gather3A_400, %gather3A_407 : vector<16xf32>
      %ge3A_409 = arith.constant 0.000000e+00 : f32
      %ge3A_410 = vector.broadcast %ge3A_409 : f32 to vector<16xf32>
      %ge3A_411 = arith.cmpf oge, %add3A_408, %ge3A_410 : vector<16xf32>
      %mul3A_412 = arith.constant 2.000000e-01 : f32
      %mul3A_413 = vector.broadcast %mul3A_412 : f32 to vector<16xf32>
      %mul3A_414 = arith.mulf %add3A_408, %mul3A_413 : vector<16xf32>
      %select_n3A_415 = arith.select %ge3A_411, %add3A_408, %mul3A_414 : vector<16xi1>, vector<16xf32>
      %exp3A_416 = math.exp %select_n3A_415 : vector<16xf32>
      %mul3A_417 = arith.constant 10112 : i32
      %mul3A_418 = arith.muli %add3A, %mul3A_417 : i32
      %mul3A_419 = arith.constant 128 : i32
      %mul3A_420 = arith.muli %scan3A_67, %mul3A_419 : i32
      %add3A_421 = arith.addi %mul3A_418, %mul3A_420 : i32
      %add3A_422 = arith.constant 112 : i32
      %add3A_423 = arith.addi %add3A_421, %add3A_422 : i32
      %iota3A_424 = tpu.iota {dimensions = array<i32: 0>} : vector<16xi32>
      %add3A_425 = vector.broadcast %add3A_423 : i32 to vector<16xi32>
      %add3A_426 = arith.addi %add3A_425, %iota3A_424 : vector<16xi32>
      %lt3A_427 = arith.constant 320000 : i32
      %lt3A_428 = vector.broadcast %lt3A_427 : i32 to vector<16xi32>
      %lt3A_429 = arith.cmpi slt, %add3A_426, %lt3A_428 : vector<16xi32>
      %jit3A_430 = arith.constant 0.000000e+00 : f32
      %broadcast_in_dim3A_431 = vector.broadcast %jit3A_430 : f32 to vector<16xf32>
      %select_n3A_432 = arith.select %lt3A_429, %exp3A_416, %broadcast_in_dim3A_431 : vector<16xi1>, vector<16xf32>
      %swap3A_433 = arith.constant 112 : index
      %swap3A_434 = tpu.vector_load %arg12[%swap3A_433] {strides = array<i32>} : memref<128xf32, #tpu.memory_space<vmem>>, vector<16xf32>,
      tpu.vector_store %arg12[%swap3A_433], %select_n3A_432 {strides = array<i32>} : memref<128xf32, #tpu.memory_space<vmem>>, vector<16xf32>,
      %run_scoped3A_435 = arith.constant 0 : i32
      "tpu.region"() ({
        %run_scoped3A_449 = tpu.sem_alloc : memref<!tpu.dma_semaphore, #tpu.memory_space<semaphore_mem>>
        %dma_start3A_450 = arith.constant 0 : i32
        %dma_start3A_451 = tpu.memref_slice %arg11[%run_scoped3A_435, %dma_start3A_450] : memref<1x128xi32, #tpu.memory_space<vmem>> -> memref<1x128xi32, #tpu.memory_space<vmem>>
        %dma_start3A_452 = tpu.memref_squeeze %dma_start3A_451 : memref<1x128xi32, #tpu.memory_space<vmem>> -> memref<128xi32, #tpu.memory_space<vmem>>
        %dma_start3A_453 = arith.constant 0 : i32
        %dma_start3A_454 = tpu.memref_slice %arg15[%dma_start3A_453] : memref<10240xf32, #tpu.memory_space<vmem_shared>> -> memref<10240xf32, #tpu.memory_space<vmem_shared>>
        tpu.enqueue_indirect_dma source(%arg12 : memref<128xf32, #tpu.memory_space<vmem>>) target(%dma_start3A_454 : memref<10240xf32, #tpu.memory_space<vmem_shared>>) offsets(%dma_start3A_452 : memref<128xi32, #tpu.memory_space<vmem>>) semaphore(%run_scoped3A_449 : memref<!tpu.dma_semaphore, #tpu.memory_space<semaphore_mem>>) {add = true}
        %dma_wait3A_455 = arith.constant 0 : i32
        %dma_wait3A_456 = tpu.memref_slice %arg11[%run_scoped3A_435, %dma_wait3A_455] : memref<1x128xi32, #tpu.memory_space<vmem>> -> memref<1x128xi32, #tpu.memory_space<vmem>>
        %dma_wait3A_457 = tpu.memref_squeeze %dma_wait3A_456 : memref<1x128xi32, #tpu.memory_space<vmem>> -> memref<128xi32, #tpu.memory_space<vmem>>
        %dma_wait3A_458 = arith.constant 0 : i32
        %dma_wait3A_459 = tpu.memref_slice %arg15[%dma_wait3A_458] : memref<10240xf32, #tpu.memory_space<vmem_shared>> -> memref<10240xf32, #tpu.memory_space<vmem_shared>>
        tpu.wait_indirect_dma semaphore(%run_scoped3A_449 : memref<!tpu.dma_semaphore, #tpu.memory_space<semaphore_mem>>) src(%arg12 : memref<128xf32, #tpu.memory_space<vmem>>) dst(%dma_wait3A_459 : memref<10240xf32, #tpu.memory_space<vmem_shared>>)
        tpu.yield
      }) : () -> ()
      %dma_wait3A = arith.constant 0 : i32
      %dma_wait3A_436 = arith.constant 0 : i32
      %dma_wait3A_437 = tpu.memref_slice %arg10[%dma_wait3A, %dma_wait3A_436] : memref<1x128xi32, #tpu.memory_space<vmem>> -> memref<1x128xi32, #tpu.memory_space<vmem>>
      %dma_wait3A_438 = tpu.memref_squeeze %dma_wait3A_437 : memref<1x128xi32, #tpu.memory_space<vmem>> -> memref<128xi32, #tpu.memory_space<vmem>>
      %dma_wait3A_439 = arith.constant 0 : i32
      %dma_wait3A_440 = arith.constant 0 : i32
      %dma_wait3A_441 = tpu.memref_slice %arg2[%dma_wait3A_439, %dma_wait3A_440] : memref<10240x128xf32, #tpu.memory_space<hbm>> -> memref<10240x128xf32, #tpu.memory_space<hbm>>
      tpu.wait_indirect_dma semaphore(%arg16 : memref<!tpu.dma_semaphore, #tpu.memory_space<semaphore_mem>>) src(%dma_wait3A_441 : memref<10240x128xf32, #tpu.memory_space<hbm>>) dst(%arg13 : memref<128x128xf32, #tpu.memory_space<vmem>>)
      %scan3A_442 = arith.constant 0 : i32
      %scan3A_443 = arith.constant 0 : i32
      %scan3A_444 = arith.constant 8 : i32
      %scan3A_445 = arith.addi %scan3A_443, %scan3A_444 : i32
      %scan3A_446 = arith.constant 1 : i32
      scf.for %scan3A_449 = %scan3A_443 to %scan3A_445 step %scan3A_446  : i32 {
        %mul3A_450 = arith.constant 16 : i32
        %mul3A_451 = arith.muli %scan3A_449, %mul3A_450 : i32
        %get3A_452 = arith.index_cast %mul3A_451 : i32 to index
        %get3A_453 = tpu.vector_load %arg12[%get3A_452] {strides = array<i32>} : memref<128xf32, #tpu.memory_space<vmem>>, vector<16xf32>,
        %broadcast_in_dim3A_454 = arith.constant 0 : i32
        %broadcast_in_dim3A_455 = vector.broadcast %broadcast_in_dim3A_454 : i32 to vector<16x1xi32>
        %gather3A_456 = vector.shape_cast %broadcast_in_dim3A_455 : vector<16x1xi32> to vector<16xi32>
        %gather3A_457 = tpu.dynamic_gather %get3A_453[%gather3A_456] in [0] : vector<16xf32>, vector<16xi32> -> vector<16xf32>
        %mul3A_458 = arith.constant 16 : i32
        %mul3A_459 = arith.muli %scan3A_449, %mul3A_458 : i32
        %add3A_460 = arith.constant 0 : i32
        %add3A_461 = arith.addi %mul3A_459, %add3A_460 : i32
        %get3A_462 = arith.index_cast %add3A_461 : i32 to index
        %get3A_463 = arith.constant 0 : index
        %get3A_464 = tpu.vector_load %arg13[%get3A_462, %get3A_463] {strides = array<i32>} : memref<128x128xf32, #tpu.memory_space<vmem>>, vector<16xf32>,
        %mul3A_465 = arith.mulf %get3A_464, %gather3A_457 : vector<16xf32>
        %swap3A_466 = arith.index_cast %add3A_461 : i32 to index
        %swap3A_467 = arith.constant 0 : index
        %swap3A_468 = tpu.vector_load %arg13[%swap3A_466, %swap3A_467] {strides = array<i32>} : memref<128x128xf32, #tpu.memory_space<vmem>>, vector<16xf32>,
        tpu.vector_store %arg13[%swap3A_466, %swap3A_467], %mul3A_465 {strides = array<i32>} : memref<128x128xf32, #tpu.memory_space<vmem>>, vector<16xf32>,
        %get3A_469 = arith.index_cast %add3A_461 : i32 to index
        %get3A_470 = arith.constant 16 : index
        %get3A_471 = tpu.vector_load %arg13[%get3A_469, %get3A_470] {strides = array<i32>} : memref<128x128xf32, #tpu.memory_space<vmem>>, vector<16xf32>,
        %mul3A_472 = arith.mulf %get3A_471, %gather3A_457 : vector<16xf32>
        %swap3A_473 = arith.index_cast %add3A_461 : i32 to index
        %swap3A_474 = arith.constant 16 : index
        %swap3A_475 = tpu.vector_load %arg13[%swap3A_473, %swap3A_474] {strides = array<i32>} : memref<128x128xf32, #tpu.memory_space<vmem>>, vector<16xf32>,
        tpu.vector_store %arg13[%swap3A_473, %swap3A_474], %mul3A_472 {strides = array<i32>} : memref<128x128xf32, #tpu.memory_space<vmem>>, vector<16xf32>,
        %get3A_476 = arith.index_cast %add3A_461 : i32 to index
        %get3A_477 = arith.constant 32 : index
        %get3A_478 = tpu.vector_load %arg13[%get3A_476, %get3A_477] {strides = array<i32>} : memref<128x128xf32, #tpu.memory_space<vmem>>, vector<16xf32>,
        %mul3A_479 = arith.mulf %get3A_478, %gather3A_457 : vector<16xf32>
        %swap3A_480 = arith.index_cast %add3A_461 : i32 to index
        %swap3A_481 = arith.constant 32 : index
        %swap3A_482 = tpu.vector_load %arg13[%swap3A_480, %swap3A_481] {strides = array<i32>} : memref<128x128xf32, #tpu.memory_space<vmem>>, vector<16xf32>,
        tpu.vector_store %arg13[%swap3A_480, %swap3A_481], %mul3A_479 {strides = array<i32>} : memref<128x128xf32, #tpu.memory_space<vmem>>, vector<16xf32>,
        %get3A_483 = arith.index_cast %add3A_461 : i32 to index
        %get3A_484 = arith.constant 48 : index
        %get3A_485 = tpu.vector_load %arg13[%get3A_483, %get3A_484] {strides = array<i32>} : memref<128x128xf32, #tpu.memory_space<vmem>>, vector<16xf32>,
        %mul3A_486 = arith.mulf %get3A_485, %gather3A_457 : vector<16xf32>
        %swap3A_487 = arith.index_cast %add3A_461 : i32 to index
        %swap3A_488 = arith.constant 48 : index
        %swap3A_489 = tpu.vector_load %arg13[%swap3A_487, %swap3A_488] {strides = array<i32>} : memref<128x128xf32, #tpu.memory_space<vmem>>, vector<16xf32>,
        tpu.vector_store %arg13[%swap3A_487, %swap3A_488], %mul3A_486 {strides = array<i32>} : memref<128x128xf32, #tpu.memory_space<vmem>>, vector<16xf32>,
        %get3A_490 = arith.index_cast %add3A_461 : i32 to index
        %get3A_491 = arith.constant 64 : index
        %get3A_492 = tpu.vector_load %arg13[%get3A_490, %get3A_491] {strides = array<i32>} : memref<128x128xf32, #tpu.memory_space<vmem>>, vector<16xf32>,
        %mul3A_493 = arith.mulf %get3A_492, %gather3A_457 : vector<16xf32>
        %swap3A_494 = arith.index_cast %add3A_461 : i32 to index
        %swap3A_495 = arith.constant 64 : index
        %swap3A_496 = tpu.vector_load %arg13[%swap3A_494, %swap3A_495] {strides = array<i32>} : memref<128x128xf32, #tpu.memory_space<vmem>>, vector<16xf32>,
        tpu.vector_store %arg13[%swap3A_494, %swap3A_495], %mul3A_493 {strides = array<i32>} : memref<128x128xf32, #tpu.memory_space<vmem>>, vector<16xf32>,
        %get3A_497 = arith.index_cast %add3A_461 : i32 to index
        %get3A_498 = arith.constant 80 : index
        %get3A_499 = tpu.vector_load %arg13[%get3A_497, %get3A_498] {strides = array<i32>} : memref<128x128xf32, #tpu.memory_space<vmem>>, vector<16xf32>,
        %mul3A_500 = arith.mulf %get3A_499, %gather3A_457 : vector<16xf32>
        %swap3A_501 = arith.index_cast %add3A_461 : i32 to index
        %swap3A_502 = arith.constant 80 : index
        %swap3A_503 = tpu.vector_load %arg13[%swap3A_501, %swap3A_502] {strides = array<i32>} : memref<128x128xf32, #tpu.memory_space<vmem>>, vector<16xf32>,
        tpu.vector_store %arg13[%swap3A_501, %swap3A_502], %mul3A_500 {strides = array<i32>} : memref<128x128xf32, #tpu.memory_space<vmem>>, vector<16xf32>,
        %get3A_504 = arith.index_cast %add3A_461 : i32 to index
        %get3A_505 = arith.constant 96 : index
        %get3A_506 = tpu.vector_load %arg13[%get3A_504, %get3A_505] {strides = array<i32>} : memref<128x128xf32, #tpu.memory_space<vmem>>, vector<16xf32>,
        %mul3A_507 = arith.mulf %get3A_506, %gather3A_457 : vector<16xf32>
        %swap3A_508 = arith.index_cast %add3A_461 : i32 to index
        %swap3A_509 = arith.constant 96 : index
        %swap3A_510 = tpu.vector_load %arg13[%swap3A_508, %swap3A_509] {strides = array<i32>} : memref<128x128xf32, #tpu.memory_space<vmem>>, vector<16xf32>,
        tpu.vector_store %arg13[%swap3A_508, %swap3A_509], %mul3A_507 {strides = array<i32>} : memref<128x128xf32, #tpu.memory_space<vmem>>, vector<16xf32>,
        %get3A_511 = arith.index_cast %add3A_461 : i32 to index
        %get3A_512 = arith.constant 112 : index
        %get3A_513 = tpu.vector_load %arg13[%get3A_511, %get3A_512] {strides = array<i32>} : memref<128x128xf32, #tpu.memory_space<vmem>>, vector<16xf32>,
        %mul3A_514 = arith.mulf %get3A_513, %gather3A_457 : vector<16xf32>
        %swap3A_515 = arith.index_cast %add3A_461 : i32 to index
        %swap3A_516 = arith.constant 112 : index
        %swap3A_517 = tpu.vector_load %arg13[%swap3A_515, %swap3A_516] {strides = array<i32>} : memref<128x128xf32, #tpu.memory_space<vmem>>, vector<16xf32>,
        tpu.vector_store %arg13[%swap3A_515, %swap3A_516], %mul3A_514 {strides = array<i32>} : memref<128x128xf32, #tpu.memory_space<vmem>>, vector<16xf32>,
        %broadcast_in_dim3A_518 = arith.constant 1 : i32
        %broadcast_in_dim3A_519 = vector.broadcast %broadcast_in_dim3A_518 : i32 to vector<16x1xi32>
        %gather3A_520 = vector.shape_cast %broadcast_in_dim3A_519 : vector<16x1xi32> to vector<16xi32>
        %gather3A_521 = tpu.dynamic_gather %get3A_453[%gather3A_520] in [0] : vector<16xf32>, vector<16xi32> -> vector<16xf32>
        %mul3A_522 = arith.constant 16 : i32
        %mul3A_523 = arith.muli %scan3A_449, %mul3A_522 : i32
        %add3A_524 = arith.constant 1 : i32
        %add3A_525 = arith.addi %mul3A_523, %add3A_524 : i32
        %get3A_526 = arith.index_cast %add3A_525 : i32 to index
        %get3A_527 = arith.constant 0 : index
        %get3A_528 = tpu.vector_load %arg13[%get3A_526, %get3A_527] {strides = array<i32>} : memref<128x128xf32, #tpu.memory_space<vmem>>, vector<16xf32>,
        %mul3A_529 = arith.mulf %get3A_528, %gather3A_521 : vector<16xf32>
        %swap3A_530 = arith.index_cast %add3A_525 : i32 to index
        %swap3A_531 = arith.constant 0 : index
        %swap3A_532 = tpu.vector_load %arg13[%swap3A_530, %swap3A_531] {strides = array<i32>} : memref<128x128xf32, #tpu.memory_space<vmem>>, vector<16xf32>,
        tpu.vector_store %arg13[%swap3A_530, %swap3A_531], %mul3A_529 {strides = array<i32>} : memref<128x128xf32, #tpu.memory_space<vmem>>, vector<16xf32>,
        %get3A_533 = arith.index_cast %add3A_525 : i32 to index
        %get3A_534 = arith.constant 16 : index
        %get3A_535 = tpu.vector_load %arg13[%get3A_533, %get3A_534] {strides = array<i32>} : memref<128x128xf32, #tpu.memory_space<vmem>>, vector<16xf32>,
        %mul3A_536 = arith.mulf %get3A_535, %gather3A_521 : vector<16xf32>
        %swap3A_537 = arith.index_cast %add3A_525 : i32 to index
        %swap3A_538 = arith.constant 16 : index
        %swap3A_539 = tpu.vector_load %arg13[%swap3A_537, %swap3A_538] {strides = array<i32>} : memref<128x128xf32, #tpu.memory_space<vmem>>, vector<16xf32>,
        tpu.vector_store %arg13[%swap3A_537, %swap3A_538], %mul3A_536 {strides = array<i32>} : memref<128x128xf32, #tpu.memory_space<vmem>>, vector<16xf32>,
        %get3A_540 = arith.index_cast %add3A_525 : i32 to index
        %get3A_541 = arith.constant 32 : index
        %get3A_542 = tpu.vector_load %arg13[%get3A_540, %get3A_541] {strides = array<i32>} : memref<128x128xf32, #tpu.memory_space<vmem>>, vector<16xf32>,
        %mul3A_543 = arith.mulf %get3A_542, %gather3A_521 : vector<16xf32>
        %swap3A_544 = arith.index_cast %add3A_525 : i32 to index
        %swap3A_545 = arith.constant 32 : index
        %swap3A_546 = tpu.vector_load %arg13[%swap3A_544, %swap3A_545] {strides = array<i32>} : memref<128x128xf32, #tpu.memory_space<vmem>>, vector<16xf32>,
        tpu.vector_store %arg13[%swap3A_544, %swap3A_545], %mul3A_543 {strides = array<i32>} : memref<128x128xf32, #tpu.memory_space<vmem>>, vector<16xf32>,
        %get3A_547 = arith.index_cast %add3A_525 : i32 to index
        %get3A_548 = arith.constant 48 : index
        %get3A_549 = tpu.vector_load %arg13[%get3A_547, %get3A_548] {strides = array<i32>} : memref<128x128xf32, #tpu.memory_space<vmem>>, vector<16xf32>,
        %mul3A_550 = arith.mulf %get3A_549, %gather3A_521 : vector<16xf32>
        %swap3A_551 = arith.index_cast %add3A_525 : i32 to index
        %swap3A_552 = arith.constant 48 : index
        %swap3A_553 = tpu.vector_load %arg13[%swap3A_551, %swap3A_552] {strides = array<i32>} : memref<128x128xf32, #tpu.memory_space<vmem>>, vector<16xf32>,
        tpu.vector_store %arg13[%swap3A_551, %swap3A_552], %mul3A_550 {strides = array<i32>} : memref<128x128xf32, #tpu.memory_space<vmem>>, vector<16xf32>,
        %get3A_554 = arith.index_cast %add3A_525 : i32 to index
        %get3A_555 = arith.constant 64 : index
        %get3A_556 = tpu.vector_load %arg13[%get3A_554, %get3A_555] {strides = array<i32>} : memref<128x128xf32, #tpu.memory_space<vmem>>, vector<16xf32>,
        %mul3A_557 = arith.mulf %get3A_556, %gather3A_521 : vector<16xf32>
        %swap3A_558 = arith.index_cast %add3A_525 : i32 to index
        %swap3A_559 = arith.constant 64 : index
        %swap3A_560 = tpu.vector_load %arg13[%swap3A_558, %swap3A_559] {strides = array<i32>} : memref<128x128xf32, #tpu.memory_space<vmem>>, vector<16xf32>,
        tpu.vector_store %arg13[%swap3A_558, %swap3A_559], %mul3A_557 {strides = array<i32>} : memref<128x128xf32, #tpu.memory_space<vmem>>, vector<16xf32>,
        %get3A_561 = arith.index_cast %add3A_525 : i32 to index
        %get3A_562 = arith.constant 80 : index
        %get3A_563 = tpu.vector_load %arg13[%get3A_561, %get3A_562] {strides = array<i32>} : memref<128x128xf32, #tpu.memory_space<vmem>>, vector<16xf32>,
        %mul3A_564 = arith.mulf %get3A_563, %gather3A_521 : vector<16xf32>
        %swap3A_565 = arith.index_cast %add3A_525 : i32 to index
        %swap3A_566 = arith.constant 80 : index
        %swap3A_567 = tpu.vector_load %arg13[%swap3A_565, %swap3A_566] {strides = array<i32>} : memref<128x128xf32, #tpu.memory_space<vmem>>, vector<16xf32>,
        tpu.vector_store %arg13[%swap3A_565, %swap3A_566], %mul3A_564 {strides = array<i32>} : memref<128x128xf32, #tpu.memory_space<vmem>>, vector<16xf32>,
        %get3A_568 = arith.index_cast %add3A_525 : i32 to index
        %get3A_569 = arith.constant 96 : index
        %get3A_570 = tpu.vector_load %arg13[%get3A_568, %get3A_569] {strides = array<i32>} : memref<128x128xf32, #tpu.memory_space<vmem>>, vector<16xf32>,
        %mul3A_571 = arith.mulf %get3A_570, %gather3A_521 : vector<16xf32>
        %swap3A_572 = arith.index_cast %add3A_525 : i32 to index
        %swap3A_573 = arith.constant 96 : index
        %swap3A_574 = tpu.vector_load %arg13[%swap3A_572, %swap3A_573] {strides = array<i32>} : memref<128x128xf32, #tpu.memory_space<vmem>>, vector<16xf32>,
        tpu.vector_store %arg13[%swap3A_572, %swap3A_573], %mul3A_571 {strides = array<i32>} : memref<128x128xf32, #tpu.memory_space<vmem>>, vector<16xf32>,
        %get3A_575 = arith.index_cast %add3A_525 : i32 to index
        %get3A_576 = arith.constant 112 : index
        %get3A_577 = tpu.vector_load %arg13[%get3A_575, %get3A_576] {strides = array<i32>} : memref<128x128xf32, #tpu.memory_space<vmem>>, vector<16xf32>,
        %mul3A_578 = arith.mulf %get3A_577, %gather3A_521 : vector<16xf32>
        %swap3A_579 = arith.index_cast %add3A_525 : i32 to index
        %swap3A_580 = arith.constant 112 : index
        %swap3A_581 = tpu.vector_load %arg13[%swap3A_579, %swap3A_580] {strides = array<i32>} : memref<128x128xf32, #tpu.memory_space<vmem>>, vector<16xf32>,
        tpu.vector_store %arg13[%swap3A_579, %swap3A_580], %mul3A_578 {strides = array<i32>} : memref<128x128xf32, #tpu.memory_space<vmem>>, vector<16xf32>,
        %broadcast_in_dim3A_582 = arith.constant 2 : i32
        %broadcast_in_dim3A_583 = vector.broadcast %broadcast_in_dim3A_582 : i32 to vector<16x1xi32>
        %gather3A_584 = vector.shape_cast %broadcast_in_dim3A_583 : vector<16x1xi32> to vector<16xi32>
        %gather3A_585 = tpu.dynamic_gather %get3A_453[%gather3A_584] in [0] : vector<16xf32>, vector<16xi32> -> vector<16xf32>
        %mul3A_586 = arith.constant 16 : i32
        %mul3A_587 = arith.muli %scan3A_449, %mul3A_586 : i32
        %add3A_588 = arith.constant 2 : i32
        %add3A_589 = arith.addi %mul3A_587, %add3A_588 : i32
        %get3A_590 = arith.index_cast %add3A_589 : i32 to index
        %get3A_591 = arith.constant 0 : index
        %get3A_592 = tpu.vector_load %arg13[%get3A_590, %get3A_591] {strides = array<i32>} : memref<128x128xf32, #tpu.memory_space<vmem>>, vector<16xf32>,
        %mul3A_593 = arith.mulf %get3A_592, %gather3A_585 : vector<16xf32>
        %swap3A_594 = arith.index_cast %add3A_589 : i32 to index
        %swap3A_595 = arith.constant 0 : index
        %swap3A_596 = tpu.vector_load %arg13[%swap3A_594, %swap3A_595] {strides = array<i32>} : memref<128x128xf32, #tpu.memory_space<vmem>>, vector<16xf32>,
        tpu.vector_store %arg13[%swap3A_594, %swap3A_595], %mul3A_593 {strides = array<i32>} : memref<128x128xf32, #tpu.memory_space<vmem>>, vector<16xf32>,
        %get3A_597 = arith.index_cast %add3A_589 : i32 to index
        %get3A_598 = arith.constant 16 : index
        %get3A_599 = tpu.vector_load %arg13[%get3A_597, %get3A_598] {strides = array<i32>} : memref<128x128xf32, #tpu.memory_space<vmem>>, vector<16xf32>,
        %mul3A_600 = arith.mulf %get3A_599, %gather3A_585 : vector<16xf32>
        %swap3A_601 = arith.index_cast %add3A_589 : i32 to index
        %swap3A_602 = arith.constant 16 : index
        %swap3A_603 = tpu.vector_load %arg13[%swap3A_601, %swap3A_602] {strides = array<i32>} : memref<128x128xf32, #tpu.memory_space<vmem>>, vector<16xf32>,
        tpu.vector_store %arg13[%swap3A_601, %swap3A_602], %mul3A_600 {strides = array<i32>} : memref<128x128xf32, #tpu.memory_space<vmem>>, vector<16xf32>,
        %get3A_604 = arith.index_cast %add3A_589 : i32 to index
        %get3A_605 = arith.constant 32 : index
        %get3A_606 = tpu.vector_load %arg13[%get3A_604, %get3A_605] {strides = array<i32>} : memref<128x128xf32, #tpu.memory_space<vmem>>, vector<16xf32>,
        %mul3A_607 = arith.mulf %get3A_606, %gather3A_585 : vector<16xf32>
        %swap3A_608 = arith.index_cast %add3A_589 : i32 to index
        %swap3A_609 = arith.constant 32 : index
        %swap3A_610 = tpu.vector_load %arg13[%swap3A_608, %swap3A_609] {strides = array<i32>} : memref<128x128xf32, #tpu.memory_space<vmem>>, vector<16xf32>,
        tpu.vector_store %arg13[%swap3A_608, %swap3A_609], %mul3A_607 {strides = array<i32>} : memref<128x128xf32, #tpu.memory_space<vmem>>, vector<16xf32>,
        %get3A_611 = arith.index_cast %add3A_589 : i32 to index
        %get3A_612 = arith.constant 48 : index
        %get3A_613 = tpu.vector_load %arg13[%get3A_611, %get3A_612] {strides = array<i32>} : memref<128x128xf32, #tpu.memory_space<vmem>>, vector<16xf32>,
        %mul3A_614 = arith.mulf %get3A_613, %gather3A_585 : vector<16xf32>
        %swap3A_615 = arith.index_cast %add3A_589 : i32 to index
        %swap3A_616 = arith.constant 48 : index
        %swap3A_617 = tpu.vector_load %arg13[%swap3A_615, %swap3A_616] {strides = array<i32>} : memref<128x128xf32, #tpu.memory_space<vmem>>, vector<16xf32>,
        tpu.vector_store %arg13[%swap3A_615, %swap3A_616], %mul3A_614 {strides = array<i32>} : memref<128x128xf32, #tpu.memory_space<vmem>>, vector<16xf32>,
        %get3A_618 = arith.index_cast %add3A_589 : i32 to index
        %get3A_619 = arith.constant 64 : index
        %get3A_620 = tpu.vector_load %arg13[%get3A_618, %get3A_619] {strides = array<i32>} : memref<128x128xf32, #tpu.memory_space<vmem>>, vector<16xf32>,
        %mul3A_621 = arith.mulf %get3A_620, %gather3A_585 : vector<16xf32>
        %swap3A_622 = arith.index_cast %add3A_589 : i32 to index
        %swap3A_623 = arith.constant 64 : index
        %swap3A_624 = tpu.vector_load %arg13[%swap3A_622, %swap3A_623] {strides = array<i32>} : memref<128x128xf32, #tpu.memory_space<vmem>>, vector<16xf32>,
        tpu.vector_store %arg13[%swap3A_622, %swap3A_623], %mul3A_621 {strides = array<i32>} : memref<128x128xf32, #tpu.memory_space<vmem>>, vector<16xf32>,
        %get3A_625 = arith.index_cast %add3A_589 : i32 to index
        %get3A_626 = arith.constant 80 : index
        %get3A_627 = tpu.vector_load %arg13[%get3A_625, %get3A_626] {strides = array<i32>} : memref<128x128xf32, #tpu.memory_space<vmem>>, vector<16xf32>,
        %mul3A_628 = arith.mulf %get3A_627, %gather3A_585 : vector<16xf32>
        %swap3A_629 = arith.index_cast %add3A_589 : i32 to index
        %swap3A_630 = arith.constant 80 : index
        %swap3A_631 = tpu.vector_load %arg13[%swap3A_629, %swap3A_630] {strides = array<i32>} : memref<128x128xf32, #tpu.memory_space<vmem>>, vector<16xf32>,
        tpu.vector_store %arg13[%swap3A_629, %swap3A_630], %mul3A_628 {strides = array<i32>} : memref<128x128xf32, #tpu.memory_space<vmem>>, vector<16xf32>,
        %get3A_632 = arith.index_cast %add3A_589 : i32 to index
        %get3A_633 = arith.constant 96 : index
        %get3A_634 = tpu.vector_load %arg13[%get3A_632, %get3A_633] {strides = array<i32>} : memref<128x128xf32, #tpu.memory_space<vmem>>, vector<16xf32>,
        %mul3A_635 = arith.mulf %get3A_634, %gather3A_585 : vector<16xf32>
        %swap3A_636 = arith.index_cast %add3A_589 : i32 to index
        %swap3A_637 = arith.constant 96 : index
        %swap3A_638 = tpu.vector_load %arg13[%swap3A_636, %swap3A_637] {strides = array<i32>} : memref<128x128xf32, #tpu.memory_space<vmem>>, vector<16xf32>,
        tpu.vector_store %arg13[%swap3A_636, %swap3A_637], %mul3A_635 {strides = array<i32>} : memref<128x128xf32, #tpu.memory_space<vmem>>, vector<16xf32>,
        %get3A_639 = arith.index_cast %add3A_589 : i32 to index
        %get3A_640 = arith.constant 112 : index
        %get3A_641 = tpu.vector_load %arg13[%get3A_639, %get3A_640] {strides = array<i32>} : memref<128x128xf32, #tpu.memory_space<vmem>>, vector<16xf32>,
        %mul3A_642 = arith.mulf %get3A_641, %gather3A_585 : vector<16xf32>
        %swap3A_643 = arith.index_cast %add3A_589 : i32 to index
        %swap3A_644 = arith.constant 112 : index
        %swap3A_645 = tpu.vector_load %arg13[%swap3A_643, %swap3A_644] {strides = array<i32>} : memref<128x128xf32, #tpu.memory_space<vmem>>, vector<16xf32>,
        tpu.vector_store %arg13[%swap3A_643, %swap3A_644], %mul3A_642 {strides = array<i32>} : memref<128x128xf32, #tpu.memory_space<vmem>>, vector<16xf32>,
        %broadcast_in_dim3A_646 = arith.constant 3 : i32
        %broadcast_in_dim3A_647 = vector.broadcast %broadcast_in_dim3A_646 : i32 to vector<16x1xi32>
        %gather3A_648 = vector.shape_cast %broadcast_in_dim3A_647 : vector<16x1xi32> to vector<16xi32>
        %gather3A_649 = tpu.dynamic_gather %get3A_453[%gather3A_648] in [0] : vector<16xf32>, vector<16xi32> -> vector<16xf32>
        %mul3A_650 = arith.constant 16 : i32
        %mul3A_651 = arith.muli %scan3A_449, %mul3A_650 : i32
        %add3A_652 = arith.constant 3 : i32
        %add3A_653 = arith.addi %mul3A_651, %add3A_652 : i32
        %get3A_654 = arith.index_cast %add3A_653 : i32 to index
        %get3A_655 = arith.constant 0 : index
        %get3A_656 = tpu.vector_load %arg13[%get3A_654, %get3A_655] {strides = array<i32>} : memref<128x128xf32, #tpu.memory_space<vmem>>, vector<16xf32>,
        %mul3A_657 = arith.mulf %get3A_656, %gather3A_649 : vector<16xf32>
        %swap3A_658 = arith.index_cast %add3A_653 : i32 to index
        %swap3A_659 = arith.constant 0 : index
        %swap3A_660 = tpu.vector_load %arg13[%swap3A_658, %swap3A_659] {strides = array<i32>} : memref<128x128xf32, #tpu.memory_space<vmem>>, vector<16xf32>,
        tpu.vector_store %arg13[%swap3A_658, %swap3A_659], %mul3A_657 {strides = array<i32>} : memref<128x128xf32, #tpu.memory_space<vmem>>, vector<16xf32>,
        %get3A_661 = arith.index_cast %add3A_653 : i32 to index
        %get3A_662 = arith.constant 16 : index
        %get3A_663 = tpu.vector_load %arg13[%get3A_661, %get3A_662] {strides = array<i32>} : memref<128x128xf32, #tpu.memory_space<vmem>>, vector<16xf32>,
        %mul3A_664 = arith.mulf %get3A_663, %gather3A_649 : vector<16xf32>
        %swap3A_665 = arith.index_cast %add3A_653 : i32 to index
        %swap3A_666 = arith.constant 16 : index
        %swap3A_667 = tpu.vector_load %arg13[%swap3A_665, %swap3A_666] {strides = array<i32>} : memref<128x128xf32, #tpu.memory_space<vmem>>, vector<16xf32>,
        tpu.vector_store %arg13[%swap3A_665, %swap3A_666], %mul3A_664 {strides = array<i32>} : memref<128x128xf32, #tpu.memory_space<vmem>>, vector<16xf32>,
        %get3A_668 = arith.index_cast %add3A_653 : i32 to index
        %get3A_669 = arith.constant 32 : index
        %get3A_670 = tpu.vector_load %arg13[%get3A_668, %get3A_669] {strides = array<i32>} : memref<128x128xf32, #tpu.memory_space<vmem>>, vector<16xf32>,
        %mul3A_671 = arith.mulf %get3A_670, %gather3A_649 : vector<16xf32>
        %swap3A_672 = arith.index_cast %add3A_653 : i32 to index
        %swap3A_673 = arith.constant 32 : index
        %swap3A_674 = tpu.vector_load %arg13[%swap3A_672, %swap3A_673] {strides = array<i32>} : memref<128x128xf32, #tpu.memory_space<vmem>>, vector<16xf32>,
        tpu.vector_store %arg13[%swap3A_672, %swap3A_673], %mul3A_671 {strides = array<i32>} : memref<128x128xf32, #tpu.memory_space<vmem>>, vector<16xf32>,
        %get3A_675 = arith.index_cast %add3A_653 : i32 to index
        %get3A_676 = arith.constant 48 : index
        %get3A_677 = tpu.vector_load %arg13[%get3A_675, %get3A_676] {strides = array<i32>} : memref<128x128xf32, #tpu.memory_space<vmem>>, vector<16xf32>,
        %mul3A_678 = arith.mulf %get3A_677, %gather3A_649 : vector<16xf32>
        %swap3A_679 = arith.index_cast %add3A_653 : i32 to index
        %swap3A_680 = arith.constant 48 : index
        %swap3A_681 = tpu.vector_load %arg13[%swap3A_679, %swap3A_680] {strides = array<i32>} : memref<128x128xf32, #tpu.memory_space<vmem>>, vector<16xf32>,
        tpu.vector_store %arg13[%swap3A_679, %swap3A_680], %mul3A_678 {strides = array<i32>} : memref<128x128xf32, #tpu.memory_space<vmem>>, vector<16xf32>,
        %get3A_682 = arith.index_cast %add3A_653 : i32 to index
        %get3A_683 = arith.constant 64 : index
        %get3A_684 = tpu.vector_load %arg13[%get3A_682, %get3A_683] {strides = array<i32>} : memref<128x128xf32, #tpu.memory_space<vmem>>, vector<16xf32>,
        %mul3A_685 = arith.mulf %get3A_684, %gather3A_649 : vector<16xf32>
        %swap3A_686 = arith.index_cast %add3A_653 : i32 to index
        %swap3A_687 = arith.constant 64 : index
        %swap3A_688 = tpu.vector_load %arg13[%swap3A_686, %swap3A_687] {strides = array<i32>} : memref<128x128xf32, #tpu.memory_space<vmem>>, vector<16xf32>,
        tpu.vector_store %arg13[%swap3A_686, %swap3A_687], %mul3A_685 {strides = array<i32>} : memref<128x128xf32, #tpu.memory_space<vmem>>, vector<16xf32>,
        %get3A_689 = arith.index_cast %add3A_653 : i32 to index
        %get3A_690 = arith.constant 80 : index
        %get3A_691 = tpu.vector_load %arg13[%get3A_689, %get3A_690] {strides = array<i32>} : memref<128x128xf32, #tpu.memory_space<vmem>>, vector<16xf32>,
        %mul3A_692 = arith.mulf %get3A_691, %gather3A_649 : vector<16xf32>
        %swap3A_693 = arith.index_cast %add3A_653 : i32 to index
        %swap3A_694 = arith.constant 80 : index
        %swap3A_695 = tpu.vector_load %arg13[%swap3A_693, %swap3A_694] {strides = array<i32>} : memref<128x128xf32, #tpu.memory_space<vmem>>, vector<16xf32>,
        tpu.vector_store %arg13[%swap3A_693, %swap3A_694], %mul3A_692 {strides = array<i32>} : memref<128x128xf32, #tpu.memory_space<vmem>>, vector<16xf32>,
        %get3A_696 = arith.index_cast %add3A_653 : i32 to index
        %get3A_697 = arith.constant 96 : index
        %get3A_698 = tpu.vector_load %arg13[%get3A_696, %get3A_697] {strides = array<i32>} : memref<128x128xf32, #tpu.memory_space<vmem>>, vector<16xf32>,
        %mul3A_699 = arith.mulf %get3A_698, %gather3A_649 : vector<16xf32>
        %swap3A_700 = arith.index_cast %add3A_653 : i32 to index
        %swap3A_701 = arith.constant 96 : index
        %swap3A_702 = tpu.vector_load %arg13[%swap3A_700, %swap3A_701] {strides = array<i32>} : memref<128x128xf32, #tpu.memory_space<vmem>>, vector<16xf32>,
        tpu.vector_store %arg13[%swap3A_700, %swap3A_701], %mul3A_699 {strides = array<i32>} : memref<128x128xf32, #tpu.memory_space<vmem>>, vector<16xf32>,
        %get3A_703 = arith.index_cast %add3A_653 : i32 to index
        %get3A_704 = arith.constant 112 : index
        %get3A_705 = tpu.vector_load %arg13[%get3A_703, %get3A_704] {strides = array<i32>} : memref<128x128xf32, #tpu.memory_space<vmem>>, vector<16xf32>,
        %mul3A_706 = arith.mulf %get3A_705, %gather3A_649 : vector<16xf32>
        %swap3A_707 = arith.index_cast %add3A_653 : i32 to index
        %swap3A_708 = arith.constant 112 : index
        %swap3A_709 = tpu.vector_load %arg13[%swap3A_707, %swap3A_708] {strides = array<i32>} : memref<128x128xf32, #tpu.memory_space<vmem>>, vector<16xf32>,
        tpu.vector_store %arg13[%swap3A_707, %swap3A_708], %mul3A_706 {strides = array<i32>} : memref<128x128xf32, #tpu.memory_space<vmem>>, vector<16xf32>,
        %broadcast_in_dim3A_710 = arith.constant 4 : i32
        %broadcast_in_dim3A_711 = vector.broadcast %broadcast_in_dim3A_710 : i32 to vector<16x1xi32>
        %gather3A_712 = vector.shape_cast %broadcast_in_dim3A_711 : vector<16x1xi32> to vector<16xi32>
        %gather3A_713 = tpu.dynamic_gather %get3A_453[%gather3A_712] in [0] : vector<16xf32>, vector<16xi32> -> vector<16xf32>
        %mul3A_714 = arith.constant 16 : i32
        %mul3A_715 = arith.muli %scan3A_449, %mul3A_714 : i32
        %add3A_716 = arith.constant 4 : i32
        %add3A_717 = arith.addi %mul3A_715, %add3A_716 : i32
        %get3A_718 = arith.index_cast %add3A_717 : i32 to index
        %get3A_719 = arith.constant 0 : index
        %get3A_720 = tpu.vector_load %arg13[%get3A_718, %get3A_719] {strides = array<i32>} : memref<128x128xf32, #tpu.memory_space<vmem>>, vector<16xf32>,
        %mul3A_721 = arith.mulf %get3A_720, %gather3A_713 : vector<16xf32>
        %swap3A_722 = arith.index_cast %add3A_717 : i32 to index
        %swap3A_723 = arith.constant 0 : index
        %swap3A_724 = tpu.vector_load %arg13[%swap3A_722, %swap3A_723] {strides = array<i32>} : memref<128x128xf32, #tpu.memory_space<vmem>>, vector<16xf32>,
        tpu.vector_store %arg13[%swap3A_722, %swap3A_723], %mul3A_721 {strides = array<i32>} : memref<128x128xf32, #tpu.memory_space<vmem>>, vector<16xf32>,
        %get3A_725 = arith.index_cast %add3A_717 : i32 to index
        %get3A_726 = arith.constant 16 : index
        %get3A_727 = tpu.vector_load %arg13[%get3A_725, %get3A_726] {strides = array<i32>} : memref<128x128xf32, #tpu.memory_space<vmem>>, vector<16xf32>,
        %mul3A_728 = arith.mulf %get3A_727, %gather3A_713 : vector<16xf32>
        %swap3A_729 = arith.index_cast %add3A_717 : i32 to index
        %swap3A_730 = arith.constant 16 : index
        %swap3A_731 = tpu.vector_load %arg13[%swap3A_729, %swap3A_730] {strides = array<i32>} : memref<128x128xf32, #tpu.memory_space<vmem>>, vector<16xf32>,
        tpu.vector_store %arg13[%swap3A_729, %swap3A_730], %mul3A_728 {strides = array<i32>} : memref<128x128xf32, #tpu.memory_space<vmem>>, vector<16xf32>,
        %get3A_732 = arith.index_cast %add3A_717 : i32 to index
        %get3A_733 = arith.constant 32 : index
        %get3A_734 = tpu.vector_load %arg13[%get3A_732, %get3A_733] {strides = array<i32>} : memref<128x128xf32, #tpu.memory_space<vmem>>, vector<16xf32>,
        %mul3A_735 = arith.mulf %get3A_734, %gather3A_713 : vector<16xf32>
        %swap3A_736 = arith.index_cast %add3A_717 : i32 to index
        %swap3A_737 = arith.constant 32 : index
        %swap3A_738 = tpu.vector_load %arg13[%swap3A_736, %swap3A_737] {strides = array<i32>} : memref<128x128xf32, #tpu.memory_space<vmem>>, vector<16xf32>,
        tpu.vector_store %arg13[%swap3A_736, %swap3A_737], %mul3A_735 {strides = array<i32>} : memref<128x128xf32, #tpu.memory_space<vmem>>, vector<16xf32>,
        %get3A_739 = arith.index_cast %add3A_717 : i32 to index
        %get3A_740 = arith.constant 48 : index
        %get3A_741 = tpu.vector_load %arg13[%get3A_739, %get3A_740] {strides = array<i32>} : memref<128x128xf32, #tpu.memory_space<vmem>>, vector<16xf32>,
        %mul3A_742 = arith.mulf %get3A_741, %gather3A_713 : vector<16xf32>
        %swap3A_743 = arith.index_cast %add3A_717 : i32 to index
        %swap3A_744 = arith.constant 48 : index
        %swap3A_745 = tpu.vector_load %arg13[%swap3A_743, %swap3A_744] {strides = array<i32>} : memref<128x128xf32, #tpu.memory_space<vmem>>, vector<16xf32>,
        tpu.vector_store %arg13[%swap3A_743, %swap3A_744], %mul3A_742 {strides = array<i32>} : memref<128x128xf32, #tpu.memory_space<vmem>>, vector<16xf32>,
        %get3A_746 = arith.index_cast %add3A_717 : i32 to index
        %get3A_747 = arith.constant 64 : index
        %get3A_748 = tpu.vector_load %arg13[%get3A_746, %get3A_747] {strides = array<i32>} : memref<128x128xf32, #tpu.memory_space<vmem>>, vector<16xf32>,
        %mul3A_749 = arith.mulf %get3A_748, %gather3A_713 : vector<16xf32>
        %swap3A_750 = arith.index_cast %add3A_717 : i32 to index
        %swap3A_751 = arith.constant 64 : index
        %swap3A_752 = tpu.vector_load %arg13[%swap3A_750, %swap3A_751] {strides = array<i32>} : memref<128x128xf32, #tpu.memory_space<vmem>>, vector<16xf32>,
        tpu.vector_store %arg13[%swap3A_750, %swap3A_751], %mul3A_749 {strides = array<i32>} : memref<128x128xf32, #tpu.memory_space<vmem>>, vector<16xf32>,
        %get3A_753 = arith.index_cast %add3A_717 : i32 to index
        %get3A_754 = arith.constant 80 : index
        %get3A_755 = tpu.vector_load %arg13[%get3A_753, %get3A_754] {strides = array<i32>} : memref<128x128xf32, #tpu.memory_space<vmem>>, vector<16xf32>,
        %mul3A_756 = arith.mulf %get3A_755, %gather3A_713 : vector<16xf32>
        %swap3A_757 = arith.index_cast %add3A_717 : i32 to index
        %swap3A_758 = arith.constant 80 : index
        %swap3A_759 = tpu.vector_load %arg13[%swap3A_757, %swap3A_758] {strides = array<i32>} : memref<128x128xf32, #tpu.memory_space<vmem>>, vector<16xf32>,
        tpu.vector_store %arg13[%swap3A_757, %swap3A_758], %mul3A_756 {strides = array<i32>} : memref<128x128xf32, #tpu.memory_space<vmem>>, vector<16xf32>,
        %get3A_760 = arith.index_cast %add3A_717 : i32 to index
        %get3A_761 = arith.constant 96 : index
        %get3A_762 = tpu.vector_load %arg13[%get3A_760, %get3A_761] {strides = array<i32>} : memref<128x128xf32, #tpu.memory_space<vmem>>, vector<16xf32>,
        %mul3A_763 = arith.mulf %get3A_762, %gather3A_713 : vector<16xf32>
        %swap3A_764 = arith.index_cast %add3A_717 : i32 to index
        %swap3A_765 = arith.constant 96 : index
        %swap3A_766 = tpu.vector_load %arg13[%swap3A_764, %swap3A_765] {strides = array<i32>} : memref<128x128xf32, #tpu.memory_space<vmem>>, vector<16xf32>,
        tpu.vector_store %arg13[%swap3A_764, %swap3A_765], %mul3A_763 {strides = array<i32>} : memref<128x128xf32, #tpu.memory_space<vmem>>, vector<16xf32>,
        %get3A_767 = arith.index_cast %add3A_717 : i32 to index
        %get3A_768 = arith.constant 112 : index
        %get3A_769 = tpu.vector_load %arg13[%get3A_767, %get3A_768] {strides = array<i32>} : memref<128x128xf32, #tpu.memory_space<vmem>>, vector<16xf32>,
        %mul3A_770 = arith.mulf %get3A_769, %gather3A_713 : vector<16xf32>
        %swap3A_771 = arith.index_cast %add3A_717 : i32 to index
        %swap3A_772 = arith.constant 112 : index
        %swap3A_773 = tpu.vector_load %arg13[%swap3A_771, %swap3A_772] {strides = array<i32>} : memref<128x128xf32, #tpu.memory_space<vmem>>, vector<16xf32>,
        tpu.vector_store %arg13[%swap3A_771, %swap3A_772], %mul3A_770 {strides = array<i32>} : memref<128x128xf32, #tpu.memory_space<vmem>>, vector<16xf32>,
        %broadcast_in_dim3A_774 = arith.constant 5 : i32
        %broadcast_in_dim3A_775 = vector.broadcast %broadcast_in_dim3A_774 : i32 to vector<16x1xi32>
        %gather3A_776 = vector.shape_cast %broadcast_in_dim3A_775 : vector<16x1xi32> to vector<16xi32>
        %gather3A_777 = tpu.dynamic_gather %get3A_453[%gather3A_776] in [0] : vector<16xf32>, vector<16xi32> -> vector<16xf32>
        %mul3A_778 = arith.constant 16 : i32
        %mul3A_779 = arith.muli %scan3A_449, %mul3A_778 : i32
        %add3A_780 = arith.constant 5 : i32
        %add3A_781 = arith.addi %mul3A_779, %add3A_780 : i32
        %get3A_782 = arith.index_cast %add3A_781 : i32 to index
        %get3A_783 = arith.constant 0 : index
        %get3A_784 = tpu.vector_load %arg13[%get3A_782, %get3A_783] {strides = array<i32>} : memref<128x128xf32, #tpu.memory_space<vmem>>, vector<16xf32>,
        %mul3A_785 = arith.mulf %get3A_784, %gather3A_777 : vector<16xf32>
        %swap3A_786 = arith.index_cast %add3A_781 : i32 to index
        %swap3A_787 = arith.constant 0 : index
        %swap3A_788 = tpu.vector_load %arg13[%swap3A_786, %swap3A_787] {strides = array<i32>} : memref<128x128xf32, #tpu.memory_space<vmem>>, vector<16xf32>,
        tpu.vector_store %arg13[%swap3A_786, %swap3A_787], %mul3A_785 {strides = array<i32>} : memref<128x128xf32, #tpu.memory_space<vmem>>, vector<16xf32>,
        %get3A_789 = arith.index_cast %add3A_781 : i32 to index
        %get3A_790 = arith.constant 16 : index
        %get3A_791 = tpu.vector_load %arg13[%get3A_789, %get3A_790] {strides = array<i32>} : memref<128x128xf32, #tpu.memory_space<vmem>>, vector<16xf32>,
        %mul3A_792 = arith.mulf %get3A_791, %gather3A_777 : vector<16xf32>
        %swap3A_793 = arith.index_cast %add3A_781 : i32 to index
        %swap3A_794 = arith.constant 16 : index
        %swap3A_795 = tpu.vector_load %arg13[%swap3A_793, %swap3A_794] {strides = array<i32>} : memref<128x128xf32, #tpu.memory_space<vmem>>, vector<16xf32>,
        tpu.vector_store %arg13[%swap3A_793, %swap3A_794], %mul3A_792 {strides = array<i32>} : memref<128x128xf32, #tpu.memory_space<vmem>>, vector<16xf32>,
        %get3A_796 = arith.index_cast %add3A_781 : i32 to index
        %get3A_797 = arith.constant 32 : index
        %get3A_798 = tpu.vector_load %arg13[%get3A_796, %get3A_797] {strides = array<i32>} : memref<128x128xf32, #tpu.memory_space<vmem>>, vector<16xf32>,
        %mul3A_799 = arith.mulf %get3A_798, %gather3A_777 : vector<16xf32>
        %swap3A_800 = arith.index_cast %add3A_781 : i32 to index
        %swap3A_801 = arith.constant 32 : index
        %swap3A_802 = tpu.vector_load %arg13[%swap3A_800, %swap3A_801] {strides = array<i32>} : memref<128x128xf32, #tpu.memory_space<vmem>>, vector<16xf32>,
        tpu.vector_store %arg13[%swap3A_800, %swap3A_801], %mul3A_799 {strides = array<i32>} : memref<128x128xf32, #tpu.memory_space<vmem>>, vector<16xf32>,
        %get3A_803 = arith.index_cast %add3A_781 : i32 to index
        %get3A_804 = arith.constant 48 : index
        %get3A_805 = tpu.vector_load %arg13[%get3A_803, %get3A_804] {strides = array<i32>} : memref<128x128xf32, #tpu.memory_space<vmem>>, vector<16xf32>,
        %mul3A_806 = arith.mulf %get3A_805, %gather3A_777 : vector<16xf32>
        %swap3A_807 = arith.index_cast %add3A_781 : i32 to index
        %swap3A_808 = arith.constant 48 : index
        %swap3A_809 = tpu.vector_load %arg13[%swap3A_807, %swap3A_808] {strides = array<i32>} : memref<128x128xf32, #tpu.memory_space<vmem>>, vector<16xf32>,
        tpu.vector_store %arg13[%swap3A_807, %swap3A_808], %mul3A_806 {strides = array<i32>} : memref<128x128xf32, #tpu.memory_space<vmem>>, vector<16xf32>,
        %get3A_810 = arith.index_cast %add3A_781 : i32 to index
        %get3A_811 = arith.constant 64 : index
        %get3A_812 = tpu.vector_load %arg13[%get3A_810, %get3A_811] {strides = array<i32>} : memref<128x128xf32, #tpu.memory_space<vmem>>, vector<16xf32>,
        %mul3A_813 = arith.mulf %get3A_812, %gather3A_777 : vector<16xf32>
        %swap3A_814 = arith.index_cast %add3A_781 : i32 to index
        %swap3A_815 = arith.constant 64 : index
        %swap3A_816 = tpu.vector_load %arg13[%swap3A_814, %swap3A_815] {strides = array<i32>} : memref<128x128xf32, #tpu.memory_space<vmem>>, vector<16xf32>,
        tpu.vector_store %arg13[%swap3A_814, %swap3A_815], %mul3A_813 {strides = array<i32>} : memref<128x128xf32, #tpu.memory_space<vmem>>, vector<16xf32>,
        %get3A_817 = arith.index_cast %add3A_781 : i32 to index
        %get3A_818 = arith.constant 80 : index
        %get3A_819 = tpu.vector_load %arg13[%get3A_817, %get3A_818] {strides = array<i32>} : memref<128x128xf32, #tpu.memory_space<vmem>>, vector<16xf32>,
        %mul3A_820 = arith.mulf %get3A_819, %gather3A_777 : vector<16xf32>
        %swap3A_821 = arith.index_cast %add3A_781 : i32 to index
        %swap3A_822 = arith.constant 80 : index
        %swap3A_823 = tpu.vector_load %arg13[%swap3A_821, %swap3A_822] {strides = array<i32>} : memref<128x128xf32, #tpu.memory_space<vmem>>, vector<16xf32>,
        tpu.vector_store %arg13[%swap3A_821, %swap3A_822], %mul3A_820 {strides = array<i32>} : memref<128x128xf32, #tpu.memory_space<vmem>>, vector<16xf32>,
        %get3A_824 = arith.index_cast %add3A_781 : i32 to index
        %get3A_825 = arith.constant 96 : index
        %get3A_826 = tpu.vector_load %arg13[%get3A_824, %get3A_825] {strides = array<i32>} : memref<128x128xf32, #tpu.memory_space<vmem>>, vector<16xf32>,
        %mul3A_827 = arith.mulf %get3A_826, %gather3A_777 : vector<16xf32>
        %swap3A_828 = arith.index_cast %add3A_781 : i32 to index
        %swap3A_829 = arith.constant 96 : index
        %swap3A_830 = tpu.vector_load %arg13[%swap3A_828, %swap3A_829] {strides = array<i32>} : memref<128x128xf32, #tpu.memory_space<vmem>>, vector<16xf32>,
        tpu.vector_store %arg13[%swap3A_828, %swap3A_829], %mul3A_827 {strides = array<i32>} : memref<128x128xf32, #tpu.memory_space<vmem>>, vector<16xf32>,
        %get3A_831 = arith.index_cast %add3A_781 : i32 to index
        %get3A_832 = arith.constant 112 : index
        %get3A_833 = tpu.vector_load %arg13[%get3A_831, %get3A_832] {strides = array<i32>} : memref<128x128xf32, #tpu.memory_space<vmem>>, vector<16xf32>,
        %mul3A_834 = arith.mulf %get3A_833, %gather3A_777 : vector<16xf32>
        %swap3A_835 = arith.index_cast %add3A_781 : i32 to index
        %swap3A_836 = arith.constant 112 : index
        %swap3A_837 = tpu.vector_load %arg13[%swap3A_835, %swap3A_836] {strides = array<i32>} : memref<128x128xf32, #tpu.memory_space<vmem>>, vector<16xf32>,
        tpu.vector_store %arg13[%swap3A_835, %swap3A_836], %mul3A_834 {strides = array<i32>} : memref<128x128xf32, #tpu.memory_space<vmem>>, vector<16xf32>,
        %broadcast_in_dim3A_838 = arith.constant 6 : i32
        %broadcast_in_dim3A_839 = vector.broadcast %broadcast_in_dim3A_838 : i32 to vector<16x1xi32>
        %gather3A_840 = vector.shape_cast %broadcast_in_dim3A_839 : vector<16x1xi32> to vector<16xi32>
        %gather3A_841 = tpu.dynamic_gather %get3A_453[%gather3A_840] in [0] : vector<16xf32>, vector<16xi32> -> vector<16xf32>
        %mul3A_842 = arith.constant 16 : i32
        %mul3A_843 = arith.muli %scan3A_449, %mul3A_842 : i32
        %add3A_844 = arith.constant 6 : i32
        %add3A_845 = arith.addi %mul3A_843, %add3A_844 : i32
        %get3A_846 = arith.index_cast %add3A_845 : i32 to index
        %get3A_847 = arith.constant 0 : index
        %get3A_848 = tpu.vector_load %arg13[%get3A_846, %get3A_847] {strides = array<i32>} : memref<128x128xf32, #tpu.memory_space<vmem>>, vector<16xf32>,
        %mul3A_849 = arith.mulf %get3A_848, %gather3A_841 : vector<16xf32>
        %swap3A_850 = arith.index_cast %add3A_845 : i32 to index
        %swap3A_851 = arith.constant 0 : index
        %swap3A_852 = tpu.vector_load %arg13[%swap3A_850, %swap3A_851] {strides = array<i32>} : memref<128x128xf32, #tpu.memory_space<vmem>>, vector<16xf32>,
        tpu.vector_store %arg13[%swap3A_850, %swap3A_851], %mul3A_849 {strides = array<i32>} : memref<128x128xf32, #tpu.memory_space<vmem>>, vector<16xf32>,
        %get3A_853 = arith.index_cast %add3A_845 : i32 to index
        %get3A_854 = arith.constant 16 : index
        %get3A_855 = tpu.vector_load %arg13[%get3A_853, %get3A_854] {strides = array<i32>} : memref<128x128xf32, #tpu.memory_space<vmem>>, vector<16xf32>,
        %mul3A_856 = arith.mulf %get3A_855, %gather3A_841 : vector<16xf32>
        %swap3A_857 = arith.index_cast %add3A_845 : i32 to index
        %swap3A_858 = arith.constant 16 : index
        %swap3A_859 = tpu.vector_load %arg13[%swap3A_857, %swap3A_858] {strides = array<i32>} : memref<128x128xf32, #tpu.memory_space<vmem>>, vector<16xf32>,
        tpu.vector_store %arg13[%swap3A_857, %swap3A_858], %mul3A_856 {strides = array<i32>} : memref<128x128xf32, #tpu.memory_space<vmem>>, vector<16xf32>,
        %get3A_860 = arith.index_cast %add3A_845 : i32 to index
        %get3A_861 = arith.constant 32 : index
        %get3A_862 = tpu.vector_load %arg13[%get3A_860, %get3A_861] {strides = array<i32>} : memref<128x128xf32, #tpu.memory_space<vmem>>, vector<16xf32>,
        %mul3A_863 = arith.mulf %get3A_862, %gather3A_841 : vector<16xf32>
        %swap3A_864 = arith.index_cast %add3A_845 : i32 to index
        %swap3A_865 = arith.constant 32 : index
        %swap3A_866 = tpu.vector_load %arg13[%swap3A_864, %swap3A_865] {strides = array<i32>} : memref<128x128xf32, #tpu.memory_space<vmem>>, vector<16xf32>,
        tpu.vector_store %arg13[%swap3A_864, %swap3A_865], %mul3A_863 {strides = array<i32>} : memref<128x128xf32, #tpu.memory_space<vmem>>, vector<16xf32>,
        %get3A_867 = arith.index_cast %add3A_845 : i32 to index
        %get3A_868 = arith.constant 48 : index
        %get3A_869 = tpu.vector_load %arg13[%get3A_867, %get3A_868] {strides = array<i32>} : memref<128x128xf32, #tpu.memory_space<vmem>>, vector<16xf32>,
        %mul3A_870 = arith.mulf %get3A_869, %gather3A_841 : vector<16xf32>
        %swap3A_871 = arith.index_cast %add3A_845 : i32 to index
        %swap3A_872 = arith.constant 48 : index
        %swap3A_873 = tpu.vector_load %arg13[%swap3A_871, %swap3A_872] {strides = array<i32>} : memref<128x128xf32, #tpu.memory_space<vmem>>, vector<16xf32>,
        tpu.vector_store %arg13[%swap3A_871, %swap3A_872], %mul3A_870 {strides = array<i32>} : memref<128x128xf32, #tpu.memory_space<vmem>>, vector<16xf32>,
        %get3A_874 = arith.index_cast %add3A_845 : i32 to index
        %get3A_875 = arith.constant 64 : index
        %get3A_876 = tpu.vector_load %arg13[%get3A_874, %get3A_875] {strides = array<i32>} : memref<128x128xf32, #tpu.memory_space<vmem>>, vector<16xf32>,
        %mul3A_877 = arith.mulf %get3A_876, %gather3A_841 : vector<16xf32>
        %swap3A_878 = arith.index_cast %add3A_845 : i32 to index
        %swap3A_879 = arith.constant 64 : index
        %swap3A_880 = tpu.vector_load %arg13[%swap3A_878, %swap3A_879] {strides = array<i32>} : memref<128x128xf32, #tpu.memory_space<vmem>>, vector<16xf32>,
        tpu.vector_store %arg13[%swap3A_878, %swap3A_879], %mul3A_877 {strides = array<i32>} : memref<128x128xf32, #tpu.memory_space<vmem>>, vector<16xf32>,
        %get3A_881 = arith.index_cast %add3A_845 : i32 to index
        %get3A_882 = arith.constant 80 : index
        %get3A_883 = tpu.vector_load %arg13[%get3A_881, %get3A_882] {strides = array<i32>} : memref<128x128xf32, #tpu.memory_space<vmem>>, vector<16xf32>,
        %mul3A_884 = arith.mulf %get3A_883, %gather3A_841 : vector<16xf32>
        %swap3A_885 = arith.index_cast %add3A_845 : i32 to index
        %swap3A_886 = arith.constant 80 : index
        %swap3A_887 = tpu.vector_load %arg13[%swap3A_885, %swap3A_886] {strides = array<i32>} : memref<128x128xf32, #tpu.memory_space<vmem>>, vector<16xf32>,
        tpu.vector_store %arg13[%swap3A_885, %swap3A_886], %mul3A_884 {strides = array<i32>} : memref<128x128xf32, #tpu.memory_space<vmem>>, vector<16xf32>,
        %get3A_888 = arith.index_cast %add3A_845 : i32 to index
        %get3A_889 = arith.constant 96 : index
        %get3A_890 = tpu.vector_load %arg13[%get3A_888, %get3A_889] {strides = array<i32>} : memref<128x128xf32, #tpu.memory_space<vmem>>, vector<16xf32>,
        %mul3A_891 = arith.mulf %get3A_890, %gather3A_841 : vector<16xf32>
        %swap3A_892 = arith.index_cast %add3A_845 : i32 to index
        %swap3A_893 = arith.constant 96 : index
        %swap3A_894 = tpu.vector_load %arg13[%swap3A_892, %swap3A_893] {strides = array<i32>} : memref<128x128xf32, #tpu.memory_space<vmem>>, vector<16xf32>,
        tpu.vector_store %arg13[%swap3A_892, %swap3A_893], %mul3A_891 {strides = array<i32>} : memref<128x128xf32, #tpu.memory_space<vmem>>, vector<16xf32>,
        %get3A_895 = arith.index_cast %add3A_845 : i32 to index
        %get3A_896 = arith.constant 112 : index
        %get3A_897 = tpu.vector_load %arg13[%get3A_895, %get3A_896] {strides = array<i32>} : memref<128x128xf32, #tpu.memory_space<vmem>>, vector<16xf32>,
        %mul3A_898 = arith.mulf %get3A_897, %gather3A_841 : vector<16xf32>
        %swap3A_899 = arith.index_cast %add3A_845 : i32 to index
        %swap3A_900 = arith.constant 112 : index
        %swap3A_901 = tpu.vector_load %arg13[%swap3A_899, %swap3A_900] {strides = array<i32>} : memref<128x128xf32, #tpu.memory_space<vmem>>, vector<16xf32>,
        tpu.vector_store %arg13[%swap3A_899, %swap3A_900], %mul3A_898 {strides = array<i32>} : memref<128x128xf32, #tpu.memory_space<vmem>>, vector<16xf32>,
        %broadcast_in_dim3A_902 = arith.constant 7 : i32
        %broadcast_in_dim3A_903 = vector.broadcast %broadcast_in_dim3A_902 : i32 to vector<16x1xi32>
        %gather3A_904 = vector.shape_cast %broadcast_in_dim3A_903 : vector<16x1xi32> to vector<16xi32>
        %gather3A_905 = tpu.dynamic_gather %get3A_453[%gather3A_904] in [0] : vector<16xf32>, vector<16xi32> -> vector<16xf32>
        %mul3A_906 = arith.constant 16 : i32
        %mul3A_907 = arith.muli %scan3A_449, %mul3A_906 : i32
        %add3A_908 = arith.constant 7 : i32
        %add3A_909 = arith.addi %mul3A_907, %add3A_908 : i32
        %get3A_910 = arith.index_cast %add3A_909 : i32 to index
        %get3A_911 = arith.constant 0 : index
        %get3A_912 = tpu.vector_load %arg13[%get3A_910, %get3A_911] {strides = array<i32>} : memref<128x128xf32, #tpu.memory_space<vmem>>, vector<16xf32>,
        %mul3A_913 = arith.mulf %get3A_912, %gather3A_905 : vector<16xf32>
        %swap3A_914 = arith.index_cast %add3A_909 : i32 to index
        %swap3A_915 = arith.constant 0 : index
        %swap3A_916 = tpu.vector_load %arg13[%swap3A_914, %swap3A_915] {strides = array<i32>} : memref<128x128xf32, #tpu.memory_space<vmem>>, vector<16xf32>,
        tpu.vector_store %arg13[%swap3A_914, %swap3A_915], %mul3A_913 {strides = array<i32>} : memref<128x128xf32, #tpu.memory_space<vmem>>, vector<16xf32>,
        %get3A_917 = arith.index_cast %add3A_909 : i32 to index
        %get3A_918 = arith.constant 16 : index
        %get3A_919 = tpu.vector_load %arg13[%get3A_917, %get3A_918] {strides = array<i32>} : memref<128x128xf32, #tpu.memory_space<vmem>>, vector<16xf32>,
        %mul3A_920 = arith.mulf %get3A_919, %gather3A_905 : vector<16xf32>
        %swap3A_921 = arith.index_cast %add3A_909 : i32 to index
        %swap3A_922 = arith.constant 16 : index
        %swap3A_923 = tpu.vector_load %arg13[%swap3A_921, %swap3A_922] {strides = array<i32>} : memref<128x128xf32, #tpu.memory_space<vmem>>, vector<16xf32>,
        tpu.vector_store %arg13[%swap3A_921, %swap3A_922], %mul3A_920 {strides = array<i32>} : memref<128x128xf32, #tpu.memory_space<vmem>>, vector<16xf32>,
        %get3A_924 = arith.index_cast %add3A_909 : i32 to index
        %get3A_925 = arith.constant 32 : index
        %get3A_926 = tpu.vector_load %arg13[%get3A_924, %get3A_925] {strides = array<i32>} : memref<128x128xf32, #tpu.memory_space<vmem>>, vector<16xf32>,
        %mul3A_927 = arith.mulf %get3A_926, %gather3A_905 : vector<16xf32>
        %swap3A_928 = arith.index_cast %add3A_909 : i32 to index
        %swap3A_929 = arith.constant 32 : index
        %swap3A_930 = tpu.vector_load %arg13[%swap3A_928, %swap3A_929] {strides = array<i32>} : memref<128x128xf32, #tpu.memory_space<vmem>>, vector<16xf32>,
        tpu.vector_store %arg13[%swap3A_928, %swap3A_929], %mul3A_927 {strides = array<i32>} : memref<128x128xf32, #tpu.memory_space<vmem>>, vector<16xf32>,
        %get3A_931 = arith.index_cast %add3A_909 : i32 to index
        %get3A_932 = arith.constant 48 : index
        %get3A_933 = tpu.vector_load %arg13[%get3A_931, %get3A_932] {strides = array<i32>} : memref<128x128xf32, #tpu.memory_space<vmem>>, vector<16xf32>,
        %mul3A_934 = arith.mulf %get3A_933, %gather3A_905 : vector<16xf32>
        %swap3A_935 = arith.index_cast %add3A_909 : i32 to index
        %swap3A_936 = arith.constant 48 : index
        %swap3A_937 = tpu.vector_load %arg13[%swap3A_935, %swap3A_936] {strides = array<i32>} : memref<128x128xf32, #tpu.memory_space<vmem>>, vector<16xf32>,
        tpu.vector_store %arg13[%swap3A_935, %swap3A_936], %mul3A_934 {strides = array<i32>} : memref<128x128xf32, #tpu.memory_space<vmem>>, vector<16xf32>,
        %get3A_938 = arith.index_cast %add3A_909 : i32 to index
        %get3A_939 = arith.constant 64 : index
        %get3A_940 = tpu.vector_load %arg13[%get3A_938, %get3A_939] {strides = array<i32>} : memref<128x128xf32, #tpu.memory_space<vmem>>, vector<16xf32>,
        %mul3A_941 = arith.mulf %get3A_940, %gather3A_905 : vector<16xf32>
        %swap3A_942 = arith.index_cast %add3A_909 : i32 to index
        %swap3A_943 = arith.constant 64 : index
        %swap3A_944 = tpu.vector_load %arg13[%swap3A_942, %swap3A_943] {strides = array<i32>} : memref<128x128xf32, #tpu.memory_space<vmem>>, vector<16xf32>,
        tpu.vector_store %arg13[%swap3A_942, %swap3A_943], %mul3A_941 {strides = array<i32>} : memref<128x128xf32, #tpu.memory_space<vmem>>, vector<16xf32>,
        %get3A_945 = arith.index_cast %add3A_909 : i32 to index
        %get3A_946 = arith.constant 80 : index
        %get3A_947 = tpu.vector_load %arg13[%get3A_945, %get3A_946] {strides = array<i32>} : memref<128x128xf32, #tpu.memory_space<vmem>>, vector<16xf32>,
        %mul3A_948 = arith.mulf %get3A_947, %gather3A_905 : vector<16xf32>
        %swap3A_949 = arith.index_cast %add3A_909 : i32 to index
        %swap3A_950 = arith.constant 80 : index
        %swap3A_951 = tpu.vector_load %arg13[%swap3A_949, %swap3A_950] {strides = array<i32>} : memref<128x128xf32, #tpu.memory_space<vmem>>, vector<16xf32>,
        tpu.vector_store %arg13[%swap3A_949, %swap3A_950], %mul3A_948 {strides = array<i32>} : memref<128x128xf32, #tpu.memory_space<vmem>>, vector<16xf32>,
        %get3A_952 = arith.index_cast %add3A_909 : i32 to index
        %get3A_953 = arith.constant 96 : index
        %get3A_954 = tpu.vector_load %arg13[%get3A_952, %get3A_953] {strides = array<i32>} : memref<128x128xf32, #tpu.memory_space<vmem>>, vector<16xf32>,
        %mul3A_955 = arith.mulf %get3A_954, %gather3A_905 : vector<16xf32>
        %swap3A_956 = arith.index_cast %add3A_909 : i32 to index
        %swap3A_957 = arith.constant 96 : index
        %swap3A_958 = tpu.vector_load %arg13[%swap3A_956, %swap3A_957] {strides = array<i32>} : memref<128x128xf32, #tpu.memory_space<vmem>>, vector<16xf32>,
        tpu.vector_store %arg13[%swap3A_956, %swap3A_957], %mul3A_955 {strides = array<i32>} : memref<128x128xf32, #tpu.memory_space<vmem>>, vector<16xf32>,
        %get3A_959 = arith.index_cast %add3A_909 : i32 to index
        %get3A_960 = arith.constant 112 : index
        %get3A_961 = tpu.vector_load %arg13[%get3A_959, %get3A_960] {strides = array<i32>} : memref<128x128xf32, #tpu.memory_space<vmem>>, vector<16xf32>,
        %mul3A_962 = arith.mulf %get3A_961, %gather3A_905 : vector<16xf32>
        %swap3A_963 = arith.index_cast %add3A_909 : i32 to index
        %swap3A_964 = arith.constant 112 : index
        %swap3A_965 = tpu.vector_load %arg13[%swap3A_963, %swap3A_964] {strides = array<i32>} : memref<128x128xf32, #tpu.memory_space<vmem>>, vector<16xf32>,
        tpu.vector_store %arg13[%swap3A_963, %swap3A_964], %mul3A_962 {strides = array<i32>} : memref<128x128xf32, #tpu.memory_space<vmem>>, vector<16xf32>,
        %broadcast_in_dim3A_966 = arith.constant 8 : i32
        %broadcast_in_dim3A_967 = vector.broadcast %broadcast_in_dim3A_966 : i32 to vector<16x1xi32>
        %gather3A_968 = vector.shape_cast %broadcast_in_dim3A_967 : vector<16x1xi32> to vector<16xi32>
        %gather3A_969 = tpu.dynamic_gather %get3A_453[%gather3A_968] in [0] : vector<16xf32>, vector<16xi32> -> vector<16xf32>
        %mul3A_970 = arith.constant 16 : i32
        %mul3A_971 = arith.muli %scan3A_449, %mul3A_970 : i32
        %add3A_972 = arith.constant 8 : i32
        %add3A_973 = arith.addi %mul3A_971, %add3A_972 : i32
        %get3A_974 = arith.index_cast %add3A_973 : i32 to index
        %get3A_975 = arith.constant 0 : index
        %get3A_976 = tpu.vector_load %arg13[%get3A_974, %get3A_975] {strides = array<i32>} : memref<128x128xf32, #tpu.memory_space<vmem>>, vector<16xf32>,
        %mul3A_977 = arith.mulf %get3A_976, %gather3A_969 : vector<16xf32>
        %swap3A_978 = arith.index_cast %add3A_973 : i32 to index
        %swap3A_979 = arith.constant 0 : index
        %swap3A_980 = tpu.vector_load %arg13[%swap3A_978, %swap3A_979] {strides = array<i32>} : memref<128x128xf32, #tpu.memory_space<vmem>>, vector<16xf32>,
        tpu.vector_store %arg13[%swap3A_978, %swap3A_979], %mul3A_977 {strides = array<i32>} : memref<128x128xf32, #tpu.memory_space<vmem>>, vector<16xf32>,
        %get3A_981 = arith.index_cast %add3A_973 : i32 to index
        %get3A_982 = arith.constant 16 : index
        %get3A_983 = tpu.vector_load %arg13[%get3A_981, %get3A_982] {strides = array<i32>} : memref<128x128xf32, #tpu.memory_space<vmem>>, vector<16xf32>,
        %mul3A_984 = arith.mulf %get3A_983, %gather3A_969 : vector<16xf32>
        %swap3A_985 = arith.index_cast %add3A_973 : i32 to index
        %swap3A_986 = arith.constant 16 : index
        %swap3A_987 = tpu.vector_load %arg13[%swap3A_985, %swap3A_986] {strides = array<i32>} : memref<128x128xf32, #tpu.memory_space<vmem>>, vector<16xf32>,
        tpu.vector_store %arg13[%swap3A_985, %swap3A_986], %mul3A_984 {strides = array<i32>} : memref<128x128xf32, #tpu.memory_space<vmem>>, vector<16xf32>,
        %get3A_988 = arith.index_cast %add3A_973 : i32 to index
        %get3A_989 = arith.constant 32 : index
        %get3A_990 = tpu.vector_load %arg13[%get3A_988, %get3A_989] {strides = array<i32>} : memref<128x128xf32, #tpu.memory_space<vmem>>, vector<16xf32>,
        %mul3A_991 = arith.mulf %get3A_990, %gather3A_969 : vector<16xf32>
        %swap3A_992 = arith.index_cast %add3A_973 : i32 to index
        %swap3A_993 = arith.constant 32 : index
        %swap3A_994 = tpu.vector_load %arg13[%swap3A_992, %swap3A_993] {strides = array<i32>} : memref<128x128xf32, #tpu.memory_space<vmem>>, vector<16xf32>,
        tpu.vector_store %arg13[%swap3A_992, %swap3A_993], %mul3A_991 {strides = array<i32>} : memref<128x128xf32, #tpu.memory_space<vmem>>, vector<16xf32>,
        %get3A_995 = arith.index_cast %add3A_973 : i32 to index
        %get3A_996 = arith.constant 48 : index
        %get3A_997 = tpu.vector_load %arg13[%get3A_995, %get3A_996] {strides = array<i32>} : memref<128x128xf32, #tpu.memory_space<vmem>>, vector<16xf32>,
        %mul3A_998 = arith.mulf %get3A_997, %gather3A_969 : vector<16xf32>
        %swap3A_999 = arith.index_cast %add3A_973 : i32 to index
        %swap3A_1000 = arith.constant 48 : index
        %swap3A_1001 = tpu.vector_load %arg13[%swap3A_999, %swap3A_1000] {strides = array<i32>} : memref<128x128xf32, #tpu.memory_space<vmem>>, vector<16xf32>,
        tpu.vector_store %arg13[%swap3A_999, %swap3A_1000], %mul3A_998 {strides = array<i32>} : memref<128x128xf32, #tpu.memory_space<vmem>>, vector<16xf32>,
        %get3A_1002 = arith.index_cast %add3A_973 : i32 to index
        %get3A_1003 = arith.constant 64 : index
        %get3A_1004 = tpu.vector_load %arg13[%get3A_1002, %get3A_1003] {strides = array<i32>} : memref<128x128xf32, #tpu.memory_space<vmem>>, vector<16xf32>,
        %mul3A_1005 = arith.mulf %get3A_1004, %gather3A_969 : vector<16xf32>
        %swap3A_1006 = arith.index_cast %add3A_973 : i32 to index
        %swap3A_1007 = arith.constant 64 : index
        %swap3A_1008 = tpu.vector_load %arg13[%swap3A_1006, %swap3A_1007] {strides = array<i32>} : memref<128x128xf32, #tpu.memory_space<vmem>>, vector<16xf32>,
        tpu.vector_store %arg13[%swap3A_1006, %swap3A_1007], %mul3A_1005 {strides = array<i32>} : memref<128x128xf32, #tpu.memory_space<vmem>>, vector<16xf32>,
        %get3A_1009 = arith.index_cast %add3A_973 : i32 to index
        %get3A_1010 = arith.constant 80 : index
        %get3A_1011 = tpu.vector_load %arg13[%get3A_1009, %get3A_1010] {strides = array<i32>} : memref<128x128xf32, #tpu.memory_space<vmem>>, vector<16xf32>,
        %mul3A_1012 = arith.mulf %get3A_1011, %gather3A_969 : vector<16xf32>
        %swap3A_1013 = arith.index_cast %add3A_973 : i32 to index
        %swap3A_1014 = arith.constant 80 : index
        %swap3A_1015 = tpu.vector_load %arg13[%swap3A_1013, %swap3A_1014] {strides = array<i32>} : memref<128x128xf32, #tpu.memory_space<vmem>>, vector<16xf32>,
        tpu.vector_store %arg13[%swap3A_1013, %swap3A_1014], %mul3A_1012 {strides = array<i32>} : memref<128x128xf32, #tpu.memory_space<vmem>>, vector<16xf32>,
        %get3A_1016 = arith.index_cast %add3A_973 : i32 to index
        %get3A_1017 = arith.constant 96 : index
        %get3A_1018 = tpu.vector_load %arg13[%get3A_1016, %get3A_1017] {strides = array<i32>} : memref<128x128xf32, #tpu.memory_space<vmem>>, vector<16xf32>,
        %mul3A_1019 = arith.mulf %get3A_1018, %gather3A_969 : vector<16xf32>
        %swap3A_1020 = arith.index_cast %add3A_973 : i32 to index
        %swap3A_1021 = arith.constant 96 : index
        %swap3A_1022 = tpu.vector_load %arg13[%swap3A_1020, %swap3A_1021] {strides = array<i32>} : memref<128x128xf32, #tpu.memory_space<vmem>>, vector<16xf32>,
        tpu.vector_store %arg13[%swap3A_1020, %swap3A_1021], %mul3A_1019 {strides = array<i32>} : memref<128x128xf32, #tpu.memory_space<vmem>>, vector<16xf32>,
        %get3A_1023 = arith.index_cast %add3A_973 : i32 to index
        %get3A_1024 = arith.constant 112 : index
        %get3A_1025 = tpu.vector_load %arg13[%get3A_1023, %get3A_1024] {strides = array<i32>} : memref<128x128xf32, #tpu.memory_space<vmem>>, vector<16xf32>,
        %mul3A_1026 = arith.mulf %get3A_1025, %gather3A_969 : vector<16xf32>
        %swap3A_1027 = arith.index_cast %add3A_973 : i32 to index
        %swap3A_1028 = arith.constant 112 : index
        %swap3A_1029 = tpu.vector_load %arg13[%swap3A_1027, %swap3A_1028] {strides = array<i32>} : memref<128x128xf32, #tpu.memory_space<vmem>>, vector<16xf32>,
        tpu.vector_store %arg13[%swap3A_1027, %swap3A_1028], %mul3A_1026 {strides = array<i32>} : memref<128x128xf32, #tpu.memory_space<vmem>>, vector<16xf32>,
        %broadcast_in_dim3A_1030 = arith.constant 9 : i32
        %broadcast_in_dim3A_1031 = vector.broadcast %broadcast_in_dim3A_1030 : i32 to vector<16x1xi32>
        %gather3A_1032 = vector.shape_cast %broadcast_in_dim3A_1031 : vector<16x1xi32> to vector<16xi32>
        %gather3A_1033 = tpu.dynamic_gather %get3A_453[%gather3A_1032] in [0] : vector<16xf32>, vector<16xi32> -> vector<16xf32>
        %mul3A_1034 = arith.constant 16 : i32
        %mul3A_1035 = arith.muli %scan3A_449, %mul3A_1034 : i32
        %add3A_1036 = arith.constant 9 : i32
        %add3A_1037 = arith.addi %mul3A_1035, %add3A_1036 : i32
        %get3A_1038 = arith.index_cast %add3A_1037 : i32 to index
        %get3A_1039 = arith.constant 0 : index
        %get3A_1040 = tpu.vector_load %arg13[%get3A_1038, %get3A_1039] {strides = array<i32>} : memref<128x128xf32, #tpu.memory_space<vmem>>, vector<16xf32>,
        %mul3A_1041 = arith.mulf %get3A_1040, %gather3A_1033 : vector<16xf32>
        %swap3A_1042 = arith.index_cast %add3A_1037 : i32 to index
        %swap3A_1043 = arith.constant 0 : index
        %swap3A_1044 = tpu.vector_load %arg13[%swap3A_1042, %swap3A_1043] {strides = array<i32>} : memref<128x128xf32, #tpu.memory_space<vmem>>, vector<16xf32>,
        tpu.vector_store %arg13[%swap3A_1042, %swap3A_1043], %mul3A_1041 {strides = array<i32>} : memref<128x128xf32, #tpu.memory_space<vmem>>, vector<16xf32>,
        %get3A_1045 = arith.index_cast %add3A_1037 : i32 to index
        %get3A_1046 = arith.constant 16 : index
        %get3A_1047 = tpu.vector_load %arg13[%get3A_1045, %get3A_1046] {strides = array<i32>} : memref<128x128xf32, #tpu.memory_space<vmem>>, vector<16xf32>,
        %mul3A_1048 = arith.mulf %get3A_1047, %gather3A_1033 : vector<16xf32>
        %swap3A_1049 = arith.index_cast %add3A_1037 : i32 to index
        %swap3A_1050 = arith.constant 16 : index
        %swap3A_1051 = tpu.vector_load %arg13[%swap3A_1049, %swap3A_1050] {strides = array<i32>} : memref<128x128xf32, #tpu.memory_space<vmem>>, vector<16xf32>,
        tpu.vector_store %arg13[%swap3A_1049, %swap3A_1050], %mul3A_1048 {strides = array<i32>} : memref<128x128xf32, #tpu.memory_space<vmem>>, vector<16xf32>,
        %get3A_1052 = arith.index_cast %add3A_1037 : i32 to index
        %get3A_1053 = arith.constant 32 : index
        %get3A_1054 = tpu.vector_load %arg13[%get3A_1052, %get3A_1053] {strides = array<i32>} : memref<128x128xf32, #tpu.memory_space<vmem>>, vector<16xf32>,
        %mul3A_1055 = arith.mulf %get3A_1054, %gather3A_1033 : vector<16xf32>
        %swap3A_1056 = arith.index_cast %add3A_1037 : i32 to index
        %swap3A_1057 = arith.constant 32 : index
        %swap3A_1058 = tpu.vector_load %arg13[%swap3A_1056, %swap3A_1057] {strides = array<i32>} : memref<128x128xf32, #tpu.memory_space<vmem>>, vector<16xf32>,
        tpu.vector_store %arg13[%swap3A_1056, %swap3A_1057], %mul3A_1055 {strides = array<i32>} : memref<128x128xf32, #tpu.memory_space<vmem>>, vector<16xf32>,
        %get3A_1059 = arith.index_cast %add3A_1037 : i32 to index
        %get3A_1060 = arith.constant 48 : index
        %get3A_1061 = tpu.vector_load %arg13[%get3A_1059, %get3A_1060] {strides = array<i32>} : memref<128x128xf32, #tpu.memory_space<vmem>>, vector<16xf32>,
        %mul3A_1062 = arith.mulf %get3A_1061, %gather3A_1033 : vector<16xf32>
        %swap3A_1063 = arith.index_cast %add3A_1037 : i32 to index
        %swap3A_1064 = arith.constant 48 : index
        %swap3A_1065 = tpu.vector_load %arg13[%swap3A_1063, %swap3A_1064] {strides = array<i32>} : memref<128x128xf32, #tpu.memory_space<vmem>>, vector<16xf32>,
        tpu.vector_store %arg13[%swap3A_1063, %swap3A_1064], %mul3A_1062 {strides = array<i32>} : memref<128x128xf32, #tpu.memory_space<vmem>>, vector<16xf32>,
        %get3A_1066 = arith.index_cast %add3A_1037 : i32 to index
        %get3A_1067 = arith.constant 64 : index
        %get3A_1068 = tpu.vector_load %arg13[%get3A_1066, %get3A_1067] {strides = array<i32>} : memref<128x128xf32, #tpu.memory_space<vmem>>, vector<16xf32>,
        %mul3A_1069 = arith.mulf %get3A_1068, %gather3A_1033 : vector<16xf32>
        %swap3A_1070 = arith.index_cast %add3A_1037 : i32 to index
        %swap3A_1071 = arith.constant 64 : index
        %swap3A_1072 = tpu.vector_load %arg13[%swap3A_1070, %swap3A_1071] {strides = array<i32>} : memref<128x128xf32, #tpu.memory_space<vmem>>, vector<16xf32>,
        tpu.vector_store %arg13[%swap3A_1070, %swap3A_1071], %mul3A_1069 {strides = array<i32>} : memref<128x128xf32, #tpu.memory_space<vmem>>, vector<16xf32>,
        %get3A_1073 = arith.index_cast %add3A_1037 : i32 to index
        %get3A_1074 = arith.constant 80 : index
        %get3A_1075 = tpu.vector_load %arg13[%get3A_1073, %get3A_1074] {strides = array<i32>} : memref<128x128xf32, #tpu.memory_space<vmem>>, vector<16xf32>,
        %mul3A_1076 = arith.mulf %get3A_1075, %gather3A_1033 : vector<16xf32>
        %swap3A_1077 = arith.index_cast %add3A_1037 : i32 to index
        %swap3A_1078 = arith.constant 80 : index
        %swap3A_1079 = tpu.vector_load %arg13[%swap3A_1077, %swap3A_1078] {strides = array<i32>} : memref<128x128xf32, #tpu.memory_space<vmem>>, vector<16xf32>,
        tpu.vector_store %arg13[%swap3A_1077, %swap3A_1078], %mul3A_1076 {strides = array<i32>} : memref<128x128xf32, #tpu.memory_space<vmem>>, vector<16xf32>,
        %get3A_1080 = arith.index_cast %add3A_1037 : i32 to index
        %get3A_1081 = arith.constant 96 : index
        %get3A_1082 = tpu.vector_load %arg13[%get3A_1080, %get3A_1081] {strides = array<i32>} : memref<128x128xf32, #tpu.memory_space<vmem>>, vector<16xf32>,
        %mul3A_1083 = arith.mulf %get3A_1082, %gather3A_1033 : vector<16xf32>
        %swap3A_1084 = arith.index_cast %add3A_1037 : i32 to index
        %swap3A_1085 = arith.constant 96 : index
        %swap3A_1086 = tpu.vector_load %arg13[%swap3A_1084, %swap3A_1085] {strides = array<i32>} : memref<128x128xf32, #tpu.memory_space<vmem>>, vector<16xf32>,
        tpu.vector_store %arg13[%swap3A_1084, %swap3A_1085], %mul3A_1083 {strides = array<i32>} : memref<128x128xf32, #tpu.memory_space<vmem>>, vector<16xf32>,
        %get3A_1087 = arith.index_cast %add3A_1037 : i32 to index
        %get3A_1088 = arith.constant 112 : index
        %get3A_1089 = tpu.vector_load %arg13[%get3A_1087, %get3A_1088] {strides = array<i32>} : memref<128x128xf32, #tpu.memory_space<vmem>>, vector<16xf32>,
        %mul3A_1090 = arith.mulf %get3A_1089, %gather3A_1033 : vector<16xf32>
        %swap3A_1091 = arith.index_cast %add3A_1037 : i32 to index
        %swap3A_1092 = arith.constant 112 : index
        %swap3A_1093 = tpu.vector_load %arg13[%swap3A_1091, %swap3A_1092] {strides = array<i32>} : memref<128x128xf32, #tpu.memory_space<vmem>>, vector<16xf32>,
        tpu.vector_store %arg13[%swap3A_1091, %swap3A_1092], %mul3A_1090 {strides = array<i32>} : memref<128x128xf32, #tpu.memory_space<vmem>>, vector<16xf32>,
        %broadcast_in_dim3A_1094 = arith.constant 10 : i32
        %broadcast_in_dim3A_1095 = vector.broadcast %broadcast_in_dim3A_1094 : i32 to vector<16x1xi32>
        %gather3A_1096 = vector.shape_cast %broadcast_in_dim3A_1095 : vector<16x1xi32> to vector<16xi32>
        %gather3A_1097 = tpu.dynamic_gather %get3A_453[%gather3A_1096] in [0] : vector<16xf32>, vector<16xi32> -> vector<16xf32>
        %mul3A_1098 = arith.constant 16 : i32
        %mul3A_1099 = arith.muli %scan3A_449, %mul3A_1098 : i32
        %add3A_1100 = arith.constant 10 : i32
        %add3A_1101 = arith.addi %mul3A_1099, %add3A_1100 : i32
        %get3A_1102 = arith.index_cast %add3A_1101 : i32 to index
        %get3A_1103 = arith.constant 0 : index
        %get3A_1104 = tpu.vector_load %arg13[%get3A_1102, %get3A_1103] {strides = array<i32>} : memref<128x128xf32, #tpu.memory_space<vmem>>, vector<16xf32>,
        %mul3A_1105 = arith.mulf %get3A_1104, %gather3A_1097 : vector<16xf32>
        %swap3A_1106 = arith.index_cast %add3A_1101 : i32 to index
        %swap3A_1107 = arith.constant 0 : index
        %swap3A_1108 = tpu.vector_load %arg13[%swap3A_1106, %swap3A_1107] {strides = array<i32>} : memref<128x128xf32, #tpu.memory_space<vmem>>, vector<16xf32>,
        tpu.vector_store %arg13[%swap3A_1106, %swap3A_1107], %mul3A_1105 {strides = array<i32>} : memref<128x128xf32, #tpu.memory_space<vmem>>, vector<16xf32>,
        %get3A_1109 = arith.index_cast %add3A_1101 : i32 to index
        %get3A_1110 = arith.constant 16 : index
        %get3A_1111 = tpu.vector_load %arg13[%get3A_1109, %get3A_1110] {strides = array<i32>} : memref<128x128xf32, #tpu.memory_space<vmem>>, vector<16xf32>,
        %mul3A_1112 = arith.mulf %get3A_1111, %gather3A_1097 : vector<16xf32>
        %swap3A_1113 = arith.index_cast %add3A_1101 : i32 to index
        %swap3A_1114 = arith.constant 16 : index
        %swap3A_1115 = tpu.vector_load %arg13[%swap3A_1113, %swap3A_1114] {strides = array<i32>} : memref<128x128xf32, #tpu.memory_space<vmem>>, vector<16xf32>,
        tpu.vector_store %arg13[%swap3A_1113, %swap3A_1114], %mul3A_1112 {strides = array<i32>} : memref<128x128xf32, #tpu.memory_space<vmem>>, vector<16xf32>,
        %get3A_1116 = arith.index_cast %add3A_1101 : i32 to index
        %get3A_1117 = arith.constant 32 : index
        %get3A_1118 = tpu.vector_load %arg13[%get3A_1116, %get3A_1117] {strides = array<i32>} : memref<128x128xf32, #tpu.memory_space<vmem>>, vector<16xf32>,
        %mul3A_1119 = arith.mulf %get3A_1118, %gather3A_1097 : vector<16xf32>
        %swap3A_1120 = arith.index_cast %add3A_1101 : i32 to index
        %swap3A_1121 = arith.constant 32 : index
        %swap3A_1122 = tpu.vector_load %arg13[%swap3A_1120, %swap3A_1121] {strides = array<i32>} : memref<128x128xf32, #tpu.memory_space<vmem>>, vector<16xf32>,
        tpu.vector_store %arg13[%swap3A_1120, %swap3A_1121], %mul3A_1119 {strides = array<i32>} : memref<128x128xf32, #tpu.memory_space<vmem>>, vector<16xf32>,
        %get3A_1123 = arith.index_cast %add3A_1101 : i32 to index
        %get3A_1124 = arith.constant 48 : index
        %get3A_1125 = tpu.vector_load %arg13[%get3A_1123, %get3A_1124] {strides = array<i32>} : memref<128x128xf32, #tpu.memory_space<vmem>>, vector<16xf32>,
        %mul3A_1126 = arith.mulf %get3A_1125, %gather3A_1097 : vector<16xf32>
        %swap3A_1127 = arith.index_cast %add3A_1101 : i32 to index
        %swap3A_1128 = arith.constant 48 : index
        %swap3A_1129 = tpu.vector_load %arg13[%swap3A_1127, %swap3A_1128] {strides = array<i32>} : memref<128x128xf32, #tpu.memory_space<vmem>>, vector<16xf32>,
        tpu.vector_store %arg13[%swap3A_1127, %swap3A_1128], %mul3A_1126 {strides = array<i32>} : memref<128x128xf32, #tpu.memory_space<vmem>>, vector<16xf32>,
        %get3A_1130 = arith.index_cast %add3A_1101 : i32 to index
        %get3A_1131 = arith.constant 64 : index
        %get3A_1132 = tpu.vector_load %arg13[%get3A_1130, %get3A_1131] {strides = array<i32>} : memref<128x128xf32, #tpu.memory_space<vmem>>, vector<16xf32>,
        %mul3A_1133 = arith.mulf %get3A_1132, %gather3A_1097 : vector<16xf32>
        %swap3A_1134 = arith.index_cast %add3A_1101 : i32 to index
        %swap3A_1135 = arith.constant 64 : index
        %swap3A_1136 = tpu.vector_load %arg13[%swap3A_1134, %swap3A_1135] {strides = array<i32>} : memref<128x128xf32, #tpu.memory_space<vmem>>, vector<16xf32>,
        tpu.vector_store %arg13[%swap3A_1134, %swap3A_1135], %mul3A_1133 {strides = array<i32>} : memref<128x128xf32, #tpu.memory_space<vmem>>, vector<16xf32>,
        %get3A_1137 = arith.index_cast %add3A_1101 : i32 to index
        %get3A_1138 = arith.constant 80 : index
        %get3A_1139 = tpu.vector_load %arg13[%get3A_1137, %get3A_1138] {strides = array<i32>} : memref<128x128xf32, #tpu.memory_space<vmem>>, vector<16xf32>,
        %mul3A_1140 = arith.mulf %get3A_1139, %gather3A_1097 : vector<16xf32>
        %swap3A_1141 = arith.index_cast %add3A_1101 : i32 to index
        %swap3A_1142 = arith.constant 80 : index
        %swap3A_1143 = tpu.vector_load %arg13[%swap3A_1141, %swap3A_1142] {strides = array<i32>} : memref<128x128xf32, #tpu.memory_space<vmem>>, vector<16xf32>,
        tpu.vector_store %arg13[%swap3A_1141, %swap3A_1142], %mul3A_1140 {strides = array<i32>} : memref<128x128xf32, #tpu.memory_space<vmem>>, vector<16xf32>,
        %get3A_1144 = arith.index_cast %add3A_1101 : i32 to index
        %get3A_1145 = arith.constant 96 : index
        %get3A_1146 = tpu.vector_load %arg13[%get3A_1144, %get3A_1145] {strides = array<i32>} : memref<128x128xf32, #tpu.memory_space<vmem>>, vector<16xf32>,
        %mul3A_1147 = arith.mulf %get3A_1146, %gather3A_1097 : vector<16xf32>
        %swap3A_1148 = arith.index_cast %add3A_1101 : i32 to index
        %swap3A_1149 = arith.constant 96 : index
        %swap3A_1150 = tpu.vector_load %arg13[%swap3A_1148, %swap3A_1149] {strides = array<i32>} : memref<128x128xf32, #tpu.memory_space<vmem>>, vector<16xf32>,
        tpu.vector_store %arg13[%swap3A_1148, %swap3A_1149], %mul3A_1147 {strides = array<i32>} : memref<128x128xf32, #tpu.memory_space<vmem>>, vector<16xf32>,
        %get3A_1151 = arith.index_cast %add3A_1101 : i32 to index
        %get3A_1152 = arith.constant 112 : index
        %get3A_1153 = tpu.vector_load %arg13[%get3A_1151, %get3A_1152] {strides = array<i32>} : memref<128x128xf32, #tpu.memory_space<vmem>>, vector<16xf32>,
        %mul3A_1154 = arith.mulf %get3A_1153, %gather3A_1097 : vector<16xf32>
        %swap3A_1155 = arith.index_cast %add3A_1101 : i32 to index
        %swap3A_1156 = arith.constant 112 : index
        %swap3A_1157 = tpu.vector_load %arg13[%swap3A_1155, %swap3A_1156] {strides = array<i32>} : memref<128x128xf32, #tpu.memory_space<vmem>>, vector<16xf32>,
        tpu.vector_store %arg13[%swap3A_1155, %swap3A_1156], %mul3A_1154 {strides = array<i32>} : memref<128x128xf32, #tpu.memory_space<vmem>>, vector<16xf32>,
        %broadcast_in_dim3A_1158 = arith.constant 11 : i32
        %broadcast_in_dim3A_1159 = vector.broadcast %broadcast_in_dim3A_1158 : i32 to vector<16x1xi32>
        %gather3A_1160 = vector.shape_cast %broadcast_in_dim3A_1159 : vector<16x1xi32> to vector<16xi32>
        %gather3A_1161 = tpu.dynamic_gather %get3A_453[%gather3A_1160] in [0] : vector<16xf32>, vector<16xi32> -> vector<16xf32>
        %mul3A_1162 = arith.constant 16 : i32
        %mul3A_1163 = arith.muli %scan3A_449, %mul3A_1162 : i32
        %add3A_1164 = arith.constant 11 : i32
        %add3A_1165 = arith.addi %mul3A_1163, %add3A_1164 : i32
        %get3A_1166 = arith.index_cast %add3A_1165 : i32 to index
        %get3A_1167 = arith.constant 0 : index
        %get3A_1168 = tpu.vector_load %arg13[%get3A_1166, %get3A_1167] {strides = array<i32>} : memref<128x128xf32, #tpu.memory_space<vmem>>, vector<16xf32>,
        %mul3A_1169 = arith.mulf %get3A_1168, %gather3A_1161 : vector<16xf32>
        %swap3A_1170 = arith.index_cast %add3A_1165 : i32 to index
        %swap3A_1171 = arith.constant 0 : index
        %swap3A_1172 = tpu.vector_load %arg13[%swap3A_1170, %swap3A_1171] {strides = array<i32>} : memref<128x128xf32, #tpu.memory_space<vmem>>, vector<16xf32>,
        tpu.vector_store %arg13[%swap3A_1170, %swap3A_1171], %mul3A_1169 {strides = array<i32>} : memref<128x128xf32, #tpu.memory_space<vmem>>, vector<16xf32>,
        %get3A_1173 = arith.index_cast %add3A_1165 : i32 to index
        %get3A_1174 = arith.constant 16 : index
        %get3A_1175 = tpu.vector_load %arg13[%get3A_1173, %get3A_1174] {strides = array<i32>} : memref<128x128xf32, #tpu.memory_space<vmem>>, vector<16xf32>,
        %mul3A_1176 = arith.mulf %get3A_1175, %gather3A_1161 : vector<16xf32>
        %swap3A_1177 = arith.index_cast %add3A_1165 : i32 to index
        %swap3A_1178 = arith.constant 16 : index
        %swap3A_1179 = tpu.vector_load %arg13[%swap3A_1177, %swap3A_1178] {strides = array<i32>} : memref<128x128xf32, #tpu.memory_space<vmem>>, vector<16xf32>,
        tpu.vector_store %arg13[%swap3A_1177, %swap3A_1178], %mul3A_1176 {strides = array<i32>} : memref<128x128xf32, #tpu.memory_space<vmem>>, vector<16xf32>,
        %get3A_1180 = arith.index_cast %add3A_1165 : i32 to index
        %get3A_1181 = arith.constant 32 : index
        %get3A_1182 = tpu.vector_load %arg13[%get3A_1180, %get3A_1181] {strides = array<i32>} : memref<128x128xf32, #tpu.memory_space<vmem>>, vector<16xf32>,
        %mul3A_1183 = arith.mulf %get3A_1182, %gather3A_1161 : vector<16xf32>
        %swap3A_1184 = arith.index_cast %add3A_1165 : i32 to index
        %swap3A_1185 = arith.constant 32 : index
        %swap3A_1186 = tpu.vector_load %arg13[%swap3A_1184, %swap3A_1185] {strides = array<i32>} : memref<128x128xf32, #tpu.memory_space<vmem>>, vector<16xf32>,
        tpu.vector_store %arg13[%swap3A_1184, %swap3A_1185], %mul3A_1183 {strides = array<i32>} : memref<128x128xf32, #tpu.memory_space<vmem>>, vector<16xf32>,
        %get3A_1187 = arith.index_cast %add3A_1165 : i32 to index
        %get3A_1188 = arith.constant 48 : index
        %get3A_1189 = tpu.vector_load %arg13[%get3A_1187, %get3A_1188] {strides = array<i32>} : memref<128x128xf32, #tpu.memory_space<vmem>>, vector<16xf32>,
        %mul3A_1190 = arith.mulf %get3A_1189, %gather3A_1161 : vector<16xf32>
        %swap3A_1191 = arith.index_cast %add3A_1165 : i32 to index
        %swap3A_1192 = arith.constant 48 : index
        %swap3A_1193 = tpu.vector_load %arg13[%swap3A_1191, %swap3A_1192] {strides = array<i32>} : memref<128x128xf32, #tpu.memory_space<vmem>>, vector<16xf32>,
        tpu.vector_store %arg13[%swap3A_1191, %swap3A_1192], %mul3A_1190 {strides = array<i32>} : memref<128x128xf32, #tpu.memory_space<vmem>>, vector<16xf32>,
        %get3A_1194 = arith.index_cast %add3A_1165 : i32 to index
        %get3A_1195 = arith.constant 64 : index
        %get3A_1196 = tpu.vector_load %arg13[%get3A_1194, %get3A_1195] {strides = array<i32>} : memref<128x128xf32, #tpu.memory_space<vmem>>, vector<16xf32>,
        %mul3A_1197 = arith.mulf %get3A_1196, %gather3A_1161 : vector<16xf32>
        %swap3A_1198 = arith.index_cast %add3A_1165 : i32 to index
        %swap3A_1199 = arith.constant 64 : index
        %swap3A_1200 = tpu.vector_load %arg13[%swap3A_1198, %swap3A_1199] {strides = array<i32>} : memref<128x128xf32, #tpu.memory_space<vmem>>, vector<16xf32>,
        tpu.vector_store %arg13[%swap3A_1198, %swap3A_1199], %mul3A_1197 {strides = array<i32>} : memref<128x128xf32, #tpu.memory_space<vmem>>, vector<16xf32>,
        %get3A_1201 = arith.index_cast %add3A_1165 : i32 to index
        %get3A_1202 = arith.constant 80 : index
        %get3A_1203 = tpu.vector_load %arg13[%get3A_1201, %get3A_1202] {strides = array<i32>} : memref<128x128xf32, #tpu.memory_space<vmem>>, vector<16xf32>,
        %mul3A_1204 = arith.mulf %get3A_1203, %gather3A_1161 : vector<16xf32>
        %swap3A_1205 = arith.index_cast %add3A_1165 : i32 to index
        %swap3A_1206 = arith.constant 80 : index
        %swap3A_1207 = tpu.vector_load %arg13[%swap3A_1205, %swap3A_1206] {strides = array<i32>} : memref<128x128xf32, #tpu.memory_space<vmem>>, vector<16xf32>,
        tpu.vector_store %arg13[%swap3A_1205, %swap3A_1206], %mul3A_1204 {strides = array<i32>} : memref<128x128xf32, #tpu.memory_space<vmem>>, vector<16xf32>,
        %get3A_1208 = arith.index_cast %add3A_1165 : i32 to index
        %get3A_1209 = arith.constant 96 : index
        %get3A_1210 = tpu.vector_load %arg13[%get3A_1208, %get3A_1209] {strides = array<i32>} : memref<128x128xf32, #tpu.memory_space<vmem>>, vector<16xf32>,
        %mul3A_1211 = arith.mulf %get3A_1210, %gather3A_1161 : vector<16xf32>
        %swap3A_1212 = arith.index_cast %add3A_1165 : i32 to index
        %swap3A_1213 = arith.constant 96 : index
        %swap3A_1214 = tpu.vector_load %arg13[%swap3A_1212, %swap3A_1213] {strides = array<i32>} : memref<128x128xf32, #tpu.memory_space<vmem>>, vector<16xf32>,
        tpu.vector_store %arg13[%swap3A_1212, %swap3A_1213], %mul3A_1211 {strides = array<i32>} : memref<128x128xf32, #tpu.memory_space<vmem>>, vector<16xf32>,
        %get3A_1215 = arith.index_cast %add3A_1165 : i32 to index
        %get3A_1216 = arith.constant 112 : index
        %get3A_1217 = tpu.vector_load %arg13[%get3A_1215, %get3A_1216] {strides = array<i32>} : memref<128x128xf32, #tpu.memory_space<vmem>>, vector<16xf32>,
        %mul3A_1218 = arith.mulf %get3A_1217, %gather3A_1161 : vector<16xf32>
        %swap3A_1219 = arith.index_cast %add3A_1165 : i32 to index
        %swap3A_1220 = arith.constant 112 : index
        %swap3A_1221 = tpu.vector_load %arg13[%swap3A_1219, %swap3A_1220] {strides = array<i32>} : memref<128x128xf32, #tpu.memory_space<vmem>>, vector<16xf32>,
        tpu.vector_store %arg13[%swap3A_1219, %swap3A_1220], %mul3A_1218 {strides = array<i32>} : memref<128x128xf32, #tpu.memory_space<vmem>>, vector<16xf32>,
        %broadcast_in_dim3A_1222 = arith.constant 12 : i32
        %broadcast_in_dim3A_1223 = vector.broadcast %broadcast_in_dim3A_1222 : i32 to vector<16x1xi32>
        %gather3A_1224 = vector.shape_cast %broadcast_in_dim3A_1223 : vector<16x1xi32> to vector<16xi32>
        %gather3A_1225 = tpu.dynamic_gather %get3A_453[%gather3A_1224] in [0] : vector<16xf32>, vector<16xi32> -> vector<16xf32>
        %mul3A_1226 = arith.constant 16 : i32
        %mul3A_1227 = arith.muli %scan3A_449, %mul3A_1226 : i32
        %add3A_1228 = arith.constant 12 : i32
        %add3A_1229 = arith.addi %mul3A_1227, %add3A_1228 : i32
        %get3A_1230 = arith.index_cast %add3A_1229 : i32 to index
        %get3A_1231 = arith.constant 0 : index
        %get3A_1232 = tpu.vector_load %arg13[%get3A_1230, %get3A_1231] {strides = array<i32>} : memref<128x128xf32, #tpu.memory_space<vmem>>, vector<16xf32>,
        %mul3A_1233 = arith.mulf %get3A_1232, %gather3A_1225 : vector<16xf32>
        %swap3A_1234 = arith.index_cast %add3A_1229 : i32 to index
        %swap3A_1235 = arith.constant 0 : index
        %swap3A_1236 = tpu.vector_load %arg13[%swap3A_1234, %swap3A_1235] {strides = array<i32>} : memref<128x128xf32, #tpu.memory_space<vmem>>, vector<16xf32>,
        tpu.vector_store %arg13[%swap3A_1234, %swap3A_1235], %mul3A_1233 {strides = array<i32>} : memref<128x128xf32, #tpu.memory_space<vmem>>, vector<16xf32>,
        %get3A_1237 = arith.index_cast %add3A_1229 : i32 to index
        %get3A_1238 = arith.constant 16 : index
        %get3A_1239 = tpu.vector_load %arg13[%get3A_1237, %get3A_1238] {strides = array<i32>} : memref<128x128xf32, #tpu.memory_space<vmem>>, vector<16xf32>,
        %mul3A_1240 = arith.mulf %get3A_1239, %gather3A_1225 : vector<16xf32>
        %swap3A_1241 = arith.index_cast %add3A_1229 : i32 to index
        %swap3A_1242 = arith.constant 16 : index
        %swap3A_1243 = tpu.vector_load %arg13[%swap3A_1241, %swap3A_1242] {strides = array<i32>} : memref<128x128xf32, #tpu.memory_space<vmem>>, vector<16xf32>,
        tpu.vector_store %arg13[%swap3A_1241, %swap3A_1242], %mul3A_1240 {strides = array<i32>} : memref<128x128xf32, #tpu.memory_space<vmem>>, vector<16xf32>,
        %get3A_1244 = arith.index_cast %add3A_1229 : i32 to index
        %get3A_1245 = arith.constant 32 : index
        %get3A_1246 = tpu.vector_load %arg13[%get3A_1244, %get3A_1245] {strides = array<i32>} : memref<128x128xf32, #tpu.memory_space<vmem>>, vector<16xf32>,
        %mul3A_1247 = arith.mulf %get3A_1246, %gather3A_1225 : vector<16xf32>
        %swap3A_1248 = arith.index_cast %add3A_1229 : i32 to index
        %swap3A_1249 = arith.constant 32 : index
        %swap3A_1250 = tpu.vector_load %arg13[%swap3A_1248, %swap3A_1249] {strides = array<i32>} : memref<128x128xf32, #tpu.memory_space<vmem>>, vector<16xf32>,
        tpu.vector_store %arg13[%swap3A_1248, %swap3A_1249], %mul3A_1247 {strides = array<i32>} : memref<128x128xf32, #tpu.memory_space<vmem>>, vector<16xf32>,
        %get3A_1251 = arith.index_cast %add3A_1229 : i32 to index
        %get3A_1252 = arith.constant 48 : index
        %get3A_1253 = tpu.vector_load %arg13[%get3A_1251, %get3A_1252] {strides = array<i32>} : memref<128x128xf32, #tpu.memory_space<vmem>>, vector<16xf32>,
        %mul3A_1254 = arith.mulf %get3A_1253, %gather3A_1225 : vector<16xf32>
        %swap3A_1255 = arith.index_cast %add3A_1229 : i32 to index
        %swap3A_1256 = arith.constant 48 : index
        %swap3A_1257 = tpu.vector_load %arg13[%swap3A_1255, %swap3A_1256] {strides = array<i32>} : memref<128x128xf32, #tpu.memory_space<vmem>>, vector<16xf32>,
        tpu.vector_store %arg13[%swap3A_1255, %swap3A_1256], %mul3A_1254 {strides = array<i32>} : memref<128x128xf32, #tpu.memory_space<vmem>>, vector<16xf32>,
        %get3A_1258 = arith.index_cast %add3A_1229 : i32 to index
        %get3A_1259 = arith.constant 64 : index
        %get3A_1260 = tpu.vector_load %arg13[%get3A_1258, %get3A_1259] {strides = array<i32>} : memref<128x128xf32, #tpu.memory_space<vmem>>, vector<16xf32>,
        %mul3A_1261 = arith.mulf %get3A_1260, %gather3A_1225 : vector<16xf32>
        %swap3A_1262 = arith.index_cast %add3A_1229 : i32 to index
        %swap3A_1263 = arith.constant 64 : index
        %swap3A_1264 = tpu.vector_load %arg13[%swap3A_1262, %swap3A_1263] {strides = array<i32>} : memref<128x128xf32, #tpu.memory_space<vmem>>, vector<16xf32>,
        tpu.vector_store %arg13[%swap3A_1262, %swap3A_1263], %mul3A_1261 {strides = array<i32>} : memref<128x128xf32, #tpu.memory_space<vmem>>, vector<16xf32>,
        %get3A_1265 = arith.index_cast %add3A_1229 : i32 to index
        %get3A_1266 = arith.constant 80 : index
        %get3A_1267 = tpu.vector_load %arg13[%get3A_1265, %get3A_1266] {strides = array<i32>} : memref<128x128xf32, #tpu.memory_space<vmem>>, vector<16xf32>,
        %mul3A_1268 = arith.mulf %get3A_1267, %gather3A_1225 : vector<16xf32>
        %swap3A_1269 = arith.index_cast %add3A_1229 : i32 to index
        %swap3A_1270 = arith.constant 80 : index
        %swap3A_1271 = tpu.vector_load %arg13[%swap3A_1269, %swap3A_1270] {strides = array<i32>} : memref<128x128xf32, #tpu.memory_space<vmem>>, vector<16xf32>,
        tpu.vector_store %arg13[%swap3A_1269, %swap3A_1270], %mul3A_1268 {strides = array<i32>} : memref<128x128xf32, #tpu.memory_space<vmem>>, vector<16xf32>,
        %get3A_1272 = arith.index_cast %add3A_1229 : i32 to index
        %get3A_1273 = arith.constant 96 : index
        %get3A_1274 = tpu.vector_load %arg13[%get3A_1272, %get3A_1273] {strides = array<i32>} : memref<128x128xf32, #tpu.memory_space<vmem>>, vector<16xf32>,
        %mul3A_1275 = arith.mulf %get3A_1274, %gather3A_1225 : vector<16xf32>
        %swap3A_1276 = arith.index_cast %add3A_1229 : i32 to index
        %swap3A_1277 = arith.constant 96 : index
        %swap3A_1278 = tpu.vector_load %arg13[%swap3A_1276, %swap3A_1277] {strides = array<i32>} : memref<128x128xf32, #tpu.memory_space<vmem>>, vector<16xf32>,
        tpu.vector_store %arg13[%swap3A_1276, %swap3A_1277], %mul3A_1275 {strides = array<i32>} : memref<128x128xf32, #tpu.memory_space<vmem>>, vector<16xf32>,
        %get3A_1279 = arith.index_cast %add3A_1229 : i32 to index
        %get3A_1280 = arith.constant 112 : index
        %get3A_1281 = tpu.vector_load %arg13[%get3A_1279, %get3A_1280] {strides = array<i32>} : memref<128x128xf32, #tpu.memory_space<vmem>>, vector<16xf32>,
        %mul3A_1282 = arith.mulf %get3A_1281, %gather3A_1225 : vector<16xf32>
        %swap3A_1283 = arith.index_cast %add3A_1229 : i32 to index
        %swap3A_1284 = arith.constant 112 : index
        %swap3A_1285 = tpu.vector_load %arg13[%swap3A_1283, %swap3A_1284] {strides = array<i32>} : memref<128x128xf32, #tpu.memory_space<vmem>>, vector<16xf32>,
        tpu.vector_store %arg13[%swap3A_1283, %swap3A_1284], %mul3A_1282 {strides = array<i32>} : memref<128x128xf32, #tpu.memory_space<vmem>>, vector<16xf32>,
        %broadcast_in_dim3A_1286 = arith.constant 13 : i32
        %broadcast_in_dim3A_1287 = vector.broadcast %broadcast_in_dim3A_1286 : i32 to vector<16x1xi32>
        %gather3A_1288 = vector.shape_cast %broadcast_in_dim3A_1287 : vector<16x1xi32> to vector<16xi32>
        %gather3A_1289 = tpu.dynamic_gather %get3A_453[%gather3A_1288] in [0] : vector<16xf32>, vector<16xi32> -> vector<16xf32>
        %mul3A_1290 = arith.constant 16 : i32
        %mul3A_1291 = arith.muli %scan3A_449, %mul3A_1290 : i32
        %add3A_1292 = arith.constant 13 : i32
        %add3A_1293 = arith.addi %mul3A_1291, %add3A_1292 : i32
        %get3A_1294 = arith.index_cast %add3A_1293 : i32 to index
        %get3A_1295 = arith.constant 0 : index
        %get3A_1296 = tpu.vector_load %arg13[%get3A_1294, %get3A_1295] {strides = array<i32>} : memref<128x128xf32, #tpu.memory_space<vmem>>, vector<16xf32>,
        %mul3A_1297 = arith.mulf %get3A_1296, %gather3A_1289 : vector<16xf32>
        %swap3A_1298 = arith.index_cast %add3A_1293 : i32 to index
        %swap3A_1299 = arith.constant 0 : index
        %swap3A_1300 = tpu.vector_load %arg13[%swap3A_1298, %swap3A_1299] {strides = array<i32>} : memref<128x128xf32, #tpu.memory_space<vmem>>, vector<16xf32>,
        tpu.vector_store %arg13[%swap3A_1298, %swap3A_1299], %mul3A_1297 {strides = array<i32>} : memref<128x128xf32, #tpu.memory_space<vmem>>, vector<16xf32>,
        %get3A_1301 = arith.index_cast %add3A_1293 : i32 to index
        %get3A_1302 = arith.constant 16 : index
        %get3A_1303 = tpu.vector_load %arg13[%get3A_1301, %get3A_1302] {strides = array<i32>} : memref<128x128xf32, #tpu.memory_space<vmem>>, vector<16xf32>,
        %mul3A_1304 = arith.mulf %get3A_1303, %gather3A_1289 : vector<16xf32>
        %swap3A_1305 = arith.index_cast %add3A_1293 : i32 to index
        %swap3A_1306 = arith.constant 16 : index
        %swap3A_1307 = tpu.vector_load %arg13[%swap3A_1305, %swap3A_1306] {strides = array<i32>} : memref<128x128xf32, #tpu.memory_space<vmem>>, vector<16xf32>,
        tpu.vector_store %arg13[%swap3A_1305, %swap3A_1306], %mul3A_1304 {strides = array<i32>} : memref<128x128xf32, #tpu.memory_space<vmem>>, vector<16xf32>,
        %get3A_1308 = arith.index_cast %add3A_1293 : i32 to index
        %get3A_1309 = arith.constant 32 : index
        %get3A_1310 = tpu.vector_load %arg13[%get3A_1308, %get3A_1309] {strides = array<i32>} : memref<128x128xf32, #tpu.memory_space<vmem>>, vector<16xf32>,
        %mul3A_1311 = arith.mulf %get3A_1310, %gather3A_1289 : vector<16xf32>
        %swap3A_1312 = arith.index_cast %add3A_1293 : i32 to index
        %swap3A_1313 = arith.constant 32 : index
        %swap3A_1314 = tpu.vector_load %arg13[%swap3A_1312, %swap3A_1313] {strides = array<i32>} : memref<128x128xf32, #tpu.memory_space<vmem>>, vector<16xf32>,
        tpu.vector_store %arg13[%swap3A_1312, %swap3A_1313], %mul3A_1311 {strides = array<i32>} : memref<128x128xf32, #tpu.memory_space<vmem>>, vector<16xf32>,
        %get3A_1315 = arith.index_cast %add3A_1293 : i32 to index
        %get3A_1316 = arith.constant 48 : index
        %get3A_1317 = tpu.vector_load %arg13[%get3A_1315, %get3A_1316] {strides = array<i32>} : memref<128x128xf32, #tpu.memory_space<vmem>>, vector<16xf32>,
        %mul3A_1318 = arith.mulf %get3A_1317, %gather3A_1289 : vector<16xf32>
        %swap3A_1319 = arith.index_cast %add3A_1293 : i32 to index
        %swap3A_1320 = arith.constant 48 : index
        %swap3A_1321 = tpu.vector_load %arg13[%swap3A_1319, %swap3A_1320] {strides = array<i32>} : memref<128x128xf32, #tpu.memory_space<vmem>>, vector<16xf32>,
        tpu.vector_store %arg13[%swap3A_1319, %swap3A_1320], %mul3A_1318 {strides = array<i32>} : memref<128x128xf32, #tpu.memory_space<vmem>>, vector<16xf32>,
        %get3A_1322 = arith.index_cast %add3A_1293 : i32 to index
        %get3A_1323 = arith.constant 64 : index
        %get3A_1324 = tpu.vector_load %arg13[%get3A_1322, %get3A_1323] {strides = array<i32>} : memref<128x128xf32, #tpu.memory_space<vmem>>, vector<16xf32>,
        %mul3A_1325 = arith.mulf %get3A_1324, %gather3A_1289 : vector<16xf32>
        %swap3A_1326 = arith.index_cast %add3A_1293 : i32 to index
        %swap3A_1327 = arith.constant 64 : index
        %swap3A_1328 = tpu.vector_load %arg13[%swap3A_1326, %swap3A_1327] {strides = array<i32>} : memref<128x128xf32, #tpu.memory_space<vmem>>, vector<16xf32>,
        tpu.vector_store %arg13[%swap3A_1326, %swap3A_1327], %mul3A_1325 {strides = array<i32>} : memref<128x128xf32, #tpu.memory_space<vmem>>, vector<16xf32>,
        %get3A_1329 = arith.index_cast %add3A_1293 : i32 to index
        %get3A_1330 = arith.constant 80 : index
        %get3A_1331 = tpu.vector_load %arg13[%get3A_1329, %get3A_1330] {strides = array<i32>} : memref<128x128xf32, #tpu.memory_space<vmem>>, vector<16xf32>,
        %mul3A_1332 = arith.mulf %get3A_1331, %gather3A_1289 : vector<16xf32>
        %swap3A_1333 = arith.index_cast %add3A_1293 : i32 to index
        %swap3A_1334 = arith.constant 80 : index
        %swap3A_1335 = tpu.vector_load %arg13[%swap3A_1333, %swap3A_1334] {strides = array<i32>} : memref<128x128xf32, #tpu.memory_space<vmem>>, vector<16xf32>,
        tpu.vector_store %arg13[%swap3A_1333, %swap3A_1334], %mul3A_1332 {strides = array<i32>} : memref<128x128xf32, #tpu.memory_space<vmem>>, vector<16xf32>,
        %get3A_1336 = arith.index_cast %add3A_1293 : i32 to index
        %get3A_1337 = arith.constant 96 : index
        %get3A_1338 = tpu.vector_load %arg13[%get3A_1336, %get3A_1337] {strides = array<i32>} : memref<128x128xf32, #tpu.memory_space<vmem>>, vector<16xf32>,
        %mul3A_1339 = arith.mulf %get3A_1338, %gather3A_1289 : vector<16xf32>
        %swap3A_1340 = arith.index_cast %add3A_1293 : i32 to index
        %swap3A_1341 = arith.constant 96 : index
        %swap3A_1342 = tpu.vector_load %arg13[%swap3A_1340, %swap3A_1341] {strides = array<i32>} : memref<128x128xf32, #tpu.memory_space<vmem>>, vector<16xf32>,
        tpu.vector_store %arg13[%swap3A_1340, %swap3A_1341], %mul3A_1339 {strides = array<i32>} : memref<128x128xf32, #tpu.memory_space<vmem>>, vector<16xf32>,
        %get3A_1343 = arith.index_cast %add3A_1293 : i32 to index
        %get3A_1344 = arith.constant 112 : index
        %get3A_1345 = tpu.vector_load %arg13[%get3A_1343, %get3A_1344] {strides = array<i32>} : memref<128x128xf32, #tpu.memory_space<vmem>>, vector<16xf32>,
        %mul3A_1346 = arith.mulf %get3A_1345, %gather3A_1289 : vector<16xf32>
        %swap3A_1347 = arith.index_cast %add3A_1293 : i32 to index
        %swap3A_1348 = arith.constant 112 : index
        %swap3A_1349 = tpu.vector_load %arg13[%swap3A_1347, %swap3A_1348] {strides = array<i32>} : memref<128x128xf32, #tpu.memory_space<vmem>>, vector<16xf32>,
        tpu.vector_store %arg13[%swap3A_1347, %swap3A_1348], %mul3A_1346 {strides = array<i32>} : memref<128x128xf32, #tpu.memory_space<vmem>>, vector<16xf32>,
        %broadcast_in_dim3A_1350 = arith.constant 14 : i32
        %broadcast_in_dim3A_1351 = vector.broadcast %broadcast_in_dim3A_1350 : i32 to vector<16x1xi32>
        %gather3A_1352 = vector.shape_cast %broadcast_in_dim3A_1351 : vector<16x1xi32> to vector<16xi32>
        %gather3A_1353 = tpu.dynamic_gather %get3A_453[%gather3A_1352] in [0] : vector<16xf32>, vector<16xi32> -> vector<16xf32>
        %mul3A_1354 = arith.constant 16 : i32
        %mul3A_1355 = arith.muli %scan3A_449, %mul3A_1354 : i32
        %add3A_1356 = arith.constant 14 : i32
        %add3A_1357 = arith.addi %mul3A_1355, %add3A_1356 : i32
        %get3A_1358 = arith.index_cast %add3A_1357 : i32 to index
        %get3A_1359 = arith.constant 0 : index
        %get3A_1360 = tpu.vector_load %arg13[%get3A_1358, %get3A_1359] {strides = array<i32>} : memref<128x128xf32, #tpu.memory_space<vmem>>, vector<16xf32>,
        %mul3A_1361 = arith.mulf %get3A_1360, %gather3A_1353 : vector<16xf32>
        %swap3A_1362 = arith.index_cast %add3A_1357 : i32 to index
        %swap3A_1363 = arith.constant 0 : index
        %swap3A_1364 = tpu.vector_load %arg13[%swap3A_1362, %swap3A_1363] {strides = array<i32>} : memref<128x128xf32, #tpu.memory_space<vmem>>, vector<16xf32>,
        tpu.vector_store %arg13[%swap3A_1362, %swap3A_1363], %mul3A_1361 {strides = array<i32>} : memref<128x128xf32, #tpu.memory_space<vmem>>, vector<16xf32>,
        %get3A_1365 = arith.index_cast %add3A_1357 : i32 to index
        %get3A_1366 = arith.constant 16 : index
        %get3A_1367 = tpu.vector_load %arg13[%get3A_1365, %get3A_1366] {strides = array<i32>} : memref<128x128xf32, #tpu.memory_space<vmem>>, vector<16xf32>,
        %mul3A_1368 = arith.mulf %get3A_1367, %gather3A_1353 : vector<16xf32>
        %swap3A_1369 = arith.index_cast %add3A_1357 : i32 to index
        %swap3A_1370 = arith.constant 16 : index
        %swap3A_1371 = tpu.vector_load %arg13[%swap3A_1369, %swap3A_1370] {strides = array<i32>} : memref<128x128xf32, #tpu.memory_space<vmem>>, vector<16xf32>,
        tpu.vector_store %arg13[%swap3A_1369, %swap3A_1370], %mul3A_1368 {strides = array<i32>} : memref<128x128xf32, #tpu.memory_space<vmem>>, vector<16xf32>,
        %get3A_1372 = arith.index_cast %add3A_1357 : i32 to index
        %get3A_1373 = arith.constant 32 : index
        %get3A_1374 = tpu.vector_load %arg13[%get3A_1372, %get3A_1373] {strides = array<i32>} : memref<128x128xf32, #tpu.memory_space<vmem>>, vector<16xf32>,
        %mul3A_1375 = arith.mulf %get3A_1374, %gather3A_1353 : vector<16xf32>
        %swap3A_1376 = arith.index_cast %add3A_1357 : i32 to index
        %swap3A_1377 = arith.constant 32 : index
        %swap3A_1378 = tpu.vector_load %arg13[%swap3A_1376, %swap3A_1377] {strides = array<i32>} : memref<128x128xf32, #tpu.memory_space<vmem>>, vector<16xf32>,
        tpu.vector_store %arg13[%swap3A_1376, %swap3A_1377], %mul3A_1375 {strides = array<i32>} : memref<128x128xf32, #tpu.memory_space<vmem>>, vector<16xf32>,
        %get3A_1379 = arith.index_cast %add3A_1357 : i32 to index
        %get3A_1380 = arith.constant 48 : index
        %get3A_1381 = tpu.vector_load %arg13[%get3A_1379, %get3A_1380] {strides = array<i32>} : memref<128x128xf32, #tpu.memory_space<vmem>>, vector<16xf32>,
        %mul3A_1382 = arith.mulf %get3A_1381, %gather3A_1353 : vector<16xf32>
        %swap3A_1383 = arith.index_cast %add3A_1357 : i32 to index
        %swap3A_1384 = arith.constant 48 : index
        %swap3A_1385 = tpu.vector_load %arg13[%swap3A_1383, %swap3A_1384] {strides = array<i32>} : memref<128x128xf32, #tpu.memory_space<vmem>>, vector<16xf32>,
        tpu.vector_store %arg13[%swap3A_1383, %swap3A_1384], %mul3A_1382 {strides = array<i32>} : memref<128x128xf32, #tpu.memory_space<vmem>>, vector<16xf32>,
        %get3A_1386 = arith.index_cast %add3A_1357 : i32 to index
        %get3A_1387 = arith.constant 64 : index
        %get3A_1388 = tpu.vector_load %arg13[%get3A_1386, %get3A_1387] {strides = array<i32>} : memref<128x128xf32, #tpu.memory_space<vmem>>, vector<16xf32>,
        %mul3A_1389 = arith.mulf %get3A_1388, %gather3A_1353 : vector<16xf32>
        %swap3A_1390 = arith.index_cast %add3A_1357 : i32 to index
        %swap3A_1391 = arith.constant 64 : index
        %swap3A_1392 = tpu.vector_load %arg13[%swap3A_1390, %swap3A_1391] {strides = array<i32>} : memref<128x128xf32, #tpu.memory_space<vmem>>, vector<16xf32>,
        tpu.vector_store %arg13[%swap3A_1390, %swap3A_1391], %mul3A_1389 {strides = array<i32>} : memref<128x128xf32, #tpu.memory_space<vmem>>, vector<16xf32>,
        %get3A_1393 = arith.index_cast %add3A_1357 : i32 to index
        %get3A_1394 = arith.constant 80 : index
        %get3A_1395 = tpu.vector_load %arg13[%get3A_1393, %get3A_1394] {strides = array<i32>} : memref<128x128xf32, #tpu.memory_space<vmem>>, vector<16xf32>,
        %mul3A_1396 = arith.mulf %get3A_1395, %gather3A_1353 : vector<16xf32>
        %swap3A_1397 = arith.index_cast %add3A_1357 : i32 to index
        %swap3A_1398 = arith.constant 80 : index
        %swap3A_1399 = tpu.vector_load %arg13[%swap3A_1397, %swap3A_1398] {strides = array<i32>} : memref<128x128xf32, #tpu.memory_space<vmem>>, vector<16xf32>,
        tpu.vector_store %arg13[%swap3A_1397, %swap3A_1398], %mul3A_1396 {strides = array<i32>} : memref<128x128xf32, #tpu.memory_space<vmem>>, vector<16xf32>,
        %get3A_1400 = arith.index_cast %add3A_1357 : i32 to index
        %get3A_1401 = arith.constant 96 : index
        %get3A_1402 = tpu.vector_load %arg13[%get3A_1400, %get3A_1401] {strides = array<i32>} : memref<128x128xf32, #tpu.memory_space<vmem>>, vector<16xf32>,
        %mul3A_1403 = arith.mulf %get3A_1402, %gather3A_1353 : vector<16xf32>
        %swap3A_1404 = arith.index_cast %add3A_1357 : i32 to index
        %swap3A_1405 = arith.constant 96 : index
        %swap3A_1406 = tpu.vector_load %arg13[%swap3A_1404, %swap3A_1405] {strides = array<i32>} : memref<128x128xf32, #tpu.memory_space<vmem>>, vector<16xf32>,
        tpu.vector_store %arg13[%swap3A_1404, %swap3A_1405], %mul3A_1403 {strides = array<i32>} : memref<128x128xf32, #tpu.memory_space<vmem>>, vector<16xf32>,
        %get3A_1407 = arith.index_cast %add3A_1357 : i32 to index
        %get3A_1408 = arith.constant 112 : index
        %get3A_1409 = tpu.vector_load %arg13[%get3A_1407, %get3A_1408] {strides = array<i32>} : memref<128x128xf32, #tpu.memory_space<vmem>>, vector<16xf32>,
        %mul3A_1410 = arith.mulf %get3A_1409, %gather3A_1353 : vector<16xf32>
        %swap3A_1411 = arith.index_cast %add3A_1357 : i32 to index
        %swap3A_1412 = arith.constant 112 : index
        %swap3A_1413 = tpu.vector_load %arg13[%swap3A_1411, %swap3A_1412] {strides = array<i32>} : memref<128x128xf32, #tpu.memory_space<vmem>>, vector<16xf32>,
        tpu.vector_store %arg13[%swap3A_1411, %swap3A_1412], %mul3A_1410 {strides = array<i32>} : memref<128x128xf32, #tpu.memory_space<vmem>>, vector<16xf32>,
        %broadcast_in_dim3A_1414 = arith.constant 15 : i32
        %broadcast_in_dim3A_1415 = vector.broadcast %broadcast_in_dim3A_1414 : i32 to vector<16x1xi32>
        %gather3A_1416 = vector.shape_cast %broadcast_in_dim3A_1415 : vector<16x1xi32> to vector<16xi32>
        %gather3A_1417 = tpu.dynamic_gather %get3A_453[%gather3A_1416] in [0] : vector<16xf32>, vector<16xi32> -> vector<16xf32>
        %mul3A_1418 = arith.constant 16 : i32
        %mul3A_1419 = arith.muli %scan3A_449, %mul3A_1418 : i32
        %add3A_1420 = arith.constant 15 : i32
        %add3A_1421 = arith.addi %mul3A_1419, %add3A_1420 : i32
        %get3A_1422 = arith.index_cast %add3A_1421 : i32 to index
        %get3A_1423 = arith.constant 0 : index
        %get3A_1424 = tpu.vector_load %arg13[%get3A_1422, %get3A_1423] {strides = array<i32>} : memref<128x128xf32, #tpu.memory_space<vmem>>, vector<16xf32>,
        %mul3A_1425 = arith.mulf %get3A_1424, %gather3A_1417 : vector<16xf32>
        %swap3A_1426 = arith.index_cast %add3A_1421 : i32 to index
        %swap3A_1427 = arith.constant 0 : index
        %swap3A_1428 = tpu.vector_load %arg13[%swap3A_1426, %swap3A_1427] {strides = array<i32>} : memref<128x128xf32, #tpu.memory_space<vmem>>, vector<16xf32>,
        tpu.vector_store %arg13[%swap3A_1426, %swap3A_1427], %mul3A_1425 {strides = array<i32>} : memref<128x128xf32, #tpu.memory_space<vmem>>, vector<16xf32>,
        %get3A_1429 = arith.index_cast %add3A_1421 : i32 to index
        %get3A_1430 = arith.constant 16 : index
        %get3A_1431 = tpu.vector_load %arg13[%get3A_1429, %get3A_1430] {strides = array<i32>} : memref<128x128xf32, #tpu.memory_space<vmem>>, vector<16xf32>,
        %mul3A_1432 = arith.mulf %get3A_1431, %gather3A_1417 : vector<16xf32>
        %swap3A_1433 = arith.index_cast %add3A_1421 : i32 to index
        %swap3A_1434 = arith.constant 16 : index
        %swap3A_1435 = tpu.vector_load %arg13[%swap3A_1433, %swap3A_1434] {strides = array<i32>} : memref<128x128xf32, #tpu.memory_space<vmem>>, vector<16xf32>,
        tpu.vector_store %arg13[%swap3A_1433, %swap3A_1434], %mul3A_1432 {strides = array<i32>} : memref<128x128xf32, #tpu.memory_space<vmem>>, vector<16xf32>,
        %get3A_1436 = arith.index_cast %add3A_1421 : i32 to index
        %get3A_1437 = arith.constant 32 : index
        %get3A_1438 = tpu.vector_load %arg13[%get3A_1436, %get3A_1437] {strides = array<i32>} : memref<128x128xf32, #tpu.memory_space<vmem>>, vector<16xf32>,
        %mul3A_1439 = arith.mulf %get3A_1438, %gather3A_1417 : vector<16xf32>
        %swap3A_1440 = arith.index_cast %add3A_1421 : i32 to index
        %swap3A_1441 = arith.constant 32 : index
        %swap3A_1442 = tpu.vector_load %arg13[%swap3A_1440, %swap3A_1441] {strides = array<i32>} : memref<128x128xf32, #tpu.memory_space<vmem>>, vector<16xf32>,
        tpu.vector_store %arg13[%swap3A_1440, %swap3A_1441], %mul3A_1439 {strides = array<i32>} : memref<128x128xf32, #tpu.memory_space<vmem>>, vector<16xf32>,
        %get3A_1443 = arith.index_cast %add3A_1421 : i32 to index
        %get3A_1444 = arith.constant 48 : index
        %get3A_1445 = tpu.vector_load %arg13[%get3A_1443, %get3A_1444] {strides = array<i32>} : memref<128x128xf32, #tpu.memory_space<vmem>>, vector<16xf32>,
        %mul3A_1446 = arith.mulf %get3A_1445, %gather3A_1417 : vector<16xf32>
        %swap3A_1447 = arith.index_cast %add3A_1421 : i32 to index
        %swap3A_1448 = arith.constant 48 : index
        %swap3A_1449 = tpu.vector_load %arg13[%swap3A_1447, %swap3A_1448] {strides = array<i32>} : memref<128x128xf32, #tpu.memory_space<vmem>>, vector<16xf32>,
        tpu.vector_store %arg13[%swap3A_1447, %swap3A_1448], %mul3A_1446 {strides = array<i32>} : memref<128x128xf32, #tpu.memory_space<vmem>>, vector<16xf32>,
        %get3A_1450 = arith.index_cast %add3A_1421 : i32 to index
        %get3A_1451 = arith.constant 64 : index
        %get3A_1452 = tpu.vector_load %arg13[%get3A_1450, %get3A_1451] {strides = array<i32>} : memref<128x128xf32, #tpu.memory_space<vmem>>, vector<16xf32>,
        %mul3A_1453 = arith.mulf %get3A_1452, %gather3A_1417 : vector<16xf32>
        %swap3A_1454 = arith.index_cast %add3A_1421 : i32 to index
        %swap3A_1455 = arith.constant 64 : index
        %swap3A_1456 = tpu.vector_load %arg13[%swap3A_1454, %swap3A_1455] {strides = array<i32>} : memref<128x128xf32, #tpu.memory_space<vmem>>, vector<16xf32>,
        tpu.vector_store %arg13[%swap3A_1454, %swap3A_1455], %mul3A_1453 {strides = array<i32>} : memref<128x128xf32, #tpu.memory_space<vmem>>, vector<16xf32>,
        %get3A_1457 = arith.index_cast %add3A_1421 : i32 to index
        %get3A_1458 = arith.constant 80 : index
        %get3A_1459 = tpu.vector_load %arg13[%get3A_1457, %get3A_1458] {strides = array<i32>} : memref<128x128xf32, #tpu.memory_space<vmem>>, vector<16xf32>,
        %mul3A_1460 = arith.mulf %get3A_1459, %gather3A_1417 : vector<16xf32>
        %swap3A_1461 = arith.index_cast %add3A_1421 : i32 to index
        %swap3A_1462 = arith.constant 80 : index
        %swap3A_1463 = tpu.vector_load %arg13[%swap3A_1461, %swap3A_1462] {strides = array<i32>} : memref<128x128xf32, #tpu.memory_space<vmem>>, vector<16xf32>,
        tpu.vector_store %arg13[%swap3A_1461, %swap3A_1462], %mul3A_1460 {strides = array<i32>} : memref<128x128xf32, #tpu.memory_space<vmem>>, vector<16xf32>,
        %get3A_1464 = arith.index_cast %add3A_1421 : i32 to index
        %get3A_1465 = arith.constant 96 : index
        %get3A_1466 = tpu.vector_load %arg13[%get3A_1464, %get3A_1465] {strides = array<i32>} : memref<128x128xf32, #tpu.memory_space<vmem>>, vector<16xf32>,
        %mul3A_1467 = arith.mulf %get3A_1466, %gather3A_1417 : vector<16xf32>
        %swap3A_1468 = arith.index_cast %add3A_1421 : i32 to index
        %swap3A_1469 = arith.constant 96 : index
        %swap3A_1470 = tpu.vector_load %arg13[%swap3A_1468, %swap3A_1469] {strides = array<i32>} : memref<128x128xf32, #tpu.memory_space<vmem>>, vector<16xf32>,
        tpu.vector_store %arg13[%swap3A_1468, %swap3A_1469], %mul3A_1467 {strides = array<i32>} : memref<128x128xf32, #tpu.memory_space<vmem>>, vector<16xf32>,
        %get3A_1471 = arith.index_cast %add3A_1421 : i32 to index
        %get3A_1472 = arith.constant 112 : index
        %get3A_1473 = tpu.vector_load %arg13[%get3A_1471, %get3A_1472] {strides = array<i32>} : memref<128x128xf32, #tpu.memory_space<vmem>>, vector<16xf32>,
        %mul3A_1474 = arith.mulf %get3A_1473, %gather3A_1417 : vector<16xf32>
        %swap3A_1475 = arith.index_cast %add3A_1421 : i32 to index
        %swap3A_1476 = arith.constant 112 : index
        %swap3A_1477 = tpu.vector_load %arg13[%swap3A_1475, %swap3A_1476] {strides = array<i32>} : memref<128x128xf32, #tpu.memory_space<vmem>>, vector<16xf32>,
        tpu.vector_store %arg13[%swap3A_1475, %swap3A_1476], %mul3A_1474 {strides = array<i32>} : memref<128x128xf32, #tpu.memory_space<vmem>>, vector<16xf32>,
      }
      %scan3A_447 = arith.constant 8 : i32
      %run_scoped3A_448 = arith.constant 0 : i32
      "tpu.region"() ({
        %run_scoped3A_449 = tpu.sem_alloc : memref<!tpu.dma_semaphore, #tpu.memory_space<semaphore_mem>>
        %dma_start3A_450 = arith.constant 0 : i32
        %dma_start3A_451 = tpu.memref_slice %arg11[%run_scoped3A_448, %dma_start3A_450] : memref<1x128xi32, #tpu.memory_space<vmem>> -> memref<1x128xi32, #tpu.memory_space<vmem>>
        %dma_start3A_452 = tpu.memref_squeeze %dma_start3A_451 : memref<1x128xi32, #tpu.memory_space<vmem>> -> memref<128xi32, #tpu.memory_space<vmem>>
        %dma_start3A_453 = arith.constant 0 : i32
        %dma_start3A_454 = arith.constant 0 : i32
        %dma_start3A_455 = tpu.memref_slice %arg14[%dma_start3A_453, %dma_start3A_454] : memref<10240x128xf32, #tpu.memory_space<vmem_shared>> -> memref<10240x128xf32, #tpu.memory_space<vmem_shared>>
        tpu.enqueue_indirect_dma source(%arg13 : memref<128x128xf32, #tpu.memory_space<vmem>>) target(%dma_start3A_455 : memref<10240x128xf32, #tpu.memory_space<vmem_shared>>) offsets(%dma_start3A_452 : memref<128xi32, #tpu.memory_space<vmem>>) semaphore(%run_scoped3A_449 : memref<!tpu.dma_semaphore, #tpu.memory_space<semaphore_mem>>) {add = true}
        %dma_wait3A_456 = arith.constant 0 : i32
        %dma_wait3A_457 = tpu.memref_slice %arg11[%run_scoped3A_448, %dma_wait3A_456] : memref<1x128xi32, #tpu.memory_space<vmem>> -> memref<1x128xi32, #tpu.memory_space<vmem>>
        %dma_wait3A_458 = tpu.memref_squeeze %dma_wait3A_457 : memref<1x128xi32, #tpu.memory_space<vmem>> -> memref<128xi32, #tpu.memory_space<vmem>>
        %dma_wait3A_459 = arith.constant 0 : i32
        %dma_wait3A_460 = arith.constant 0 : i32
        %dma_wait3A_461 = tpu.memref_slice %arg14[%dma_wait3A_459, %dma_wait3A_460] : memref<10240x128xf32, #tpu.memory_space<vmem_shared>> -> memref<10240x128xf32, #tpu.memory_space<vmem_shared>>
        tpu.wait_indirect_dma semaphore(%run_scoped3A_449 : memref<!tpu.dma_semaphore, #tpu.memory_space<semaphore_mem>>) src(%arg13 : memref<128x128xf32, #tpu.memory_space<vmem>>) dst(%dma_wait3A_461 : memref<10240x128xf32, #tpu.memory_space<vmem_shared>>)
        tpu.yield
      }) : () -> ()
    }
    %scan3A_57 = arith.constant 79 : i32
    %barrier3A_58 = arith.constant 0 : index
    tpu.barrier barrier_id(%barrier3A_58)
    %mul3A_59 = arith.constant 640 : i32
    %mul3A_60 = arith.muli %arg1, %mul3A_59 : i32
    %mul3A_61 = arith.constant 640 : i32
    %mul3A_62 = arith.muli %arg1, %mul3A_61 : i32
    "tpu.region"() ({
      %run_scoped3A = tpu.sem_alloc : memref<!tpu.dma_semaphore, #tpu.memory_space<semaphore_mem>>
      %dma_start3A = tpu.memref_slice %arg8[%arg0, %mul3A_62] : memref<2x10240xf32, #tpu.memory_space<hbm>> -> memref<1x640xf32, #tpu.memory_space<hbm>>
      %dma_start3A_67 = tpu.memref_squeeze %dma_start3A : memref<1x640xf32, #tpu.memory_space<hbm>> -> memref<640xf32, #tpu.memory_space<hbm>>
      %dma_start3A_68 = tpu.memref_slice %arg15[%mul3A_60] : memref<10240xf32, #tpu.memory_space<vmem_shared>> -> memref<640xf32, #tpu.memory_space<vmem_shared>>
      tpu.enqueue_dma source(%dma_start3A_68 : memref<640xf32, #tpu.memory_space<vmem_shared>>) target(%dma_start3A_67 : memref<640xf32, #tpu.memory_space<hbm>>) target_semaphore(%run_scoped3A : memref<!tpu.dma_semaphore, #tpu.memory_space<semaphore_mem>>)
      %dma_wait3A = tpu.memref_slice %arg8[%arg0, %mul3A_62] : memref<2x10240xf32, #tpu.memory_space<hbm>> -> memref<1x640xf32, #tpu.memory_space<hbm>>
      %dma_wait3A_69 = tpu.memref_squeeze %dma_wait3A : memref<1x640xf32, #tpu.memory_space<hbm>> -> memref<640xf32, #tpu.memory_space<hbm>>
      %dma_wait3A_70 = tpu.memref_slice %arg15[%mul3A_60] : memref<10240xf32, #tpu.memory_space<vmem_shared>> -> memref<640xf32, #tpu.memory_space<vmem_shared>>
      tpu.wait_dma2 semaphore(%run_scoped3A : memref<!tpu.dma_semaphore, #tpu.memory_space<semaphore_mem>>) src(%dma_wait3A_70 : memref<640xf32, #tpu.memory_space<vmem_shared>>) dst(%dma_wait3A_69 : memref<640xf32, #tpu.memory_space<hbm>>)
      tpu.yield
    }) : () -> ()
    %mul3A_63 = arith.constant 640 : i32
    %mul3A_64 = arith.muli %arg1, %mul3A_63 : i32
    %mul3A_65 = arith.constant 640 : i32
    %mul3A_66 = arith.muli %arg1, %mul3A_65 : i32
    "tpu.region"() ({
      %run_scoped3A = tpu.sem_alloc : memref<!tpu.dma_semaphore, #tpu.memory_space<semaphore_mem>>
      %dma_start3A = arith.constant 0 : i32
      %dma_start3A_67 = tpu.memref_slice %arg7[%arg0, %mul3A_66, %dma_start3A] : memref<2x10240x128xf32, #tpu.memory_space<hbm>> -> memref<1x640x128xf32, #tpu.memory_space<hbm>>
      %dma_start3A_68 = tpu.memref_squeeze %dma_start3A_67 : memref<1x640x128xf32, #tpu.memory_space<hbm>> -> memref<640x128xf32, #tpu.memory_space<hbm>>
      %dma_start3A_69 = arith.constant 0 : i32
      %dma_start3A_70 = tpu.memref_slice %arg14[%mul3A_64, %dma_start3A_69] : memref<10240x128xf32, #tpu.memory_space<vmem_shared>> -> memref<640x128xf32, #tpu.memory_space<vmem_shared>>
      tpu.enqueue_dma source(%dma_start3A_70 : memref<640x128xf32, #tpu.memory_space<vmem_shared>>) target(%dma_start3A_68 : memref<640x128xf32, #tpu.memory_space<hbm>>) target_semaphore(%run_scoped3A : memref<!tpu.dma_semaphore, #tpu.memory_space<semaphore_mem>>)
      %dma_wait3A = arith.constant 0 : i32
      %dma_wait3A_71 = tpu.memref_slice %arg7[%arg0, %mul3A_66, %dma_wait3A] : memref<2x10240x128xf32, #tpu.memory_space<hbm>> -> memref<1x640x128xf32, #tpu.memory_space<hbm>>
      %dma_wait3A_72 = tpu.memref_squeeze %dma_wait3A_71 : memref<1x640x128xf32, #tpu.memory_space<hbm>> -> memref<640x128xf32, #tpu.memory_space<hbm>>
      %dma_wait3A_73 = arith.constant 0 : i32
      %dma_wait3A_74 = tpu.memref_slice %arg14[%mul3A_64, %dma_wait3A_73] : memref<10240x128xf32, #tpu.memory_space<vmem_shared>> -> memref<640x128xf32, #tpu.memory_space<vmem_shared>>
      tpu.wait_dma2 semaphore(%run_scoped3A : memref<!tpu.dma_semaphore, #tpu.memory_space<semaphore_mem>>) src(%dma_wait3A_74 : memref<640x128xf32, #tpu.memory_space<vmem_shared>>) dst(%dma_wait3A_72 : memref<640x128xf32, #tpu.memory_space<hbm>>)
      tpu.yield
    }) : () -> ()
    return
  }
}

module attributes {stable_mosaic.version = 14 : i64} {
  func.func @_prologue_body(%arg0: i32, %arg1: memref<1024x128xf32, #tpu.memory_space<vmem>>, %arg2: memref<128x128xf32, #tpu.memory_space<vmem>>, %arg3: memref<128xf32, #tpu.memory_space<vmem>>, %arg4: memref<128xf32, #tpu.memory_space<vmem>>, %arg5: memref<1024x128xf32, #tpu.memory_space<vmem>>, %arg6: memref<1024x2xf32, #tpu.memory_space<vmem>>) attributes {dimension_semantics = [#tpu.dimension_semantics<arbitrary>], iteration_bounds = array<i64: 10>, scalar_prefetch = 0 : i64, scratch_operands = 0 : i64, tpu.core_type = #tpu.core_type<tc>, window_params = [{transform_indices = @transform_0, window_bounds = array<i64: 1024, 128>}, {pipeline_mode = #tpu.pipeline_mode<synchronous>, transform_indices = @transform_1, window_bounds = array<i64: 128, 128>}, {pipeline_mode = #tpu.pipeline_mode<synchronous>, transform_indices = @transform_2, window_bounds = array<i64: 128>}, {pipeline_mode = #tpu.pipeline_mode<synchronous>, transform_indices = @transform_3, window_bounds = array<i64: 128>}, {transform_indices = @transform_4, window_bounds = array<i64: 1024, 128>}, {transform_indices = @transform_5, window_bounds = array<i64: 1024, 2>}]} {
    %get3A = arith.constant 0 : index
    %get3A_0 = arith.constant 0 : index
    %get3A_1 = vector.load %arg1[%get3A, %get3A_0] : memref<1024x128xf32, #tpu.memory_space<vmem>>, vector<1024x128xf32>
    %get3A_2 = arith.constant 0 : index
    %get3A_3 = arith.constant 0 : index
    %get3A_4 = vector.load %arg2[%get3A_2, %get3A_3] : memref<128x128xf32, #tpu.memory_space<vmem>>, vector<128x128xf32>
    %dot_general3A = arith.constant dense<0.000000e+00> : vector<1024x128xf32>
    %dot_general3A_5 = tpu.matmul %get3A_1, %get3A_4, %dot_general3A {dimension_numbers = #tpu.dot_dimension_numbers<[1], [0], [0], [1], [0, 0, 1, 1], [], []>, transpose_lhs_hint = false} : vector<1024x128xf32>, vector<128x128xf32>, vector<1024x128xf32> -> vector<1024x128xf32>
    %swap3A = arith.constant 0 : index
    %swap3A_6 = arith.constant 0 : index
    %swap3A_7 = vector.load %arg5[%swap3A, %swap3A_6] : memref<1024x128xf32, #tpu.memory_space<vmem>>, vector<1024x128xf32>
    tpu.vector_store %arg5[%swap3A, %swap3A_6], %dot_general3A_5 {strides = array<i32>} : memref<1024x128xf32, #tpu.memory_space<vmem>>, vector<1024x128xf32>,
    %get3A_8 = arith.constant 0 : index
    %get3A_9 = vector.load %arg3[%get3A_8] : memref<128xf32, #tpu.memory_space<vmem>>, vector<128xf32>
    %broadcast_in_dim3A = vector.shape_cast %get3A_9 : vector<128xf32> to vector<1x128xf32>
    %mul3A = vector.broadcast %broadcast_in_dim3A : vector<1x128xf32> to vector<1024x128xf32>
    %mul3A_10 = arith.mulf %dot_general3A_5, %mul3A : vector<1024x128xf32>
    %reduce_sum3A = arith.constant dense<0.000000e+00> : vector<1024xf32>
    %reduce_sum3A_11 = vector.multi_reduction <add>, %mul3A_10, %reduce_sum3A [1] : vector<1024x128xf32> to vector<1024xf32>
    %broadcast_in_dim3A_12 = vector.shape_cast %reduce_sum3A_11 : vector<1024xf32> to vector<1024x1xf32>
    %get3A_13 = arith.constant 0 : index
    %get3A_14 = vector.load %arg4[%get3A_13] : memref<128xf32, #tpu.memory_space<vmem>>, vector<128xf32>
    %broadcast_in_dim3A_15 = vector.shape_cast %get3A_14 : vector<128xf32> to vector<1x128xf32>
    %mul3A_16 = vector.broadcast %broadcast_in_dim3A_15 : vector<1x128xf32> to vector<1024x128xf32>
    %mul3A_17 = arith.mulf %dot_general3A_5, %mul3A_16 : vector<1024x128xf32>
    %reduce_sum3A_18 = arith.constant dense<0.000000e+00> : vector<1024xf32>
    %reduce_sum3A_19 = vector.multi_reduction <add>, %mul3A_17, %reduce_sum3A_18 [1] : vector<1024x128xf32> to vector<1024xf32>
    %broadcast_in_dim3A_20 = vector.shape_cast %reduce_sum3A_19 : vector<1024xf32> to vector<1024x1xf32>
    %concatenate3A = tpu.concatenate %broadcast_in_dim3A_12, %broadcast_in_dim3A_20 in 1 : vector<1024x1xf32>, vector<1024x1xf32> -> vector<1024x2xf32>
    %swap3A_21 = arith.constant 0 : index
    %swap3A_22 = arith.constant 0 : index
    %swap3A_23 = vector.load %arg6[%swap3A_21, %swap3A_22] : memref<1024x2xf32, #tpu.memory_space<vmem>>, vector<1024x2xf32>
    tpu.vector_store %arg6[%swap3A_21, %swap3A_22], %concatenate3A {strides = array<i32>} : memref<1024x2xf32, #tpu.memory_space<vmem>>, vector<1024x2xf32>,
    return
  }
  func.func @transform_0(%arg0: i32) -> (i32, i32) {
    %c0_i32 = arith.constant 0 : i32
    %c0_i32_0 = arith.constant 0 : i32
    return %arg0, %c0_i32 : i32, i32
  }
  func.func @transform_1(%arg0: i32) -> (i32, i32) {
    %c0_i32 = arith.constant 0 : i32
    %c0_i32_0 = arith.constant 0 : i32
    %c0_i32_1 = arith.constant 0 : i32
    return %c0_i32, %c0_i32_0 : i32, i32
  }
  func.func @transform_2(%arg0: i32) -> i32 {
    %c0_i32 = arith.constant 0 : i32
    %c0_i32_0 = arith.constant 0 : i32
    return %c0_i32 : i32
  }
  func.func @transform_3(%arg0: i32) -> i32 {
    %c0_i32 = arith.constant 0 : i32
    %c0_i32_0 = arith.constant 0 : i32
    return %c0_i32 : i32
  }
  func.func @transform_4(%arg0: i32) -> (i32, i32) {
    %c0_i32 = arith.constant 0 : i32
    %c0_i32_0 = arith.constant 0 : i32
    return %arg0, %c0_i32 : i32, i32
  }
  func.func @transform_5(%arg0: i32) -> (i32, i32) {
    %c0_i32 = arith.constant 0 : i32
    %c0_i32_0 = arith.constant 0 : i32
    return %arg0, %c0_i32 : i32, i32
  }
}

module attributes {stable_mosaic.version = 14 : i64} {
  func.func @_combine_body(%arg0: i32, %arg1: memref<2x1024x128xf32, #tpu.memory_space<vmem>>, %arg2: memref<2x1024xf32, #tpu.memory_space<vmem>>, %arg3: memref<1024x128xf32, #tpu.memory_space<vmem>>, %arg4: memref<1024x2xf32, #tpu.memory_space<vmem>>, %arg5: memref<128xf32, #tpu.memory_space<vmem>>, %arg6: memref<128x128xf32, #tpu.memory_space<vmem>>, %arg7: memref<128xf32, #tpu.memory_space<vmem>>, %arg8: memref<128xf32, #tpu.memory_space<vmem>>, %arg9: memref<1024x128xf32, #tpu.memory_space<vmem>>, %arg10: memref<1024x2xf32, #tpu.memory_space<vmem>>) attributes {dimension_semantics = [#tpu.dimension_semantics<arbitrary>], iteration_bounds = array<i64: 10>, scalar_prefetch = 0 : i64, scratch_operands = 0 : i64, tpu.core_type = #tpu.core_type<tc>, window_params = [{transform_indices = @transform_0, window_bounds = array<i64: 2, 1024, 128>}, {transform_indices = @transform_1, window_bounds = array<i64: 2, 1024>}, {transform_indices = @transform_2, window_bounds = array<i64: 1024, 128>}, {transform_indices = @transform_3, window_bounds = array<i64: 1024, 2>}, {pipeline_mode = #tpu.pipeline_mode<synchronous>, transform_indices = @transform_4, window_bounds = array<i64: 128>}, {pipeline_mode = #tpu.pipeline_mode<synchronous>, transform_indices = @transform_5, window_bounds = array<i64: 128, 128>}, {pipeline_mode = #tpu.pipeline_mode<synchronous>, transform_indices = @transform_6, window_bounds = array<i64: 128>}, {pipeline_mode = #tpu.pipeline_mode<synchronous>, transform_indices = @transform_7, window_bounds = array<i64: 128>}, {transform_indices = @transform_8, window_bounds = array<i64: 1024, 128>}, {transform_indices = @transform_9, window_bounds = array<i64: 1024, 2>}]} {
    %get3A = arith.constant 0 : index
    %get3A_0 = arith.constant 0 : index
    %get3A_1 = vector.load %arg4[%get3A, %get3A_0] : memref<1024x2xf32, #tpu.memory_space<vmem>>, vector<1024x2xf32>
    %slice3A = vector.extract_strided_slice %get3A_1 {offsets = [0, 0], sizes = [1024, 1], strides = [1, 1]} : vector<1024x2xf32> to vector<1024x1xf32>
    %slice3A_2 = vector.extract_strided_slice %get3A_1 {offsets = [0, 1], sizes = [1024, 1], strides = [1, 1]} : vector<1024x2xf32> to vector<1024x1xf32>
    %add3A = arith.addf %slice3A, %slice3A_2 : vector<1024x1xf32>
    %ge3A = arith.constant 0.000000e+00 : f32
    %ge3A_3 = vector.broadcast %ge3A : f32 to vector<1024x1xf32>
    %ge3A_4 = arith.cmpf oge, %add3A, %ge3A_3 : vector<1024x1xf32>
    %mul3A = arith.constant 2.000000e-01 : f32
    %mul3A_5 = vector.broadcast %mul3A : f32 to vector<1024x1xf32>
    %mul3A_6 = arith.mulf %add3A, %mul3A_5 : vector<1024x1xf32>
    %select_n3A = arith.select %ge3A_4, %add3A, %mul3A_6 : vector<1024x1xi1>, vector<1024x1xf32>
    %exp3A = math.exp %select_n3A : vector<1024x1xf32>
    %get3A_7 = arith.constant 0 : index
    %get3A_8 = arith.constant 0 : index
    %get3A_9 = vector.load %arg2[%get3A_7, %get3A_8] : memref<2x1024xf32, #tpu.memory_space<vmem>>, vector<1x1024xf32>
    %get3A_10 = vector.shape_cast %get3A_9 : vector<1x1024xf32> to vector<1024xf32>
    %get3A_11 = arith.constant 1 : index
    %get3A_12 = arith.constant 0 : index
    %get3A_13 = vector.load %arg2[%get3A_11, %get3A_12] : memref<2x1024xf32, #tpu.memory_space<vmem>>, vector<1x1024xf32>
    %get3A_14 = vector.shape_cast %get3A_13 : vector<1x1024xf32> to vector<1024xf32>
    %add3A_15 = arith.addf %get3A_10, %get3A_14 : vector<1024xf32>
    %broadcast_in_dim3A = vector.shape_cast %add3A_15 : vector<1024xf32> to vector<1024x1xf32>
    %add3A_16 = arith.addf %broadcast_in_dim3A, %exp3A : vector<1024x1xf32>
    %get3A_17 = arith.constant 0 : index
    %get3A_18 = arith.constant 0 : index
    %get3A_19 = vector.load %arg3[%get3A_17, %get3A_18] : memref<1024x128xf32, #tpu.memory_space<vmem>>, vector<1024x128xf32>
    %get3A_20 = arith.constant 0 : index
    %get3A_21 = arith.constant 0 : index
    %get3A_22 = arith.constant 0 : index
    %get3A_23 = vector.load %arg1[%get3A_20, %get3A_21, %get3A_22] : memref<2x1024x128xf32, #tpu.memory_space<vmem>>, vector<1x1024x128xf32>
    %get3A_24 = vector.shape_cast %get3A_23 : vector<1x1024x128xf32> to vector<1024x128xf32>
    %get3A_25 = arith.constant 1 : index
    %get3A_26 = arith.constant 0 : index
    %get3A_27 = arith.constant 0 : index
    %get3A_28 = vector.load %arg1[%get3A_25, %get3A_26, %get3A_27] : memref<2x1024x128xf32, #tpu.memory_space<vmem>>, vector<1x1024x128xf32>
    %get3A_29 = vector.shape_cast %get3A_28 : vector<1x1024x128xf32> to vector<1024x128xf32>
    %add3A_30 = arith.addf %get3A_24, %get3A_29 : vector<1024x128xf32>
    %mul3A_31 = vector.broadcast %exp3A : vector<1024x1xf32> to vector<1024x128xf32>
    %mul3A_32 = arith.mulf %mul3A_31, %get3A_19 : vector<1024x128xf32>
    %add3A_33 = arith.addf %add3A_30, %mul3A_32 : vector<1024x128xf32>
    %div3A = vector.broadcast %add3A_16 : vector<1024x1xf32> to vector<1024x128xf32>
    %div3A_34 = arith.divf %add3A_33, %div3A : vector<1024x128xf32>
    %get3A_35 = arith.constant 0 : index
    %get3A_36 = vector.load %arg5[%get3A_35] : memref<128xf32, #tpu.memory_space<vmem>>, vector<128xf32>
    %broadcast_in_dim3A_37 = vector.shape_cast %get3A_36 : vector<128xf32> to vector<1x128xf32>
    %add3A_38 = vector.broadcast %broadcast_in_dim3A_37 : vector<1x128xf32> to vector<1024x128xf32>
    %add3A_39 = arith.addf %div3A_34, %add3A_38 : vector<1024x128xf32>
    %ge3A_40 = arith.constant 0.000000e+00 : f32
    %ge3A_41 = vector.broadcast %ge3A_40 : f32 to vector<1024x128xf32>
    %ge3A_42 = arith.cmpf oge, %add3A_39, %ge3A_41 : vector<1024x128xf32>
    %mul3A_43 = arith.constant 0.00999999977 : f32
    %mul3A_44 = vector.broadcast %mul3A_43 : f32 to vector<1024x128xf32>
    %mul3A_45 = arith.mulf %add3A_39, %mul3A_44 : vector<1024x128xf32>
    %select_n3A_46 = arith.select %ge3A_42, %add3A_39, %mul3A_45 : vector<1024x128xi1>, vector<1024x128xf32>
    %get3A_47 = arith.constant 0 : index
    %get3A_48 = arith.constant 0 : index
    %get3A_49 = vector.load %arg6[%get3A_47, %get3A_48] : memref<128x128xf32, #tpu.memory_space<vmem>>, vector<128x128xf32>
    %dot_general3A = arith.constant dense<0.000000e+00> : vector<1024x128xf32>
    %dot_general3A_50 = tpu.matmul %select_n3A_46, %get3A_49, %dot_general3A {dimension_numbers = #tpu.dot_dimension_numbers<[1], [0], [0], [1], [0, 0, 1, 1], [], []>, transpose_lhs_hint = false} : vector<1024x128xf32>, vector<128x128xf32>, vector<1024x128xf32> -> vector<1024x128xf32>
    %swap3A = arith.constant 0 : index
    %swap3A_51 = arith.constant 0 : index
    %swap3A_52 = vector.load %arg9[%swap3A, %swap3A_51] : memref<1024x128xf32, #tpu.memory_space<vmem>>, vector<1024x128xf32>
    tpu.vector_store %arg9[%swap3A, %swap3A_51], %dot_general3A_50 {strides = array<i32>} : memref<1024x128xf32, #tpu.memory_space<vmem>>, vector<1024x128xf32>,
    %get3A_53 = arith.constant 0 : index
    %get3A_54 = vector.load %arg7[%get3A_53] : memref<128xf32, #tpu.memory_space<vmem>>, vector<128xf32>
    %broadcast_in_dim3A_55 = vector.shape_cast %get3A_54 : vector<128xf32> to vector<1x128xf32>
    %mul3A_56 = vector.broadcast %broadcast_in_dim3A_55 : vector<1x128xf32> to vector<1024x128xf32>
    %mul3A_57 = arith.mulf %dot_general3A_50, %mul3A_56 : vector<1024x128xf32>
    %reduce_sum3A = arith.constant dense<0.000000e+00> : vector<1024xf32>
    %reduce_sum3A_58 = vector.multi_reduction <add>, %mul3A_57, %reduce_sum3A [1] : vector<1024x128xf32> to vector<1024xf32>
    %broadcast_in_dim3A_59 = vector.shape_cast %reduce_sum3A_58 : vector<1024xf32> to vector<1024x1xf32>
    %get3A_60 = arith.constant 0 : index
    %get3A_61 = vector.load %arg8[%get3A_60] : memref<128xf32, #tpu.memory_space<vmem>>, vector<128xf32>
    %broadcast_in_dim3A_62 = vector.shape_cast %get3A_61 : vector<128xf32> to vector<1x128xf32>
    %mul3A_63 = vector.broadcast %broadcast_in_dim3A_62 : vector<1x128xf32> to vector<1024x128xf32>
    %mul3A_64 = arith.mulf %dot_general3A_50, %mul3A_63 : vector<1024x128xf32>
    %reduce_sum3A_65 = arith.constant dense<0.000000e+00> : vector<1024xf32>
    %reduce_sum3A_66 = vector.multi_reduction <add>, %mul3A_64, %reduce_sum3A_65 [1] : vector<1024x128xf32> to vector<1024xf32>
    %broadcast_in_dim3A_67 = vector.shape_cast %reduce_sum3A_66 : vector<1024xf32> to vector<1024x1xf32>
    %concatenate3A = tpu.concatenate %broadcast_in_dim3A_59, %broadcast_in_dim3A_67 in 1 : vector<1024x1xf32>, vector<1024x1xf32> -> vector<1024x2xf32>
    %swap3A_68 = arith.constant 0 : index
    %swap3A_69 = arith.constant 0 : index
    %swap3A_70 = vector.load %arg10[%swap3A_68, %swap3A_69] : memref<1024x2xf32, #tpu.memory_space<vmem>>, vector<1024x2xf32>
    tpu.vector_store %arg10[%swap3A_68, %swap3A_69], %concatenate3A {strides = array<i32>} : memref<1024x2xf32, #tpu.memory_space<vmem>>, vector<1024x2xf32>,
    return
  }
  func.func @transform_0(%arg0: i32) -> (i32, i32, i32) {
    %c0_i32 = arith.constant 0 : i32
    %c0_i32_0 = arith.constant 0 : i32
    %c0_i32_1 = arith.constant 0 : i32
    return %c0_i32, %arg0, %c0_i32_0 : i32, i32, i32
  }
  func.func @transform_1(%arg0: i32) -> (i32, i32) {
    %c0_i32 = arith.constant 0 : i32
    %c0_i32_0 = arith.constant 0 : i32
    return %c0_i32, %arg0 : i32, i32
  }
  func.func @transform_2(%arg0: i32) -> (i32, i32) {
    %c0_i32 = arith.constant 0 : i32
    %c0_i32_0 = arith.constant 0 : i32
    return %arg0, %c0_i32 : i32, i32
  }
  func.func @transform_3(%arg0: i32) -> (i32, i32) {
    %c0_i32 = arith.constant 0 : i32
    %c0_i32_0 = arith.constant 0 : i32
    return %arg0, %c0_i32 : i32, i32
  }
  func.func @transform_4(%arg0: i32) -> i32 {
    %c0_i32 = arith.constant 0 : i32
    %c0_i32_0 = arith.constant 0 : i32
    return %c0_i32 : i32
  }
  func.func @transform_5(%arg0: i32) -> (i32, i32) {
    %c0_i32 = arith.constant 0 : i32
    %c0_i32_0 = arith.constant 0 : i32
    %c0_i32_1 = arith.constant 0 : i32
    return %c0_i32, %c0_i32_0 : i32, i32
  }
  func.func @transform_6(%arg0: i32) -> i32 {
    %c0_i32 = arith.constant 0 : i32
    %c0_i32_0 = arith.constant 0 : i32
    return %c0_i32 : i32
  }
  func.func @transform_7(%arg0: i32) -> i32 {
    %c0_i32 = arith.constant 0 : i32
    %c0_i32_0 = arith.constant 0 : i32
    return %c0_i32 : i32
  }
  func.func @transform_8(%arg0: i32) -> (i32, i32) {
    %c0_i32 = arith.constant 0 : i32
    %c0_i32_0 = arith.constant 0 : i32
    return %arg0, %c0_i32 : i32, i32
  }
  func.func @transform_9(%arg0: i32) -> (i32, i32) {
    %c0_i32 = arith.constant 0 : i32
    %c0_i32_0 = arith.constant 0 : i32
    return %arg0, %c0_i32 : i32, i32
  }
}

module attributes {stable_mosaic.version = 14 : i64} {
  func.func @_head_body(%arg0: memref<2x10240x128xf32, #tpu.memory_space<vmem>>, %arg1: memref<2x10240xf32, #tpu.memory_space<vmem>>, %arg2: memref<10240x128xf32, #tpu.memory_space<vmem>>, %arg3: memref<10240x2xf32, #tpu.memory_space<vmem>>, %arg4: memref<128xf32, #tpu.memory_space<vmem>>, %arg5: memref<128x1xf32, #tpu.memory_space<vmem>>, %arg6: memref<1xf32, #tpu.memory_space<vmem>>, %arg7: memref<1x10240xi32, #tpu.memory_space<vmem>>, %arg8: memref<128x64xf32, #tpu.memory_space<vmem>>, %arg9: memref<64xf32, #tpu.memory_space<vmem>>, %arg10: memref<64xf32, #tpu.memory_space<vmem>>, %arg11: memref<64xf32, #tpu.memory_space<vmem>>, %arg12: memref<64x128xf32, #tpu.memory_space<vmem>>, %arg13: memref<128xf32, #tpu.memory_space<vmem>>, %arg14: memref<256x128xf32, #tpu.memory_space<vmem>>) attributes {dimension_semantics = [], scalar_prefetch = 0 : i64, scratch_operands = 0 : i64, tpu.core_type = #tpu.core_type<tc>} {
    %get3A = arith.constant 0 : index
    %get3A_0 = arith.constant 0 : index
    %get3A_1 = vector.load %arg3[%get3A, %get3A_0] : memref<10240x2xf32, #tpu.memory_space<vmem>>, vector<10240x2xf32>
    %slice3A = vector.extract_strided_slice %get3A_1 {offsets = [0, 0], sizes = [10240, 1], strides = [1, 1]} : vector<10240x2xf32> to vector<10240x1xf32>
    %slice3A_2 = vector.extract_strided_slice %get3A_1 {offsets = [0, 1], sizes = [10240, 1], strides = [1, 1]} : vector<10240x2xf32> to vector<10240x1xf32>
    %add3A = arith.addf %slice3A, %slice3A_2 : vector<10240x1xf32>
    %ge3A = arith.constant 0.000000e+00 : f32
    %ge3A_3 = vector.broadcast %ge3A : f32 to vector<10240x1xf32>
    %ge3A_4 = arith.cmpf oge, %add3A, %ge3A_3 : vector<10240x1xf32>
    %mul3A = arith.constant 2.000000e-01 : f32
    %mul3A_5 = vector.broadcast %mul3A : f32 to vector<10240x1xf32>
    %mul3A_6 = arith.mulf %add3A, %mul3A_5 : vector<10240x1xf32>
    %select_n3A = arith.select %ge3A_4, %add3A, %mul3A_6 : vector<10240x1xi1>, vector<10240x1xf32>
    %exp3A = math.exp %select_n3A : vector<10240x1xf32>
    %get3A_7 = arith.constant 0 : index
    %get3A_8 = arith.constant 0 : index
    %get3A_9 = vector.load %arg1[%get3A_7, %get3A_8] : memref<2x10240xf32, #tpu.memory_space<vmem>>, vector<1x10240xf32>
    %get3A_10 = vector.shape_cast %get3A_9 : vector<1x10240xf32> to vector<10240xf32>
    %get3A_11 = arith.constant 1 : index
    %get3A_12 = arith.constant 0 : index
    %get3A_13 = vector.load %arg1[%get3A_11, %get3A_12] : memref<2x10240xf32, #tpu.memory_space<vmem>>, vector<1x10240xf32>
    %get3A_14 = vector.shape_cast %get3A_13 : vector<1x10240xf32> to vector<10240xf32>
    %add3A_15 = arith.addf %get3A_10, %get3A_14 : vector<10240xf32>
    %broadcast_in_dim3A = vector.shape_cast %add3A_15 : vector<10240xf32> to vector<10240x1xf32>
    %add3A_16 = arith.addf %broadcast_in_dim3A, %exp3A : vector<10240x1xf32>
    %get3A_17 = arith.constant 0 : index
    %get3A_18 = arith.constant 0 : index
    %get3A_19 = vector.load %arg2[%get3A_17, %get3A_18] : memref<10240x128xf32, #tpu.memory_space<vmem>>, vector<10240x128xf32>
    %get3A_20 = arith.constant 0 : index
    %get3A_21 = arith.constant 0 : index
    %get3A_22 = arith.constant 0 : index
    %get3A_23 = vector.load %arg0[%get3A_20, %get3A_21, %get3A_22] : memref<2x10240x128xf32, #tpu.memory_space<vmem>>, vector<1x10240x128xf32>
    %get3A_24 = vector.shape_cast %get3A_23 : vector<1x10240x128xf32> to vector<10240x128xf32>
    %get3A_25 = arith.constant 1 : index
    %get3A_26 = arith.constant 0 : index
    %get3A_27 = arith.constant 0 : index
    %get3A_28 = vector.load %arg0[%get3A_25, %get3A_26, %get3A_27] : memref<2x10240x128xf32, #tpu.memory_space<vmem>>, vector<1x10240x128xf32>
    %get3A_29 = vector.shape_cast %get3A_28 : vector<1x10240x128xf32> to vector<10240x128xf32>
    %add3A_30 = arith.addf %get3A_24, %get3A_29 : vector<10240x128xf32>
    %mul3A_31 = vector.broadcast %exp3A : vector<10240x1xf32> to vector<10240x128xf32>
    %mul3A_32 = arith.mulf %mul3A_31, %get3A_19 : vector<10240x128xf32>
    %add3A_33 = arith.addf %add3A_30, %mul3A_32 : vector<10240x128xf32>
    %div3A = vector.broadcast %add3A_16 : vector<10240x1xf32> to vector<10240x128xf32>
    %div3A_34 = arith.divf %add3A_33, %div3A : vector<10240x128xf32>
    %get3A_35 = arith.constant 0 : index
    %get3A_36 = vector.load %arg4[%get3A_35] : memref<128xf32, #tpu.memory_space<vmem>>, vector<128xf32>
    %broadcast_in_dim3A_37 = vector.shape_cast %get3A_36 : vector<128xf32> to vector<1x128xf32>
    %add3A_38 = vector.broadcast %broadcast_in_dim3A_37 : vector<1x128xf32> to vector<10240x128xf32>
    %add3A_39 = arith.addf %div3A_34, %add3A_38 : vector<10240x128xf32>
    %ge3A_40 = arith.constant 0.000000e+00 : f32
    %ge3A_41 = vector.broadcast %ge3A_40 : f32 to vector<10240x128xf32>
    %ge3A_42 = arith.cmpf oge, %add3A_39, %ge3A_41 : vector<10240x128xf32>
    %mul3A_43 = arith.constant 0.00999999977 : f32
    %mul3A_44 = vector.broadcast %mul3A_43 : f32 to vector<10240x128xf32>
    %mul3A_45 = arith.mulf %add3A_39, %mul3A_44 : vector<10240x128xf32>
    %select_n3A_46 = arith.select %ge3A_42, %add3A_39, %mul3A_45 : vector<10240x128xi1>, vector<10240x128xf32>
    %get3A_47 = arith.constant 0 : index
    %get3A_48 = arith.constant 0 : index
    %get3A_49 = vector.load %arg5[%get3A_47, %get3A_48] : memref<128x1xf32, #tpu.memory_space<vmem>>, vector<128x1xf32>
    %dot_general3A = arith.constant dense<0.000000e+00> : vector<10240x1xf32>
    %dot_general3A_50 = tpu.matmul %select_n3A_46, %get3A_49, %dot_general3A {dimension_numbers = #tpu.dot_dimension_numbers<[1], [0], [0], [1], [0, 0, 1, 1], [], []>, transpose_lhs_hint = false} : vector<10240x128xf32>, vector<128x1xf32>, vector<10240x1xf32> -> vector<10240x1xf32>
    %get3A_51 = arith.constant 0 : index
    %get3A_52 = vector.load %arg6[%get3A_51] : memref<1xf32, #tpu.memory_space<vmem>>, vector<1xf32>
    %broadcast_in_dim3A_53 = vector.shape_cast %get3A_52 : vector<1xf32> to vector<1x1xf32>
    %add3A_54 = vector.broadcast %broadcast_in_dim3A_53 : vector<1x1xf32> to vector<10240x1xf32>
    %add3A_55 = arith.addf %dot_general3A_50, %add3A_54 : vector<10240x1xf32>
    %iota3A = tpu.iota {dimensions = array<i32: 0>} : vector<10240x1xi32>
    %lt3A = arith.constant 10000 : i32
    %lt3A_56 = vector.broadcast %lt3A : i32 to vector<10240x1xi32>
    %lt3A_57 = arith.cmpi slt, %iota3A, %lt3A_56 : vector<10240x1xi32>
    %jit3A = arith.constant 0xFF800000 : f32
    %broadcast_in_dim3A_58 = vector.broadcast %jit3A : f32 to vector<10240x1xf32>
    %select_n3A_59 = arith.select %lt3A_57, %add3A_55, %broadcast_in_dim3A_58 : vector<10240x1xi1>, vector<10240x1xf32>
    %reduce_max3A = vector.shape_cast %select_n3A_59 : vector<10240x1xf32> to vector<1x10240x1xf32>
    %reduce_max3A_60 = arith.constant dense<0xFF800000> : vector<1xf32>
    %reduce_max3A_61 = vector.multi_reduction <maximumf>, %reduce_max3A, %reduce_max3A_60 [1, 2] : vector<1x10240x1xf32> to vector<1xf32>
    %reduce_max3A_62 = vector.shape_cast %reduce_max3A_61 : vector<1xf32> to vector<1x1x1xf32>
    %reduce_max3A_63 = vector.extract %reduce_max3A_62[0, 0, 0] : f32 from vector<1x1x1xf32>
    %sub3A = vector.broadcast %reduce_max3A_63 : f32 to vector<10240x1xf32>
    %sub3A_64 = arith.subf %add3A_55, %sub3A : vector<10240x1xf32>
    %exp3A_65 = math.exp %sub3A_64 : vector<10240x1xf32>
    %jit3A_66 = arith.constant 0.000000e+00 : f32
    %broadcast_in_dim3A_67 = vector.broadcast %jit3A_66 : f32 to vector<10240x1xf32>
    %select_n3A_68 = arith.select %lt3A_57, %exp3A_65, %broadcast_in_dim3A_67 : vector<10240x1xi1>, vector<10240x1xf32>
    %reduce_sum3A = vector.shape_cast %select_n3A_68 : vector<10240x1xf32> to vector<1x10240x1xf32>
    %reduce_sum3A_69 = arith.constant dense<0.000000e+00> : vector<1xf32>
    %reduce_sum3A_70 = vector.multi_reduction <add>, %reduce_sum3A, %reduce_sum3A_69 [1, 2] : vector<1x10240x1xf32> to vector<1xf32>
    %reduce_sum3A_71 = vector.shape_cast %reduce_sum3A_70 : vector<1xf32> to vector<1x1x1xf32>
    %reduce_sum3A_72 = vector.extract %reduce_sum3A_71[0, 0, 0] : f32 from vector<1x1x1xf32>
    %div3A_73 = vector.broadcast %reduce_sum3A_72 : f32 to vector<10240x1xf32>
    %div3A_74 = arith.divf %select_n3A_68, %div3A_73 : vector<10240x1xf32>
    %mul3A_75 = vector.broadcast %div3A_74 : vector<10240x1xf32> to vector<10240x128xf32>
    %mul3A_76 = arith.mulf %mul3A_75, %select_n3A_46 : vector<10240x128xf32>
    %iota3A_77 = tpu.iota {dimensions = array<i32: 0>} : vector<256x10240xi32>
    %get3A_78 = arith.constant 0 : index
    %get3A_79 = arith.constant 0 : index
    %get3A_80 = vector.load %arg7[%get3A_78, %get3A_79] : memref<1x10240xi32, #tpu.memory_space<vmem>>, vector<1x10240xi32>
    %eq3A = vector.broadcast %get3A_80 : vector<1x10240xi32> to vector<256x10240xi32>
    %eq3A_81 = arith.cmpi eq, %iota3A_77, %eq3A : vector<256x10240xi32>
    %convert_element_type3A = arith.extui %eq3A_81 : vector<256x10240xi1> to vector<256x10240xi32>
    %convert_element_type3A_82 = arith.sitofp %convert_element_type3A : vector<256x10240xi32> to vector<256x10240xf32>
    %dot_general3A_83 = arith.constant dense<0.000000e+00> : vector<256x128xf32>
    %dot_general3A_84 = tpu.matmul %convert_element_type3A_82, %mul3A_76, %dot_general3A_83 {dimension_numbers = #tpu.dot_dimension_numbers<[1], [0], [0], [1], [0, 0, 1, 1], [], []>, transpose_lhs_hint = false} : vector<256x10240xf32>, vector<10240x128xf32>, vector<256x128xf32> -> vector<256x128xf32>
    %get3A_85 = arith.constant 0 : index
    %get3A_86 = arith.constant 0 : index
    %get3A_87 = vector.load %arg8[%get3A_85, %get3A_86] : memref<128x64xf32, #tpu.memory_space<vmem>>, vector<128x64xf32>
    %dot_general3A_88 = arith.constant dense<0.000000e+00> : vector<256x64xf32>
    %dot_general3A_89 = tpu.matmul %dot_general3A_84, %get3A_87, %dot_general3A_88 {dimension_numbers = #tpu.dot_dimension_numbers<[1], [0], [0], [1], [0, 0, 1, 1], [], []>, transpose_lhs_hint = false} : vector<256x128xf32>, vector<128x64xf32>, vector<256x64xf32> -> vector<256x64xf32>
    %get3A_90 = arith.constant 0 : index
    %get3A_91 = vector.load %arg9[%get3A_90] : memref<64xf32, #tpu.memory_space<vmem>>, vector<64xf32>
    %broadcast_in_dim3A_92 = vector.shape_cast %get3A_91 : vector<64xf32> to vector<1x64xf32>
    %add3A_93 = vector.broadcast %broadcast_in_dim3A_92 : vector<1x64xf32> to vector<256x64xf32>
    %add3A_94 = arith.addf %dot_general3A_89, %add3A_93 : vector<256x64xf32>
    %reduce_sum3A_95 = arith.constant dense<0.000000e+00> : vector<64xf32>
    %reduce_sum3A_96 = vector.multi_reduction <add>, %add3A_94, %reduce_sum3A_95 [0] : vector<256x64xf32> to vector<64xf32>
    %broadcast_in_dim3A_97 = vector.shape_cast %reduce_sum3A_96 : vector<64xf32> to vector<1x64xf32>
    %div3A_98 = arith.constant 2.560000e+02 : f32
    %div3A_99 = vector.broadcast %div3A_98 : f32 to vector<1x64xf32>
    %div3A_100 = arith.divf %broadcast_in_dim3A_97, %div3A_99 : vector<1x64xf32>
    %sub3A_101 = vector.broadcast %div3A_100 : vector<1x64xf32> to vector<256x64xf32>
    %sub3A_102 = arith.subf %add3A_94, %sub3A_101 : vector<256x64xf32>
    %integer_pow3A = arith.mulf %sub3A_102, %sub3A_102 : vector<256x64xf32>
    %reduce_sum3A_103 = arith.constant dense<0.000000e+00> : vector<64xf32>
    %reduce_sum3A_104 = vector.multi_reduction <add>, %integer_pow3A, %reduce_sum3A_103 [0] : vector<256x64xf32> to vector<64xf32>
    %broadcast_in_dim3A_105 = vector.shape_cast %reduce_sum3A_104 : vector<64xf32> to vector<1x64xf32>
    %div3A_106 = arith.constant 2.560000e+02 : f32
    %div3A_107 = vector.broadcast %div3A_106 : f32 to vector<1x64xf32>
    %div3A_108 = arith.divf %broadcast_in_dim3A_105, %div3A_107 : vector<1x64xf32>
    %get3A_109 = arith.constant 0 : index
    %get3A_110 = vector.load %arg10[%get3A_109] : memref<64xf32, #tpu.memory_space<vmem>>, vector<64xf32>
    %sub3A_111 = vector.broadcast %div3A_100 : vector<1x64xf32> to vector<256x64xf32>
    %sub3A_112 = arith.subf %add3A_94, %sub3A_111 : vector<256x64xf32>
    %broadcast_in_dim3A_113 = vector.shape_cast %get3A_110 : vector<64xf32> to vector<1x64xf32>
    %mul3A_114 = vector.broadcast %broadcast_in_dim3A_113 : vector<1x64xf32> to vector<256x64xf32>
    %mul3A_115 = arith.mulf %mul3A_114, %sub3A_112 : vector<256x64xf32>
    %add3A_116 = arith.constant 9.99999974E-6 : f32
    %add3A_117 = vector.broadcast %add3A_116 : f32 to vector<1x64xf32>
    %add3A_118 = arith.addf %div3A_108, %add3A_117 : vector<1x64xf32>
    %sqrt3A = math.sqrt %add3A_118 : vector<1x64xf32>
    %div3A_119 = vector.broadcast %sqrt3A : vector<1x64xf32> to vector<256x64xf32>
    %div3A_120 = arith.divf %mul3A_115, %div3A_119 : vector<256x64xf32>
    %get3A_121 = arith.constant 0 : index
    %get3A_122 = vector.load %arg11[%get3A_121] : memref<64xf32, #tpu.memory_space<vmem>>, vector<64xf32>
    %broadcast_in_dim3A_123 = vector.shape_cast %get3A_122 : vector<64xf32> to vector<1x64xf32>
    %add3A_124 = vector.broadcast %broadcast_in_dim3A_123 : vector<1x64xf32> to vector<256x64xf32>
    %add3A_125 = arith.addf %div3A_120, %add3A_124 : vector<256x64xf32>
    %ge3A_126 = arith.constant 0.000000e+00 : f32
    %ge3A_127 = vector.broadcast %ge3A_126 : f32 to vector<256x64xf32>
    %ge3A_128 = arith.cmpf oge, %add3A_125, %ge3A_127 : vector<256x64xf32>
    %mul3A_129 = arith.constant 0.00999999977 : f32
    %mul3A_130 = vector.broadcast %mul3A_129 : f32 to vector<256x64xf32>
    %mul3A_131 = arith.mulf %add3A_125, %mul3A_130 : vector<256x64xf32>
    %select_n3A_132 = arith.select %ge3A_128, %add3A_125, %mul3A_131 : vector<256x64xi1>, vector<256x64xf32>
    %get3A_133 = arith.constant 0 : index
    %get3A_134 = arith.constant 0 : index
    %get3A_135 = vector.load %arg12[%get3A_133, %get3A_134] : memref<64x128xf32, #tpu.memory_space<vmem>>, vector<64x128xf32>
    %dot_general3A_136 = arith.constant dense<0.000000e+00> : vector<256x128xf32>
    %dot_general3A_137 = tpu.matmul %select_n3A_132, %get3A_135, %dot_general3A_136 {dimension_numbers = #tpu.dot_dimension_numbers<[1], [0], [0], [1], [0, 0, 1, 1], [], []>, transpose_lhs_hint = false} : vector<256x64xf32>, vector<64x128xf32>, vector<256x128xf32> -> vector<256x128xf32>
    %get3A_138 = arith.constant 0 : index
    %get3A_139 = vector.load %arg13[%get3A_138] : memref<128xf32, #tpu.memory_space<vmem>>, vector<128xf32>
    %broadcast_in_dim3A_140 = vector.shape_cast %get3A_139 : vector<128xf32> to vector<1x128xf32>
    %add3A_141 = vector.broadcast %broadcast_in_dim3A_140 : vector<1x128xf32> to vector<256x128xf32>
    %add3A_142 = arith.addf %dot_general3A_137, %add3A_141 : vector<256x128xf32>
    %swap3A = arith.constant 0 : index
    %swap3A_143 = arith.constant 0 : index
    %swap3A_144 = vector.load %arg14[%swap3A, %swap3A_143] : memref<256x128xf32, #tpu.memory_space<vmem>>, vector<256x128xf32>
    tpu.vector_store %arg14[%swap3A, %swap3A_143], %add3A_142 {strides = array<i32>} : memref<256x128xf32, #tpu.memory_space<vmem>>, vector<256x128xf32>,
    return
  }
}

</mosaic_0001>

<sc_bundles>
// kernel: kernel.10.cloned.1.call-start
scs
__scs_entry_jumppad:
0x0: {  	(pc) =	sbr.rel $0x88, $3  }
0x1: {  	(tag) =	ssettag $0x0;
	lr =	simm.s32 $0x1  }
0x2: {  	[smem:$0x3F8E] =	sst lr;
	_ =	strace $0xD0000000  }
0x3: {  	_ = 	snop  }
0x4: {  	_ = 	snop  }
0x5: {  	_ = 	snop  }
0x6: {  	_ = 	snop  }
0x7: {  	_ = 	snop  }
__scs_overlays_trampoline_lowered:
0x8: {  	[smem:$0x3F9D] =	sst s0  }
0x9: {  	[smem:$0x3F9E] =	sst s1  }
0xa: {  	[smem:$0x3F9F] =	sst s2  }
0xb: {  	[smem:$0x3FA0] =	sst s3  }
0xc: {  	[smem:$0x3FA1] =	sst s4  }
0xd: {  	[smem:$0x3FA2] =	sst s5  }
0xe: {  	[smem:$0x3FA3] =	sst s6  }
0xf: {  	[smem:$0x3FA4] =	sst s7  }
0x10: {  	[smem:$0x3FA5] =	sst s8  }
0x11: {  	[smem:$0x3FA6] =	sst s9;
	s0 =	simm.s32 @!p0 $0x0  }
0x12: {  	s1 =	sld [smem:$0x3F8C];
	s0 =	simm.s32 @p0 $0x1  }
0x13: {  	[smem:$0x3FA7] =	sst s0;
	s0 =	simm.s32 @!p1 $0x0  }
0x14: {  	s2 =	sld [smem:$0x3F8B];
	s0 =	simm.s32 @p1 $0x1  }
0x15: {  	[smem:$0x3FA8] =	sst s0;
	s0 =	simm.s32 @!p2 $0x0  }
0x16: {  	s3 =	sld [smem:$0x3FDB];
	s0 =	simm.s32 @p2 $0x1  }
0x17: {  	s4 =	simm.s32 $0x1BF5;
	[smem:$0x3FAA] =	sst s0  }
0x18: {  	s0 =	sld [smem:$0x3F8D];
	_ =	swait.ge [sflag:s4], $0x0  }
0x19: {  	s7 =	sld [smem:$0x3F8E]  }
0x1a: {  	s8 =	sadd.s32 $0xFFFFE003, lr  }
0x1b: {  	s9 =	sadd.s32 $0xFFFFFEF7, lr;
	s5 =	simm.s32 $0xFFFFFFFF;
	p2 =	slt.u32 s8, $0xFFFFF086  }
0x1c: {  	p1 =	slt.u32 s9, $0xF7A;
	s5 =	simm.s32 @!p2 $0x0  }
0x1d: {  	s5 =	simm.s32 @p1 $0x1;
	p0 =	seq.s32 s7, s2  }
0x1e: {  	s7 =	smul.u32 @!p0 $0xF7A, s2;
	p2 =	seq.s32 @!p0 s5, $0x0  }
0x1f: {  	s9 =	smul.u32 $0xF7A, s1;
	s8 =	simm.s32 @!p0 $0x1BF5;
	p2 =	por !p2, p0  }
0x20: {  	[sflag:s8] =	ssyncset.s32 @!p0 $0xFFFFF086;
	s6 =	sadd.s32 @!p0 s3, s7;
	s7 =	simm.s32 @!p0 $0x108  }
0x21: {  	s3 =	sadd.s32 s3, s9;
	s6 =	sadd.s32 @!p0 $0x88, s6;
	s7 =	simm.s32 @p2 $0x1082  }
0x22: {  	[simem:s7], [sflag:s8] =	dma.local @!p0 [hbm:s6], $0xF7A  }
0x23: {  	s9 =	sor.u32 $0xD0000000, s2;
	s6 =	simm.s32 $0x108;
	_ =	swait.ge @!p0 [sflag:s8], $0x0  }
0x24: {  	s3 =	sadd.s32 $0x88, s3;
	s6 =	simm.s32 @!p1 $0x1082;
	[sflag:s4] =	ssyncset.s32 $0xFFFFF086  }
0x25: {  	[simem:s6], [sflag:s4] =	dma.local [hbm:s3], $0xF7A  }
0x26: {  	[smem:$0x3F8E] =	sst s1;
	(tag) =	ssettag s2;
	_ =	strace s9  }
0x27: {  	s1 =	sld [smem:$0x3F9E]  }
0x28: {  	s2 =	sld [smem:$0x3F9F]  }
0x29: {  	s4 =	sld [smem:$0x3FA1]  }
0x2a: {  	p0 =	seq.s32 s5, $0x0;
	s5 =	sld [smem:$0x3FA2]  }
0x2b: {  	s6 =	sld [smem:$0x3FA3]  }
0x2c: {  	s7 =	sld [smem:$0x3FA4]  }
0x2d: {  	s3 =	simm.s32 $0x108;
	s8 =	sld [smem:$0x3FA5]  }
0x2e: {  	s3 =	simm.s32 @!p0 $0x1082;
	s9 =	sld [smem:$0x3FA6]  }
0x2f: {  	lr =	sadd.s32 s0, s3;
	s0 =	sld [smem:$0x3F9D]  }
0x30: {  	s3 =	sld [smem:$0x3FA0]  }
0x31: {  	[smem:$0x3FA9] =	sst s10  }
0x32: {  	s10 =	sld [smem:$0x3FA7];
	_ =	sdelay $0x3  }
0x33: {  	p0 =	seq.s32 s10, $0x1;
	s10 =	sld [smem:$0x3FA9];
	_ =	sdelay $0x3  }
0x34: {  	[smem:$0x3FA9] =	sst s10  }
0x35: {  	s10 =	sld [smem:$0x3FA8];
	_ =	sdelay $0x3  }
0x36: {  	p1 =	seq.s32 s10, $0x1;
	s10 =	sld [smem:$0x3FA9];
	_ =	sdelay $0x3  }
0x37: {  	[smem:$0x3FA9] =	sst s10  }
0x38: {  	s10 =	sld [smem:$0x3FAA]  }
0x39: {  	_ = 	snop;
	(pc) =	sbr.ind lr, $3  }
0x3a: {  	_ = 	snop  }
0x3b: {  	_ = 	snop  }
0x3c: {  	p2 =	seq.s32 s10, $0x1;
	s10 =	sld [smem:$0x3FA9]  }
0x3d: {  	_ =	shalt  }
0x3e: {  	_ =	shalt  }
0x3f: {  	_ =	shalt  }
0x40: {  	_ =	shalt  }
0x41: {  	_ =	shalt  }
0x42: {  	_ =	shalt  }
0x43: {  	_ =	shalt  }
0x44: {  	_ =	shalt  }
0x45: {  	_ =	shalt  }
0x46: {  	_ =	shalt  }
0x47: {  	_ =	shalt  }
0x48: {  	_ =	shalt  }
0x49: {  	_ =	shalt  }
0x4a: {  	_ =	shalt  }
0x4b: {  	_ =	shalt  }
0x4c: {  	_ =	shalt  }
0x4d: {  	_ =	shalt  }
0x4e: {  	_ =	shalt  }
0x4f: {  	_ =	shalt  }
0x50: {  	_ =	shalt  }
0x51: {  	_ =	shalt  }
0x52: {  	_ =	shalt  }
0x53: {  	_ =	shalt  }
0x54: {  	_ =	shalt  }
0x55: {  	_ =	shalt  }
0x56: {  	_ =	shalt  }
0x57: {  	_ =	shalt  }
0x58: {  	_ =	shalt  }
0x59: {  	_ =	shalt  }
0x5a: {  	_ =	shalt  }
0x5b: {  	_ =	shalt  }
0x5c: {  	_ =	shalt  }
0x5d: {  	_ =	shalt  }
0x5e: {  	_ =	shalt  }
0x5f: {  	_ =	shalt  }
0x60: {  	_ =	shalt  }
0x61: {  	_ =	shalt  }
0x62: {  	_ =	shalt  }
0x63: {  	_ =	shalt  }
0x64: {  	_ =	shalt  }
0x65: {  	_ =	shalt  }
0x66: {  	_ =	shalt  }
0x67: {  	_ =	shalt  }
0x68: {  	_ =	shalt  }
0x69: {  	_ =	shalt  }
0x6a: {  	_ =	shalt  }
0x6b: {  	_ =	shalt  }
0x6c: {  	_ =	shalt  }
0x6d: {  	_ =	shalt  }
0x6e: {  	_ =	shalt  }
0x6f: {  	_ =	shalt  }
0x70: {  	_ =	shalt  }
0x71: {  	_ =	shalt  }
0x72: {  	_ =	shalt  }
0x73: {  	_ =	shalt  }
0x74: {  	_ =	shalt  }
0x75: {  	_ =	shalt  }
0x76: {  	_ =	shalt  }
0x77: {  	_ =	shalt  }
0x78: {  	_ =	shalt  }
0x79: {  	_ =	shalt  }
0x7a: {  	_ =	shalt  }
0x7b: {  	_ =	shalt  }
0x7c: {  	_ =	shalt  }
0x7d: {  	_ =	shalt  }
0x7e: {  	_ =	shalt  }
0x7f: {  	_ =	shalt  }
0x80: {  	_ =	shalt  }
0x81: {  	_ =	shalt  }
0x82: {  	_ =	shalt  }
0x83: {  	_ =	shalt  }
0x84: {  	_ =	shalt  }
0x85: {  	_ =	shalt  }
0x86: {  	_ =	shalt  }
0x87: {  	_ =	shalt  }
.Lfunc_end0:
.L_simem_size_0:
called_computation.1_lowered:
.L_overlay_start_0:
0x88: {  	s2 =	sld [smem:$0x3FD9]  }
0x89: {  	s3 =	sld [smem:$0x3FFE];
	_ =	sdelay $0x1  }
0x8a: {  	s1 =	srdreg.scid  }
0x8b: {  	s0 =	sand.u32 $0x1, s1  }
0x8c: {  	s17 =	sshll.u32 s0, $0xA;
	s2 =	sadd.s32 s3, s2  }
0x8d: {  	s2 =	sadd.s32 s2, s17  }
0x8e: {  	[smem:$0x3FB5] =	sst s2  }
0x8f: {  	_ = 	snop  }
0x90: {  	s2 =	sld [smem:$0x3FD0];
	(tm) =	ssettm $0x1  }
0x91: {  	s18 =	sld [smem:$0x3FFB];
	_ =	sdelay $0x3  }
0x92: {  	_ =	strace s18  }
0x93: {  	s3 =	sld [smem:$0x3FFC];
	_ =	sdelay $0x3  }
0x94: {  	_ =	strace s3  }
0x95: {  	s3 =	sld [smem:$0x3FFD];
	_ =	sdelay $0x3  }
0x96: {  	_ =	strace s3  }
0x97: {  	_ =	strace $0x8FFFFFFF  }
0x98: {  	s19 =	sld [smem:$0x3FDB];
	_ =	sdelay $0x1  }
0x99: {  	s4 =	simm.s32 $_scs_section_size  }
0x9a: {  	s5 =	simm.s32 $_size__tile_overlayer_lowered;
	s6 =	simm.s32 $_tile_overlayer_lowered  }
0x9b: {  	s22 =	simm.s32 $0x1BFF;
	s21 =	sshll.u32 s6, $0x1;
	s3 =	sadd.s32 s4, s19  }
0x9c: {  	s7 =	simm.s32 $0x0;
	s20 =	sshll.u32 s5, $0x1;
	s5 =	sadd.s32 s21, s3  }
0x9d: {  	[timem:s7], [sflag:s22] =	dma.local [hbm:s5], s20  }
0x9e: {  	_ =	swait.ge [sflag:s22], s20  }
0x9f: {  	s4 =	ssub.s32 $0x0, s20;
	[sflag:s22] =	ssyncset.done $0x0  }
0xa0: {  	[sflag:s22] =	ssyncadd.s32 s4;
	_ =	sdelay $0x1  }
0xa1: {  	s23 =	simm.s32 $0x1B8B  }
0xa2: {  	_ =	swait.ge [sflag:s23], $0x1  }
0xa3: {  	[sflag:s23] =	ssyncset.done $0x0  }
0xa4: {  	s25 =	simm.s32 $0x1B8E;
	s24 =	sld [smem:$0x3FFE];
	[sflag:s23] =	ssyncadd.s32 $0xFFFFFFFF  }
0xa5: {  	s26 =	simm.s32 $execute0_lowered;
	[smem:$0x3FD2] =	sst s25  }
0xa6: {  	s5 =	sshll.u32 s26, $0x1;
	_ =	strace $0x80000049;
	[dreg:$0x1] =	wrdreg $0xFFFFFFFF  }
0xa7: {  	s28 =	simm.s32 $_size_execute0_lowered;
	s3 =	sadd.s32 s3, s5;
	[dreg:$0x0] =	wrdreg $0x0  }
0xa8: {  	s5 =	sshll.u32 s28, $0x1;
	[dreg:$0x2] =	wrdreg s3  }
0xa9: {  	[dreg:$0x3] =	wrdreg s5  }
0xaa: {  	[dreg:$0x4] =	wrdreg $0xC0  }
0xab: {  	_ =	task [dreg:s7], $0x5FFFF  }
0xac: {  	[dreg:$0x1] =	wrdreg $0xFFFFFFFF  }
0xad: {  	[dreg:$0x0] =	wrdreg $0x60  }
0xae: {  	[dreg:$0x2] =	wrdreg s24  }
0xaf: {  	[dreg:$0x3] =	wrdreg s2  }
0xb0: {  	[dreg:$0x4] =	wrdreg $0x91800  }
0xb1: {  	[dreg:$0x5] =	wrdreg $0x1D1800  }
0xb2: {  	[dreg:$0x6] =	wrdreg $0x9  }
0xb3: {  	_ =	task.clear_ibuf [dreg:s7], $0x7FFFF;
	_ =	strace $0x90000049  }
0xb4: {  	s29 =	simm.s32 $0x9;
	_ =	strace $0x8000004B  }
0xb5: {  	_ =	swait.ge [sflag:s29], $0x1  }
0xb6: {  	[sflag:s29] =	ssyncadd.s32 $0xFFFFFFFF  }
0xb7: {  	_ =	strace $0x9000004B  }
0xb8: {  	_ =	sfence  }
0xb9: {  	s30 =	sld [smem:$0x0];
	_ =	sdelay $0x2  }
0xba: {  	s31 =	sshll.u32 s1, $0xD;
	s1 =	sshrl.u32 s1, $0x2  }
0xbb: {  	s3 =	sand.u32 $0x4000, s31;
	s1 =	sadd.s32 s1, s30  }
0xbc: {  	s0 =	sor.u32 s3, s0;
	s1 =	sshll.u32 s1, $0x11  }
0xbd: {  	s0 =	sor.u32 s1, s0  }
0xbe: {  	s0 =	sadd.s32 $0x8F2B, s0  }
0xbf: {  	[sflag:s0] =	ssyncadd.remote.s32 $0x1  }
0xc0: {  	_ =	sfence.sel $0xFFFF  }
0xc1: {  	[dreg:$0x0] =	wrdreg $0xFFFFFFFF;
	(pc) =	sbr.abs _section_cstart, $3  }
0xc2: {  	[dreg:$0x1] =	wrdreg $0xFFFFFFFF  }
0xc3: {  	_ =	task.clear_ibuf [dreg:s7], $0x2FFFF;
	_ =	strace $0x9FFFFFFF  }
0xc4: {  	(tm) =	ssettm $0x7FFFFFFF  }
0xc5: {  	_ =	shalt  }
tec
execute0_lowered:
.L_overlay_start_1:
0x0: {  	(tag) =	ssettag $0x1  }
0x1: {  	s0 =	rddreg [dreg:$0x0]  }
0x2: {  	s2 =	rddreg [dreg:$0x2]  }
0x3: {  	s3 =	rddreg [dreg:$0x3]  }
0x4: {  	s1 =	srdreg.scid;
	s5 =	simm.s32 $0x0;
	s20 =	stileid.u32  }
0x5: {  	s28 =	simm.s32 $0x5180;
	s29 =	simm.s32 $0x1;
	s22 =	smul.u32 $0x14000, s20  }
0x6: {  	s1 =	sand.u32 $0x1, s1;
	[smem:$0x7FF] =	sst s5;
	s23 =	smul.u32 $0x500, s20  }
0x7: {  	s6 =	sadd.s32 $0x4800, s0;
	s7 =	sadd.s32 $0x2C800, s0;
	s11 =	smul.u32 $0xA00, s20  }
0x8: {  	s8 =	sadd.s32 $0x36800, s0;
	s9 =	sadd.s32 $0x40800, s0;
	s13 =	smul.u32 $0x50000, s20  }
0x9: {  	s31 =	sshll.u32 s20, $0x6;
	s4 =	smul.u32 $0x140000, s1;
	_ =	strace $0x8000004A  }
0xa: {  	s10 =	sshll.u32 s1, $0x7;
	s24 =	ssub.s32 $0x2, s1;
	s1 =	sshll.u32 s1, $0x4  }
0xb: {  	s21 =	sor.u32 $0x1C02, s31;
	s5 =	sor.u32 s10, s23;
	s12 =	sshrl.u32 s24, $0x1  }
0xc: {  	s26 =	sshrl.u32 s11, $0x2;
	s30 =	sshrl.u32 s13, $0x2;
	s1 =	sor.u32 s20, s1  }
0xd: {  	s20 =	simm.s32 $0x2;
	s23 =	simm.s32 $0x5100;
	s4 =	sadd.s32 s22, s4  }
0xe: {  	s5 =	sshrl.u32 s5, $0x3;
	s25 =	ssub.s32 s24, s12;
	s14 =	smul.u32 $0x2800, s1  }
0xf: {  	v0 =	vimm.f32 $0.0e+00;
	v1 =	vimm.s32 $0x0;
	s10 =	sadd.s32 s26, s3;
	s22 =	sadd.s32 s30, s2;
	s16 =	smul.u32 $0x2780, s1  }
0x10: {  	v2 =	vimm.s32 $0x1;
	v3 =	vimm.s32 $0x2;
	v4 =	vimm.s32 $0x3;
	s24 =	simm.s32 $0x5000;
	s26 =	simm.s32 $0x80;
	s4 =	sshrl.u32 s4, $0x3  }
0x11: {  	v5 =	vimm.s32 $0x4;
	v6 =	vimm.s32 $0x5;
	v7 =	vimm.s32 $0x6;
	s11 =	sadd.s32 $0x80, s10;
	s12 =	sadd.s32 $0x100, s10;
	s13 =	sadd.s32 $0x180, s10  }
0x12: {  	v8 =	vimm.s32 $0x7;
	v9 =	vimm.s32 $0x8;
	v10 =	vimm.s32 $0x9;
	s15 =	sadd.s32 $0x200, s10;
	s19 =	smax.u32 s25, $0x1;
	s22 =	sshrl.u32 s22, $0x3  }
0x13: {  	v11 =	vimm.s32 $0xA;
	v12 =	vimm.s32 $0xB;
	v13 =	vimm.s32 $0xC;
	s25 =	simm.s32 $0x5080;
	s4 =	sadd.s32 s4, s0;
	s0 =	sadd.s32 s5, s0  }
0x14: {  	v14 =	vimm.s32 $0xD;
	v15 =	vimm.s32 $0xE;
	v16 =	vimm.s32 $0xF;
	s17 =	sadd.s32 $0xB8800, s0;
	s18 =	sadd.s32 $0x68800, s4;
	s0 =	simm.s32 $0x0  }
.LBB2_1:
0x15: {  	s1 =	rddreg [dreg:$0x1];
	s4 =	simm.s32 $0x0  }
0x16: {  	[tilespmem:s4], [sflag:$0x2] =	stream.linear.gather [hbm4b:s1+s4], $0x5000, $0x38;
	[tilespmem:$0x1D400] =	vst v63  }
0x17: {  	_ =	swait.ge [sflag:s20], $0x5000  }
0x18: {  	[sflag:s20] =	ssyncset.done $0x0  }
0x19: {  	[sflag:s20] =	ssyncadd.s32 $0xFFFFB000  }
0x1a: {  	[spmem:s22], [sflag:s21] =	dma.local [hbm:s9], $0x2800  }
0x1b: {  	_ =	swait.ge [sflag:s20], $0x2800  }
0x1c: {  	[sflag:s20] =	ssyncset.done $0x0  }
0x1d: {  	[sflag:s20] =	ssyncadd.s32 $0xFFFFD800  }
0x1e: {  	[tilespmem:$0x5100] =	vst v0  }
0x1f: {  	[tilespmem:$0x5110] =	vst v0  }
0x20: {  	[tilespmem:$0x5120] =	vst v0  }
0x21: {  	[tilespmem:$0x5130] =	vst v0  }
0x22: {  	[tilespmem:$0x5140] =	vst v0  }
0x23: {  	[tilespmem:$0x5150] =	vst v0  }
0x24: {  	[tilespmem:$0x5160] =	vst v0  }
0x25: {  	[tilespmem:$0x5170] =	vst v0  }
0x26: {  	[spmem:s10] =	stream.linear.scatter [tilespmem:s23], [sflag:$0x2], $0x80, $0x38;
	[tilespmem:$0x1D400] =	vst v63  }
0x27: {  	_ =	swait.ge [sflag:s20], $0x80  }
0x28: {  	[sflag:s20] =	ssyncset.done $0x0  }
0x29: {  	[sflag:s20] =	ssyncadd.s32 $0xFFFFFF80  }
0x2a: {  	[spmem:s11] =	stream.linear.scatter [tilespmem:s23], [sflag:$0x2], $0x80, $0x38;
	[tilespmem:$0x1D400] =	vst v63  }
0x2b: {  	_ =	swait.ge [sflag:s20], $0x80  }
0x2c: {  	[sflag:s20] =	ssyncset.done $0x0  }
0x2d: {  	[sflag:s20] =	ssyncadd.s32 $0xFFFFFF80  }
0x2e: {  	[spmem:s12] =	stream.linear.scatter [tilespmem:s23], [sflag:$0x2], $0x80, $0x38;
	[tilespmem:$0x1D400] =	vst v63  }
0x2f: {  	_ =	swait.ge [sflag:s20], $0x80  }
0x30: {  	[sflag:s20] =	ssyncset.done $0x0  }
0x31: {  	[sflag:s20] =	ssyncadd.s32 $0xFFFFFF80  }
0x32: {  	[spmem:s13] =	stream.linear.scatter [tilespmem:s23], [sflag:$0x2], $0x80, $0x38;
	[tilespmem:$0x1D400] =	vst v63  }
0x33: {  	_ =	swait.ge [sflag:s20], $0x80  }
0x34: {  	[sflag:s20] =	ssyncset.done $0x0  }
0x35: {  	[sflag:s20] =	ssyncadd.s32 $0xFFFFFF80  }
0x36: {  	[spmem:s15] =	stream.linear.scatter [tilespmem:s23], [sflag:$0x2], $0x80, $0x38;
	[tilespmem:$0x1D400] =	vst v63  }
0x37: {  	_ =	swait.ge [sflag:s20], $0x80  }
0x38: {  	[sflag:s20] =	ssyncset.done $0x0  }
0x39: {  	[sflag:s20] =	ssyncadd.s32 $0xFFFFFF80  }
0x3a: {  	s4 =	simm.s32 $0x0;
	[bflag:$0x0] =	sbarrier.arrive $0xFFFF  }
.LBB2_2:
0x3b: {  	s5 =	sshll.u32 s4, $0x7  }
0x3c: {  	s1 =	sand.u32 $0x3C00, s5  }
0x3d: {  	s30 =	sand.u32 $0x380, s5;
	s1 =	sadd.s32 s14, s1  }
0x3e: {  	s1 =	sor.u32 s30, s1  }
0x3f: {  	s30 =	sshrl.u32 s1, $0x3  }
0x40: {  	s1 =	simm.s32 $0x0;
	s31 =	sadd.s32 s7, s30  }
0x41: {  	[tilespmem:s24], [sflag:$0x2] =	stream.linear.gather [hbm4b:s31+s1], $0x80, $0x38;
	[tilespmem:$0x1D400] =	vst v63  }
0x42: {  	_ =	swait.ge [sflag:s20], $0x80  }
0x43: {  	[sflag:s20] =	ssyncset.done $0x0  }
0x44: {  	s30 =	sadd.s32 s8, s30;
	[sflag:s20] =	ssyncadd.s32 $0xFFFFFF80  }
0x45: {  	[tilespmem:s25], [sflag:$0x2] =	stream.linear.gather [hbm4b:s30+s1], $0x80, $0x38;
	[tilespmem:$0x1D400] =	vst v63  }
0x46: {  	_ =	swait.ge [sflag:s20], $0x80  }
0x47: {  	[sflag:s20] =	ssyncset.done $0x0  }
0x48: {  	[sflag:s20] =	ssyncadd.s32 $0xFFFFFF80  }
0x49: {  	[tilespmem:s28], [sflag:$0x1] =	stream.indirect.gather [hbm4b:s6+s26], $0x80, s24, s26, $0xb8;
	[tilespmem:$0x1D400] =	vst v63  }
0x4a: {  	v17 =	vld [tilespmem:$0x5000]  }
0x4b: {  	v18 =	vld [tilespmem:$0x5080];
	_ =	sdelay $0x4  }
0x4c: {  	v17 =	vshll.u32 v17, $0x1;
	v18 =	vshll.u32 v18, $0x1  }
0x4d: {  	v18 =	vor.u32 $0x1, v18;
	_ =	sdelay $0x3  }
0x4e: {  	v17 =	vld.idx.msk [tilespmem:v17+s1+$0x0], $0xffff  }
0x4f: {  	v18 =	vld.idx.msk [tilespmem:v18+s1+$0x0], $0xffff;
	_ =	sdelay $0x4  }
0x50: {  	v17 =	vadd.f32 v18, v17;
	_ =	sdelay $0x1  }
0x51: {  	v18 =	vmul.f32 $2.000000030e-01, v17  }
0x52: {  	vm0 =	vge.f32 v17, $0.0e+00  }
0x53: {  	v17 =	vsel vm0, v17, v18  }
0x54: {  	v17 =	vmul.f32 $1.442695020e+00, v17;
	_ =	sdelay $0x1  }
0x55: {  	(erf) = vpow2.f32 v17  }
0x56: {  	v18 =	vld [tilespmem:$0x5090]  }
0x57: {  	v17 =	vld [tilespmem:$0x5010];
	_ =	sdelay $0x4  }
0x58: {  	v18 =	vshll.u32 v18, $0x1;
	v17 =	vshll.u32 v17, $0x1  }
0x59: {  	s5 =	sadd.s32 s16, s5;
	v18 =	vor.u32 $0x1, v18  }
0x5a: {  	p0 =	slt.u32 s5, $0x4E200;
	v19 =	vpop (erf)  }
0x5b: {  	v19 =	vpsel !p0, $0x0, v19  }
0x5c: {  	[tilespmem:$0x5100] =	vst v19  }
0x5d: {  	v17 =	vld.idx.msk [tilespmem:v17+s1+$0x0], $0xffff  }
0x5e: {  	v18 =	vld.idx.msk [tilespmem:v18+s1+$0x0], $0xffff;
	_ =	sdelay $0x4  }
0x5f: {  	v17 =	vadd.f32 v18, v17;
	_ =	sdelay $0x1  }
0x60: {  	v18 =	vmul.f32 $2.000000030e-01, v17  }
0x61: {  	vm9 =	vge.f32 v17, $0.0e+00  }
0x62: {  	v17 =	vsel vm9, v17, v18  }
0x63: {  	v17 =	vmul.f32 $1.442695020e+00, v17;
	_ =	sdelay $0x1  }
0x64: {  	(erf) = vpow2.f32 v17  }
0x65: {  	v18 =	vld [tilespmem:$0x50A0]  }
0x66: {  	v17 =	vld [tilespmem:$0x5020];
	_ =	sdelay $0x4  }
0x67: {  	v18 =	vshll.u32 v18, $0x1;
	v17 =	vshll.u32 v17, $0x1  }
0x68: {  	s31 =	sor.u32 $0x10, s5;
	v18 =	vor.u32 $0x1, v18  }
0x69: {  	p6 =	slt.u32 s31, $0x4E200;
	v19 =	vpop (erf)  }
0x6a: {  	v19 =	vpsel !p6, $0x0, v19  }
0x6b: {  	[tilespmem:$0x5110] =	vst v19  }
0x6c: {  	v17 =	vld.idx.msk [tilespmem:v17+s1+$0x0], $0xffff  }
0x6d: {  	v18 =	vld.idx.msk [tilespmem:v18+s1+$0x0], $0xffff;
	_ =	sdelay $0x4  }
0x6e: {  	v17 =	vadd.f32 v18, v17;
	_ =	sdelay $0x1  }
0x6f: {  	v18 =	vmul.f32 $2.000000030e-01, v17  }
0x70: {  	vm10 =	vge.f32 v17, $0.0e+00  }
0x71: {  	v17 =	vsel vm10, v17, v18  }
0x72: {  	v17 =	vmul.f32 $1.442695020e+00, v17;
	_ =	sdelay $0x1  }
0x73: {  	(erf) = vpow2.f32 v17  }
0x74: {  	v18 =	vld [tilespmem:$0x50B0]  }
0x75: {  	v17 =	vld [tilespmem:$0x5030];
	_ =	sdelay $0x4  }
0x76: {  	v18 =	vshll.u32 v18, $0x1;
	v17 =	vshll.u32 v17, $0x1  }
0x77: {  	s31 =	sor.u32 $0x20, s5;
	v18 =	vor.u32 $0x1, v18  }
0x78: {  	p1 =	slt.u32 s31, $0x4E200;
	v19 =	vpop (erf)  }
0x79: {  	v19 =	vpsel !p1, $0x0, v19  }
0x7a: {  	[tilespmem:$0x5120] =	vst v19  }
0x7b: {  	v17 =	vld.idx.msk [tilespmem:v17+s1+$0x0], $0xffff  }
0x7c: {  	v18 =	vld.idx.msk [tilespmem:v18+s1+$0x0], $0xffff;
	_ =	sdelay $0x4  }
0x7d: {  	v17 =	vadd.f32 v18, v17;
	_ =	sdelay $0x1  }
0x7e: {  	v18 =	vmul.f32 $2.000000030e-01, v17  }
0x7f: {  	vm11 =	vge.f32 v17, $0.0e+00  }
0x80: {  	v17 =	vsel vm11, v17, v18  }
0x81: {  	v17 =	vmul.f32 $1.442695020e+00, v17;
	_ =	sdelay $0x1  }
0x82: {  	(erf) = vpow2.f32 v17  }
0x83: {  	v18 =	vld [tilespmem:$0x50C0]  }
0x84: {  	v17 =	vld [tilespmem:$0x5040];
	_ =	sdelay $0x4  }
0x85: {  	v18 =	vshll.u32 v18, $0x1;
	v17 =	vshll.u32 v17, $0x1  }
0x86: {  	s31 =	sor.u32 $0x30, s5;
	v18 =	vor.u32 $0x1, v18  }
0x87: {  	p2 =	slt.u32 s31, $0x4E200;
	v19 =	vpop (erf)  }
0x88: {  	v19 =	vpsel !p2, $0x0, v19  }
0x89: {  	[tilespmem:$0x5130] =	vst v19  }
0x8a: {  	v17 =	vld.idx.msk [tilespmem:v17+s1+$0x0], $0xffff  }
0x8b: {  	v18 =	vld.idx.msk [tilespmem:v18+s1+$0x0], $0xffff;
	_ =	sdelay $0x4  }
0x8c: {  	v17 =	vadd.f32 v18, v17;
	_ =	sdelay $0x1  }
0x8d: {  	v18 =	vmul.f32 $2.000000030e-01, v17  }
0x8e: {  	vm12 =	vge.f32 v17, $0.0e+00  }
0x8f: {  	v17 =	vsel vm12, v17, v18  }
0x90: {  	v17 =	vmul.f32 $1.442695020e+00, v17;
	_ =	sdelay $0x1  }
0x91: {  	(erf) = vpow2.f32 v17  }
0x92: {  	v18 =	vld [tilespmem:$0x50D0]  }
0x93: {  	v17 =	vld [tilespmem:$0x5050];
	_ =	sdelay $0x4  }
0x94: {  	v18 =	vshll.u32 v18, $0x1;
	v17 =	vshll.u32 v17, $0x1  }
0x95: {  	s31 =	sor.u32 $0x40, s5;
	v18 =	vor.u32 $0x1, v18  }
0x96: {  	p3 =	slt.u32 s31, $0x4E200;
	v19 =	vpop (erf)  }
0x97: {  	v19 =	vpsel !p3, $0x0, v19  }
0x98: {  	[tilespmem:$0x5140] =	vst v19  }
0x99: {  	v17 =	vld.idx.msk [tilespmem:v17+s1+$0x0], $0xffff  }
0x9a: {  	v18 =	vld.idx.msk [tilespmem:v18+s1+$0x0], $0xffff;
	_ =	sdelay $0x4  }
0x9b: {  	v17 =	vadd.f32 v18, v17;
	_ =	sdelay $0x1  }
0x9c: {  	v18 =	vmul.f32 $2.000000030e-01, v17  }
0x9d: {  	vm13 =	vge.f32 v17, $0.0e+00  }
0x9e: {  	v17 =	vsel vm13, v17, v18  }
0x9f: {  	v17 =	vmul.f32 $1.442695020e+00, v17;
	_ =	sdelay $0x1  }
0xa0: {  	(erf) = vpow2.f32 v17  }
0xa1: {  	v18 =	vld [tilespmem:$0x50E0]  }
0xa2: {  	v17 =	vld [tilespmem:$0x5060];
	_ =	sdelay $0x4  }
0xa3: {  	v18 =	vshll.u32 v18, $0x1;
	v17 =	vshll.u32 v17, $0x1  }
0xa4: {  	s31 =	sor.u32 $0x50, s5;
	v18 =	vor.u32 $0x1, v18  }
0xa5: {  	p4 =	slt.u32 s31, $0x4E200;
	v19 =	vpop (erf)  }
0xa6: {  	v19 =	vpsel !p4, $0x0, v19  }
0xa7: {  	[tilespmem:$0x5150] =	vst v19  }
0xa8: {  	v17 =	vld.idx.msk [tilespmem:v17+s1+$0x0], $0xffff  }
0xa9: {  	v18 =	vld.idx.msk [tilespmem:v18+s1+$0x0], $0xffff;
	_ =	sdelay $0x4  }
0xaa: {  	v17 =	vadd.f32 v18, v17;
	_ =	sdelay $0x1  }
0xab: {  	v18 =	vmul.f32 $2.000000030e-01, v17  }
0xac: {  	vm14 =	vge.f32 v17, $0.0e+00  }
0xad: {  	v17 =	vsel vm14, v17, v18  }
0xae: {  	v17 =	vmul.f32 $1.442695020e+00, v17;
	_ =	sdelay $0x1  }
0xaf: {  	(erf) = vpow2.f32 v17  }
0xb0: {  	v18 =	vld [tilespmem:$0x50F0]  }
0xb1: {  	v17 =	vld [tilespmem:$0x5070];
	_ =	sdelay $0x4  }
0xb2: {  	v18 =	vshll.u32 v18, $0x1;
	v17 =	vshll.u32 v17, $0x1  }
0xb3: {  	s31 =	sor.u32 $0x60, s5;
	v18 =	vor.u32 $0x1, v18  }
0xb4: {  	p5 =	slt.u32 s31, $0x4E200;
	v19 =	vpop (erf)  }
0xb5: {  	v19 =	vpsel !p5, $0x0, v19  }
0xb6: {  	[tilespmem:$0x5160] =	vst v19  }
0xb7: {  	v17 =	vld.idx.msk [tilespmem:v17+s1+$0x0], $0xffff  }
0xb8: {  	v18 =	vld.idx.msk [tilespmem:v18+s1+$0x0], $0xffff;
	_ =	sdelay $0x4  }
0xb9: {  	v17 =	vadd.f32 v18, v17;
	_ =	sdelay $0x1  }
0xba: {  	v18 =	vmul.f32 $2.000000030e-01, v17  }
0xbb: {  	vm15 =	vge.f32 v17, $0.0e+00  }
0xbc: {  	v17 =	vsel vm15, v17, v18  }
0xbd: {  	v17 =	vmul.f32 $1.442695020e+00, v17;
	_ =	sdelay $0x1  }
0xbe: {  	(erf) = vpow2.f32 v17;
	_ =	sdelay $0x7  }
0xbf: {  	s5 =	sor.u32 $0x70, s5  }
0xc0: {  	p6 =	slt.u32 s5, $0x4E200;
	v17 =	vpop (erf)  }
0xc1: {  	v17 =	vpsel !p6, $0x0, v17  }
0xc2: {  	[tilespmem:$0x5170] =	vst v17  }
0xc3: {  	[spmem:s3] =	stream.indirect.scatter.add.f32 [tilespmem:s23], [sflag:$0x2], $0x1, s25, s26, $0xb8;
	[tilespmem:$0x1D400] =	vst v63  }
0xc4: {  	_ =	swait.ge [sflag:s20], $0x80  }
0xc5: {  	[sflag:s20] =	ssyncset.done $0x0  }
0xc6: {  	[sflag:s20] =	ssyncadd.s32 $0xFFFFFF80  }
0xc7: {  	_ =	swait.ge [sflag:s29], $0x4000  }
0xc8: {  	[sflag:s29] =	ssyncset.done $0x0  }
0xc9: {  	[sflag:s29] =	ssyncadd.s32 $0xFFFFC000  }
.LBB2_3:
0xca: {  	s5 =	sshll.u32 s1, $0x4  }
0xcb: {  	s5 =	sand.u32 $0x3FFFFFF0, s5  }
0xcc: {  	s31 =	sshll.u32 s1, $0xB;
	v17 =	vld [tilespmem:s5+$0x5100]  }
0xcd: {  	s5 =	sand.u32 $0x3FFFF800, s31  }
0xce: {  	v18 =	vld [tilespmem:s5+$0x5180]  }
0xcf: {  	v19 =	vld [tilespmem:s5+$0x5190]  }
0xd0: {  	v20 =	vld [tilespmem:s5+$0x51A0]  }
0xd1: {  	v22 =	vld [tilespmem:s5+$0x51B0];
	v21 =	vperm.xlane v17, v1  }
0xd2: {  	v23 =	vld [tilespmem:s5+$0x51C0]  }
0xd3: {  	v24 =	vld [tilespmem:s5+$0x51D0];
	v18 =	vmul.f32 v18, v21  }
0xd4: {  	v25 =	vld [tilespmem:s5+$0x51E0];
	v19 =	vmul.f32 v19, v21  }
0xd5: {  	v38 =	vld [tilespmem:s5+$0x51F0];
	[tilespmem:s5+$0x5180] =	vst v18;
	v18 =	vmul.f32 v20, v21  }
0xd6: {  	v39 =	vld [tilespmem:s5+$0x5200];
	[tilespmem:s5+$0x5190] =	vst v19;
	v19 =	vmul.f32 v22, v21  }
0xd7: {  	v40 =	vld [tilespmem:s5+$0x5210];
	[tilespmem:s5+$0x51A0] =	vst v18;
	v18 =	vmul.f32 v23, v21  }
0xd8: {  	v41 =	vld [tilespmem:s5+$0x5220];
	[tilespmem:s5+$0x51B0] =	vst v19;
	v19 =	vmul.f32 v24, v21  }
0xd9: {  	v26 =	vld [tilespmem:s5+$0x5230];
	v42 =	vperm.xlane v17, v2;
	[tilespmem:s5+$0x51C0] =	vst v18;
	v18 =	vmul.f32 v25, v21  }
0xda: {  	v43 =	vld [tilespmem:s5+$0x5240];
	[tilespmem:s5+$0x51D0] =	vst v19;
	v19 =	vmul.f32 v38, v21  }
0xdb: {  	v44 =	vld [tilespmem:s5+$0x5250];
	[tilespmem:s5+$0x51E0] =	vst v18;
	v18 =	vmul.f32 v39, v42  }
0xdc: {  	v45 =	vld [tilespmem:s5+$0x5260];
	[tilespmem:s5+$0x51F0] =	vst v19;
	v19 =	vmul.f32 v40, v42  }
0xdd: {  	v46 =	vld [tilespmem:s5+$0x5270];
	[tilespmem:s5+$0x5200] =	vst v18;
	v18 =	vmul.f32 v41, v42  }
0xde: {  	v47 =	vld [tilespmem:s5+$0x5280];
	[tilespmem:s5+$0x5210] =	vst v19;
	v19 =	vmul.f32 v26, v42  }
0xdf: {  	v48 =	vld [tilespmem:s5+$0x5290];
	[tilespmem:s5+$0x5220] =	vst v18;
	v18 =	vmul.f32 v43, v42  }
0xe0: {  	v49 =	vld [tilespmem:s5+$0x52A0];
	[tilespmem:s5+$0x5230] =	vst v19;
	v19 =	vmul.f32 v44, v42  }
0xe1: {  	v51 =	vld [tilespmem:s5+$0x52B0];
	v50 =	vperm.xlane v17, v3;
	[tilespmem:s5+$0x5240] =	vst v18;
	v18 =	vmul.f32 v45, v42  }
0xe2: {  	v52 =	vld [tilespmem:s5+$0x52C0];
	[tilespmem:s5+$0x5250] =	vst v19;
	v19 =	vmul.f32 v46, v42  }
0xe3: {  	v53 =	vld [tilespmem:s5+$0x52D0];
	[tilespmem:s5+$0x5260] =	vst v18;
	v18 =	vmul.f32 v47, v50  }
0xe4: {  	v54 =	vld [tilespmem:s5+$0x52E0];
	[tilespmem:s5+$0x5270] =	vst v19;
	v19 =	vmul.f32 v48, v50  }
0xe5: {  	v55 =	vld [tilespmem:s5+$0x52F0];
	[tilespmem:s5+$0x5280] =	vst v18;
	v18 =	vmul.f32 v49, v50  }
0xe6: {  	v56 =	vld [tilespmem:s5+$0x5300];
	[tilespmem:s5+$0x5290] =	vst v19;
	v19 =	vmul.f32 v51, v50  }
0xe7: {  	v57 =	vld [tilespmem:s5+$0x5310];
	[tilespmem:s5+$0x52A0] =	vst v18;
	v18 =	vmul.f32 v52, v50  }
0xe8: {  	v58 =	vld [tilespmem:s5+$0x5320];
	[tilespmem:s5+$0x52B0] =	vst v19;
	v19 =	vmul.f32 v53, v50  }
0xe9: {  	v60 =	vld [tilespmem:s5+$0x5330];
	v59 =	vperm.xlane v17, v4;
	[tilespmem:s5+$0x52C0] =	vst v18;
	v18 =	vmul.f32 v54, v50  }
0xea: {  	v61 =	vld [tilespmem:s5+$0x5340];
	[tilespmem:s5+$0x52D0] =	vst v19;
	v19 =	vmul.f32 v55, v50  }
0xeb: {  	v62 =	vld [tilespmem:s5+$0x5350];
	[tilespmem:s5+$0x52E0] =	vst v18;
	v18 =	vmul.f32 v56, v59  }
0xec: {  	v63 =	vld [tilespmem:s5+$0x5360];
	[tilespmem:s5+$0x52F0] =	vst v19;
	v19 =	vmul.f32 v57, v59  }
0xed: {  	v28 =	vld [tilespmem:s5+$0x5370];
	[tilespmem:s5+$0x5300] =	vst v18;
	v18 =	vmul.f32 v58, v59  }
0xee: {  	v29 =	vld [tilespmem:s5+$0x5380];
	[tilespmem:s5+$0x5310] =	vst v19;
	v19 =	vmul.f32 v60, v59  }
0xef: {  	v30 =	vld [tilespmem:s5+$0x5390];
	[tilespmem:s5+$0x5320] =	vst v18;
	v18 =	vmul.f32 v61, v59  }
0xf0: {  	v31 =	vld [tilespmem:s5+$0x53A0];
	[tilespmem:s5+$0x5330] =	vst v19;
	v19 =	vmul.f32 v62, v59  }
0xf1: {  	v33 =	vld [tilespmem:s5+$0x53B0];
	v32 =	vperm.xlane v17, v5;
	[tilespmem:s5+$0x5340] =	vst v18;
	v18 =	vmul.f32 v63, v59  }
0xf2: {  	v34 =	vld [tilespmem:s5+$0x53C0];
	[tilespmem:s5+$0x5350] =	vst v19;
	v19 =	vmul.f32 v28, v59  }
0xf3: {  	v35 =	vld [tilespmem:s5+$0x53D0];
	[tilespmem:s5+$0x5360] =	vst v18;
	v18 =	vmul.f32 v29, v32  }
0xf4: {  	v36 =	vld [tilespmem:s5+$0x53E0];
	[tilespmem:s5+$0x5370] =	vst v19;
	v19 =	vmul.f32 v30, v32  }
0xf5: {  	v37 =	vld [tilespmem:s5+$0x53F0];
	[tilespmem:s5+$0x5380] =	vst v18;
	v18 =	vmul.f32 v31, v32  }
0xf6: {  	v38 =	vld [tilespmem:s5+$0x5400];
	[tilespmem:s5+$0x5390] =	vst v19;
	v19 =	vmul.f32 v33, v32  }
0xf7: {  	v39 =	vld [tilespmem:s5+$0x5410];
	[tilespmem:s5+$0x53A0] =	vst v18;
	v18 =	vmul.f32 v34, v32  }
0xf8: {  	v40 =	vld [tilespmem:s5+$0x5420];
	[tilespmem:s5+$0x53B0] =	vst v19;
	v19 =	vmul.f32 v35, v32  }
0xf9: {  	v41 =	vperm.xlane v17, v6;
	v42 =	vld [tilespmem:s5+$0x5430];
	[tilespmem:s5+$0x53C0] =	vst v18;
	v18 =	vmul.f32 v36, v32  }
0xfa: {  	v43 =	vld [tilespmem:s5+$0x5440];
	[tilespmem:s5+$0x53D0] =	vst v19;
	v19 =	vmul.f32 v37, v32  }
0xfb: {  	v44 =	vld [tilespmem:s5+$0x5450];
	[tilespmem:s5+$0x53E0] =	vst v18;
	v18 =	vmul.f32 v38, v41  }
0xfc: {  	v45 =	vld [tilespmem:s5+$0x5460];
	[tilespmem:s5+$0x53F0] =	vst v19;
	v19 =	vmul.f32 v39, v41  }
0xfd: {  	v46 =	vld [tilespmem:s5+$0x5470];
	[tilespmem:s5+$0x5400] =	vst v18;
	v18 =	vmul.f32 v40, v41  }
0xfe: {  	v47 =	vld [tilespmem:s5+$0x5480];
	[tilespmem:s5+$0x5410] =	vst v19;
	v19 =	vmul.f32 v42, v41  }
0xff: {  	v48 =	vld [tilespmem:s5+$0x5490];
	[tilespmem:s5+$0x5420] =	vst v18;
	v18 =	vmul.f32 v43, v41  }
0x100: {  	v49 =	vld [tilespmem:s5+$0x54A0];
	[tilespmem:s5+$0x5430] =	vst v19;
	v19 =	vmul.f32 v44, v41  }
0x101: {  	v51 =	vld [tilespmem:s5+$0x54B0];
	v50 =	vperm.xlane v17, v7;
	[tilespmem:s5+$0x5440] =	vst v18;
	v18 =	vmul.f32 v45, v41  }
0x102: {  	v52 =	vld [tilespmem:s5+$0x54C0];
	[tilespmem:s5+$0x5450] =	vst v19;
	v19 =	vmul.f32 v46, v41  }
0x103: {  	v53 =	vld [tilespmem:s5+$0x54D0];
	[tilespmem:s5+$0x5460] =	vst v18;
	v18 =	vmul.f32 v47, v50  }
0x104: {  	v54 =	vld [tilespmem:s5+$0x54E0];
	[tilespmem:s5+$0x5470] =	vst v19;
	v19 =	vmul.f32 v48, v50  }
0x105: {  	v55 =	vld [tilespmem:s5+$0x54F0];
	[tilespmem:s5+$0x5480] =	vst v18;
	v18 =	vmul.f32 v49, v50  }
0x106: {  	v56 =	vld [tilespmem:s5+$0x5500];
	[tilespmem:s5+$0x5490] =	vst v19;
	v19 =	vmul.f32 v51, v50  }
0x107: {  	v57 =	vld [tilespmem:s5+$0x5510];
	[tilespmem:s5+$0x54A0] =	vst v18;
	v18 =	vmul.f32 v52, v50  }
0x108: {  	v58 =	vld [tilespmem:s5+$0x5520];
	[tilespmem:s5+$0x54B0] =	vst v19;
	v19 =	vmul.f32 v53, v50  }
0x109: {  	v60 =	vld [tilespmem:s5+$0x5530];
	v59 =	vperm.xlane v17, v8;
	[tilespmem:s5+$0x54C0] =	vst v18;
	v18 =	vmul.f32 v54, v50  }
0x10a: {  	v61 =	vld [tilespmem:s5+$0x5540];
	[tilespmem:s5+$0x54D0] =	vst v19;
	v19 =	vmul.f32 v55, v50  }
0x10b: {  	v62 =	vld [tilespmem:s5+$0x5550];
	[tilespmem:s5+$0x54E0] =	vst v18;
	v18 =	vmul.f32 v56, v59  }
0x10c: {  	v63 =	vld [tilespmem:s5+$0x5560];
	[tilespmem:s5+$0x54F0] =	vst v19;
	v19 =	vmul.f32 v57, v59  }
0x10d: {  	v28 =	vld [tilespmem:s5+$0x5570];
	[tilespmem:s5+$0x5500] =	vst v18;
	v18 =	vmul.f32 v58, v59  }
0x10e: {  	v29 =	vld [tilespmem:s5+$0x5580];
	[tilespmem:s5+$0x5510] =	vst v19;
	v19 =	vmul.f32 v60, v59  }
0x10f: {  	v30 =	vld [tilespmem:s5+$0x5590];
	[tilespmem:s5+$0x5520] =	vst v18;
	v18 =	vmul.f32 v61, v59  }
0x110: {  	v31 =	vld [tilespmem:s5+$0x55A0];
	[tilespmem:s5+$0x5530] =	vst v19;
	v19 =	vmul.f32 v62, v59  }
0x111: {  	v33 =	vld [tilespmem:s5+$0x55B0];
	v32 =	vperm.xlane v17, v9;
	[tilespmem:s5+$0x5540] =	vst v18;
	v18 =	vmul.f32 v63, v59  }
0x112: {  	v34 =	vld [tilespmem:s5+$0x55C0];
	[tilespmem:s5+$0x5550] =	vst v19;
	v19 =	vmul.f32 v28, v59  }
0x113: {  	v35 =	vld [tilespmem:s5+$0x55D0];
	[tilespmem:s5+$0x5560] =	vst v18;
	v18 =	vmul.f32 v29, v32  }
0x114: {  	v36 =	vld [tilespmem:s5+$0x55E0];
	[tilespmem:s5+$0x5570] =	vst v19;
	v19 =	vmul.f32 v30, v32  }
0x115: {  	v37 =	vld [tilespmem:s5+$0x55F0];
	[tilespmem:s5+$0x5580] =	vst v18;
	v18 =	vmul.f32 v31, v32  }
0x116: {  	v38 =	vld [tilespmem:s5+$0x5600];
	[tilespmem:s5+$0x5590] =	vst v19;
	v19 =	vmul.f32 v33, v32  }
0x117: {  	v39 =	vld [tilespmem:s5+$0x5610];
	[tilespmem:s5+$0x55A0] =	vst v18;
	v18 =	vmul.f32 v34, v32  }
0x118: {  	v40 =	vld [tilespmem:s5+$0x5620];
	[tilespmem:s5+$0x55B0] =	vst v19;
	v19 =	vmul.f32 v35, v32  }
0x119: {  	v42 =	vld [tilespmem:s5+$0x5630];
	v41 =	vperm.xlane v17, v10;
	[tilespmem:s5+$0x55C0] =	vst v18;
	v18 =	vmul.f32 v36, v32  }
0x11a: {  	v43 =	vld [tilespmem:s5+$0x5640];
	[tilespmem:s5+$0x55D0] =	vst v19;
	v19 =	vmul.f32 v37, v32  }
0x11b: {  	v44 =	vld [tilespmem:s5+$0x5650];
	[tilespmem:s5+$0x55E0] =	vst v18;
	v18 =	vmul.f32 v38, v41  }
0x11c: {  	v45 =	vld [tilespmem:s5+$0x5660];
	[tilespmem:s5+$0x55F0] =	vst v19;
	v19 =	vmul.f32 v39, v41  }
0x11d: {  	v46 =	vld [tilespmem:s5+$0x5670];
	[tilespmem:s5+$0x5600] =	vst v18;
	v18 =	vmul.f32 v40, v41  }
0x11e: {  	v47 =	vld [tilespmem:s5+$0x5680];
	[tilespmem:s5+$0x5610] =	vst v19;
	v19 =	vmul.f32 v42, v41  }
0x11f: {  	v48 =	vld [tilespmem:s5+$0x5690];
	[tilespmem:s5+$0x5620] =	vst v18;
	v18 =	vmul.f32 v43, v41  }
0x120: {  	v49 =	vld [tilespmem:s5+$0x56A0];
	[tilespmem:s5+$0x5630] =	vst v19;
	v19 =	vmul.f32 v44, v41  }
0x121: {  	v51 =	vld [tilespmem:s5+$0x56B0];
	v50 =	vperm.xlane v17, v11;
	[tilespmem:s5+$0x5640] =	vst v18;
	v18 =	vmul.f32 v45, v41  }
0x122: {  	v52 =	vld [tilespmem:s5+$0x56C0];
	[tilespmem:s5+$0x5650] =	vst v19;
	v19 =	vmul.f32 v46, v41  }
0x123: {  	v53 =	vld [tilespmem:s5+$0x56D0];
	[tilespmem:s5+$0x5660] =	vst v18;
	v18 =	vmul.f32 v47, v50  }
0x124: {  	v54 =	vld [tilespmem:s5+$0x56E0];
	[tilespmem:s5+$0x5670] =	vst v19;
	v19 =	vmul.f32 v48, v50  }
0x125: {  	v55 =	vld [tilespmem:s5+$0x56F0];
	[tilespmem:s5+$0x5680] =	vst v18;
	v18 =	vmul.f32 v49, v50  }
0x126: {  	v56 =	vld [tilespmem:s5+$0x5700];
	[tilespmem:s5+$0x5690] =	vst v19;
	v19 =	vmul.f32 v51, v50  }
0x127: {  	v57 =	vld [tilespmem:s5+$0x5710];
	[tilespmem:s5+$0x56A0] =	vst v18;
	v18 =	vmul.f32 v52, v50  }
0x128: {  	v58 =	vld [tilespmem:s5+$0x5720];
	[tilespmem:s5+$0x56B0] =	vst v19;
	v19 =	vmul.f32 v53, v50  }
0x129: {  	v60 =	vld [tilespmem:s5+$0x5730];
	v59 =	vperm.xlane v17, v12;
	[tilespmem:s5+$0x56C0] =	vst v18;
	v18 =	vmul.f32 v54, v50  }
0x12a: {  	v61 =	vld [tilespmem:s5+$0x5740];
	[tilespmem:s5+$0x56D0] =	vst v19;
	v19 =	vmul.f32 v55, v50  }
0x12b: {  	v62 =	vld [tilespmem:s5+$0x5750];
	[tilespmem:s5+$0x56E0] =	vst v18;
	v18 =	vmul.f32 v56, v59  }
0x12c: {  	v63 =	vld [tilespmem:s5+$0x5760];
	[tilespmem:s5+$0x56F0] =	vst v19;
	v19 =	vmul.f32 v57, v59  }
0x12d: {  	v28 =	vld [tilespmem:s5+$0x5770];
	[tilespmem:s5+$0x5700] =	vst v18;
	v18 =	vmul.f32 v58, v59  }
0x12e: {  	v29 =	vld [tilespmem:s5+$0x5780];
	[tilespmem:s5+$0x5710] =	vst v19;
	v19 =	vmul.f32 v60, v59  }
0x12f: {  	v30 =	vld [tilespmem:s5+$0x5790];
	[tilespmem:s5+$0x5720] =	vst v18;
	v18 =	vmul.f32 v61, v59  }
0x130: {  	v31 =	vld [tilespmem:s5+$0x57A0];
	[tilespmem:s5+$0x5730] =	vst v19;
	v19 =	vmul.f32 v62, v59  }
0x131: {  	v33 =	vld [tilespmem:s5+$0x57B0];
	v32 =	vperm.xlane v17, v13;
	[tilespmem:s5+$0x5740] =	vst v18;
	v18 =	vmul.f32 v63, v59  }
0x132: {  	v34 =	vld [tilespmem:s5+$0x57C0];
	[tilespmem:s5+$0x5750] =	vst v19;
	v19 =	vmul.f32 v28, v59  }
0x133: {  	v35 =	vld [tilespmem:s5+$0x57D0];
	[tilespmem:s5+$0x5760] =	vst v18;
	v18 =	vmul.f32 v29, v32  }
0x134: {  	v36 =	vld [tilespmem:s5+$0x57E0];
	[tilespmem:s5+$0x5770] =	vst v19;
	v19 =	vmul.f32 v30, v32  }
0x135: {  	v37 =	vld [tilespmem:s5+$0x57F0];
	[tilespmem:s5+$0x5780] =	vst v18;
	v18 =	vmul.f32 v31, v32  }
0x136: {  	v38 =	vld [tilespmem:s5+$0x5800];
	[tilespmem:s5+$0x5790] =	vst v19;
	v19 =	vmul.f32 v33, v32  }
0x137: {  	v39 =	vld [tilespmem:s5+$0x5810];
	[tilespmem:s5+$0x57A0] =	vst v18;
	v18 =	vmul.f32 v34, v32  }
0x138: {  	v40 =	vld [tilespmem:s5+$0x5820];
	[tilespmem:s5+$0x57B0] =	vst v19;
	v19 =	vmul.f32 v35, v32  }
0x139: {  	v42 =	vld [tilespmem:s5+$0x5830];
	v41 =	vperm.xlane v17, v14;
	[tilespmem:s5+$0x57C0] =	vst v18;
	v18 =	vmul.f32 v36, v32  }
0x13a: {  	v43 =	vld [tilespmem:s5+$0x5840];
	[tilespmem:s5+$0x57D0] =	vst v19;
	v19 =	vmul.f32 v37, v32  }
0x13b: {  	v44 =	vld [tilespmem:s5+$0x5850];
	[tilespmem:s5+$0x57E0] =	vst v18;
	v18 =	vmul.f32 v38, v41  }
0x13c: {  	v45 =	vld [tilespmem:s5+$0x5860];
	[tilespmem:s5+$0x57F0] =	vst v19;
	v19 =	vmul.f32 v39, v41  }
0x13d: {  	v46 =	vld [tilespmem:s5+$0x5870];
	[tilespmem:s5+$0x5800] =	vst v18;
	v18 =	vmul.f32 v40, v41  }
0x13e: {  	v47 =	vld [tilespmem:s5+$0x5880];
	[tilespmem:s5+$0x5810] =	vst v19;
	v19 =	vmul.f32 v42, v41  }
0x13f: {  	v48 =	vld [tilespmem:s5+$0x5890];
	[tilespmem:s5+$0x5820] =	vst v18;
	v18 =	vmul.f32 v43, v41  }
0x140: {  	v49 =	vld [tilespmem:s5+$0x58A0];
	[tilespmem:s5+$0x5830] =	vst v19;
	v19 =	vmul.f32 v44, v41  }
0x141: {  	v51 =	vld [tilespmem:s5+$0x58B0];
	v50 =	vperm.xlane v17, v15;
	[tilespmem:s5+$0x5840] =	vst v18;
	v18 =	vmul.f32 v45, v41  }
0x142: {  	v52 =	vld [tilespmem:s5+$0x58C0];
	[tilespmem:s5+$0x5850] =	vst v19;
	v19 =	vmul.f32 v46, v41  }
0x143: {  	v53 =	vld [tilespmem:s5+$0x58D0];
	[tilespmem:s5+$0x5860] =	vst v18;
	v18 =	vmul.f32 v47, v50  }
0x144: {  	v54 =	vld [tilespmem:s5+$0x58E0];
	[tilespmem:s5+$0x5870] =	vst v19;
	v19 =	vmul.f32 v48, v50  }
0x145: {  	v55 =	vld [tilespmem:s5+$0x58F0];
	[tilespmem:s5+$0x5880] =	vst v18;
	v18 =	vmul.f32 v49, v50  }
0x146: {  	v56 =	vld [tilespmem:s5+$0x5900];
	[tilespmem:s5+$0x5890] =	vst v19;
	v19 =	vmul.f32 v51, v50  }
0x147: {  	v57 =	vld [tilespmem:s5+$0x5910];
	[tilespmem:s5+$0x58A0] =	vst v18;
	v18 =	vmul.f32 v52, v50  }
0x148: {  	v58 =	vld [tilespmem:s5+$0x5920];
	[tilespmem:s5+$0x58B0] =	vst v19;
	v19 =	vmul.f32 v53, v50  }
0x149: {  	v17 =	vperm.xlane v17, v16;
	v59 =	vld [tilespmem:s5+$0x5930];
	[tilespmem:s5+$0x58C0] =	vst v18;
	v18 =	vmul.f32 v54, v50  }
0x14a: {  	v60 =	vld [tilespmem:s5+$0x5940];
	[tilespmem:s5+$0x58D0] =	vst v19;
	v19 =	vmul.f32 v55, v50  }
0x14b: {  	v61 =	vld [tilespmem:s5+$0x5950];
	[tilespmem:s5+$0x58E0] =	vst v18;
	v18 =	vmul.f32 v56, v17  }
0x14c: {  	v62 =	vld [tilespmem:s5+$0x5960];
	[tilespmem:s5+$0x58F0] =	vst v19;
	v19 =	vmul.f32 v57, v17  }
0x14d: {  	v63 =	vld [tilespmem:s5+$0x5970];
	[tilespmem:s5+$0x5900] =	vst v18;
	v18 =	vmul.f32 v58, v17  }
0x14e: {  	[tilespmem:s5+$0x5910] =	vst v19;
	v19 =	vmul.f32 v59, v17  }
0x14f: {  	p0 =	sne.s32 s1, $0x7;
	[tilespmem:s5+$0x5920] =	vst v18;
	v18 =	vmul.f32 v60, v17  }
.Ltmp0:
0x150: {  	[tilespmem:s5+$0x5930] =	vst v19;
	v19 =	vmul.f32 v61, v17;
	(pc) =	sbr.rel @p0 .LBB2_3-.Ltmp0, $4  }
0x151: {  	[tilespmem:s5+$0x5940] =	vst v18;
	v18 =	vmul.f32 v62, v17  }
0x152: {  	[tilespmem:s5+$0x5950] =	vst v19;
	v17 =	vmul.f32 v63, v17  }
0x153: {  	[tilespmem:s5+$0x5960] =	vst v18  }
0x154: {  	s1 =	sadd.s32 $0x1, s1;
	[tilespmem:s5+$0x5970] =	vst v17  }
0x155: {  	s4 =	sadd.s32 $0x1, s4  }
0x156: {  	p0 =	sne.s32 s4, $0x4F  }
.Ltmp1:
0x157: {  	_ = 	snop;
	(pc) =	sbr.rel @p0 .LBB2_2-.Ltmp1, $4  }
0x158: {  	[spmem:s2] =	stream.indirect.scatter.add.f32 [tilespmem:s28], [sflag:$0x2], $0x80, s25, s26, $0xb8;
	[tilespmem:$0x1D400] =	vst v63  }
0x159: {  	_ =	swait.ge [sflag:s20], $0x4000  }
0x15a: {  	[sflag:s20] =	ssyncset.done $0x0  }
0x15b: {  	[sflag:s20] =	ssyncadd.s32 $0xFFFFC000  }
0x15c: {  	[bflag:$0x0] =	sbarrier.arrive $0xFFFF  }
0x15d: {  	s1 =	sshrl.u32 s10, $0x3;
	s4 =	simm.s32 $0x20;
	s5 =	simm.s32 $0x10  }
0x15e: {  	[hbm:s17@s4], [sflag:s21] =	dma.strided [spmem:s1@s5], $0x50, s29, $0x10   }
0x15f: {  	s0 =	sadd.s32 $0x1, s0;
	_ =	swait.ge [sflag:s20], $0x50  }
0x160: {  	p0 =	sne.s32 s0, s19;
	[sflag:s20] =	ssyncset.done $0x0  }
.Ltmp2:
0x161: {  	[sflag:s20] =	ssyncadd.s32 $0xFFFFFFB0;
	(pc) =	sbr.rel @p0 .LBB2_1-.Ltmp2, $4  }
0x162: {  	[hbm:s18], [sflag:s21] =	dma.local [spmem:s22], $0x2800  }
0x163: {  	_ =	swait.ge [sflag:s20], $0x2800  }
0x164: {  	[sflag:s20] =	ssyncset.done $0x0  }
0x165: {  	[sflag:s20] =	ssyncadd.s32 $0xFFFFD800  }
0x166: {  	_ =	sfence.sel $0x180000  }
0x167: {  	[bflag:$0x0] =	sbarrier.arrive $0xFFFF  }
0x168: {  	_ =	strace $0x9000004A  }
0x169: {  	s0 =	stileid.u32;
	[bflag:$0x2] =	sbarrier.arrive $0xFFFF  }
0x16a: {  	p0 =	sne.s32 s0, $0x0;
	s0 =	rddreg [dreg:$0x4]  }
0x16b: {  	s0 =	sadd.s32 @!p0 $0x100000, s0  }
0x16c: {  	[sflag:s0] =	ssyncadd.tile.s32 @!p0 $0x1;
	_ =	shalt  }
.Lfunc_end2:
_tile_overlayer_lowered:
.L_overlay_start_2:
0x16d: {  	(tag) =	ssettag $0x2  }
0x16e: {  	s0 =	rddreg [dreg:$0x0];
	s2 =	stileid.u32  }
0x16f: {  	s1 =	rddreg [dreg:$0x1];
	p0 =	sne.s32 s2, $0x0  }
0x170: {  	s3 =	rddreg [dreg:$0x2];
	[bflag:$0x3] =	sbarrier.arrive $0xFFFF;
	s2 =	simm.s32 @!p0 $0x1C02  }
0x171: {  	[timem:s3], [sflag:s2] =	dma.local @!p0 [hbm:s0], s1  }
0x172: {  	s0 =	simm.s32 @!p0 $0x2  }
0x173: {  	_ =	swait.ge @!p0 [sflag:s0], s1  }
0x174: {  	s1 =	ssub.s32 @!p0 $0x0, s1;
	[sflag:s0] =	ssyncset.done @!p0 $0x0  }
0x175: {  	[sflag:s0] =	ssyncadd.s32 @!p0 s1  }
0x176: {  	[bflag:$0x3] =	sbarrier.arrive $0xFFFF  }
0x177: {  	_ =	shalt  }

// kernel: kernel.7.cloned.1.call-start
scs
__scs_entry_jumppad:
0x0: {  	(pc) =	sbr.rel $0x88, $3  }
0x1: {  	(tag) =	ssettag $0x0;
	lr =	simm.s32 $0x1  }
0x2: {  	[smem:$0x3F8E] =	sst lr;
	_ =	strace $0xD0000000  }
0x3: {  	_ = 	snop  }
0x4: {  	_ = 	snop  }
0x5: {  	_ = 	snop  }
0x6: {  	_ = 	snop  }
0x7: {  	_ = 	snop  }
__scs_overlays_trampoline_lowered:
0x8: {  	[smem:$0x3F9D] =	sst s0  }
0x9: {  	[smem:$0x3F9E] =	sst s1  }
0xa: {  	[smem:$0x3F9F] =	sst s2  }
0xb: {  	[smem:$0x3FA0] =	sst s3  }
0xc: {  	[smem:$0x3FA1] =	sst s4  }
0xd: {  	[smem:$0x3FA2] =	sst s5  }
0xe: {  	[smem:$0x3FA3] =	sst s6  }
0xf: {  	[smem:$0x3FA4] =	sst s7  }
0x10: {  	[smem:$0x3FA5] =	sst s8  }
0x11: {  	[smem:$0x3FA6] =	sst s9;
	s0 =	simm.s32 @!p0 $0x0  }
0x12: {  	s1 =	sld [smem:$0x3F8C];
	s0 =	simm.s32 @p0 $0x1  }
0x13: {  	[smem:$0x3FA7] =	sst s0;
	s0 =	simm.s32 @!p1 $0x0  }
0x14: {  	s2 =	sld [smem:$0x3F8B];
	s0 =	simm.s32 @p1 $0x1  }
0x15: {  	[smem:$0x3FA8] =	sst s0;
	s0 =	simm.s32 @!p2 $0x0  }
0x16: {  	s3 =	sld [smem:$0x3FDB];
	s0 =	simm.s32 @p2 $0x1  }
0x17: {  	s4 =	simm.s32 $0x1BF5;
	[smem:$0x3FAA] =	sst s0  }
0x18: {  	s0 =	sld [smem:$0x3F8D];
	_ =	swait.ge [sflag:s4], $0x0  }
0x19: {  	s7 =	sld [smem:$0x3F8E]  }
0x1a: {  	s8 =	sadd.s32 $0xFFFFE003, lr  }
0x1b: {  	s9 =	sadd.s32 $0xFFFFFEF7, lr;
	s5 =	simm.s32 $0xFFFFFFFF;
	p2 =	slt.u32 s8, $0xFFFFF086  }
0x1c: {  	p1 =	slt.u32 s9, $0xF7A;
	s5 =	simm.s32 @!p2 $0x0  }
0x1d: {  	s5 =	simm.s32 @p1 $0x1;
	p0 =	seq.s32 s7, s2  }
0x1e: {  	s7 =	smul.u32 @!p0 $0xF7A, s2;
	p2 =	seq.s32 @!p0 s5, $0x0  }
0x1f: {  	s9 =	smul.u32 $0xF7A, s1;
	s8 =	simm.s32 @!p0 $0x1BF5;
	p2 =	por !p2, p0  }
0x20: {  	[sflag:s8] =	ssyncset.s32 @!p0 $0xFFFFF086;
	s6 =	sadd.s32 @!p0 s3, s7;
	s7 =	simm.s32 @!p0 $0x108  }
0x21: {  	s3 =	sadd.s32 s3, s9;
	s6 =	sadd.s32 @!p0 $0x88, s6;
	s7 =	simm.s32 @p2 $0x1082  }
0x22: {  	[simem:s7], [sflag:s8] =	dma.local @!p0 [hbm:s6], $0xF7A  }
0x23: {  	s9 =	sor.u32 $0xD0000000, s2;
	s6 =	simm.s32 $0x108;
	_ =	swait.ge @!p0 [sflag:s8], $0x0  }
0x24: {  	s3 =	sadd.s32 $0x88, s3;
	s6 =	simm.s32 @!p1 $0x1082;
	[sflag:s4] =	ssyncset.s32 $0xFFFFF086  }
0x25: {  	[simem:s6], [sflag:s4] =	dma.local [hbm:s3], $0xF7A  }
0x26: {  	[smem:$0x3F8E] =	sst s1;
	(tag) =	ssettag s2;
	_ =	strace s9  }
0x27: {  	s1 =	sld [smem:$0x3F9E]  }
0x28: {  	s2 =	sld [smem:$0x3F9F]  }
0x29: {  	s4 =	sld [smem:$0x3FA1]  }
0x2a: {  	p0 =	seq.s32 s5, $0x0;
	s5 =	sld [smem:$0x3FA2]  }
0x2b: {  	s6 =	sld [smem:$0x3FA3]  }
0x2c: {  	s7 =	sld [smem:$0x3FA4]  }
0x2d: {  	s3 =	simm.s32 $0x108;
	s8 =	sld [smem:$0x3FA5]  }
0x2e: {  	s3 =	simm.s32 @!p0 $0x1082;
	s9 =	sld [smem:$0x3FA6]  }
0x2f: {  	lr =	sadd.s32 s0, s3;
	s0 =	sld [smem:$0x3F9D]  }
0x30: {  	s3 =	sld [smem:$0x3FA0]  }
0x31: {  	[smem:$0x3FA9] =	sst s10  }
0x32: {  	s10 =	sld [smem:$0x3FA7];
	_ =	sdelay $0x3  }
0x33: {  	p0 =	seq.s32 s10, $0x1;
	s10 =	sld [smem:$0x3FA9];
	_ =	sdelay $0x3  }
0x34: {  	[smem:$0x3FA9] =	sst s10  }
0x35: {  	s10 =	sld [smem:$0x3FA8];
	_ =	sdelay $0x3  }
0x36: {  	p1 =	seq.s32 s10, $0x1;
	s10 =	sld [smem:$0x3FA9];
	_ =	sdelay $0x3  }
0x37: {  	[smem:$0x3FA9] =	sst s10  }
0x38: {  	s10 =	sld [smem:$0x3FAA]  }
0x39: {  	_ = 	snop;
	(pc) =	sbr.ind lr, $3  }
0x3a: {  	_ = 	snop  }
0x3b: {  	_ = 	snop  }
0x3c: {  	p2 =	seq.s32 s10, $0x1;
	s10 =	sld [smem:$0x3FA9]  }
0x3d: {  	_ =	shalt  }
0x3e: {  	_ =	shalt  }
0x3f: {  	_ =	shalt  }
0x40: {  	_ =	shalt  }
0x41: {  	_ =	shalt  }
0x42: {  	_ =	shalt  }
0x43: {  	_ =	shalt  }
0x44: {  	_ =	shalt  }
0x45: {  	_ =	shalt  }
0x46: {  	_ =	shalt  }
0x47: {  	_ =	shalt  }
0x48: {  	_ =	shalt  }
0x49: {  	_ =	shalt  }
0x4a: {  	_ =	shalt  }
0x4b: {  	_ =	shalt  }
0x4c: {  	_ =	shalt  }
0x4d: {  	_ =	shalt  }
0x4e: {  	_ =	shalt  }
0x4f: {  	_ =	shalt  }
0x50: {  	_ =	shalt  }
0x51: {  	_ =	shalt  }
0x52: {  	_ =	shalt  }
0x53: {  	_ =	shalt  }
0x54: {  	_ =	shalt  }
0x55: {  	_ =	shalt  }
0x56: {  	_ =	shalt  }
0x57: {  	_ =	shalt  }
0x58: {  	_ =	shalt  }
0x59: {  	_ =	shalt  }
0x5a: {  	_ =	shalt  }
0x5b: {  	_ =	shalt  }
0x5c: {  	_ =	shalt  }
0x5d: {  	_ =	shalt  }
0x5e: {  	_ =	shalt  }
0x5f: {  	_ =	shalt  }
0x60: {  	_ =	shalt  }
0x61: {  	_ =	shalt  }
0x62: {  	_ =	shalt  }
0x63: {  	_ =	shalt  }
0x64: {  	_ =	shalt  }
0x65: {  	_ =	shalt  }
0x66: {  	_ =	shalt  }
0x67: {  	_ =	shalt  }
0x68: {  	_ =	shalt  }
0x69: {  	_ =	shalt  }
0x6a: {  	_ =	shalt  }
0x6b: {  	_ =	shalt  }
0x6c: {  	_ =	shalt  }
0x6d: {  	_ =	shalt  }
0x6e: {  	_ =	shalt  }
0x6f: {  	_ =	shalt  }
0x70: {  	_ =	shalt  }
0x71: {  	_ =	shalt  }
0x72: {  	_ =	shalt  }
0x73: {  	_ =	shalt  }
0x74: {  	_ =	shalt  }
0x75: {  	_ =	shalt  }
0x76: {  	_ =	shalt  }
0x77: {  	_ =	shalt  }
0x78: {  	_ =	shalt  }
0x79: {  	_ =	shalt  }
0x7a: {  	_ =	shalt  }
0x7b: {  	_ =	shalt  }
0x7c: {  	_ =	shalt  }
0x7d: {  	_ =	shalt  }
0x7e: {  	_ =	shalt  }
0x7f: {  	_ =	shalt  }
0x80: {  	_ =	shalt  }
0x81: {  	_ =	shalt  }
0x82: {  	_ =	shalt  }
0x83: {  	_ =	shalt  }
0x84: {  	_ =	shalt  }
0x85: {  	_ =	shalt  }
0x86: {  	_ =	shalt  }
0x87: {  	_ =	shalt  }
.Lfunc_end0:
.L_simem_size_0:
called_computation_lowered:
.L_overlay_start_0:
0x88: {  	s2 =	sld [smem:$0x3FD9]  }
0x89: {  	s3 =	sld [smem:$0x3FFE];
	_ =	sdelay $0x1  }
0x8a: {  	s1 =	srdreg.scid  }
0x8b: {  	s0 =	sand.u32 $0x1, s1  }
0x8c: {  	s17 =	sshll.u32 s0, $0xA;
	s2 =	sadd.s32 s3, s2  }
0x8d: {  	s2 =	sadd.s32 s2, s17  }
0x8e: {  	[smem:$0x3FB5] =	sst s2  }
0x8f: {  	_ = 	snop  }
0x90: {  	s2 =	sld [smem:$0x3FD0];
	(tm) =	ssettm $0x1  }
0x91: {  	s18 =	sld [smem:$0x3FFB];
	_ =	sdelay $0x3  }
0x92: {  	_ =	strace s18  }
0x93: {  	s3 =	sld [smem:$0x3FFC];
	_ =	sdelay $0x3  }
0x94: {  	_ =	strace s3  }
0x95: {  	s3 =	sld [smem:$0x3FFD];
	_ =	sdelay $0x3  }
0x96: {  	_ =	strace s3  }
0x97: {  	_ =	strace $0x8FFFFFFF  }
0x98: {  	s19 =	sld [smem:$0x3FDB];
	_ =	sdelay $0x1  }
0x99: {  	s4 =	simm.s32 $_scs_section_size  }
0x9a: {  	s5 =	simm.s32 $_size__tile_overlayer_lowered;
	s6 =	simm.s32 $_tile_overlayer_lowered  }
0x9b: {  	s22 =	simm.s32 $0x1BFF;
	s21 =	sshll.u32 s6, $0x1;
	s3 =	sadd.s32 s4, s19  }
0x9c: {  	s7 =	simm.s32 $0x0;
	s20 =	sshll.u32 s5, $0x1;
	s5 =	sadd.s32 s21, s3  }
0x9d: {  	[timem:s7], [sflag:s22] =	dma.local [hbm:s5], s20  }
0x9e: {  	_ =	swait.ge [sflag:s22], s20  }
0x9f: {  	s4 =	ssub.s32 $0x0, s20;
	[sflag:s22] =	ssyncset.done $0x0  }
0xa0: {  	[sflag:s22] =	ssyncadd.s32 s4;
	_ =	sdelay $0x1  }
0xa1: {  	s23 =	simm.s32 $0x1B8B  }
0xa2: {  	_ =	swait.ge [sflag:s23], $0x1  }
0xa3: {  	[sflag:s23] =	ssyncset.done $0x0  }
0xa4: {  	s25 =	simm.s32 $0x1B8E;
	s24 =	sld [smem:$0x3FFE];
	[sflag:s23] =	ssyncadd.s32 $0xFFFFFFFF  }
0xa5: {  	s26 =	simm.s32 $execute0_lowered;
	[smem:$0x3FD2] =	sst s25  }
0xa6: {  	s5 =	sshll.u32 s26, $0x1;
	_ =	strace $0x80000046;
	[dreg:$0x1] =	wrdreg $0xFFFFFFFF  }
0xa7: {  	s28 =	simm.s32 $_size_execute0_lowered;
	s3 =	sadd.s32 s3, s5;
	[dreg:$0x0] =	wrdreg $0x0  }
0xa8: {  	s5 =	sshll.u32 s28, $0x1;
	[dreg:$0x2] =	wrdreg s3  }
0xa9: {  	[dreg:$0x3] =	wrdreg s5  }
0xaa: {  	[dreg:$0x4] =	wrdreg $0xC0  }
0xab: {  	_ =	task [dreg:s7], $0x5FFFF  }
0xac: {  	[dreg:$0x1] =	wrdreg $0xFFFFFFFF  }
0xad: {  	[dreg:$0x0] =	wrdreg $0x60  }
0xae: {  	[dreg:$0x2] =	wrdreg s24  }
0xaf: {  	[dreg:$0x3] =	wrdreg s2  }
0xb0: {  	[dreg:$0x4] =	wrdreg $0x91800  }
0xb1: {  	[dreg:$0x5] =	wrdreg $0x1D1800  }
0xb2: {  	[dreg:$0x6] =	wrdreg $0x9  }
0xb3: {  	_ =	task.clear_ibuf [dreg:s7], $0x7FFFF;
	_ =	strace $0x90000046  }
0xb4: {  	s29 =	simm.s32 $0x9;
	_ =	strace $0x80000048  }
0xb5: {  	_ =	swait.ge [sflag:s29], $0x1  }
0xb6: {  	[sflag:s29] =	ssyncadd.s32 $0xFFFFFFFF  }
0xb7: {  	_ =	strace $0x90000048  }
0xb8: {  	_ =	sfence  }
0xb9: {  	s30 =	sld [smem:$0x0];
	_ =	sdelay $0x2  }
0xba: {  	s31 =	sshll.u32 s1, $0xD;
	s1 =	sshrl.u32 s1, $0x2  }
0xbb: {  	s3 =	sand.u32 $0x4000, s31;
	s1 =	sadd.s32 s1, s30  }
0xbc: {  	s0 =	sor.u32 s3, s0;
	s1 =	sshll.u32 s1, $0x11  }
0xbd: {  	s0 =	sor.u32 s1, s0  }
0xbe: {  	s0 =	sadd.s32 $0x8F2B, s0  }
0xbf: {  	[sflag:s0] =	ssyncadd.remote.s32 $0x1  }
0xc0: {  	_ =	sfence.sel $0xFFFF  }
0xc1: {  	[dreg:$0x0] =	wrdreg $0xFFFFFFFF;
	(pc) =	sbr.abs _section_cstart, $3  }
0xc2: {  	[dreg:$0x1] =	wrdreg $0xFFFFFFFF  }
0xc3: {  	_ =	task.clear_ibuf [dreg:s7], $0x2FFFF;
	_ =	strace $0x9FFFFFFF  }
0xc4: {  	(tm) =	ssettm $0x7FFFFFFF  }
0xc5: {  	_ =	shalt  }
tec
execute0_lowered:
.L_overlay_start_1:
0x0: {  	(tag) =	ssettag $0x1  }
0x1: {  	s0 =	rddreg [dreg:$0x0]  }
0x2: {  	s2 =	rddreg [dreg:$0x2]  }
0x3: {  	s3 =	rddreg [dreg:$0x3]  }
0x4: {  	s1 =	srdreg.scid;
	s5 =	simm.s32 $0x0;
	s20 =	stileid.u32  }
0x5: {  	s28 =	simm.s32 $0x5180;
	s29 =	simm.s32 $0x1;
	s22 =	smul.u32 $0x14000, s20  }
0x6: {  	s1 =	sand.u32 $0x1, s1;
	[smem:$0x7FF] =	sst s5;
	s23 =	smul.u32 $0x500, s20  }
0x7: {  	s6 =	sadd.s32 $0x4800, s0;
	s7 =	sadd.s32 $0x2C800, s0;
	s11 =	smul.u32 $0xA00, s20  }
0x8: {  	s8 =	sadd.s32 $0x36800, s0;
	s9 =	sadd.s32 $0x40800, s0;
	s13 =	smul.u32 $0x50000, s20  }
0x9: {  	s31 =	sshll.u32 s20, $0x6;
	s4 =	smul.u32 $0x140000, s1;
	_ =	strace $0x80000047  }
0xa: {  	s10 =	sshll.u32 s1, $0x7;
	s24 =	ssub.s32 $0x2, s1;
	s1 =	sshll.u32 s1, $0x4  }
0xb: {  	s21 =	sor.u32 $0x1C02, s31;
	s5 =	sor.u32 s10, s23;
	s12 =	sshrl.u32 s24, $0x1  }
0xc: {  	s26 =	sshrl.u32 s11, $0x2;
	s30 =	sshrl.u32 s13, $0x2;
	s1 =	sor.u32 s20, s1  }
0xd: {  	s20 =	simm.s32 $0x2;
	s23 =	simm.s32 $0x5100;
	s4 =	sadd.s32 s22, s4  }
0xe: {  	s5 =	sshrl.u32 s5, $0x3;
	s25 =	ssub.s32 s24, s12;
	s14 =	smul.u32 $0x2800, s1  }
0xf: {  	v0 =	vimm.f32 $0.0e+00;
	v1 =	vimm.s32 $0x0;
	s10 =	sadd.s32 s26, s3;
	s22 =	sadd.s32 s30, s2;
	s16 =	smul.u32 $0x2780, s1  }
0x10: {  	v2 =	vimm.s32 $0x1;
	v3 =	vimm.s32 $0x2;
	v4 =	vimm.s32 $0x3;
	s24 =	simm.s32 $0x5000;
	s26 =	simm.s32 $0x80;
	s4 =	sshrl.u32 s4, $0x3  }
0x11: {  	v5 =	vimm.s32 $0x4;
	v6 =	vimm.s32 $0x5;
	v7 =	vimm.s32 $0x6;
	s11 =	sadd.s32 $0x80, s10;
	s12 =	sadd.s32 $0x100, s10;
	s13 =	sadd.s32 $0x180, s10  }
0x12: {  	v8 =	vimm.s32 $0x7;
	v9 =	vimm.s32 $0x8;
	v10 =	vimm.s32 $0x9;
	s15 =	sadd.s32 $0x200, s10;
	s19 =	smax.u32 s25, $0x1;
	s22 =	sshrl.u32 s22, $0x3  }
0x13: {  	v11 =	vimm.s32 $0xA;
	v12 =	vimm.s32 $0xB;
	v13 =	vimm.s32 $0xC;
	s25 =	simm.s32 $0x5080;
	s4 =	sadd.s32 s4, s0;
	s0 =	sadd.s32 s5, s0  }
0x14: {  	v14 =	vimm.s32 $0xD;
	v15 =	vimm.s32 $0xE;
	v16 =	vimm.s32 $0xF;
	s17 =	sadd.s32 $0x68800, s0;
	s18 =	sadd.s32 $0x69200, s4;
	s0 =	simm.s32 $0x0  }
.LBB2_1:
0x15: {  	s1 =	rddreg [dreg:$0x1];
	s4 =	simm.s32 $0x0  }
0x16: {  	[tilespmem:s4], [sflag:$0x2] =	stream.linear.gather [hbm4b:s1+s4], $0x5000, $0x38;
	[tilespmem:$0x1D400] =	vst v63  }
0x17: {  	_ =	swait.ge [sflag:s20], $0x5000  }
0x18: {  	[sflag:s20] =	ssyncset.done $0x0  }
0x19: {  	[sflag:s20] =	ssyncadd.s32 $0xFFFFB000  }
0x1a: {  	[spmem:s22], [sflag:s21] =	dma.local [hbm:s9], $0x2800  }
0x1b: {  	_ =	swait.ge [sflag:s20], $0x2800  }
0x1c: {  	[sflag:s20] =	ssyncset.done $0x0  }
0x1d: {  	[sflag:s20] =	ssyncadd.s32 $0xFFFFD800  }
0x1e: {  	[tilespmem:$0x5100] =	vst v0  }
0x1f: {  	[tilespmem:$0x5110] =	vst v0  }
0x20: {  	[tilespmem:$0x5120] =	vst v0  }
0x21: {  	[tilespmem:$0x5130] =	vst v0  }
0x22: {  	[tilespmem:$0x5140] =	vst v0  }
0x23: {  	[tilespmem:$0x5150] =	vst v0  }
0x24: {  	[tilespmem:$0x5160] =	vst v0  }
0x25: {  	[tilespmem:$0x5170] =	vst v0  }
0x26: {  	[spmem:s10] =	stream.linear.scatter [tilespmem:s23], [sflag:$0x2], $0x80, $0x38;
	[tilespmem:$0x1D400] =	vst v63  }
0x27: {  	_ =	swait.ge [sflag:s20], $0x80  }
0x28: {  	[sflag:s20] =	ssyncset.done $0x0  }
0x29: {  	[sflag:s20] =	ssyncadd.s32 $0xFFFFFF80  }
0x2a: {  	[spmem:s11] =	stream.linear.scatter [tilespmem:s23], [sflag:$0x2], $0x80, $0x38;
	[tilespmem:$0x1D400] =	vst v63  }
0x2b: {  	_ =	swait.ge [sflag:s20], $0x80  }
0x2c: {  	[sflag:s20] =	ssyncset.done $0x0  }
0x2d: {  	[sflag:s20] =	ssyncadd.s32 $0xFFFFFF80  }
0x2e: {  	[spmem:s12] =	stream.linear.scatter [tilespmem:s23], [sflag:$0x2], $0x80, $0x38;
	[tilespmem:$0x1D400] =	vst v63  }
0x2f: {  	_ =	swait.ge [sflag:s20], $0x80  }
0x30: {  	[sflag:s20] =	ssyncset.done $0x0  }
0x31: {  	[sflag:s20] =	ssyncadd.s32 $0xFFFFFF80  }
0x32: {  	[spmem:s13] =	stream.linear.scatter [tilespmem:s23], [sflag:$0x2], $0x80, $0x38;
	[tilespmem:$0x1D400] =	vst v63  }
0x33: {  	_ =	swait.ge [sflag:s20], $0x80  }
0x34: {  	[sflag:s20] =	ssyncset.done $0x0  }
0x35: {  	[sflag:s20] =	ssyncadd.s32 $0xFFFFFF80  }
0x36: {  	[spmem:s15] =	stream.linear.scatter [tilespmem:s23], [sflag:$0x2], $0x80, $0x38;
	[tilespmem:$0x1D400] =	vst v63  }
0x37: {  	_ =	swait.ge [sflag:s20], $0x80  }
0x38: {  	[sflag:s20] =	ssyncset.done $0x0  }
0x39: {  	[sflag:s20] =	ssyncadd.s32 $0xFFFFFF80  }
0x3a: {  	s4 =	simm.s32 $0x0;
	[bflag:$0x0] =	sbarrier.arrive $0xFFFF  }
.LBB2_2:
0x3b: {  	s5 =	sshll.u32 s4, $0x7  }
0x3c: {  	s1 =	sand.u32 $0x3C00, s5  }
0x3d: {  	s30 =	sand.u32 $0x380, s5;
	s1 =	sadd.s32 s14, s1  }
0x3e: {  	s1 =	sor.u32 s30, s1  }
0x3f: {  	s30 =	sshrl.u32 s1, $0x3  }
0x40: {  	s1 =	simm.s32 $0x0;
	s31 =	sadd.s32 s7, s30  }
0x41: {  	[tilespmem:s24], [sflag:$0x2] =	stream.linear.gather [hbm4b:s31+s1], $0x80, $0x38;
	[tilespmem:$0x1D400] =	vst v63  }
0x42: {  	_ =	swait.ge [sflag:s20], $0x80  }
0x43: {  	[sflag:s20] =	ssyncset.done $0x0  }
0x44: {  	s30 =	sadd.s32 s8, s30;
	[sflag:s20] =	ssyncadd.s32 $0xFFFFFF80  }
0x45: {  	[tilespmem:s25], [sflag:$0x2] =	stream.linear.gather [hbm4b:s30+s1], $0x80, $0x38;
	[tilespmem:$0x1D400] =	vst v63  }
0x46: {  	_ =	swait.ge [sflag:s20], $0x80  }
0x47: {  	[sflag:s20] =	ssyncset.done $0x0  }
0x48: {  	[sflag:s20] =	ssyncadd.s32 $0xFFFFFF80  }
0x49: {  	[tilespmem:s28], [sflag:$0x1] =	stream.indirect.gather [hbm4b:s6+s26], $0x80, s24, s26, $0xb8;
	[tilespmem:$0x1D400] =	vst v63  }
0x4a: {  	v17 =	vld [tilespmem:$0x5000]  }
0x4b: {  	v18 =	vld [tilespmem:$0x5080];
	_ =	sdelay $0x4  }
0x4c: {  	v17 =	vshll.u32 v17, $0x1;
	v18 =	vshll.u32 v18, $0x1  }
0x4d: {  	v18 =	vor.u32 $0x1, v18;
	_ =	sdelay $0x3  }
0x4e: {  	v17 =	vld.idx.msk [tilespmem:v17+s1+$0x0], $0xffff  }
0x4f: {  	v18 =	vld.idx.msk [tilespmem:v18+s1+$0x0], $0xffff;
	_ =	sdelay $0x4  }
0x50: {  	v17 =	vadd.f32 v18, v17;
	_ =	sdelay $0x1  }
0x51: {  	v18 =	vmul.f32 $2.000000030e-01, v17  }
0x52: {  	vm0 =	vge.f32 v17, $0.0e+00  }
0x53: {  	v17 =	vsel vm0, v17, v18  }
0x54: {  	v17 =	vmul.f32 $1.442695020e+00, v17;
	_ =	sdelay $0x1  }
0x55: {  	(erf) = vpow2.f32 v17  }
0x56: {  	v18 =	vld [tilespmem:$0x5090]  }
0x57: {  	v17 =	vld [tilespmem:$0x5010];
	_ =	sdelay $0x4  }
0x58: {  	v18 =	vshll.u32 v18, $0x1;
	v17 =	vshll.u32 v17, $0x1  }
0x59: {  	s5 =	sadd.s32 s16, s5;
	v18 =	vor.u32 $0x1, v18  }
0x5a: {  	p0 =	slt.u32 s5, $0x4E200;
	v19 =	vpop (erf)  }
0x5b: {  	v19 =	vpsel !p0, $0x0, v19  }
0x5c: {  	[tilespmem:$0x5100] =	vst v19  }
0x5d: {  	v17 =	vld.idx.msk [tilespmem:v17+s1+$0x0], $0xffff  }
0x5e: {  	v18 =	vld.idx.msk [tilespmem:v18+s1+$0x0], $0xffff;
	_ =	sdelay $0x4  }
0x5f: {  	v17 =	vadd.f32 v18, v17;
	_ =	sdelay $0x1  }
0x60: {  	v18 =	vmul.f32 $2.000000030e-01, v17  }
0x61: {  	vm9 =	vge.f32 v17, $0.0e+00  }
0x62: {  	v17 =	vsel vm9, v17, v18  }
0x63: {  	v17 =	vmul.f32 $1.442695020e+00, v17;
	_ =	sdelay $0x1  }
0x64: {  	(erf) = vpow2.f32 v17  }
0x65: {  	v18 =	vld [tilespmem:$0x50A0]  }
0x66: {  	v17 =	vld [tilespmem:$0x5020];
	_ =	sdelay $0x4  }
0x67: {  	v18 =	vshll.u32 v18, $0x1;
	v17 =	vshll.u32 v17, $0x1  }
0x68: {  	s31 =	sor.u32 $0x10, s5;
	v18 =	vor.u32 $0x1, v18  }
0x69: {  	p6 =	slt.u32 s31, $0x4E200;
	v19 =	vpop (erf)  }
0x6a: {  	v19 =	vpsel !p6, $0x0, v19  }
0x6b: {  	[tilespmem:$0x5110] =	vst v19  }
0x6c: {  	v17 =	vld.idx.msk [tilespmem:v17+s1+$0x0], $0xffff  }
0x6d: {  	v18 =	vld.idx.msk [tilespmem:v18+s1+$0x0], $0xffff;
	_ =	sdelay $0x4  }
0x6e: {  	v17 =	vadd.f32 v18, v17;
	_ =	sdelay $0x1  }
0x6f: {  	v18 =	vmul.f32 $2.000000030e-01, v17  }
0x70: {  	vm10 =	vge.f32 v17, $0.0e+00  }
0x71: {  	v17 =	vsel vm10, v17, v18  }
0x72: {  	v17 =	vmul.f32 $1.442695020e+00, v17;
	_ =	sdelay $0x1  }
0x73: {  	(erf) = vpow2.f32 v17  }
0x74: {  	v18 =	vld [tilespmem:$0x50B0]  }
0x75: {  	v17 =	vld [tilespmem:$0x5030];
	_ =	sdelay $0x4  }
0x76: {  	v18 =	vshll.u32 v18, $0x1;
	v17 =	vshll.u32 v17, $0x1  }
0x77: {  	s31 =	sor.u32 $0x20, s5;
	v18 =	vor.u32 $0x1, v18  }
0x78: {  	p1 =	slt.u32 s31, $0x4E200;
	v19 =	vpop (erf)  }
0x79: {  	v19 =	vpsel !p1, $0x0, v19  }
0x7a: {  	[tilespmem:$0x5120] =	vst v19  }
0x7b: {  	v17 =	vld.idx.msk [tilespmem:v17+s1+$0x0], $0xffff  }
0x7c: {  	v18 =	vld.idx.msk [tilespmem:v18+s1+$0x0], $0xffff;
	_ =	sdelay $0x4  }
0x7d: {  	v17 =	vadd.f32 v18, v17;
	_ =	sdelay $0x1  }
0x7e: {  	v18 =	vmul.f32 $2.000000030e-01, v17  }
0x7f: {  	vm11 =	vge.f32 v17, $0.0e+00  }
0x80: {  	v17 =	vsel vm11, v17, v18  }
0x81: {  	v17 =	vmul.f32 $1.442695020e+00, v17;
	_ =	sdelay $0x1  }
0x82: {  	(erf) = vpow2.f32 v17  }
0x83: {  	v18 =	vld [tilespmem:$0x50C0]  }
0x84: {  	v17 =	vld [tilespmem:$0x5040];
	_ =	sdelay $0x4  }
0x85: {  	v18 =	vshll.u32 v18, $0x1;
	v17 =	vshll.u32 v17, $0x1  }
0x86: {  	s31 =	sor.u32 $0x30, s5;
	v18 =	vor.u32 $0x1, v18  }
0x87: {  	p2 =	slt.u32 s31, $0x4E200;
	v19 =	vpop (erf)  }
0x88: {  	v19 =	vpsel !p2, $0x0, v19  }
0x89: {  	[tilespmem:$0x5130] =	vst v19  }
0x8a: {  	v17 =	vld.idx.msk [tilespmem:v17+s1+$0x0], $0xffff  }
0x8b: {  	v18 =	vld.idx.msk [tilespmem:v18+s1+$0x0], $0xffff;
	_ =	sdelay $0x4  }
0x8c: {  	v17 =	vadd.f32 v18, v17;
	_ =	sdelay $0x1  }
0x8d: {  	v18 =	vmul.f32 $2.000000030e-01, v17  }
0x8e: {  	vm12 =	vge.f32 v17, $0.0e+00  }
0x8f: {  	v17 =	vsel vm12, v17, v18  }
0x90: {  	v17 =	vmul.f32 $1.442695020e+00, v17;
	_ =	sdelay $0x1  }
0x91: {  	(erf) = vpow2.f32 v17  }
0x92: {  	v18 =	vld [tilespmem:$0x50D0]  }
0x93: {  	v17 =	vld [tilespmem:$0x5050];
	_ =	sdelay $0x4  }
0x94: {  	v18 =	vshll.u32 v18, $0x1;
	v17 =	vshll.u32 v17, $0x1  }
0x95: {  	s31 =	sor.u32 $0x40, s5;
	v18 =	vor.u32 $0x1, v18  }
0x96: {  	p3 =	slt.u32 s31, $0x4E200;
	v19 =	vpop (erf)  }
0x97: {  	v19 =	vpsel !p3, $0x0, v19  }
0x98: {  	[tilespmem:$0x5140] =	vst v19  }
0x99: {  	v17 =	vld.idx.msk [tilespmem:v17+s1+$0x0], $0xffff  }
0x9a: {  	v18 =	vld.idx.msk [tilespmem:v18+s1+$0x0], $0xffff;
	_ =	sdelay $0x4  }
0x9b: {  	v17 =	vadd.f32 v18, v17;
	_ =	sdelay $0x1  }
0x9c: {  	v18 =	vmul.f32 $2.000000030e-01, v17  }
0x9d: {  	vm13 =	vge.f32 v17, $0.0e+00  }
0x9e: {  	v17 =	vsel vm13, v17, v18  }
0x9f: {  	v17 =	vmul.f32 $1.442695020e+00, v17;
	_ =	sdelay $0x1  }
0xa0: {  	(erf) = vpow2.f32 v17  }
0xa1: {  	v18 =	vld [tilespmem:$0x50E0]  }
0xa2: {  	v17 =	vld [tilespmem:$0x5060];
	_ =	sdelay $0x4  }
0xa3: {  	v18 =	vshll.u32 v18, $0x1;
	v17 =	vshll.u32 v17, $0x1  }
0xa4: {  	s31 =	sor.u32 $0x50, s5;
	v18 =	vor.u32 $0x1, v18  }
0xa5: {  	p4 =	slt.u32 s31, $0x4E200;
	v19 =	vpop (erf)  }
0xa6: {  	v19 =	vpsel !p4, $0x0, v19  }
0xa7: {  	[tilespmem:$0x5150] =	vst v19  }
0xa8: {  	v17 =	vld.idx.msk [tilespmem:v17+s1+$0x0], $0xffff  }
0xa9: {  	v18 =	vld.idx.msk [tilespmem:v18+s1+$0x0], $0xffff;
	_ =	sdelay $0x4  }
0xaa: {  	v17 =	vadd.f32 v18, v17;
	_ =	sdelay $0x1  }
0xab: {  	v18 =	vmul.f32 $2.000000030e-01, v17  }
0xac: {  	vm14 =	vge.f32 v17, $0.0e+00  }
0xad: {  	v17 =	vsel vm14, v17, v18  }
0xae: {  	v17 =	vmul.f32 $1.442695020e+00, v17;
	_ =	sdelay $0x1  }
0xaf: {  	(erf) = vpow2.f32 v17  }
0xb0: {  	v18 =	vld [tilespmem:$0x50F0]  }
0xb1: {  	v17 =	vld [tilespmem:$0x5070];
	_ =	sdelay $0x4  }
0xb2: {  	v18 =	vshll.u32 v18, $0x1;
	v17 =	vshll.u32 v17, $0x1  }
0xb3: {  	s31 =	sor.u32 $0x60, s5;
	v18 =	vor.u32 $0x1, v18  }
0xb4: {  	p5 =	slt.u32 s31, $0x4E200;
	v19 =	vpop (erf)  }
0xb5: {  	v19 =	vpsel !p5, $0x0, v19  }
0xb6: {  	[tilespmem:$0x5160] =	vst v19  }
0xb7: {  	v17 =	vld.idx.msk [tilespmem:v17+s1+$0x0], $0xffff  }
0xb8: {  	v18 =	vld.idx.msk [tilespmem:v18+s1+$0x0], $0xffff;
	_ =	sdelay $0x4  }
0xb9: {  	v17 =	vadd.f32 v18, v17;
	_ =	sdelay $0x1  }
0xba: {  	v18 =	vmul.f32 $2.000000030e-01, v17  }
0xbb: {  	vm15 =	vge.f32 v17, $0.0e+00  }
0xbc: {  	v17 =	vsel vm15, v17, v18  }
0xbd: {  	v17 =	vmul.f32 $1.442695020e+00, v17;
	_ =	sdelay $0x1  }
0xbe: {  	(erf) = vpow2.f32 v17;
	_ =	sdelay $0x7  }
0xbf: {  	s5 =	sor.u32 $0x70, s5  }
0xc0: {  	p6 =	slt.u32 s5, $0x4E200;
	v17 =	vpop (erf)  }
0xc1: {  	v17 =	vpsel !p6, $0x0, v17  }
0xc2: {  	[tilespmem:$0x5170] =	vst v17  }
0xc3: {  	[spmem:s3] =	stream.indirect.scatter.add.f32 [tilespmem:s23], [sflag:$0x2], $0x1, s25, s26, $0xb8;
	[tilespmem:$0x1D400] =	vst v63  }
0xc4: {  	_ =	swait.ge [sflag:s20], $0x80  }
0xc5: {  	[sflag:s20] =	ssyncset.done $0x0  }
0xc6: {  	[sflag:s20] =	ssyncadd.s32 $0xFFFFFF80  }
0xc7: {  	_ =	swait.ge [sflag:s29], $0x4000  }
0xc8: {  	[sflag:s29] =	ssyncset.done $0x0  }
0xc9: {  	[sflag:s29] =	ssyncadd.s32 $0xFFFFC000  }
.LBB2_3:
0xca: {  	s5 =	sshll.u32 s1, $0x4  }
0xcb: {  	s5 =	sand.u32 $0x3FFFFFF0, s5  }
0xcc: {  	s31 =	sshll.u32 s1, $0xB;
	v17 =	vld [tilespmem:s5+$0x5100]  }
0xcd: {  	s5 =	sand.u32 $0x3FFFF800, s31  }
0xce: {  	v18 =	vld [tilespmem:s5+$0x5180]  }
0xcf: {  	v19 =	vld [tilespmem:s5+$0x5190]  }
0xd0: {  	v20 =	vld [tilespmem:s5+$0x51A0]  }
0xd1: {  	v22 =	vld [tilespmem:s5+$0x51B0];
	v21 =	vperm.xlane v17, v1  }
0xd2: {  	v23 =	vld [tilespmem:s5+$0x51C0]  }
0xd3: {  	v24 =	vld [tilespmem:s5+$0x51D0];
	v18 =	vmul.f32 v18, v21  }
0xd4: {  	v25 =	vld [tilespmem:s5+$0x51E0];
	v19 =	vmul.f32 v19, v21  }
0xd5: {  	v38 =	vld [tilespmem:s5+$0x51F0];
	[tilespmem:s5+$0x5180] =	vst v18;
	v18 =	vmul.f32 v20, v21  }
0xd6: {  	v39 =	vld [tilespmem:s5+$0x5200];
	[tilespmem:s5+$0x5190] =	vst v19;
	v19 =	vmul.f32 v22, v21  }
0xd7: {  	v40 =	vld [tilespmem:s5+$0x5210];
	[tilespmem:s5+$0x51A0] =	vst v18;
	v18 =	vmul.f32 v23, v21  }
0xd8: {  	v41 =	vld [tilespmem:s5+$0x5220];
	[tilespmem:s5+$0x51B0] =	vst v19;
	v19 =	vmul.f32 v24, v21  }
0xd9: {  	v26 =	vld [tilespmem:s5+$0x5230];
	v42 =	vperm.xlane v17, v2;
	[tilespmem:s5+$0x51C0] =	vst v18;
	v18 =	vmul.f32 v25, v21  }
0xda: {  	v43 =	vld [tilespmem:s5+$0x5240];
	[tilespmem:s5+$0x51D0] =	vst v19;
	v19 =	vmul.f32 v38, v21  }
0xdb: {  	v44 =	vld [tilespmem:s5+$0x5250];
	[tilespmem:s5+$0x51E0] =	vst v18;
	v18 =	vmul.f32 v39, v42  }
0xdc: {  	v45 =	vld [tilespmem:s5+$0x5260];
	[tilespmem:s5+$0x51F0] =	vst v19;
	v19 =	vmul.f32 v40, v42  }
0xdd: {  	v46 =	vld [tilespmem:s5+$0x5270];
	[tilespmem:s5+$0x5200] =	vst v18;
	v18 =	vmul.f32 v41, v42  }
0xde: {  	v47 =	vld [tilespmem:s5+$0x5280];
	[tilespmem:s5+$0x5210] =	vst v19;
	v19 =	vmul.f32 v26, v42  }
0xdf: {  	v48 =	vld [tilespmem:s5+$0x5290];
	[tilespmem:s5+$0x5220] =	vst v18;
	v18 =	vmul.f32 v43, v42  }
0xe0: {  	v49 =	vld [tilespmem:s5+$0x52A0];
	[tilespmem:s5+$0x5230] =	vst v19;
	v19 =	vmul.f32 v44, v42  }
0xe1: {  	v51 =	vld [tilespmem:s5+$0x52B0];
	v50 =	vperm.xlane v17, v3;
	[tilespmem:s5+$0x5240] =	vst v18;
	v18 =	vmul.f32 v45, v42  }
0xe2: {  	v52 =	vld [tilespmem:s5+$0x52C0];
	[tilespmem:s5+$0x5250] =	vst v19;
	v19 =	vmul.f32 v46, v42  }
0xe3: {  	v53 =	vld [tilespmem:s5+$0x52D0];
	[tilespmem:s5+$0x5260] =	vst v18;
	v18 =	vmul.f32 v47, v50  }
0xe4: {  	v54 =	vld [tilespmem:s5+$0x52E0];
	[tilespmem:s5+$0x5270] =	vst v19;
	v19 =	vmul.f32 v48, v50  }
0xe5: {  	v55 =	vld [tilespmem:s5+$0x52F0];
	[tilespmem:s5+$0x5280] =	vst v18;
	v18 =	vmul.f32 v49, v50  }
0xe6: {  	v56 =	vld [tilespmem:s5+$0x5300];
	[tilespmem:s5+$0x5290] =	vst v19;
	v19 =	vmul.f32 v51, v50  }
0xe7: {  	v57 =	vld [tilespmem:s5+$0x5310];
	[tilespmem:s5+$0x52A0] =	vst v18;
	v18 =	vmul.f32 v52, v50  }
0xe8: {  	v58 =	vld [tilespmem:s5+$0x5320];
	[tilespmem:s5+$0x52B0] =	vst v19;
	v19 =	vmul.f32 v53, v50  }
0xe9: {  	v60 =	vld [tilespmem:s5+$0x5330];
	v59 =	vperm.xlane v17, v4;
	[tilespmem:s5+$0x52C0] =	vst v18;
	v18 =	vmul.f32 v54, v50  }
0xea: {  	v61 =	vld [tilespmem:s5+$0x5340];
	[tilespmem:s5+$0x52D0] =	vst v19;
	v19 =	vmul.f32 v55, v50  }
0xeb: {  	v62 =	vld [tilespmem:s5+$0x5350];
	[tilespmem:s5+$0x52E0] =	vst v18;
	v18 =	vmul.f32 v56, v59  }
0xec: {  	v63 =	vld [tilespmem:s5+$0x5360];
	[tilespmem:s5+$0x52F0] =	vst v19;
	v19 =	vmul.f32 v57, v59  }
0xed: {  	v28 =	vld [tilespmem:s5+$0x5370];
	[tilespmem:s5+$0x5300] =	vst v18;
	v18 =	vmul.f32 v58, v59  }
0xee: {  	v29 =	vld [tilespmem:s5+$0x5380];
	[tilespmem:s5+$0x5310] =	vst v19;
	v19 =	vmul.f32 v60, v59  }
0xef: {  	v30 =	vld [tilespmem:s5+$0x5390];
	[tilespmem:s5+$0x5320] =	vst v18;
	v18 =	vmul.f32 v61, v59  }
0xf0: {  	v31 =	vld [tilespmem:s5+$0x53A0];
	[tilespmem:s5+$0x5330] =	vst v19;
	v19 =	vmul.f32 v62, v59  }
0xf1: {  	v33 =	vld [tilespmem:s5+$0x53B0];
	v32 =	vperm.xlane v17, v5;
	[tilespmem:s5+$0x5340] =	vst v18;
	v18 =	vmul.f32 v63, v59  }
0xf2: {  	v34 =	vld [tilespmem:s5+$0x53C0];
	[tilespmem:s5+$0x5350] =	vst v19;
	v19 =	vmul.f32 v28, v59  }
0xf3: {  	v35 =	vld [tilespmem:s5+$0x53D0];
	[tilespmem:s5+$0x5360] =	vst v18;
	v18 =	vmul.f32 v29, v32  }
0xf4: {  	v36 =	vld [tilespmem:s5+$0x53E0];
	[tilespmem:s5+$0x5370] =	vst v19;
	v19 =	vmul.f32 v30, v32  }
0xf5: {  	v37 =	vld [tilespmem:s5+$0x53F0];
	[tilespmem:s5+$0x5380] =	vst v18;
	v18 =	vmul.f32 v31, v32  }
0xf6: {  	v38 =	vld [tilespmem:s5+$0x5400];
	[tilespmem:s5+$0x5390] =	vst v19;
	v19 =	vmul.f32 v33, v32  }
0xf7: {  	v39 =	vld [tilespmem:s5+$0x5410];
	[tilespmem:s5+$0x53A0] =	vst v18;
	v18 =	vmul.f32 v34, v32  }
0xf8: {  	v40 =	vld [tilespmem:s5+$0x5420];
	[tilespmem:s5+$0x53B0] =	vst v19;
	v19 =	vmul.f32 v35, v32  }
0xf9: {  	v41 =	vperm.xlane v17, v6;
	v42 =	vld [tilespmem:s5+$0x5430];
	[tilespmem:s5+$0x53C0] =	vst v18;
	v18 =	vmul.f32 v36, v32  }
0xfa: {  	v43 =	vld [tilespmem:s5+$0x5440];
	[tilespmem:s5+$0x53D0] =	vst v19;
	v19 =	vmul.f32 v37, v32  }
0xfb: {  	v44 =	vld [tilespmem:s5+$0x5450];
	[tilespmem:s5+$0x53E0] =	vst v18;
	v18 =	vmul.f32 v38, v41  }
0xfc: {  	v45 =	vld [tilespmem:s5+$0x5460];
	[tilespmem:s5+$0x53F0] =	vst v19;
	v19 =	vmul.f32 v39, v41  }
0xfd: {  	v46 =	vld [tilespmem:s5+$0x5470];
	[tilespmem:s5+$0x5400] =	vst v18;
	v18 =	vmul.f32 v40, v41  }
0xfe: {  	v47 =	vld [tilespmem:s5+$0x5480];
	[tilespmem:s5+$0x5410] =	vst v19;
	v19 =	vmul.f32 v42, v41  }
0xff: {  	v48 =	vld [tilespmem:s5+$0x5490];
	[tilespmem:s5+$0x5420] =	vst v18;
	v18 =	vmul.f32 v43, v41  }
0x100: {  	v49 =	vld [tilespmem:s5+$0x54A0];
	[tilespmem:s5+$0x5430] =	vst v19;
	v19 =	vmul.f32 v44, v41  }
0x101: {  	v51 =	vld [tilespmem:s5+$0x54B0];
	v50 =	vperm.xlane v17, v7;
	[tilespmem:s5+$0x5440] =	vst v18;
	v18 =	vmul.f32 v45, v41  }
0x102: {  	v52 =	vld [tilespmem:s5+$0x54C0];
	[tilespmem:s5+$0x5450] =	vst v19;
	v19 =	vmul.f32 v46, v41  }
0x103: {  	v53 =	vld [tilespmem:s5+$0x54D0];
	[tilespmem:s5+$0x5460] =	vst v18;
	v18 =	vmul.f32 v47, v50  }
0x104: {  	v54 =	vld [tilespmem:s5+$0x54E0];
	[tilespmem:s5+$0x5470] =	vst v19;
	v19 =	vmul.f32 v48, v50  }
0x105: {  	v55 =	vld [tilespmem:s5+$0x54F0];
	[tilespmem:s5+$0x5480] =	vst v18;
	v18 =	vmul.f32 v49, v50  }
0x106: {  	v56 =	vld [tilespmem:s5+$0x5500];
	[tilespmem:s5+$0x5490] =	vst v19;
	v19 =	vmul.f32 v51, v50  }
0x107: {  	v57 =	vld [tilespmem:s5+$0x5510];
	[tilespmem:s5+$0x54A0] =	vst v18;
	v18 =	vmul.f32 v52, v50  }
0x108: {  	v58 =	vld [tilespmem:s5+$0x5520];
	[tilespmem:s5+$0x54B0] =	vst v19;
	v19 =	vmul.f32 v53, v50  }
0x109: {  	v60 =	vld [tilespmem:s5+$0x5530];
	v59 =	vperm.xlane v17, v8;
	[tilespmem:s5+$0x54C0] =	vst v18;
	v18 =	vmul.f32 v54, v50  }
0x10a: {  	v61 =	vld [tilespmem:s5+$0x5540];
	[tilespmem:s5+$0x54D0] =	vst v19;
	v19 =	vmul.f32 v55, v50  }
0x10b: {  	v62 =	vld [tilespmem:s5+$0x5550];
	[tilespmem:s5+$0x54E0] =	vst v18;
	v18 =	vmul.f32 v56, v59  }
0x10c: {  	v63 =	vld [tilespmem:s5+$0x5560];
	[tilespmem:s5+$0x54F0] =	vst v19;
	v19 =	vmul.f32 v57, v59  }
0x10d: {  	v28 =	vld [tilespmem:s5+$0x5570];
	[tilespmem:s5+$0x5500] =	vst v18;
	v18 =	vmul.f32 v58, v59  }
0x10e: {  	v29 =	vld [tilespmem:s5+$0x5580];
	[tilespmem:s5+$0x5510] =	vst v19;
	v19 =	vmul.f32 v60, v59  }
0x10f: {  	v30 =	vld [tilespmem:s5+$0x5590];
	[tilespmem:s5+$0x5520] =	vst v18;
	v18 =	vmul.f32 v61, v59  }
0x110: {  	v31 =	vld [tilespmem:s5+$0x55A0];
	[tilespmem:s5+$0x5530] =	vst v19;
	v19 =	vmul.f32 v62, v59  }
0x111: {  	v33 =	vld [tilespmem:s5+$0x55B0];
	v32 =	vperm.xlane v17, v9;
	[tilespmem:s5+$0x5540] =	vst v18;
	v18 =	vmul.f32 v63, v59  }
0x112: {  	v34 =	vld [tilespmem:s5+$0x55C0];
	[tilespmem:s5+$0x5550] =	vst v19;
	v19 =	vmul.f32 v28, v59  }
0x113: {  	v35 =	vld [tilespmem:s5+$0x55D0];
	[tilespmem:s5+$0x5560] =	vst v18;
	v18 =	vmul.f32 v29, v32  }
0x114: {  	v36 =	vld [tilespmem:s5+$0x55E0];
	[tilespmem:s5+$0x5570] =	vst v19;
	v19 =	vmul.f32 v30, v32  }
0x115: {  	v37 =	vld [tilespmem:s5+$0x55F0];
	[tilespmem:s5+$0x5580] =	vst v18;
	v18 =	vmul.f32 v31, v32  }
0x116: {  	v38 =	vld [tilespmem:s5+$0x5600];
	[tilespmem:s5+$0x5590] =	vst v19;
	v19 =	vmul.f32 v33, v32  }
0x117: {  	v39 =	vld [tilespmem:s5+$0x5610];
	[tilespmem:s5+$0x55A0] =	vst v18;
	v18 =	vmul.f32 v34, v32  }
0x118: {  	v40 =	vld [tilespmem:s5+$0x5620];
	[tilespmem:s5+$0x55B0] =	vst v19;
	v19 =	vmul.f32 v35, v32  }
0x119: {  	v42 =	vld [tilespmem:s5+$0x5630];
	v41 =	vperm.xlane v17, v10;
	[tilespmem:s5+$0x55C0] =	vst v18;
	v18 =	vmul.f32 v36, v32  }
0x11a: {  	v43 =	vld [tilespmem:s5+$0x5640];
	[tilespmem:s5+$0x55D0] =	vst v19;
	v19 =	vmul.f32 v37, v32  }
0x11b: {  	v44 =	vld [tilespmem:s5+$0x5650];
	[tilespmem:s5+$0x55E0] =	vst v18;
	v18 =	vmul.f32 v38, v41  }
0x11c: {  	v45 =	vld [tilespmem:s5+$0x5660];
	[tilespmem:s5+$0x55F0] =	vst v19;
	v19 =	vmul.f32 v39, v41  }
0x11d: {  	v46 =	vld [tilespmem:s5+$0x5670];
	[tilespmem:s5+$0x5600] =	vst v18;
	v18 =	vmul.f32 v40, v41  }
0x11e: {  	v47 =	vld [tilespmem:s5+$0x5680];
	[tilespmem:s5+$0x5610] =	vst v19;
	v19 =	vmul.f32 v42, v41  }
0x11f: {  	v48 =	vld [tilespmem:s5+$0x5690];
	[tilespmem:s5+$0x5620] =	vst v18;
	v18 =	vmul.f32 v43, v41  }
0x120: {  	v49 =	vld [tilespmem:s5+$0x56A0];
	[tilespmem:s5+$0x5630] =	vst v19;
	v19 =	vmul.f32 v44, v41  }
0x121: {  	v51 =	vld [tilespmem:s5+$0x56B0];
	v50 =	vperm.xlane v17, v11;
	[tilespmem:s5+$0x5640] =	vst v18;
	v18 =	vmul.f32 v45, v41  }
0x122: {  	v52 =	vld [tilespmem:s5+$0x56C0];
	[tilespmem:s5+$0x5650] =	vst v19;
	v19 =	vmul.f32 v46, v41  }
0x123: {  	v53 =	vld [tilespmem:s5+$0x56D0];
	[tilespmem:s5+$0x5660] =	vst v18;
	v18 =	vmul.f32 v47, v50  }
0x124: {  	v54 =	vld [tilespmem:s5+$0x56E0];
	[tilespmem:s5+$0x5670] =	vst v19;
	v19 =	vmul.f32 v48, v50  }
0x125: {  	v55 =	vld [tilespmem:s5+$0x56F0];
	[tilespmem:s5+$0x5680] =	vst v18;
	v18 =	vmul.f32 v49, v50  }
0x126: {  	v56 =	vld [tilespmem:s5+$0x5700];
	[tilespmem:s5+$0x5690] =	vst v19;
	v19 =	vmul.f32 v51, v50  }
0x127: {  	v57 =	vld [tilespmem:s5+$0x5710];
	[tilespmem:s5+$0x56A0] =	vst v18;
	v18 =	vmul.f32 v52, v50  }
0x128: {  	v58 =	vld [tilespmem:s5+$0x5720];
	[tilespmem:s5+$0x56B0] =	vst v19;
	v19 =	vmul.f32 v53, v50  }
0x129: {  	v60 =	vld [tilespmem:s5+$0x5730];
	v59 =	vperm.xlane v17, v12;
	[tilespmem:s5+$0x56C0] =	vst v18;
	v18 =	vmul.f32 v54, v50  }
0x12a: {  	v61 =	vld [tilespmem:s5+$0x5740];
	[tilespmem:s5+$0x56D0] =	vst v19;
	v19 =	vmul.f32 v55, v50  }
0x12b: {  	v62 =	vld [tilespmem:s5+$0x5750];
	[tilespmem:s5+$0x56E0] =	vst v18;
	v18 =	vmul.f32 v56, v59  }
0x12c: {  	v63 =	vld [tilespmem:s5+$0x5760];
	[tilespmem:s5+$0x56F0] =	vst v19;
	v19 =	vmul.f32 v57, v59  }
0x12d: {  	v28 =	vld [tilespmem:s5+$0x5770];
	[tilespmem:s5+$0x5700] =	vst v18;
	v18 =	vmul.f32 v58, v59  }
0x12e: {  	v29 =	vld [tilespmem:s5+$0x5780];
	[tilespmem:s5+$0x5710] =	vst v19;
	v19 =	vmul.f32 v60, v59  }
0x12f: {  	v30 =	vld [tilespmem:s5+$0x5790];
	[tilespmem:s5+$0x5720] =	vst v18;
	v18 =	vmul.f32 v61, v59  }
0x130: {  	v31 =	vld [tilespmem:s5+$0x57A0];
	[tilespmem:s5+$0x5730] =	vst v19;
	v19 =	vmul.f32 v62, v59  }
0x131: {  	v33 =	vld [tilespmem:s5+$0x57B0];
	v32 =	vperm.xlane v17, v13;
	[tilespmem:s5+$0x5740] =	vst v18;
	v18 =	vmul.f32 v63, v59  }
0x132: {  	v34 =	vld [tilespmem:s5+$0x57C0];
	[tilespmem:s5+$0x5750] =	vst v19;
	v19 =	vmul.f32 v28, v59  }
0x133: {  	v35 =	vld [tilespmem:s5+$0x57D0];
	[tilespmem:s5+$0x5760] =	vst v18;
	v18 =	vmul.f32 v29, v32  }
0x134: {  	v36 =	vld [tilespmem:s5+$0x57E0];
	[tilespmem:s5+$0x5770] =	vst v19;
	v19 =	vmul.f32 v30, v32  }
0x135: {  	v37 =	vld [tilespmem:s5+$0x57F0];
	[tilespmem:s5+$0x5780] =	vst v18;
	v18 =	vmul.f32 v31, v32  }
0x136: {  	v38 =	vld [tilespmem:s5+$0x5800];
	[tilespmem:s5+$0x5790] =	vst v19;
	v19 =	vmul.f32 v33, v32  }
0x137: {  	v39 =	vld [tilespmem:s5+$0x5810];
	[tilespmem:s5+$0x57A0] =	vst v18;
	v18 =	vmul.f32 v34, v32  }
0x138: {  	v40 =	vld [tilespmem:s5+$0x5820];
	[tilespmem:s5+$0x57B0] =	vst v19;
	v19 =	vmul.f32 v35, v32  }
0x139: {  	v42 =	vld [tilespmem:s5+$0x5830];
	v41 =	vperm.xlane v17, v14;
	[tilespmem:s5+$0x57C0] =	vst v18;
	v18 =	vmul.f32 v36, v32  }
0x13a: {  	v43 =	vld [tilespmem:s5+$0x5840];
	[tilespmem:s5+$0x57D0] =	vst v19;
	v19 =	vmul.f32 v37, v32  }
0x13b: {  	v44 =	vld [tilespmem:s5+$0x5850];
	[tilespmem:s5+$0x57E0] =	vst v18;
	v18 =	vmul.f32 v38, v41  }
0x13c: {  	v45 =	vld [tilespmem:s5+$0x5860];
	[tilespmem:s5+$0x57F0] =	vst v19;
	v19 =	vmul.f32 v39, v41  }
0x13d: {  	v46 =	vld [tilespmem:s5+$0x5870];
	[tilespmem:s5+$0x5800] =	vst v18;
	v18 =	vmul.f32 v40, v41  }
0x13e: {  	v47 =	vld [tilespmem:s5+$0x5880];
	[tilespmem:s5+$0x5810] =	vst v19;
	v19 =	vmul.f32 v42, v41  }
0x13f: {  	v48 =	vld [tilespmem:s5+$0x5890];
	[tilespmem:s5+$0x5820] =	vst v18;
	v18 =	vmul.f32 v43, v41  }
0x140: {  	v49 =	vld [tilespmem:s5+$0x58A0];
	[tilespmem:s5+$0x5830] =	vst v19;
	v19 =	vmul.f32 v44, v41  }
0x141: {  	v51 =	vld [tilespmem:s5+$0x58B0];
	v50 =	vperm.xlane v17, v15;
	[tilespmem:s5+$0x5840] =	vst v18;
	v18 =	vmul.f32 v45, v41  }
0x142: {  	v52 =	vld [tilespmem:s5+$0x58C0];
	[tilespmem:s5+$0x5850] =	vst v19;
	v19 =	vmul.f32 v46, v41  }
0x143: {  	v53 =	vld [tilespmem:s5+$0x58D0];
	[tilespmem:s5+$0x5860] =	vst v18;
	v18 =	vmul.f32 v47, v50  }
0x144: {  	v54 =	vld [tilespmem:s5+$0x58E0];
	[tilespmem:s5+$0x5870] =	vst v19;
	v19 =	vmul.f32 v48, v50  }
0x145: {  	v55 =	vld [tilespmem:s5+$0x58F0];
	[tilespmem:s5+$0x5880] =	vst v18;
	v18 =	vmul.f32 v49, v50  }
0x146: {  	v56 =	vld [tilespmem:s5+$0x5900];
	[tilespmem:s5+$0x5890] =	vst v19;
	v19 =	vmul.f32 v51, v50  }
0x147: {  	v57 =	vld [tilespmem:s5+$0x5910];
	[tilespmem:s5+$0x58A0] =	vst v18;
	v18 =	vmul.f32 v52, v50  }
0x148: {  	v58 =	vld [tilespmem:s5+$0x5920];
	[tilespmem:s5+$0x58B0] =	vst v19;
	v19 =	vmul.f32 v53, v50  }
0x149: {  	v17 =	vperm.xlane v17, v16;
	v59 =	vld [tilespmem:s5+$0x5930];
	[tilespmem:s5+$0x58C0] =	vst v18;
	v18 =	vmul.f32 v54, v50  }
0x14a: {  	v60 =	vld [tilespmem:s5+$0x5940];
	[tilespmem:s5+$0x58D0] =	vst v19;
	v19 =	vmul.f32 v55, v50  }
0x14b: {  	v61 =	vld [tilespmem:s5+$0x5950];
	[tilespmem:s5+$0x58E0] =	vst v18;
	v18 =	vmul.f32 v56, v17  }
0x14c: {  	v62 =	vld [tilespmem:s5+$0x5960];
	[tilespmem:s5+$0x58F0] =	vst v19;
	v19 =	vmul.f32 v57, v17  }
0x14d: {  	v63 =	vld [tilespmem:s5+$0x5970];
	[tilespmem:s5+$0x5900] =	vst v18;
	v18 =	vmul.f32 v58, v17  }
0x14e: {  	[tilespmem:s5+$0x5910] =	vst v19;
	v19 =	vmul.f32 v59, v17  }
0x14f: {  	p0 =	sne.s32 s1, $0x7;
	[tilespmem:s5+$0x5920] =	vst v18;
	v18 =	vmul.f32 v60, v17  }
.Ltmp0:
0x150: {  	[tilespmem:s5+$0x5930] =	vst v19;
	v19 =	vmul.f32 v61, v17;
	(pc) =	sbr.rel @p0 .LBB2_3-.Ltmp0, $4  }
0x151: {  	[tilespmem:s5+$0x5940] =	vst v18;
	v18 =	vmul.f32 v62, v17  }
0x152: {  	[tilespmem:s5+$0x5950] =	vst v19;
	v17 =	vmul.f32 v63, v17  }
0x153: {  	[tilespmem:s5+$0x5960] =	vst v18  }
0x154: {  	s1 =	sadd.s32 $0x1, s1;
	[tilespmem:s5+$0x5970] =	vst v17  }
0x155: {  	s4 =	sadd.s32 $0x1, s4  }
0x156: {  	p0 =	sne.s32 s4, $0x4F  }
.Ltmp1:
0x157: {  	_ = 	snop;
	(pc) =	sbr.rel @p0 .LBB2_2-.Ltmp1, $4  }
0x158: {  	[spmem:s2] =	stream.indirect.scatter.add.f32 [tilespmem:s28], [sflag:$0x2], $0x80, s25, s26, $0xb8;
	[tilespmem:$0x1D400] =	vst v63  }
0x159: {  	_ =	swait.ge [sflag:s20], $0x4000  }
0x15a: {  	[sflag:s20] =	ssyncset.done $0x0  }
0x15b: {  	[sflag:s20] =	ssyncadd.s32 $0xFFFFC000  }
0x15c: {  	[bflag:$0x0] =	sbarrier.arrive $0xFFFF  }
0x15d: {  	s1 =	sshrl.u32 s10, $0x3;
	s4 =	simm.s32 $0x20;
	s5 =	simm.s32 $0x10  }
0x15e: {  	[hbm:s17@s4], [sflag:s21] =	dma.strided [spmem:s1@s5], $0x50, s29, $0x10   }
0x15f: {  	s0 =	sadd.s32 $0x1, s0;
	_ =	swait.ge [sflag:s20], $0x50  }
0x160: {  	p0 =	sne.s32 s0, s19;
	[sflag:s20] =	ssyncset.done $0x0  }
.Ltmp2:
0x161: {  	[sflag:s20] =	ssyncadd.s32 $0xFFFFFFB0;
	(pc) =	sbr.rel @p0 .LBB2_1-.Ltmp2, $4  }
0x162: {  	[hbm:s18], [sflag:s21] =	dma.local [spmem:s22], $0x2800  }
0x163: {  	_ =	swait.ge [sflag:s20], $0x2800  }
0x164: {  	[sflag:s20] =	ssyncset.done $0x0  }
0x165: {  	[sflag:s20] =	ssyncadd.s32 $0xFFFFD800  }
0x166: {  	_ =	sfence.sel $0x180000  }
0x167: {  	[bflag:$0x0] =	sbarrier.arrive $0xFFFF  }
0x168: {  	_ =	strace $0x90000047  }
0x169: {  	s0 =	stileid.u32;
	[bflag:$0x2] =	sbarrier.arrive $0xFFFF  }
0x16a: {  	p0 =	sne.s32 s0, $0x0;
	s0 =	rddreg [dreg:$0x4]  }
0x16b: {  	s0 =	sadd.s32 @!p0 $0x100000, s0  }
0x16c: {  	[sflag:s0] =	ssyncadd.tile.s32 @!p0 $0x1;
	_ =	shalt  }
.Lfunc_end2:
_tile_overlayer_lowered:
.L_overlay_start_2:
0x16d: {  	(tag) =	ssettag $0x2  }
0x16e: {  	s0 =	rddreg [dreg:$0x0];
	s2 =	stileid.u32  }
0x16f: {  	s1 =	rddreg [dreg:$0x1];
	p0 =	sne.s32 s2, $0x0  }
0x170: {  	s3 =	rddreg [dreg:$0x2];
	[bflag:$0x3] =	sbarrier.arrive $0xFFFF;
	s2 =	simm.s32 @!p0 $0x1C02  }
0x171: {  	[timem:s3], [sflag:s2] =	dma.local @!p0 [hbm:s0], s1  }
0x172: {  	s0 =	simm.s32 @!p0 $0x2  }
0x173: {  	_ =	swait.ge @!p0 [sflag:s0], s1  }
0x174: {  	s1 =	ssub.s32 @!p0 $0x0, s1;
	[sflag:s0] =	ssyncset.done @!p0 $0x0  }
0x175: {  	[sflag:s0] =	ssyncadd.s32 @!p0 s1  }
0x176: {  	[bflag:$0x3] =	sbarrier.arrive $0xFFFF  }
0x177: {  	_ =	shalt  }

</sc_bundles>
